<compile_context>
chip_gen: v7x
topology: tpu7x:2x2x1
jax: 0.10.2.dev20260603
libtpu: 0.0.44.dev20260713+nightly
codegen_flags: <defaults>
</compile_context>

<pallas_src>
import functools

import jax
import jax.numpy as jnp
from jax import lax
from jax.experimental import pallas as pl
from jax.experimental.pallas import tpu as pltpu
from jax.experimental.pallas import tpu_sc as plsc

N_PTS = 524288
N_FEAT = 16
RES = 512

NC = 2
NS = 16
NW = NC * NS
LANES = 16

PER_W = N_PTS // NW
B = 128
NCH = PER_W // B


_BCAST_DNUMS = lax.GatherDimensionNumbers(
    offset_dims=(), collapsed_slice_dims=(0,), start_index_map=(0,))


def _lane_bcast(vec, lane_idx):
    return lax.gather(
        vec, lane_idx[:, None], _BCAST_DNUMS, (1,),
        mode=lax.GatherScatterMode.PROMISE_IN_BOUNDS)


def _tri_body(coords_hbm, table_hbm, out_hbm, cbuf, idx, wbuf, gbuf, obuf, sem):
    wid = lax.axis_index("s") * NC + lax.axis_index("c")
    base0 = wid * PER_W

    def chunk_body(ch, carry):
        base = base0 + ch * B
        pltpu.sync_copy(coords_hbm.at[:, pl.ds(base, B)], cbuf)

        def ixw_body(g, carry2):
            sl = pl.ds(g * LANES, LANES)
            for p in range(3):
                d0, d1 = ((0, 2), (0, 1), (1, 2))[p]
                cx = cbuf[d0, sl]
                cy = cbuf[d1, sl]
                fx = jnp.clip(cx * (RES - 1.0), 0.0, RES - 1.0)
                fy = jnp.clip(cy * (RES - 1.0), 0.0, RES - 1.0)
                ix0 = fx.astype(jnp.int32)
                iy0 = fy.astype(jnp.int32)
                wx = fx - ix0.astype(jnp.float32)
                wy = fy - iy0.astype(jnp.float32)
                ix1 = jnp.minimum(ix0 + 1, RES - 1)
                iy1 = jnp.minimum(iy0 + 1, RES - 1)
                pbase = p * RES * RES
                r0 = pbase + iy0 * RES
                r1 = pbase + iy1 * RES
                idx[4 * p + 0, sl] = r0 + ix0
                idx[4 * p + 1, sl] = r0 + ix1
                idx[4 * p + 2, sl] = r1 + ix0
                idx[4 * p + 3, sl] = r1 + ix1
                wbuf[2 * p + 0, sl] = wx
                wbuf[2 * p + 1, sl] = wy
            return carry2

        lax.fori_loop(0, B // LANES, ixw_body, 0)

        copies = [
            pltpu.async_copy(table_hbm.at[idx.at[j]], gbuf.at[j], sem)
            for j in range(12)
        ]
        for cp in copies:
            cp.wait()

        def blend_body(g, carry2):
            sl = pl.ds(g * LANES, LANES)
            wv = [wbuf[r, sl] for r in range(6)]
            for j in range(LANES):
                n = g * LANES + j
                jvec = jnp.full((LANES,), j, jnp.int32)
                for p in range(3):
                    wx = _lane_bcast(wv[2 * p + 0], jvec)
                    wy = _lane_bcast(wv[2 * p + 1], jvec)
                    f00 = gbuf[4 * p + 0, n]
                    f01 = gbuf[4 * p + 1, n]
                    f10 = gbuf[4 * p + 2, n]
                    f11 = gbuf[4 * p + 3, n]
                    top = f00 + wx * (f01 - f00)
                    bot = f10 + wx * (f11 - f10)
                    obuf[n, pl.ds(p * LANES, LANES)] = top + wy * (bot - top)
            return carry2

        lax.fori_loop(0, B // LANES, blend_body, 0)

        pltpu.sync_copy(obuf, out_hbm.at[pl.ds(base, B)])
        return carry

    lax.fori_loop(0, NCH, chunk_body, 0)


@jax.jit
def _tri_plane_sc(coords_t, table):
    mesh = plsc.VectorSubcoreMesh(
        core_axis_name="c", subcore_axis_name="s",
        num_cores=NC, num_subcores=NS)
    f = functools.partial(
        pl.kernel,
        out_type=jax.ShapeDtypeStruct((N_PTS, 3 * N_FEAT), jnp.float32),
        mesh=mesh,
        scratch_types=[
            pltpu.VMEM((3, B), jnp.float32),
            pltpu.VMEM((12, B), jnp.int32),
            pltpu.VMEM((6, B), jnp.float32),
            pltpu.VMEM((12, B, N_FEAT), jnp.float32),
            pltpu.VMEM((B, 3 * N_FEAT), jnp.float32),
            pltpu.SemaphoreType.DMA,
        ],
        compiler_params=pltpu.CompilerParams(use_tc_tiling_on_sc=False),
    )(_tri_body)
    return f(coords_t, table)


def kernel(coordinates, planes_features):
    coords_t = coordinates.T
    table = planes_features.transpose(0, 2, 3, 1).reshape(-1, N_FEAT)
    return _tri_plane_sc(coords_t, table)

# --- scband reference (transcript-rebuilt; emitter-appended) ---
"""Pipeline reference for scband-tri-plane-volume-49151605736023 (READ-ONLY COPY).

The authoritative reference and input builder live on the scoring server;
editing this copy changes nothing except your own understanding.
"""

import jax, jax.numpy as jnp
import numpy as np

N_PTS = 524288
N_FEAT = 16
RES = 512


def setup_inputs(seed: int = 0) -> dict:
    key = jax.random.key(seed)
    k1, k2 = jax.random.split(key)
    coordinates = jax.random.uniform(k1, (N_PTS, 3), dtype=jnp.float32)
    planes_features = 0.1 * jax.random.normal(k2, (3, N_FEAT, RES, RES), dtype=jnp.float32)
    return {"coordinates": coordinates, "planes_features": planes_features}


def _grid_sample_bilinear_border(feat, grid):
    # feat: [C, H, W]; grid: [N, 2] with (x, y) in [-1, 1]; align_corners=True, padding_mode='border'
    C, H, W = feat.shape
    x = (grid[:, 0] + 1.0) * 0.5 * (W - 1)
    y = (grid[:, 1] + 1.0) * 0.5 * (H - 1)
    x = jnp.clip(x, 0.0, W - 1)
    y = jnp.clip(y, 0.0, H - 1)
    x0 = jnp.floor(x)
    y0 = jnp.floor(y)
    x1 = jnp.minimum(x0 + 1.0, W - 1)
    y1 = jnp.minimum(y0 + 1.0, H - 1)
    wx = x - x0
    wy = y - y0
    x0i = x0.astype(jnp.int32)
    x1i = x1.astype(jnp.int32)
    y0i = y0.astype(jnp.int32)
    y1i = y1.astype(jnp.int32)
    f00 = feat[:, y0i, x0i]
    f01 = feat[:, y0i, x1i]
    f10 = feat[:, y1i, x0i]
    f11 = feat[:, y1i, x1i]
    top = f00 * (1.0 - wx)[None, :] + f01 * wx[None, :]
    bot = f10 * (1.0 - wx)[None, :] + f11 * wx[None, :]
    return top * (1.0 - wy)[None, :] + bot * wy[None, :]  # [C, N]


def reference(coordinates, planes_features):
    # input_pts_in_unit_cube=True: map [0,1]^3 -> [-1,1]^3; lbound=1
    pts = 2.0 * coordinates - 1.0
    pts = pts / 1.0
    # trivial tri-plane bases: plane0 spans (x,z) normal y; plane1 spans (x,y) normal z; plane2 spans (y,z) normal x
    proj0 = pts[:, jnp.array([0, 2])]
    proj1 = pts[:, jnp.array([0, 1])]
    proj2 = pts[:, jnp.array([1, 2])]
    s0 = _grid_sample_bilinear_border(planes_features[0], proj0)
    s1 = _grid_sample_bilinear_border(planes_features[1], proj1)
    s2 = _grid_sample_bilinear_border(planes_features[2], proj2)
    sampled = jnp.stack([s0, s1, s2], axis=0)           # [3, C, N]
    sampled = jnp.transpose(sampled, (2, 0, 1))          # [N, 3, C]
    return sampled.reshape(sampled.shape[0], -1)         # [N, 3*C]

if __name__ == "__main__":
    import jax
    _d = setup_inputs()
    print(jax.jit(kernel)(*tuple(_d.values())))

</pallas_src>

<mosaic_0001>
#map = affine_map<(d0, d1) -> (0, 0)>
module attributes {stable_mosaic.version = 14 : i64} {
  func.func @_tri_body(%arg0: i32, %arg1: i32, %arg2: memref<3x524288xf32, #tpu.memory_space<hbm>>, %arg3: memref<786432x16xf32, #tpu.memory_space<hbm>>, %arg4: memref<524288x48xf32, #tpu.memory_space<hbm>>, %arg5: memref<3x128xf32, #tpu.memory_space<vmem>>, %arg6: memref<12x128xi32, #tpu.memory_space<vmem>>, %arg7: memref<6x128xf32, #tpu.memory_space<vmem>>, %arg8: memref<12x128x16xf32, #tpu.memory_space<vmem>>, %arg9: memref<128x48xf32, #tpu.memory_space<vmem>>, %arg10: memref<!tpu.dma_semaphore, #tpu.memory_space<semaphore_mem>>) attributes {dimension_semantics = [#tpu.dimension_semantics<core_parallel>, #tpu.dimension_semantics<subcore_parallel>], iteration_bounds = array<i64: 2, 16>, scalar_prefetch = 0 : i64, scratch_operands = 6 : i64, tpu.core_type = #tpu.core_type<sc_vector_subcore>, window_params = [{transform_indices = #map}, {transform_indices = #map}, {transform_indices = #map}]} {
    %mul3A = arith.constant 2 : i32
    %mul3A_0 = arith.muli %arg1, %mul3A : i32
    %add3A = arith.addi %mul3A_0, %arg0 : i32
    %mul3A_1 = arith.constant 16384 : i32
    %mul3A_2 = arith.muli %add3A, %mul3A_1 : i32
    %scan3A = arith.constant 0 : i32
    %scan3A_3 = arith.constant 0 : i32
    %scan3A_4 = arith.constant 128 : i32
    %scan3A_5 = arith.addi %scan3A_3, %scan3A_4 : i32
    %scan3A_6 = arith.constant 1 : i32
    scf.for %scan3A_8 = %scan3A_3 to %scan3A_5 step %scan3A_6  : i32 {
      %mul3A_9 = arith.constant 128 : i32
      %mul3A_10 = arith.muli %scan3A_8, %mul3A_9 : i32
      %add3A_11 = arith.addi %mul3A_2, %mul3A_10 : i32
      "tpu.region"() ({
        %run_scoped3A = tpu.sem_alloc : memref<!tpu.dma_semaphore, #tpu.memory_space<semaphore_mem>>
        %dma_start3A_310 = arith.constant 0 : i32
        %dma_start3A_311 = tpu.memref_slice %arg2[%dma_start3A_310, %add3A_11] : memref<3x524288xf32, #tpu.memory_space<hbm>> -> memref<3x128xf32, #tpu.memory_space<hbm>>
        %dma_start3A_312 = arith.constant 0 : i32
        %dma_start3A_313 = tpu.memref_slice %arg2[%dma_start3A_312, %add3A_11] : memref<3x524288xf32, #tpu.memory_space<hbm>> -> memref<3x128xf32, #tpu.memory_space<hbm>>
        tpu.enqueue_dma source(%dma_start3A_313 : memref<3x128xf32, #tpu.memory_space<hbm>>) target(%arg5 : memref<3x128xf32, #tpu.memory_space<vmem>>) target_semaphore(%run_scoped3A : memref<!tpu.dma_semaphore, #tpu.memory_space<semaphore_mem>>)
        %dma_wait3A_314 = arith.constant 0 : i32
        %dma_wait3A_315 = tpu.memref_slice %arg2[%dma_wait3A_314, %add3A_11] : memref<3x524288xf32, #tpu.memory_space<hbm>> -> memref<3x128xf32, #tpu.memory_space<hbm>>
        %dma_wait3A_316 = arith.constant 0 : i32
        %dma_wait3A_317 = tpu.memref_slice %arg2[%dma_wait3A_316, %add3A_11] : memref<3x524288xf32, #tpu.memory_space<hbm>> -> memref<3x128xf32, #tpu.memory_space<hbm>>
        tpu.wait_dma2 semaphore(%run_scoped3A : memref<!tpu.dma_semaphore, #tpu.memory_space<semaphore_mem>>) src(%dma_wait3A_317 : memref<3x128xf32, #tpu.memory_space<hbm>>) dst(%arg5 : memref<3x128xf32, #tpu.memory_space<vmem>>)
        tpu.yield
      }) : () -> ()
      %scan3A_12 = arith.constant 0 : i32
      %scan3A_13 = arith.constant 0 : i32
      %scan3A_14 = arith.constant 8 : i32
      %scan3A_15 = arith.addi %scan3A_13, %scan3A_14 : i32
      %scan3A_16 = arith.constant 1 : i32
      scf.for %scan3A_310 = %scan3A_13 to %scan3A_15 step %scan3A_16  : i32 {
        %mul3A_311 = arith.constant 16 : i32
        %mul3A_312 = arith.muli %scan3A_310, %mul3A_311 : i32
        %get3A = arith.constant 0 : i32
        %get3A_313 = arith.index_cast %get3A : i32 to index
        %get3A_314 = arith.index_cast %mul3A_312 : i32 to index
        %get3A_315 = tpu.vector_load %arg5[%get3A_313, %get3A_314] {strides = array<i32>} : memref<3x128xf32, #tpu.memory_space<vmem>>, vector<1x16xf32>,
        %get3A_316 = vector.shape_cast %get3A_315 : vector<1x16xf32> to vector<16xf32>
        %get3A_317 = arith.constant 2 : i32
        %get3A_318 = arith.index_cast %get3A_317 : i32 to index
        %get3A_319 = arith.index_cast %mul3A_312 : i32 to index
        %get3A_320 = tpu.vector_load %arg5[%get3A_318, %get3A_319] {strides = array<i32>} : memref<3x128xf32, #tpu.memory_space<vmem>>, vector<1x16xf32>,
        %get3A_321 = vector.shape_cast %get3A_320 : vector<1x16xf32> to vector<16xf32>
        %mul3A_322 = arith.constant 5.110000e+02 : f32
        %mul3A_323 = vector.broadcast %mul3A_322 : f32 to vector<16xf32>
        %mul3A_324 = arith.mulf %get3A_316, %mul3A_323 : vector<16xf32>
        %jit3A = arith.constant 0.000000e+00 : f32
        %jit3A_325 = arith.constant 5.110000e+02 : f32
        %max3A = vector.broadcast %jit3A : f32 to vector<16xf32>
        %max3A_326 = arith.maximumf %max3A, %mul3A_324 : vector<16xf32>
        %min3A = vector.broadcast %jit3A_325 : f32 to vector<16xf32>
        %min3A_327 = arith.minimumf %min3A, %max3A_326 : vector<16xf32>
        %mul3A_328 = arith.constant 5.110000e+02 : f32
        %mul3A_329 = vector.broadcast %mul3A_328 : f32 to vector<16xf32>
        %mul3A_330 = arith.mulf %get3A_321, %mul3A_329 : vector<16xf32>
        %jit3A_331 = arith.constant 0.000000e+00 : f32
        %jit3A_332 = arith.constant 5.110000e+02 : f32
        %max3A_333 = vector.broadcast %jit3A_331 : f32 to vector<16xf32>
        %max3A_334 = arith.maximumf %max3A_333, %mul3A_330 : vector<16xf32>
        %min3A_335 = vector.broadcast %jit3A_332 : f32 to vector<16xf32>
        %min3A_336 = arith.minimumf %min3A_335, %max3A_334 : vector<16xf32>
        %convert_element_type3A = arith.fptosi %min3A_327 : vector<16xf32> to vector<16xi32>
        %convert_element_type3A_337 = arith.fptosi %min3A_336 : vector<16xf32> to vector<16xi32>
        %convert_element_type3A_338 = arith.sitofp %convert_element_type3A : vector<16xi32> to vector<16xf32>
        %sub3A = arith.subf %min3A_327, %convert_element_type3A_338 : vector<16xf32>
        %convert_element_type3A_339 = arith.sitofp %convert_element_type3A_337 : vector<16xi32> to vector<16xf32>
        %sub3A_340 = arith.subf %min3A_336, %convert_element_type3A_339 : vector<16xf32>
        %add3A_341 = arith.constant 1 : i32
        %add3A_342 = vector.broadcast %add3A_341 : i32 to vector<16xi32>
        %add3A_343 = arith.addi %convert_element_type3A, %add3A_342 : vector<16xi32>
        %min3A_344 = arith.constant 511 : i32
        %min3A_345 = vector.broadcast %min3A_344 : i32 to vector<16xi32>
        %min3A_346 = arith.minsi %add3A_343, %min3A_345 : vector<16xi32>
        %add3A_347 = arith.constant 1 : i32
        %add3A_348 = vector.broadcast %add3A_347 : i32 to vector<16xi32>
        %add3A_349 = arith.addi %convert_element_type3A_337, %add3A_348 : vector<16xi32>
        %min3A_350 = arith.constant 511 : i32
        %min3A_351 = vector.broadcast %min3A_350 : i32 to vector<16xi32>
        %min3A_352 = arith.minsi %add3A_349, %min3A_351 : vector<16xi32>
        %mul3A_353 = arith.constant 512 : i32
        %mul3A_354 = vector.broadcast %mul3A_353 : i32 to vector<16xi32>
        %mul3A_355 = arith.muli %convert_element_type3A_337, %mul3A_354 : vector<16xi32>
        %add3A_356 = arith.constant 0 : i32
        %add3A_357 = vector.broadcast %add3A_356 : i32 to vector<16xi32>
        %add3A_358 = arith.addi %add3A_357, %mul3A_355 : vector<16xi32>
        %mul3A_359 = arith.constant 512 : i32
        %mul3A_360 = vector.broadcast %mul3A_359 : i32 to vector<16xi32>
        %mul3A_361 = arith.muli %min3A_352, %mul3A_360 : vector<16xi32>
        %add3A_362 = arith.constant 0 : i32
        %add3A_363 = vector.broadcast %add3A_362 : i32 to vector<16xi32>
        %add3A_364 = arith.addi %add3A_363, %mul3A_361 : vector<16xi32>
        %add3A_365 = arith.addi %add3A_358, %convert_element_type3A : vector<16xi32>
        %swap3A = arith.constant 0 : i32
        %swap3A_366 = arith.index_cast %swap3A : i32 to index
        %swap3A_367 = arith.index_cast %mul3A_312 : i32 to index
        %swap3A_368 = tpu.vector_load %arg6[%swap3A_366, %swap3A_367] {strides = array<i32>} : memref<12x128xi32, #tpu.memory_space<vmem>>, vector<1x16xi32>,
        %swap3A_369 = vector.shape_cast %swap3A_368 : vector<1x16xi32> to vector<16xi32>
        %swap3A_370 = vector.shape_cast %add3A_365 : vector<16xi32> to vector<1x16xi32>
        tpu.vector_store %arg6[%swap3A_366, %swap3A_367], %swap3A_370 {strides = array<i32>} : memref<12x128xi32, #tpu.memory_space<vmem>>, vector<1x16xi32>,
        %add3A_371 = arith.addi %add3A_358, %min3A_346 : vector<16xi32>
        %swap3A_372 = arith.constant 1 : i32
        %swap3A_373 = arith.index_cast %swap3A_372 : i32 to index
        %swap3A_374 = arith.index_cast %mul3A_312 : i32 to index
        %swap3A_375 = tpu.vector_load %arg6[%swap3A_373, %swap3A_374] {strides = array<i32>} : memref<12x128xi32, #tpu.memory_space<vmem>>, vector<1x16xi32>,
        %swap3A_376 = vector.shape_cast %swap3A_375 : vector<1x16xi32> to vector<16xi32>
        %swap3A_377 = vector.shape_cast %add3A_371 : vector<16xi32> to vector<1x16xi32>
        tpu.vector_store %arg6[%swap3A_373, %swap3A_374], %swap3A_377 {strides = array<i32>} : memref<12x128xi32, #tpu.memory_space<vmem>>, vector<1x16xi32>,
        %add3A_378 = arith.addi %add3A_364, %convert_element_type3A : vector<16xi32>
        %swap3A_379 = arith.constant 2 : i32
        %swap3A_380 = arith.index_cast %swap3A_379 : i32 to index
        %swap3A_381 = arith.index_cast %mul3A_312 : i32 to index
        %swap3A_382 = tpu.vector_load %arg6[%swap3A_380, %swap3A_381] {strides = array<i32>} : memref<12x128xi32, #tpu.memory_space<vmem>>, vector<1x16xi32>,
        %swap3A_383 = vector.shape_cast %swap3A_382 : vector<1x16xi32> to vector<16xi32>
        %swap3A_384 = vector.shape_cast %add3A_378 : vector<16xi32> to vector<1x16xi32>
        tpu.vector_store %arg6[%swap3A_380, %swap3A_381], %swap3A_384 {strides = array<i32>} : memref<12x128xi32, #tpu.memory_space<vmem>>, vector<1x16xi32>,
        %add3A_385 = arith.addi %add3A_364, %min3A_346 : vector<16xi32>
        %swap3A_386 = arith.constant 3 : i32
        %swap3A_387 = arith.index_cast %swap3A_386 : i32 to index
        %swap3A_388 = arith.index_cast %mul3A_312 : i32 to index
        %swap3A_389 = tpu.vector_load %arg6[%swap3A_387, %swap3A_388] {strides = array<i32>} : memref<12x128xi32, #tpu.memory_space<vmem>>, vector<1x16xi32>,
        %swap3A_390 = vector.shape_cast %swap3A_389 : vector<1x16xi32> to vector<16xi32>
        %swap3A_391 = vector.shape_cast %add3A_385 : vector<16xi32> to vector<1x16xi32>
        tpu.vector_store %arg6[%swap3A_387, %swap3A_388], %swap3A_391 {strides = array<i32>} : memref<12x128xi32, #tpu.memory_space<vmem>>, vector<1x16xi32>,
        %swap3A_392 = arith.constant 0 : i32
        %swap3A_393 = arith.index_cast %swap3A_392 : i32 to index
        %swap3A_394 = arith.index_cast %mul3A_312 : i32 to index
        %swap3A_395 = tpu.vector_load %arg7[%swap3A_393, %swap3A_394] {strides = array<i32>} : memref<6x128xf32, #tpu.memory_space<vmem>>, vector<1x16xf32>,
        %swap3A_396 = vector.shape_cast %swap3A_395 : vector<1x16xf32> to vector<16xf32>
        %swap3A_397 = vector.shape_cast %sub3A : vector<16xf32> to vector<1x16xf32>
        tpu.vector_store %arg7[%swap3A_393, %swap3A_394], %swap3A_397 {strides = array<i32>} : memref<6x128xf32, #tpu.memory_space<vmem>>, vector<1x16xf32>,
        %swap3A_398 = arith.constant 1 : i32
        %swap3A_399 = arith.index_cast %swap3A_398 : i32 to index
        %swap3A_400 = arith.index_cast %mul3A_312 : i32 to index
        %swap3A_401 = tpu.vector_load %arg7[%swap3A_399, %swap3A_400] {strides = array<i32>} : memref<6x128xf32, #tpu.memory_space<vmem>>, vector<1x16xf32>,
        %swap3A_402 = vector.shape_cast %swap3A_401 : vector<1x16xf32> to vector<16xf32>
        %swap3A_403 = vector.shape_cast %sub3A_340 : vector<16xf32> to vector<1x16xf32>
        tpu.vector_store %arg7[%swap3A_399, %swap3A_400], %swap3A_403 {strides = array<i32>} : memref<6x128xf32, #tpu.memory_space<vmem>>, vector<1x16xf32>,
        %get3A_404 = arith.constant 0 : i32
        %get3A_405 = arith.index_cast %get3A_404 : i32 to index
        %get3A_406 = arith.index_cast %mul3A_312 : i32 to index
        %get3A_407 = tpu.vector_load %arg5[%get3A_405, %get3A_406] {strides = array<i32>} : memref<3x128xf32, #tpu.memory_space<vmem>>, vector<1x16xf32>,
        %get3A_408 = vector.shape_cast %get3A_407 : vector<1x16xf32> to vector<16xf32>
        %get3A_409 = arith.constant 1 : i32
        %get3A_410 = arith.index_cast %get3A_409 : i32 to index
        %get3A_411 = arith.index_cast %mul3A_312 : i32 to index
        %get3A_412 = tpu.vector_load %arg5[%get3A_410, %get3A_411] {strides = array<i32>} : memref<3x128xf32, #tpu.memory_space<vmem>>, vector<1x16xf32>,
        %get3A_413 = vector.shape_cast %get3A_412 : vector<1x16xf32> to vector<16xf32>
        %mul3A_414 = arith.constant 5.110000e+02 : f32
        %mul3A_415 = vector.broadcast %mul3A_414 : f32 to vector<16xf32>
        %mul3A_416 = arith.mulf %get3A_408, %mul3A_415 : vector<16xf32>
        %jit3A_417 = arith.constant 0.000000e+00 : f32
        %jit3A_418 = arith.constant 5.110000e+02 : f32
        %max3A_419 = vector.broadcast %jit3A_417 : f32 to vector<16xf32>
        %max3A_420 = arith.maximumf %max3A_419, %mul3A_416 : vector<16xf32>
        %min3A_421 = vector.broadcast %jit3A_418 : f32 to vector<16xf32>
        %min3A_422 = arith.minimumf %min3A_421, %max3A_420 : vector<16xf32>
        %mul3A_423 = arith.constant 5.110000e+02 : f32
        %mul3A_424 = vector.broadcast %mul3A_423 : f32 to vector<16xf32>
        %mul3A_425 = arith.mulf %get3A_413, %mul3A_424 : vector<16xf32>
        %jit3A_426 = arith.constant 0.000000e+00 : f32
        %jit3A_427 = arith.constant 5.110000e+02 : f32
        %max3A_428 = vector.broadcast %jit3A_426 : f32 to vector<16xf32>
        %max3A_429 = arith.maximumf %max3A_428, %mul3A_425 : vector<16xf32>
        %min3A_430 = vector.broadcast %jit3A_427 : f32 to vector<16xf32>
        %min3A_431 = arith.minimumf %min3A_430, %max3A_429 : vector<16xf32>
        %convert_element_type3A_432 = arith.fptosi %min3A_422 : vector<16xf32> to vector<16xi32>
        %convert_element_type3A_433 = arith.fptosi %min3A_431 : vector<16xf32> to vector<16xi32>
        %convert_element_type3A_434 = arith.sitofp %convert_element_type3A_432 : vector<16xi32> to vector<16xf32>
        %sub3A_435 = arith.subf %min3A_422, %convert_element_type3A_434 : vector<16xf32>
        %convert_element_type3A_436 = arith.sitofp %convert_element_type3A_433 : vector<16xi32> to vector<16xf32>
        %sub3A_437 = arith.subf %min3A_431, %convert_element_type3A_436 : vector<16xf32>
        %add3A_438 = arith.constant 1 : i32
        %add3A_439 = vector.broadcast %add3A_438 : i32 to vector<16xi32>
        %add3A_440 = arith.addi %convert_element_type3A_432, %add3A_439 : vector<16xi32>
        %min3A_441 = arith.constant 511 : i32
        %min3A_442 = vector.broadcast %min3A_441 : i32 to vector<16xi32>
        %min3A_443 = arith.minsi %add3A_440, %min3A_442 : vector<16xi32>
        %add3A_444 = arith.constant 1 : i32
        %add3A_445 = vector.broadcast %add3A_444 : i32 to vector<16xi32>
        %add3A_446 = arith.addi %convert_element_type3A_433, %add3A_445 : vector<16xi32>
        %min3A_447 = arith.constant 511 : i32
        %min3A_448 = vector.broadcast %min3A_447 : i32 to vector<16xi32>
        %min3A_449 = arith.minsi %add3A_446, %min3A_448 : vector<16xi32>
        %mul3A_450 = arith.constant 512 : i32
        %mul3A_451 = vector.broadcast %mul3A_450 : i32 to vector<16xi32>
        %mul3A_452 = arith.muli %convert_element_type3A_433, %mul3A_451 : vector<16xi32>
        %add3A_453 = arith.constant 262144 : i32
        %add3A_454 = vector.broadcast %add3A_453 : i32 to vector<16xi32>
        %add3A_455 = arith.addi %add3A_454, %mul3A_452 : vector<16xi32>
        %mul3A_456 = arith.constant 512 : i32
        %mul3A_457 = vector.broadcast %mul3A_456 : i32 to vector<16xi32>
        %mul3A_458 = arith.muli %min3A_449, %mul3A_457 : vector<16xi32>
        %add3A_459 = arith.constant 262144 : i32
        %add3A_460 = vector.broadcast %add3A_459 : i32 to vector<16xi32>
        %add3A_461 = arith.addi %add3A_460, %mul3A_458 : vector<16xi32>
        %add3A_462 = arith.addi %add3A_455, %convert_element_type3A_432 : vector<16xi32>
        %swap3A_463 = arith.constant 4 : i32
        %swap3A_464 = arith.index_cast %swap3A_463 : i32 to index
        %swap3A_465 = arith.index_cast %mul3A_312 : i32 to index
        %swap3A_466 = tpu.vector_load %arg6[%swap3A_464, %swap3A_465] {strides = array<i32>} : memref<12x128xi32, #tpu.memory_space<vmem>>, vector<1x16xi32>,
        %swap3A_467 = vector.shape_cast %swap3A_466 : vector<1x16xi32> to vector<16xi32>
        %swap3A_468 = vector.shape_cast %add3A_462 : vector<16xi32> to vector<1x16xi32>
        tpu.vector_store %arg6[%swap3A_464, %swap3A_465], %swap3A_468 {strides = array<i32>} : memref<12x128xi32, #tpu.memory_space<vmem>>, vector<1x16xi32>,
        %add3A_469 = arith.addi %add3A_455, %min3A_443 : vector<16xi32>
        %swap3A_470 = arith.constant 5 : i32
        %swap3A_471 = arith.index_cast %swap3A_470 : i32 to index
        %swap3A_472 = arith.index_cast %mul3A_312 : i32 to index
        %swap3A_473 = tpu.vector_load %arg6[%swap3A_471, %swap3A_472] {strides = array<i32>} : memref<12x128xi32, #tpu.memory_space<vmem>>, vector<1x16xi32>,
        %swap3A_474 = vector.shape_cast %swap3A_473 : vector<1x16xi32> to vector<16xi32>
        %swap3A_475 = vector.shape_cast %add3A_469 : vector<16xi32> to vector<1x16xi32>
        tpu.vector_store %arg6[%swap3A_471, %swap3A_472], %swap3A_475 {strides = array<i32>} : memref<12x128xi32, #tpu.memory_space<vmem>>, vector<1x16xi32>,
        %add3A_476 = arith.addi %add3A_461, %convert_element_type3A_432 : vector<16xi32>
        %swap3A_477 = arith.constant 6 : i32
        %swap3A_478 = arith.index_cast %swap3A_477 : i32 to index
        %swap3A_479 = arith.index_cast %mul3A_312 : i32 to index
        %swap3A_480 = tpu.vector_load %arg6[%swap3A_478, %swap3A_479] {strides = array<i32>} : memref<12x128xi32, #tpu.memory_space<vmem>>, vector<1x16xi32>,
        %swap3A_481 = vector.shape_cast %swap3A_480 : vector<1x16xi32> to vector<16xi32>
        %swap3A_482 = vector.shape_cast %add3A_476 : vector<16xi32> to vector<1x16xi32>
        tpu.vector_store %arg6[%swap3A_478, %swap3A_479], %swap3A_482 {strides = array<i32>} : memref<12x128xi32, #tpu.memory_space<vmem>>, vector<1x16xi32>,
        %add3A_483 = arith.addi %add3A_461, %min3A_443 : vector<16xi32>
        %swap3A_484 = arith.constant 7 : i32
        %swap3A_485 = arith.index_cast %swap3A_484 : i32 to index
        %swap3A_486 = arith.index_cast %mul3A_312 : i32 to index
        %swap3A_487 = tpu.vector_load %arg6[%swap3A_485, %swap3A_486] {strides = array<i32>} : memref<12x128xi32, #tpu.memory_space<vmem>>, vector<1x16xi32>,
        %swap3A_488 = vector.shape_cast %swap3A_487 : vector<1x16xi32> to vector<16xi32>
        %swap3A_489 = vector.shape_cast %add3A_483 : vector<16xi32> to vector<1x16xi32>
        tpu.vector_store %arg6[%swap3A_485, %swap3A_486], %swap3A_489 {strides = array<i32>} : memref<12x128xi32, #tpu.memory_space<vmem>>, vector<1x16xi32>,
        %swap3A_490 = arith.constant 2 : i32
        %swap3A_491 = arith.index_cast %swap3A_490 : i32 to index
        %swap3A_492 = arith.index_cast %mul3A_312 : i32 to index
        %swap3A_493 = tpu.vector_load %arg7[%swap3A_491, %swap3A_492] {strides = array<i32>} : memref<6x128xf32, #tpu.memory_space<vmem>>, vector<1x16xf32>,
        %swap3A_494 = vector.shape_cast %swap3A_493 : vector<1x16xf32> to vector<16xf32>
        %swap3A_495 = vector.shape_cast %sub3A_435 : vector<16xf32> to vector<1x16xf32>
        tpu.vector_store %arg7[%swap3A_491, %swap3A_492], %swap3A_495 {strides = array<i32>} : memref<6x128xf32, #tpu.memory_space<vmem>>, vector<1x16xf32>,
        %swap3A_496 = arith.constant 3 : i32
        %swap3A_497 = arith.index_cast %swap3A_496 : i32 to index
        %swap3A_498 = arith.index_cast %mul3A_312 : i32 to index
        %swap3A_499 = tpu.vector_load %arg7[%swap3A_497, %swap3A_498] {strides = array<i32>} : memref<6x128xf32, #tpu.memory_space<vmem>>, vector<1x16xf32>,
        %swap3A_500 = vector.shape_cast %swap3A_499 : vector<1x16xf32> to vector<16xf32>
        %swap3A_501 = vector.shape_cast %sub3A_437 : vector<16xf32> to vector<1x16xf32>
        tpu.vector_store %arg7[%swap3A_497, %swap3A_498], %swap3A_501 {strides = array<i32>} : memref<6x128xf32, #tpu.memory_space<vmem>>, vector<1x16xf32>,
        %get3A_502 = arith.constant 1 : i32
        %get3A_503 = arith.index_cast %get3A_502 : i32 to index
        %get3A_504 = arith.index_cast %mul3A_312 : i32 to index
        %get3A_505 = tpu.vector_load %arg5[%get3A_503, %get3A_504] {strides = array<i32>} : memref<3x128xf32, #tpu.memory_space<vmem>>, vector<1x16xf32>,
        %get3A_506 = vector.shape_cast %get3A_505 : vector<1x16xf32> to vector<16xf32>
        %get3A_507 = arith.constant 2 : i32
        %get3A_508 = arith.index_cast %get3A_507 : i32 to index
        %get3A_509 = arith.index_cast %mul3A_312 : i32 to index
        %get3A_510 = tpu.vector_load %arg5[%get3A_508, %get3A_509] {strides = array<i32>} : memref<3x128xf32, #tpu.memory_space<vmem>>, vector<1x16xf32>,
        %get3A_511 = vector.shape_cast %get3A_510 : vector<1x16xf32> to vector<16xf32>
        %mul3A_512 = arith.constant 5.110000e+02 : f32
        %mul3A_513 = vector.broadcast %mul3A_512 : f32 to vector<16xf32>
        %mul3A_514 = arith.mulf %get3A_506, %mul3A_513 : vector<16xf32>
        %jit3A_515 = arith.constant 0.000000e+00 : f32
        %jit3A_516 = arith.constant 5.110000e+02 : f32
        %max3A_517 = vector.broadcast %jit3A_515 : f32 to vector<16xf32>
        %max3A_518 = arith.maximumf %max3A_517, %mul3A_514 : vector<16xf32>
        %min3A_519 = vector.broadcast %jit3A_516 : f32 to vector<16xf32>
        %min3A_520 = arith.minimumf %min3A_519, %max3A_518 : vector<16xf32>
        %mul3A_521 = arith.constant 5.110000e+02 : f32
        %mul3A_522 = vector.broadcast %mul3A_521 : f32 to vector<16xf32>
        %mul3A_523 = arith.mulf %get3A_511, %mul3A_522 : vector<16xf32>
        %jit3A_524 = arith.constant 0.000000e+00 : f32
        %jit3A_525 = arith.constant 5.110000e+02 : f32
        %max3A_526 = vector.broadcast %jit3A_524 : f32 to vector<16xf32>
        %max3A_527 = arith.maximumf %max3A_526, %mul3A_523 : vector<16xf32>
        %min3A_528 = vector.broadcast %jit3A_525 : f32 to vector<16xf32>
        %min3A_529 = arith.minimumf %min3A_528, %max3A_527 : vector<16xf32>
        %convert_element_type3A_530 = arith.fptosi %min3A_520 : vector<16xf32> to vector<16xi32>
        %convert_element_type3A_531 = arith.fptosi %min3A_529 : vector<16xf32> to vector<16xi32>
        %convert_element_type3A_532 = arith.sitofp %convert_element_type3A_530 : vector<16xi32> to vector<16xf32>
        %sub3A_533 = arith.subf %min3A_520, %convert_element_type3A_532 : vector<16xf32>
        %convert_element_type3A_534 = arith.sitofp %convert_element_type3A_531 : vector<16xi32> to vector<16xf32>
        %sub3A_535 = arith.subf %min3A_529, %convert_element_type3A_534 : vector<16xf32>
        %add3A_536 = arith.constant 1 : i32
        %add3A_537 = vector.broadcast %add3A_536 : i32 to vector<16xi32>
        %add3A_538 = arith.addi %convert_element_type3A_530, %add3A_537 : vector<16xi32>
        %min3A_539 = arith.constant 511 : i32
        %min3A_540 = vector.broadcast %min3A_539 : i32 to vector<16xi32>
        %min3A_541 = arith.minsi %add3A_538, %min3A_540 : vector<16xi32>
        %add3A_542 = arith.constant 1 : i32
        %add3A_543 = vector.broadcast %add3A_542 : i32 to vector<16xi32>
        %add3A_544 = arith.addi %convert_element_type3A_531, %add3A_543 : vector<16xi32>
        %min3A_545 = arith.constant 511 : i32
        %min3A_546 = vector.broadcast %min3A_545 : i32 to vector<16xi32>
        %min3A_547 = arith.minsi %add3A_544, %min3A_546 : vector<16xi32>
        %mul3A_548 = arith.constant 512 : i32
        %mul3A_549 = vector.broadcast %mul3A_548 : i32 to vector<16xi32>
        %mul3A_550 = arith.muli %convert_element_type3A_531, %mul3A_549 : vector<16xi32>
        %add3A_551 = arith.constant 524288 : i32
        %add3A_552 = vector.broadcast %add3A_551 : i32 to vector<16xi32>
        %add3A_553 = arith.addi %add3A_552, %mul3A_550 : vector<16xi32>
        %mul3A_554 = arith.constant 512 : i32
        %mul3A_555 = vector.broadcast %mul3A_554 : i32 to vector<16xi32>
        %mul3A_556 = arith.muli %min3A_547, %mul3A_555 : vector<16xi32>
        %add3A_557 = arith.constant 524288 : i32
        %add3A_558 = vector.broadcast %add3A_557 : i32 to vector<16xi32>
        %add3A_559 = arith.addi %add3A_558, %mul3A_556 : vector<16xi32>
        %add3A_560 = arith.addi %add3A_553, %convert_element_type3A_530 : vector<16xi32>
        %swap3A_561 = arith.constant 8 : i32
        %swap3A_562 = arith.index_cast %swap3A_561 : i32 to index
        %swap3A_563 = arith.index_cast %mul3A_312 : i32 to index
        %swap3A_564 = tpu.vector_load %arg6[%swap3A_562, %swap3A_563] {strides = array<i32>} : memref<12x128xi32, #tpu.memory_space<vmem>>, vector<1x16xi32>,
        %swap3A_565 = vector.shape_cast %swap3A_564 : vector<1x16xi32> to vector<16xi32>
        %swap3A_566 = vector.shape_cast %add3A_560 : vector<16xi32> to vector<1x16xi32>
        tpu.vector_store %arg6[%swap3A_562, %swap3A_563], %swap3A_566 {strides = array<i32>} : memref<12x128xi32, #tpu.memory_space<vmem>>, vector<1x16xi32>,
        %add3A_567 = arith.addi %add3A_553, %min3A_541 : vector<16xi32>
        %swap3A_568 = arith.constant 9 : i32
        %swap3A_569 = arith.index_cast %swap3A_568 : i32 to index
        %swap3A_570 = arith.index_cast %mul3A_312 : i32 to index
        %swap3A_571 = tpu.vector_load %arg6[%swap3A_569, %swap3A_570] {strides = array<i32>} : memref<12x128xi32, #tpu.memory_space<vmem>>, vector<1x16xi32>,
        %swap3A_572 = vector.shape_cast %swap3A_571 : vector<1x16xi32> to vector<16xi32>
        %swap3A_573 = vector.shape_cast %add3A_567 : vector<16xi32> to vector<1x16xi32>
        tpu.vector_store %arg6[%swap3A_569, %swap3A_570], %swap3A_573 {strides = array<i32>} : memref<12x128xi32, #tpu.memory_space<vmem>>, vector<1x16xi32>,
        %add3A_574 = arith.addi %add3A_559, %convert_element_type3A_530 : vector<16xi32>
        %swap3A_575 = arith.constant 10 : i32
        %swap3A_576 = arith.index_cast %swap3A_575 : i32 to index
        %swap3A_577 = arith.index_cast %mul3A_312 : i32 to index
        %swap3A_578 = tpu.vector_load %arg6[%swap3A_576, %swap3A_577] {strides = array<i32>} : memref<12x128xi32, #tpu.memory_space<vmem>>, vector<1x16xi32>,
        %swap3A_579 = vector.shape_cast %swap3A_578 : vector<1x16xi32> to vector<16xi32>
        %swap3A_580 = vector.shape_cast %add3A_574 : vector<16xi32> to vector<1x16xi32>
        tpu.vector_store %arg6[%swap3A_576, %swap3A_577], %swap3A_580 {strides = array<i32>} : memref<12x128xi32, #tpu.memory_space<vmem>>, vector<1x16xi32>,
        %add3A_581 = arith.addi %add3A_559, %min3A_541 : vector<16xi32>
        %swap3A_582 = arith.constant 11 : i32
        %swap3A_583 = arith.index_cast %swap3A_582 : i32 to index
        %swap3A_584 = arith.index_cast %mul3A_312 : i32 to index
        %swap3A_585 = tpu.vector_load %arg6[%swap3A_583, %swap3A_584] {strides = array<i32>} : memref<12x128xi32, #tpu.memory_space<vmem>>, vector<1x16xi32>,
        %swap3A_586 = vector.shape_cast %swap3A_585 : vector<1x16xi32> to vector<16xi32>
        %swap3A_587 = vector.shape_cast %add3A_581 : vector<16xi32> to vector<1x16xi32>
        tpu.vector_store %arg6[%swap3A_583, %swap3A_584], %swap3A_587 {strides = array<i32>} : memref<12x128xi32, #tpu.memory_space<vmem>>, vector<1x16xi32>,
        %swap3A_588 = arith.constant 4 : i32
        %swap3A_589 = arith.index_cast %swap3A_588 : i32 to index
        %swap3A_590 = arith.index_cast %mul3A_312 : i32 to index
        %swap3A_591 = tpu.vector_load %arg7[%swap3A_589, %swap3A_590] {strides = array<i32>} : memref<6x128xf32, #tpu.memory_space<vmem>>, vector<1x16xf32>,
        %swap3A_592 = vector.shape_cast %swap3A_591 : vector<1x16xf32> to vector<16xf32>
        %swap3A_593 = vector.shape_cast %sub3A_533 : vector<16xf32> to vector<1x16xf32>
        tpu.vector_store %arg7[%swap3A_589, %swap3A_590], %swap3A_593 {strides = array<i32>} : memref<6x128xf32, #tpu.memory_space<vmem>>, vector<1x16xf32>,
        %swap3A_594 = arith.constant 5 : i32
        %swap3A_595 = arith.index_cast %swap3A_594 : i32 to index
        %swap3A_596 = arith.index_cast %mul3A_312 : i32 to index
        %swap3A_597 = tpu.vector_load %arg7[%swap3A_595, %swap3A_596] {strides = array<i32>} : memref<6x128xf32, #tpu.memory_space<vmem>>, vector<1x16xf32>,
        %swap3A_598 = vector.shape_cast %swap3A_597 : vector<1x16xf32> to vector<16xf32>
        %swap3A_599 = vector.shape_cast %sub3A_535 : vector<16xf32> to vector<1x16xf32>
        tpu.vector_store %arg7[%swap3A_595, %swap3A_596], %swap3A_599 {strides = array<i32>} : memref<6x128xf32, #tpu.memory_space<vmem>>, vector<1x16xf32>,
      }
      %scan3A_17 = arith.constant 8 : i32
      %dma_start3A = arith.constant 0 : i32
      %dma_start3A_18 = arith.constant 0 : i32
      %dma_start3A_19 = arith.constant 0 : i32
      %dma_start3A_20 = arith.constant 0 : i32
      %dma_start3A_21 = tpu.memref_slice %arg8[%dma_start3A_18, %dma_start3A_19, %dma_start3A_20] : memref<12x128x16xf32, #tpu.memory_space<vmem>> -> memref<1x128x16xf32, #tpu.memory_space<vmem>>
      %dma_start3A_22 = tpu.memref_squeeze %dma_start3A_21 : memref<1x128x16xf32, #tpu.memory_space<vmem>> -> memref<128x16xf32, #tpu.memory_space<vmem>>
      %dma_start3A_23 = arith.constant 0 : i32
      %dma_start3A_24 = tpu.memref_slice %arg6[%dma_start3A, %dma_start3A_23] : memref<12x128xi32, #tpu.memory_space<vmem>> -> memref<1x128xi32, #tpu.memory_space<vmem>>
      %dma_start3A_25 = tpu.memref_squeeze %dma_start3A_24 : memref<1x128xi32, #tpu.memory_space<vmem>> -> memref<128xi32, #tpu.memory_space<vmem>>
      %dma_start3A_26 = arith.constant 0 : i32
      %dma_start3A_27 = arith.constant 0 : i32
      %dma_start3A_28 = tpu.memref_slice %arg3[%dma_start3A_26, %dma_start3A_27] : memref<786432x16xf32, #tpu.memory_space<hbm>> -> memref<786432x16xf32, #tpu.memory_space<hbm>>
      tpu.enqueue_indirect_dma source(%dma_start3A_28 : memref<786432x16xf32, #tpu.memory_space<hbm>>) target(%dma_start3A_22 : memref<128x16xf32, #tpu.memory_space<vmem>>) offsets(%dma_start3A_25 : memref<128xi32, #tpu.memory_space<vmem>>) semaphore(%arg10 : memref<!tpu.dma_semaphore, #tpu.memory_space<semaphore_mem>>)
      %dma_start3A_29 = arith.constant 1 : i32
      %dma_start3A_30 = arith.constant 1 : i32
      %dma_start3A_31 = arith.constant 0 : i32
      %dma_start3A_32 = arith.constant 0 : i32
      %dma_start3A_33 = tpu.memref_slice %arg8[%dma_start3A_30, %dma_start3A_31, %dma_start3A_32] : memref<12x128x16xf32, #tpu.memory_space<vmem>> -> memref<1x128x16xf32, #tpu.memory_space<vmem>>
      %dma_start3A_34 = tpu.memref_squeeze %dma_start3A_33 : memref<1x128x16xf32, #tpu.memory_space<vmem>> -> memref<128x16xf32, #tpu.memory_space<vmem>>
      %dma_start3A_35 = arith.constant 0 : i32
      %dma_start3A_36 = tpu.memref_slice %arg6[%dma_start3A_29, %dma_start3A_35] : memref<12x128xi32, #tpu.memory_space<vmem>> -> memref<1x128xi32, #tpu.memory_space<vmem>>
      %dma_start3A_37 = tpu.memref_squeeze %dma_start3A_36 : memref<1x128xi32, #tpu.memory_space<vmem>> -> memref<128xi32, #tpu.memory_space<vmem>>
      %dma_start3A_38 = arith.constant 0 : i32
      %dma_start3A_39 = arith.constant 0 : i32
      %dma_start3A_40 = tpu.memref_slice %arg3[%dma_start3A_38, %dma_start3A_39] : memref<786432x16xf32, #tpu.memory_space<hbm>> -> memref<786432x16xf32, #tpu.memory_space<hbm>>
      tpu.enqueue_indirect_dma source(%dma_start3A_40 : memref<786432x16xf32, #tpu.memory_space<hbm>>) target(%dma_start3A_34 : memref<128x16xf32, #tpu.memory_space<vmem>>) offsets(%dma_start3A_37 : memref<128xi32, #tpu.memory_space<vmem>>) semaphore(%arg10 : memref<!tpu.dma_semaphore, #tpu.memory_space<semaphore_mem>>)
      %dma_start3A_41 = arith.constant 2 : i32
      %dma_start3A_42 = arith.constant 2 : i32
      %dma_start3A_43 = arith.constant 0 : i32
      %dma_start3A_44 = arith.constant 0 : i32
      %dma_start3A_45 = tpu.memref_slice %arg8[%dma_start3A_42, %dma_start3A_43, %dma_start3A_44] : memref<12x128x16xf32, #tpu.memory_space<vmem>> -> memref<1x128x16xf32, #tpu.memory_space<vmem>>
      %dma_start3A_46 = tpu.memref_squeeze %dma_start3A_45 : memref<1x128x16xf32, #tpu.memory_space<vmem>> -> memref<128x16xf32, #tpu.memory_space<vmem>>
      %dma_start3A_47 = arith.constant 0 : i32
      %dma_start3A_48 = tpu.memref_slice %arg6[%dma_start3A_41, %dma_start3A_47] : memref<12x128xi32, #tpu.memory_space<vmem>> -> memref<1x128xi32, #tpu.memory_space<vmem>>
      %dma_start3A_49 = tpu.memref_squeeze %dma_start3A_48 : memref<1x128xi32, #tpu.memory_space<vmem>> -> memref<128xi32, #tpu.memory_space<vmem>>
      %dma_start3A_50 = arith.constant 0 : i32
      %dma_start3A_51 = arith.constant 0 : i32
      %dma_start3A_52 = tpu.memref_slice %arg3[%dma_start3A_50, %dma_start3A_51] : memref<786432x16xf32, #tpu.memory_space<hbm>> -> memref<786432x16xf32, #tpu.memory_space<hbm>>
      tpu.enqueue_indirect_dma source(%dma_start3A_52 : memref<786432x16xf32, #tpu.memory_space<hbm>>) target(%dma_start3A_46 : memref<128x16xf32, #tpu.memory_space<vmem>>) offsets(%dma_start3A_49 : memref<128xi32, #tpu.memory_space<vmem>>) semaphore(%arg10 : memref<!tpu.dma_semaphore, #tpu.memory_space<semaphore_mem>>)
      %dma_start3A_53 = arith.constant 3 : i32
      %dma_start3A_54 = arith.constant 3 : i32
      %dma_start3A_55 = arith.constant 0 : i32
      %dma_start3A_56 = arith.constant 0 : i32
      %dma_start3A_57 = tpu.memref_slice %arg8[%dma_start3A_54, %dma_start3A_55, %dma_start3A_56] : memref<12x128x16xf32, #tpu.memory_space<vmem>> -> memref<1x128x16xf32, #tpu.memory_space<vmem>>
      %dma_start3A_58 = tpu.memref_squeeze %dma_start3A_57 : memref<1x128x16xf32, #tpu.memory_space<vmem>> -> memref<128x16xf32, #tpu.memory_space<vmem>>
      %dma_start3A_59 = arith.constant 0 : i32
      %dma_start3A_60 = tpu.memref_slice %arg6[%dma_start3A_53, %dma_start3A_59] : memref<12x128xi32, #tpu.memory_space<vmem>> -> memref<1x128xi32, #tpu.memory_space<vmem>>
      %dma_start3A_61 = tpu.memref_squeeze %dma_start3A_60 : memref<1x128xi32, #tpu.memory_space<vmem>> -> memref<128xi32, #tpu.memory_space<vmem>>
      %dma_start3A_62 = arith.constant 0 : i32
      %dma_start3A_63 = arith.constant 0 : i32
      %dma_start3A_64 = tpu.memref_slice %arg3[%dma_start3A_62, %dma_start3A_63] : memref<786432x16xf32, #tpu.memory_space<hbm>> -> memref<786432x16xf32, #tpu.memory_space<hbm>>
      tpu.enqueue_indirect_dma source(%dma_start3A_64 : memref<786432x16xf32, #tpu.memory_space<hbm>>) target(%dma_start3A_58 : memref<128x16xf32, #tpu.memory_space<vmem>>) offsets(%dma_start3A_61 : memref<128xi32, #tpu.memory_space<vmem>>) semaphore(%arg10 : memref<!tpu.dma_semaphore, #tpu.memory_space<semaphore_mem>>)
      %dma_start3A_65 = arith.constant 4 : i32
      %dma_start3A_66 = arith.constant 4 : i32
      %dma_start3A_67 = arith.constant 0 : i32
      %dma_start3A_68 = arith.constant 0 : i32
      %dma_start3A_69 = tpu.memref_slice %arg8[%dma_start3A_66, %dma_start3A_67, %dma_start3A_68] : memref<12x128x16xf32, #tpu.memory_space<vmem>> -> memref<1x128x16xf32, #tpu.memory_space<vmem>>
      %dma_start3A_70 = tpu.memref_squeeze %dma_start3A_69 : memref<1x128x16xf32, #tpu.memory_space<vmem>> -> memref<128x16xf32, #tpu.memory_space<vmem>>
      %dma_start3A_71 = arith.constant 0 : i32
      %dma_start3A_72 = tpu.memref_slice %arg6[%dma_start3A_65, %dma_start3A_71] : memref<12x128xi32, #tpu.memory_space<vmem>> -> memref<1x128xi32, #tpu.memory_space<vmem>>
      %dma_start3A_73 = tpu.memref_squeeze %dma_start3A_72 : memref<1x128xi32, #tpu.memory_space<vmem>> -> memref<128xi32, #tpu.memory_space<vmem>>
      %dma_start3A_74 = arith.constant 0 : i32
      %dma_start3A_75 = arith.constant 0 : i32
      %dma_start3A_76 = tpu.memref_slice %arg3[%dma_start3A_74, %dma_start3A_75] : memref<786432x16xf32, #tpu.memory_space<hbm>> -> memref<786432x16xf32, #tpu.memory_space<hbm>>
      tpu.enqueue_indirect_dma source(%dma_start3A_76 : memref<786432x16xf32, #tpu.memory_space<hbm>>) target(%dma_start3A_70 : memref<128x16xf32, #tpu.memory_space<vmem>>) offsets(%dma_start3A_73 : memref<128xi32, #tpu.memory_space<vmem>>) semaphore(%arg10 : memref<!tpu.dma_semaphore, #tpu.memory_space<semaphore_mem>>)
      %dma_start3A_77 = arith.constant 5 : i32
      %dma_start3A_78 = arith.constant 5 : i32
      %dma_start3A_79 = arith.constant 0 : i32
      %dma_start3A_80 = arith.constant 0 : i32
      %dma_start3A_81 = tpu.memref_slice %arg8[%dma_start3A_78, %dma_start3A_79, %dma_start3A_80] : memref<12x128x16xf32, #tpu.memory_space<vmem>> -> memref<1x128x16xf32, #tpu.memory_space<vmem>>
      %dma_start3A_82 = tpu.memref_squeeze %dma_start3A_81 : memref<1x128x16xf32, #tpu.memory_space<vmem>> -> memref<128x16xf32, #tpu.memory_space<vmem>>
      %dma_start3A_83 = arith.constant 0 : i32
      %dma_start3A_84 = tpu.memref_slice %arg6[%dma_start3A_77, %dma_start3A_83] : memref<12x128xi32, #tpu.memory_space<vmem>> -> memref<1x128xi32, #tpu.memory_space<vmem>>
      %dma_start3A_85 = tpu.memref_squeeze %dma_start3A_84 : memref<1x128xi32, #tpu.memory_space<vmem>> -> memref<128xi32, #tpu.memory_space<vmem>>
      %dma_start3A_86 = arith.constant 0 : i32
      %dma_start3A_87 = arith.constant 0 : i32
      %dma_start3A_88 = tpu.memref_slice %arg3[%dma_start3A_86, %dma_start3A_87] : memref<786432x16xf32, #tpu.memory_space<hbm>> -> memref<786432x16xf32, #tpu.memory_space<hbm>>
      tpu.enqueue_indirect_dma source(%dma_start3A_88 : memref<786432x16xf32, #tpu.memory_space<hbm>>) target(%dma_start3A_82 : memref<128x16xf32, #tpu.memory_space<vmem>>) offsets(%dma_start3A_85 : memref<128xi32, #tpu.memory_space<vmem>>) semaphore(%arg10 : memref<!tpu.dma_semaphore, #tpu.memory_space<semaphore_mem>>)
      %dma_start3A_89 = arith.constant 6 : i32
      %dma_start3A_90 = arith.constant 6 : i32
      %dma_start3A_91 = arith.constant 0 : i32
      %dma_start3A_92 = arith.constant 0 : i32
      %dma_start3A_93 = tpu.memref_slice %arg8[%dma_start3A_90, %dma_start3A_91, %dma_start3A_92] : memref<12x128x16xf32, #tpu.memory_space<vmem>> -> memref<1x128x16xf32, #tpu.memory_space<vmem>>
      %dma_start3A_94 = tpu.memref_squeeze %dma_start3A_93 : memref<1x128x16xf32, #tpu.memory_space<vmem>> -> memref<128x16xf32, #tpu.memory_space<vmem>>
      %dma_start3A_95 = arith.constant 0 : i32
      %dma_start3A_96 = tpu.memref_slice %arg6[%dma_start3A_89, %dma_start3A_95] : memref<12x128xi32, #tpu.memory_space<vmem>> -> memref<1x128xi32, #tpu.memory_space<vmem>>
      %dma_start3A_97 = tpu.memref_squeeze %dma_start3A_96 : memref<1x128xi32, #tpu.memory_space<vmem>> -> memref<128xi32, #tpu.memory_space<vmem>>
      %dma_start3A_98 = arith.constant 0 : i32
      %dma_start3A_99 = arith.constant 0 : i32
      %dma_start3A_100 = tpu.memref_slice %arg3[%dma_start3A_98, %dma_start3A_99] : memref<786432x16xf32, #tpu.memory_space<hbm>> -> memref<786432x16xf32, #tpu.memory_space<hbm>>
      tpu.enqueue_indirect_dma source(%dma_start3A_100 : memref<786432x16xf32, #tpu.memory_space<hbm>>) target(%dma_start3A_94 : memref<128x16xf32, #tpu.memory_space<vmem>>) offsets(%dma_start3A_97 : memref<128xi32, #tpu.memory_space<vmem>>) semaphore(%arg10 : memref<!tpu.dma_semaphore, #tpu.memory_space<semaphore_mem>>)
      %dma_start3A_101 = arith.constant 7 : i32
      %dma_start3A_102 = arith.constant 7 : i32
      %dma_start3A_103 = arith.constant 0 : i32
      %dma_start3A_104 = arith.constant 0 : i32
      %dma_start3A_105 = tpu.memref_slice %arg8[%dma_start3A_102, %dma_start3A_103, %dma_start3A_104] : memref<12x128x16xf32, #tpu.memory_space<vmem>> -> memref<1x128x16xf32, #tpu.memory_space<vmem>>
      %dma_start3A_106 = tpu.memref_squeeze %dma_start3A_105 : memref<1x128x16xf32, #tpu.memory_space<vmem>> -> memref<128x16xf32, #tpu.memory_space<vmem>>
      %dma_start3A_107 = arith.constant 0 : i32
      %dma_start3A_108 = tpu.memref_slice %arg6[%dma_start3A_101, %dma_start3A_107] : memref<12x128xi32, #tpu.memory_space<vmem>> -> memref<1x128xi32, #tpu.memory_space<vmem>>
      %dma_start3A_109 = tpu.memref_squeeze %dma_start3A_108 : memref<1x128xi32, #tpu.memory_space<vmem>> -> memref<128xi32, #tpu.memory_space<vmem>>
      %dma_start3A_110 = arith.constant 0 : i32
      %dma_start3A_111 = arith.constant 0 : i32
      %dma_start3A_112 = tpu.memref_slice %arg3[%dma_start3A_110, %dma_start3A_111] : memref<786432x16xf32, #tpu.memory_space<hbm>> -> memref<786432x16xf32, #tpu.memory_space<hbm>>
      tpu.enqueue_indirect_dma source(%dma_start3A_112 : memref<786432x16xf32, #tpu.memory_space<hbm>>) target(%dma_start3A_106 : memref<128x16xf32, #tpu.memory_space<vmem>>) offsets(%dma_start3A_109 : memref<128xi32, #tpu.memory_space<vmem>>) semaphore(%arg10 : memref<!tpu.dma_semaphore, #tpu.memory_space<semaphore_mem>>)
      %dma_start3A_113 = arith.constant 8 : i32
      %dma_start3A_114 = arith.constant 8 : i32
      %dma_start3A_115 = arith.constant 0 : i32
      %dma_start3A_116 = arith.constant 0 : i32
      %dma_start3A_117 = tpu.memref_slice %arg8[%dma_start3A_114, %dma_start3A_115, %dma_start3A_116] : memref<12x128x16xf32, #tpu.memory_space<vmem>> -> memref<1x128x16xf32, #tpu.memory_space<vmem>>
      %dma_start3A_118 = tpu.memref_squeeze %dma_start3A_117 : memref<1x128x16xf32, #tpu.memory_space<vmem>> -> memref<128x16xf32, #tpu.memory_space<vmem>>
      %dma_start3A_119 = arith.constant 0 : i32
      %dma_start3A_120 = tpu.memref_slice %arg6[%dma_start3A_113, %dma_start3A_119] : memref<12x128xi32, #tpu.memory_space<vmem>> -> memref<1x128xi32, #tpu.memory_space<vmem>>
      %dma_start3A_121 = tpu.memref_squeeze %dma_start3A_120 : memref<1x128xi32, #tpu.memory_space<vmem>> -> memref<128xi32, #tpu.memory_space<vmem>>
      %dma_start3A_122 = arith.constant 0 : i32
      %dma_start3A_123 = arith.constant 0 : i32
      %dma_start3A_124 = tpu.memref_slice %arg3[%dma_start3A_122, %dma_start3A_123] : memref<786432x16xf32, #tpu.memory_space<hbm>> -> memref<786432x16xf32, #tpu.memory_space<hbm>>
      tpu.enqueue_indirect_dma source(%dma_start3A_124 : memref<786432x16xf32, #tpu.memory_space<hbm>>) target(%dma_start3A_118 : memref<128x16xf32, #tpu.memory_space<vmem>>) offsets(%dma_start3A_121 : memref<128xi32, #tpu.memory_space<vmem>>) semaphore(%arg10 : memref<!tpu.dma_semaphore, #tpu.memory_space<semaphore_mem>>)
      %dma_start3A_125 = arith.constant 9 : i32
      %dma_start3A_126 = arith.constant 9 : i32
      %dma_start3A_127 = arith.constant 0 : i32
      %dma_start3A_128 = arith.constant 0 : i32
      %dma_start3A_129 = tpu.memref_slice %arg8[%dma_start3A_126, %dma_start3A_127, %dma_start3A_128] : memref<12x128x16xf32, #tpu.memory_space<vmem>> -> memref<1x128x16xf32, #tpu.memory_space<vmem>>
      %dma_start3A_130 = tpu.memref_squeeze %dma_start3A_129 : memref<1x128x16xf32, #tpu.memory_space<vmem>> -> memref<128x16xf32, #tpu.memory_space<vmem>>
      %dma_start3A_131 = arith.constant 0 : i32
      %dma_start3A_132 = tpu.memref_slice %arg6[%dma_start3A_125, %dma_start3A_131] : memref<12x128xi32, #tpu.memory_space<vmem>> -> memref<1x128xi32, #tpu.memory_space<vmem>>
      %dma_start3A_133 = tpu.memref_squeeze %dma_start3A_132 : memref<1x128xi32, #tpu.memory_space<vmem>> -> memref<128xi32, #tpu.memory_space<vmem>>
      %dma_start3A_134 = arith.constant 0 : i32
      %dma_start3A_135 = arith.constant 0 : i32
      %dma_start3A_136 = tpu.memref_slice %arg3[%dma_start3A_134, %dma_start3A_135] : memref<786432x16xf32, #tpu.memory_space<hbm>> -> memref<786432x16xf32, #tpu.memory_space<hbm>>
      tpu.enqueue_indirect_dma source(%dma_start3A_136 : memref<786432x16xf32, #tpu.memory_space<hbm>>) target(%dma_start3A_130 : memref<128x16xf32, #tpu.memory_space<vmem>>) offsets(%dma_start3A_133 : memref<128xi32, #tpu.memory_space<vmem>>) semaphore(%arg10 : memref<!tpu.dma_semaphore, #tpu.memory_space<semaphore_mem>>)
      %dma_start3A_137 = arith.constant 10 : i32
      %dma_start3A_138 = arith.constant 10 : i32
      %dma_start3A_139 = arith.constant 0 : i32
      %dma_start3A_140 = arith.constant 0 : i32
      %dma_start3A_141 = tpu.memref_slice %arg8[%dma_start3A_138, %dma_start3A_139, %dma_start3A_140] : memref<12x128x16xf32, #tpu.memory_space<vmem>> -> memref<1x128x16xf32, #tpu.memory_space<vmem>>
      %dma_start3A_142 = tpu.memref_squeeze %dma_start3A_141 : memref<1x128x16xf32, #tpu.memory_space<vmem>> -> memref<128x16xf32, #tpu.memory_space<vmem>>
      %dma_start3A_143 = arith.constant 0 : i32
      %dma_start3A_144 = tpu.memref_slice %arg6[%dma_start3A_137, %dma_start3A_143] : memref<12x128xi32, #tpu.memory_space<vmem>> -> memref<1x128xi32, #tpu.memory_space<vmem>>
      %dma_start3A_145 = tpu.memref_squeeze %dma_start3A_144 : memref<1x128xi32, #tpu.memory_space<vmem>> -> memref<128xi32, #tpu.memory_space<vmem>>
      %dma_start3A_146 = arith.constant 0 : i32
      %dma_start3A_147 = arith.constant 0 : i32
      %dma_start3A_148 = tpu.memref_slice %arg3[%dma_start3A_146, %dma_start3A_147] : memref<786432x16xf32, #tpu.memory_space<hbm>> -> memref<786432x16xf32, #tpu.memory_space<hbm>>
      tpu.enqueue_indirect_dma source(%dma_start3A_148 : memref<786432x16xf32, #tpu.memory_space<hbm>>) target(%dma_start3A_142 : memref<128x16xf32, #tpu.memory_space<vmem>>) offsets(%dma_start3A_145 : memref<128xi32, #tpu.memory_space<vmem>>) semaphore(%arg10 : memref<!tpu.dma_semaphore, #tpu.memory_space<semaphore_mem>>)
      %dma_start3A_149 = arith.constant 11 : i32
      %dma_start3A_150 = arith.constant 11 : i32
      %dma_start3A_151 = arith.constant 0 : i32
      %dma_start3A_152 = arith.constant 0 : i32
      %dma_start3A_153 = tpu.memref_slice %arg8[%dma_start3A_150, %dma_start3A_151, %dma_start3A_152] : memref<12x128x16xf32, #tpu.memory_space<vmem>> -> memref<1x128x16xf32, #tpu.memory_space<vmem>>
      %dma_start3A_154 = tpu.memref_squeeze %dma_start3A_153 : memref<1x128x16xf32, #tpu.memory_space<vmem>> -> memref<128x16xf32, #tpu.memory_space<vmem>>
      %dma_start3A_155 = arith.constant 0 : i32
      %dma_start3A_156 = tpu.memref_slice %arg6[%dma_start3A_149, %dma_start3A_155] : memref<12x128xi32, #tpu.memory_space<vmem>> -> memref<1x128xi32, #tpu.memory_space<vmem>>
      %dma_start3A_157 = tpu.memref_squeeze %dma_start3A_156 : memref<1x128xi32, #tpu.memory_space<vmem>> -> memref<128xi32, #tpu.memory_space<vmem>>
      %dma_start3A_158 = arith.constant 0 : i32
      %dma_start3A_159 = arith.constant 0 : i32
      %dma_start3A_160 = tpu.memref_slice %arg3[%dma_start3A_158, %dma_start3A_159] : memref<786432x16xf32, #tpu.memory_space<hbm>> -> memref<786432x16xf32, #tpu.memory_space<hbm>>
      tpu.enqueue_indirect_dma source(%dma_start3A_160 : memref<786432x16xf32, #tpu.memory_space<hbm>>) target(%dma_start3A_154 : memref<128x16xf32, #tpu.memory_space<vmem>>) offsets(%dma_start3A_157 : memref<128xi32, #tpu.memory_space<vmem>>) semaphore(%arg10 : memref<!tpu.dma_semaphore, #tpu.memory_space<semaphore_mem>>)
      %dma_wait3A = arith.constant 0 : i32
      %dma_wait3A_161 = arith.constant 0 : i32
      %dma_wait3A_162 = arith.constant 0 : i32
      %dma_wait3A_163 = arith.constant 0 : i32
      %dma_wait3A_164 = tpu.memref_slice %arg8[%dma_wait3A_161, %dma_wait3A_162, %dma_wait3A_163] : memref<12x128x16xf32, #tpu.memory_space<vmem>> -> memref<1x128x16xf32, #tpu.memory_space<vmem>>
      %dma_wait3A_165 = tpu.memref_squeeze %dma_wait3A_164 : memref<1x128x16xf32, #tpu.memory_space<vmem>> -> memref<128x16xf32, #tpu.memory_space<vmem>>
      %dma_wait3A_166 = arith.constant 0 : i32
      %dma_wait3A_167 = tpu.memref_slice %arg6[%dma_wait3A, %dma_wait3A_166] : memref<12x128xi32, #tpu.memory_space<vmem>> -> memref<1x128xi32, #tpu.memory_space<vmem>>
      %dma_wait3A_168 = tpu.memref_squeeze %dma_wait3A_167 : memref<1x128xi32, #tpu.memory_space<vmem>> -> memref<128xi32, #tpu.memory_space<vmem>>
      %dma_wait3A_169 = arith.constant 0 : i32
      %dma_wait3A_170 = arith.constant 0 : i32
      %dma_wait3A_171 = tpu.memref_slice %arg3[%dma_wait3A_169, %dma_wait3A_170] : memref<786432x16xf32, #tpu.memory_space<hbm>> -> memref<786432x16xf32, #tpu.memory_space<hbm>>
      tpu.wait_indirect_dma semaphore(%arg10 : memref<!tpu.dma_semaphore, #tpu.memory_space<semaphore_mem>>) src(%dma_wait3A_171 : memref<786432x16xf32, #tpu.memory_space<hbm>>) dst(%dma_wait3A_165 : memref<128x16xf32, #tpu.memory_space<vmem>>)
      %dma_wait3A_172 = arith.constant 1 : i32
      %dma_wait3A_173 = arith.constant 1 : i32
      %dma_wait3A_174 = arith.constant 0 : i32
      %dma_wait3A_175 = arith.constant 0 : i32
      %dma_wait3A_176 = tpu.memref_slice %arg8[%dma_wait3A_173, %dma_wait3A_174, %dma_wait3A_175] : memref<12x128x16xf32, #tpu.memory_space<vmem>> -> memref<1x128x16xf32, #tpu.memory_space<vmem>>
      %dma_wait3A_177 = tpu.memref_squeeze %dma_wait3A_176 : memref<1x128x16xf32, #tpu.memory_space<vmem>> -> memref<128x16xf32, #tpu.memory_space<vmem>>
      %dma_wait3A_178 = arith.constant 0 : i32
      %dma_wait3A_179 = tpu.memref_slice %arg6[%dma_wait3A_172, %dma_wait3A_178] : memref<12x128xi32, #tpu.memory_space<vmem>> -> memref<1x128xi32, #tpu.memory_space<vmem>>
      %dma_wait3A_180 = tpu.memref_squeeze %dma_wait3A_179 : memref<1x128xi32, #tpu.memory_space<vmem>> -> memref<128xi32, #tpu.memory_space<vmem>>
      %dma_wait3A_181 = arith.constant 0 : i32
      %dma_wait3A_182 = arith.constant 0 : i32
      %dma_wait3A_183 = tpu.memref_slice %arg3[%dma_wait3A_181, %dma_wait3A_182] : memref<786432x16xf32, #tpu.memory_space<hbm>> -> memref<786432x16xf32, #tpu.memory_space<hbm>>
      tpu.wait_indirect_dma semaphore(%arg10 : memref<!tpu.dma_semaphore, #tpu.memory_space<semaphore_mem>>) src(%dma_wait3A_183 : memref<786432x16xf32, #tpu.memory_space<hbm>>) dst(%dma_wait3A_177 : memref<128x16xf32, #tpu.memory_space<vmem>>)
      %dma_wait3A_184 = arith.constant 2 : i32
      %dma_wait3A_185 = arith.constant 2 : i32
      %dma_wait3A_186 = arith.constant 0 : i32
      %dma_wait3A_187 = arith.constant 0 : i32
      %dma_wait3A_188 = tpu.memref_slice %arg8[%dma_wait3A_185, %dma_wait3A_186, %dma_wait3A_187] : memref<12x128x16xf32, #tpu.memory_space<vmem>> -> memref<1x128x16xf32, #tpu.memory_space<vmem>>
      %dma_wait3A_189 = tpu.memref_squeeze %dma_wait3A_188 : memref<1x128x16xf32, #tpu.memory_space<vmem>> -> memref<128x16xf32, #tpu.memory_space<vmem>>
      %dma_wait3A_190 = arith.constant 0 : i32
      %dma_wait3A_191 = tpu.memref_slice %arg6[%dma_wait3A_184, %dma_wait3A_190] : memref<12x128xi32, #tpu.memory_space<vmem>> -> memref<1x128xi32, #tpu.memory_space<vmem>>
      %dma_wait3A_192 = tpu.memref_squeeze %dma_wait3A_191 : memref<1x128xi32, #tpu.memory_space<vmem>> -> memref<128xi32, #tpu.memory_space<vmem>>
      %dma_wait3A_193 = arith.constant 0 : i32
      %dma_wait3A_194 = arith.constant 0 : i32
      %dma_wait3A_195 = tpu.memref_slice %arg3[%dma_wait3A_193, %dma_wait3A_194] : memref<786432x16xf32, #tpu.memory_space<hbm>> -> memref<786432x16xf32, #tpu.memory_space<hbm>>
      tpu.wait_indirect_dma semaphore(%arg10 : memref<!tpu.dma_semaphore, #tpu.memory_space<semaphore_mem>>) src(%dma_wait3A_195 : memref<786432x16xf32, #tpu.memory_space<hbm>>) dst(%dma_wait3A_189 : memref<128x16xf32, #tpu.memory_space<vmem>>)
      %dma_wait3A_196 = arith.constant 3 : i32
      %dma_wait3A_197 = arith.constant 3 : i32
      %dma_wait3A_198 = arith.constant 0 : i32
      %dma_wait3A_199 = arith.constant 0 : i32
      %dma_wait3A_200 = tpu.memref_slice %arg8[%dma_wait3A_197, %dma_wait3A_198, %dma_wait3A_199] : memref<12x128x16xf32, #tpu.memory_space<vmem>> -> memref<1x128x16xf32, #tpu.memory_space<vmem>>
      %dma_wait3A_201 = tpu.memref_squeeze %dma_wait3A_200 : memref<1x128x16xf32, #tpu.memory_space<vmem>> -> memref<128x16xf32, #tpu.memory_space<vmem>>
      %dma_wait3A_202 = arith.constant 0 : i32
      %dma_wait3A_203 = tpu.memref_slice %arg6[%dma_wait3A_196, %dma_wait3A_202] : memref<12x128xi32, #tpu.memory_space<vmem>> -> memref<1x128xi32, #tpu.memory_space<vmem>>
      %dma_wait3A_204 = tpu.memref_squeeze %dma_wait3A_203 : memref<1x128xi32, #tpu.memory_space<vmem>> -> memref<128xi32, #tpu.memory_space<vmem>>
      %dma_wait3A_205 = arith.constant 0 : i32
      %dma_wait3A_206 = arith.constant 0 : i32
      %dma_wait3A_207 = tpu.memref_slice %arg3[%dma_wait3A_205, %dma_wait3A_206] : memref<786432x16xf32, #tpu.memory_space<hbm>> -> memref<786432x16xf32, #tpu.memory_space<hbm>>
      tpu.wait_indirect_dma semaphore(%arg10 : memref<!tpu.dma_semaphore, #tpu.memory_space<semaphore_mem>>) src(%dma_wait3A_207 : memref<786432x16xf32, #tpu.memory_space<hbm>>) dst(%dma_wait3A_201 : memref<128x16xf32, #tpu.memory_space<vmem>>)
      %dma_wait3A_208 = arith.constant 4 : i32
      %dma_wait3A_209 = arith.constant 4 : i32
      %dma_wait3A_210 = arith.constant 0 : i32
      %dma_wait3A_211 = arith.constant 0 : i32
      %dma_wait3A_212 = tpu.memref_slice %arg8[%dma_wait3A_209, %dma_wait3A_210, %dma_wait3A_211] : memref<12x128x16xf32, #tpu.memory_space<vmem>> -> memref<1x128x16xf32, #tpu.memory_space<vmem>>
      %dma_wait3A_213 = tpu.memref_squeeze %dma_wait3A_212 : memref<1x128x16xf32, #tpu.memory_space<vmem>> -> memref<128x16xf32, #tpu.memory_space<vmem>>
      %dma_wait3A_214 = arith.constant 0 : i32
      %dma_wait3A_215 = tpu.memref_slice %arg6[%dma_wait3A_208, %dma_wait3A_214] : memref<12x128xi32, #tpu.memory_space<vmem>> -> memref<1x128xi32, #tpu.memory_space<vmem>>
      %dma_wait3A_216 = tpu.memref_squeeze %dma_wait3A_215 : memref<1x128xi32, #tpu.memory_space<vmem>> -> memref<128xi32, #tpu.memory_space<vmem>>
      %dma_wait3A_217 = arith.constant 0 : i32
      %dma_wait3A_218 = arith.constant 0 : i32
      %dma_wait3A_219 = tpu.memref_slice %arg3[%dma_wait3A_217, %dma_wait3A_218] : memref<786432x16xf32, #tpu.memory_space<hbm>> -> memref<786432x16xf32, #tpu.memory_space<hbm>>
      tpu.wait_indirect_dma semaphore(%arg10 : memref<!tpu.dma_semaphore, #tpu.memory_space<semaphore_mem>>) src(%dma_wait3A_219 : memref<786432x16xf32, #tpu.memory_space<hbm>>) dst(%dma_wait3A_213 : memref<128x16xf32, #tpu.memory_space<vmem>>)
      %dma_wait3A_220 = arith.constant 5 : i32
      %dma_wait3A_221 = arith.constant 5 : i32
      %dma_wait3A_222 = arith.constant 0 : i32
      %dma_wait3A_223 = arith.constant 0 : i32
      %dma_wait3A_224 = tpu.memref_slice %arg8[%dma_wait3A_221, %dma_wait3A_222, %dma_wait3A_223] : memref<12x128x16xf32, #tpu.memory_space<vmem>> -> memref<1x128x16xf32, #tpu.memory_space<vmem>>
      %dma_wait3A_225 = tpu.memref_squeeze %dma_wait3A_224 : memref<1x128x16xf32, #tpu.memory_space<vmem>> -> memref<128x16xf32, #tpu.memory_space<vmem>>
      %dma_wait3A_226 = arith.constant 0 : i32
      %dma_wait3A_227 = tpu.memref_slice %arg6[%dma_wait3A_220, %dma_wait3A_226] : memref<12x128xi32, #tpu.memory_space<vmem>> -> memref<1x128xi32, #tpu.memory_space<vmem>>
      %dma_wait3A_228 = tpu.memref_squeeze %dma_wait3A_227 : memref<1x128xi32, #tpu.memory_space<vmem>> -> memref<128xi32, #tpu.memory_space<vmem>>
      %dma_wait3A_229 = arith.constant 0 : i32
      %dma_wait3A_230 = arith.constant 0 : i32
      %dma_wait3A_231 = tpu.memref_slice %arg3[%dma_wait3A_229, %dma_wait3A_230] : memref<786432x16xf32, #tpu.memory_space<hbm>> -> memref<786432x16xf32, #tpu.memory_space<hbm>>
      tpu.wait_indirect_dma semaphore(%arg10 : memref<!tpu.dma_semaphore, #tpu.memory_space<semaphore_mem>>) src(%dma_wait3A_231 : memref<786432x16xf32, #tpu.memory_space<hbm>>) dst(%dma_wait3A_225 : memref<128x16xf32, #tpu.memory_space<vmem>>)
      %dma_wait3A_232 = arith.constant 6 : i32
      %dma_wait3A_233 = arith.constant 6 : i32
      %dma_wait3A_234 = arith.constant 0 : i32
      %dma_wait3A_235 = arith.constant 0 : i32
      %dma_wait3A_236 = tpu.memref_slice %arg8[%dma_wait3A_233, %dma_wait3A_234, %dma_wait3A_235] : memref<12x128x16xf32, #tpu.memory_space<vmem>> -> memref<1x128x16xf32, #tpu.memory_space<vmem>>
      %dma_wait3A_237 = tpu.memref_squeeze %dma_wait3A_236 : memref<1x128x16xf32, #tpu.memory_space<vmem>> -> memref<128x16xf32, #tpu.memory_space<vmem>>
      %dma_wait3A_238 = arith.constant 0 : i32
      %dma_wait3A_239 = tpu.memref_slice %arg6[%dma_wait3A_232, %dma_wait3A_238] : memref<12x128xi32, #tpu.memory_space<vmem>> -> memref<1x128xi32, #tpu.memory_space<vmem>>
      %dma_wait3A_240 = tpu.memref_squeeze %dma_wait3A_239 : memref<1x128xi32, #tpu.memory_space<vmem>> -> memref<128xi32, #tpu.memory_space<vmem>>
      %dma_wait3A_241 = arith.constant 0 : i32
      %dma_wait3A_242 = arith.constant 0 : i32
      %dma_wait3A_243 = tpu.memref_slice %arg3[%dma_wait3A_241, %dma_wait3A_242] : memref<786432x16xf32, #tpu.memory_space<hbm>> -> memref<786432x16xf32, #tpu.memory_space<hbm>>
      tpu.wait_indirect_dma semaphore(%arg10 : memref<!tpu.dma_semaphore, #tpu.memory_space<semaphore_mem>>) src(%dma_wait3A_243 : memref<786432x16xf32, #tpu.memory_space<hbm>>) dst(%dma_wait3A_237 : memref<128x16xf32, #tpu.memory_space<vmem>>)
      %dma_wait3A_244 = arith.constant 7 : i32
      %dma_wait3A_245 = arith.constant 7 : i32
      %dma_wait3A_246 = arith.constant 0 : i32
      %dma_wait3A_247 = arith.constant 0 : i32
      %dma_wait3A_248 = tpu.memref_slice %arg8[%dma_wait3A_245, %dma_wait3A_246, %dma_wait3A_247] : memref<12x128x16xf32, #tpu.memory_space<vmem>> -> memref<1x128x16xf32, #tpu.memory_space<vmem>>
      %dma_wait3A_249 = tpu.memref_squeeze %dma_wait3A_248 : memref<1x128x16xf32, #tpu.memory_space<vmem>> -> memref<128x16xf32, #tpu.memory_space<vmem>>
      %dma_wait3A_250 = arith.constant 0 : i32
      %dma_wait3A_251 = tpu.memref_slice %arg6[%dma_wait3A_244, %dma_wait3A_250] : memref<12x128xi32, #tpu.memory_space<vmem>> -> memref<1x128xi32, #tpu.memory_space<vmem>>
      %dma_wait3A_252 = tpu.memref_squeeze %dma_wait3A_251 : memref<1x128xi32, #tpu.memory_space<vmem>> -> memref<128xi32, #tpu.memory_space<vmem>>
      %dma_wait3A_253 = arith.constant 0 : i32
      %dma_wait3A_254 = arith.constant 0 : i32
      %dma_wait3A_255 = tpu.memref_slice %arg3[%dma_wait3A_253, %dma_wait3A_254] : memref<786432x16xf32, #tpu.memory_space<hbm>> -> memref<786432x16xf32, #tpu.memory_space<hbm>>
      tpu.wait_indirect_dma semaphore(%arg10 : memref<!tpu.dma_semaphore, #tpu.memory_space<semaphore_mem>>) src(%dma_wait3A_255 : memref<786432x16xf32, #tpu.memory_space<hbm>>) dst(%dma_wait3A_249 : memref<128x16xf32, #tpu.memory_space<vmem>>)
      %dma_wait3A_256 = arith.constant 8 : i32
      %dma_wait3A_257 = arith.constant 8 : i32
      %dma_wait3A_258 = arith.constant 0 : i32
      %dma_wait3A_259 = arith.constant 0 : i32
      %dma_wait3A_260 = tpu.memref_slice %arg8[%dma_wait3A_257, %dma_wait3A_258, %dma_wait3A_259] : memref<12x128x16xf32, #tpu.memory_space<vmem>> -> memref<1x128x16xf32, #tpu.memory_space<vmem>>
      %dma_wait3A_261 = tpu.memref_squeeze %dma_wait3A_260 : memref<1x128x16xf32, #tpu.memory_space<vmem>> -> memref<128x16xf32, #tpu.memory_space<vmem>>
      %dma_wait3A_262 = arith.constant 0 : i32
      %dma_wait3A_263 = tpu.memref_slice %arg6[%dma_wait3A_256, %dma_wait3A_262] : memref<12x128xi32, #tpu.memory_space<vmem>> -> memref<1x128xi32, #tpu.memory_space<vmem>>
      %dma_wait3A_264 = tpu.memref_squeeze %dma_wait3A_263 : memref<1x128xi32, #tpu.memory_space<vmem>> -> memref<128xi32, #tpu.memory_space<vmem>>
      %dma_wait3A_265 = arith.constant 0 : i32
      %dma_wait3A_266 = arith.constant 0 : i32
      %dma_wait3A_267 = tpu.memref_slice %arg3[%dma_wait3A_265, %dma_wait3A_266] : memref<786432x16xf32, #tpu.memory_space<hbm>> -> memref<786432x16xf32, #tpu.memory_space<hbm>>
      tpu.wait_indirect_dma semaphore(%arg10 : memref<!tpu.dma_semaphore, #tpu.memory_space<semaphore_mem>>) src(%dma_wait3A_267 : memref<786432x16xf32, #tpu.memory_space<hbm>>) dst(%dma_wait3A_261 : memref<128x16xf32, #tpu.memory_space<vmem>>)
      %dma_wait3A_268 = arith.constant 9 : i32
      %dma_wait3A_269 = arith.constant 9 : i32
      %dma_wait3A_270 = arith.constant 0 : i32
      %dma_wait3A_271 = arith.constant 0 : i32
      %dma_wait3A_272 = tpu.memref_slice %arg8[%dma_wait3A_269, %dma_wait3A_270, %dma_wait3A_271] : memref<12x128x16xf32, #tpu.memory_space<vmem>> -> memref<1x128x16xf32, #tpu.memory_space<vmem>>
      %dma_wait3A_273 = tpu.memref_squeeze %dma_wait3A_272 : memref<1x128x16xf32, #tpu.memory_space<vmem>> -> memref<128x16xf32, #tpu.memory_space<vmem>>
      %dma_wait3A_274 = arith.constant 0 : i32
      %dma_wait3A_275 = tpu.memref_slice %arg6[%dma_wait3A_268, %dma_wait3A_274] : memref<12x128xi32, #tpu.memory_space<vmem>> -> memref<1x128xi32, #tpu.memory_space<vmem>>
      %dma_wait3A_276 = tpu.memref_squeeze %dma_wait3A_275 : memref<1x128xi32, #tpu.memory_space<vmem>> -> memref<128xi32, #tpu.memory_space<vmem>>
      %dma_wait3A_277 = arith.constant 0 : i32
      %dma_wait3A_278 = arith.constant 0 : i32
      %dma_wait3A_279 = tpu.memref_slice %arg3[%dma_wait3A_277, %dma_wait3A_278] : memref<786432x16xf32, #tpu.memory_space<hbm>> -> memref<786432x16xf32, #tpu.memory_space<hbm>>
      tpu.wait_indirect_dma semaphore(%arg10 : memref<!tpu.dma_semaphore, #tpu.memory_space<semaphore_mem>>) src(%dma_wait3A_279 : memref<786432x16xf32, #tpu.memory_space<hbm>>) dst(%dma_wait3A_273 : memref<128x16xf32, #tpu.memory_space<vmem>>)
      %dma_wait3A_280 = arith.constant 10 : i32
      %dma_wait3A_281 = arith.constant 10 : i32
      %dma_wait3A_282 = arith.constant 0 : i32
      %dma_wait3A_283 = arith.constant 0 : i32
      %dma_wait3A_284 = tpu.memref_slice %arg8[%dma_wait3A_281, %dma_wait3A_282, %dma_wait3A_283] : memref<12x128x16xf32, #tpu.memory_space<vmem>> -> memref<1x128x16xf32, #tpu.memory_space<vmem>>
      %dma_wait3A_285 = tpu.memref_squeeze %dma_wait3A_284 : memref<1x128x16xf32, #tpu.memory_space<vmem>> -> memref<128x16xf32, #tpu.memory_space<vmem>>
      %dma_wait3A_286 = arith.constant 0 : i32
      %dma_wait3A_287 = tpu.memref_slice %arg6[%dma_wait3A_280, %dma_wait3A_286] : memref<12x128xi32, #tpu.memory_space<vmem>> -> memref<1x128xi32, #tpu.memory_space<vmem>>
      %dma_wait3A_288 = tpu.memref_squeeze %dma_wait3A_287 : memref<1x128xi32, #tpu.memory_space<vmem>> -> memref<128xi32, #tpu.memory_space<vmem>>
      %dma_wait3A_289 = arith.constant 0 : i32
      %dma_wait3A_290 = arith.constant 0 : i32
      %dma_wait3A_291 = tpu.memref_slice %arg3[%dma_wait3A_289, %dma_wait3A_290] : memref<786432x16xf32, #tpu.memory_space<hbm>> -> memref<786432x16xf32, #tpu.memory_space<hbm>>
      tpu.wait_indirect_dma semaphore(%arg10 : memref<!tpu.dma_semaphore, #tpu.memory_space<semaphore_mem>>) src(%dma_wait3A_291 : memref<786432x16xf32, #tpu.memory_space<hbm>>) dst(%dma_wait3A_285 : memref<128x16xf32, #tpu.memory_space<vmem>>)
      %dma_wait3A_292 = arith.constant 11 : i32
      %dma_wait3A_293 = arith.constant 11 : i32
      %dma_wait3A_294 = arith.constant 0 : i32
      %dma_wait3A_295 = arith.constant 0 : i32
      %dma_wait3A_296 = tpu.memref_slice %arg8[%dma_wait3A_293, %dma_wait3A_294, %dma_wait3A_295] : memref<12x128x16xf32, #tpu.memory_space<vmem>> -> memref<1x128x16xf32, #tpu.memory_space<vmem>>
      %dma_wait3A_297 = tpu.memref_squeeze %dma_wait3A_296 : memref<1x128x16xf32, #tpu.memory_space<vmem>> -> memref<128x16xf32, #tpu.memory_space<vmem>>
      %dma_wait3A_298 = arith.constant 0 : i32
      %dma_wait3A_299 = tpu.memref_slice %arg6[%dma_wait3A_292, %dma_wait3A_298] : memref<12x128xi32, #tpu.memory_space<vmem>> -> memref<1x128xi32, #tpu.memory_space<vmem>>
      %dma_wait3A_300 = tpu.memref_squeeze %dma_wait3A_299 : memref<1x128xi32, #tpu.memory_space<vmem>> -> memref<128xi32, #tpu.memory_space<vmem>>
      %dma_wait3A_301 = arith.constant 0 : i32
      %dma_wait3A_302 = arith.constant 0 : i32
      %dma_wait3A_303 = tpu.memref_slice %arg3[%dma_wait3A_301, %dma_wait3A_302] : memref<786432x16xf32, #tpu.memory_space<hbm>> -> memref<786432x16xf32, #tpu.memory_space<hbm>>
      tpu.wait_indirect_dma semaphore(%arg10 : memref<!tpu.dma_semaphore, #tpu.memory_space<semaphore_mem>>) src(%dma_wait3A_303 : memref<786432x16xf32, #tpu.memory_space<hbm>>) dst(%dma_wait3A_297 : memref<128x16xf32, #tpu.memory_space<vmem>>)
      %scan3A_304 = arith.constant 0 : i32
      %scan3A_305 = arith.constant 0 : i32
      %scan3A_306 = arith.constant 8 : i32
      %scan3A_307 = arith.addi %scan3A_305, %scan3A_306 : i32
      %scan3A_308 = arith.constant 1 : i32
      scf.for %scan3A_310 = %scan3A_305 to %scan3A_307 step %scan3A_308  : i32 {
        %mul3A_311 = arith.constant 16 : i32
        %mul3A_312 = arith.muli %scan3A_310, %mul3A_311 : i32
        %get3A = arith.constant 0 : i32
        %get3A_313 = arith.index_cast %get3A : i32 to index
        %get3A_314 = arith.index_cast %mul3A_312 : i32 to index
        %get3A_315 = tpu.vector_load %arg7[%get3A_313, %get3A_314] {strides = array<i32>} : memref<6x128xf32, #tpu.memory_space<vmem>>, vector<1x16xf32>,
        %get3A_316 = vector.shape_cast %get3A_315 : vector<1x16xf32> to vector<16xf32>
        %get3A_317 = arith.constant 1 : i32
        %get3A_318 = arith.index_cast %get3A_317 : i32 to index
        %get3A_319 = arith.index_cast %mul3A_312 : i32 to index
        %get3A_320 = tpu.vector_load %arg7[%get3A_318, %get3A_319] {strides = array<i32>} : memref<6x128xf32, #tpu.memory_space<vmem>>, vector<1x16xf32>,
        %get3A_321 = vector.shape_cast %get3A_320 : vector<1x16xf32> to vector<16xf32>
        %get3A_322 = arith.constant 2 : i32
        %get3A_323 = arith.index_cast %get3A_322 : i32 to index
        %get3A_324 = arith.index_cast %mul3A_312 : i32 to index
        %get3A_325 = tpu.vector_load %arg7[%get3A_323, %get3A_324] {strides = array<i32>} : memref<6x128xf32, #tpu.memory_space<vmem>>, vector<1x16xf32>,
        %get3A_326 = vector.shape_cast %get3A_325 : vector<1x16xf32> to vector<16xf32>
        %get3A_327 = arith.constant 3 : i32
        %get3A_328 = arith.index_cast %get3A_327 : i32 to index
        %get3A_329 = arith.index_cast %mul3A_312 : i32 to index
        %get3A_330 = tpu.vector_load %arg7[%get3A_328, %get3A_329] {strides = array<i32>} : memref<6x128xf32, #tpu.memory_space<vmem>>, vector<1x16xf32>,
        %get3A_331 = vector.shape_cast %get3A_330 : vector<1x16xf32> to vector<16xf32>
        %get3A_332 = arith.constant 4 : i32
        %get3A_333 = arith.index_cast %get3A_332 : i32 to index
        %get3A_334 = arith.index_cast %mul3A_312 : i32 to index
        %get3A_335 = tpu.vector_load %arg7[%get3A_333, %get3A_334] {strides = array<i32>} : memref<6x128xf32, #tpu.memory_space<vmem>>, vector<1x16xf32>,
        %get3A_336 = vector.shape_cast %get3A_335 : vector<1x16xf32> to vector<16xf32>
        %get3A_337 = arith.constant 5 : i32
        %get3A_338 = arith.index_cast %get3A_337 : i32 to index
        %get3A_339 = arith.index_cast %mul3A_312 : i32 to index
        %get3A_340 = tpu.vector_load %arg7[%get3A_338, %get3A_339] {strides = array<i32>} : memref<6x128xf32, #tpu.memory_space<vmem>>, vector<1x16xf32>,
        %get3A_341 = vector.shape_cast %get3A_340 : vector<1x16xf32> to vector<16xf32>
        %mul3A_342 = arith.constant 16 : i32
        %mul3A_343 = arith.muli %scan3A_310, %mul3A_342 : i32
        %add3A_344 = arith.constant 0 : i32
        %add3A_345 = arith.addi %mul3A_343, %add3A_344 : i32
        %broadcast_in_dim3A = arith.constant 0 : i32
        %broadcast_in_dim3A_346 = vector.broadcast %broadcast_in_dim3A : i32 to vector<16xi32>
        %broadcast_in_dim3A_347 = vector.shape_cast %broadcast_in_dim3A_346 : vector<16xi32> to vector<16x1xi32>
        %gather3A = vector.shape_cast %broadcast_in_dim3A_347 : vector<16x1xi32> to vector<16xi32>
        %gather3A_348 = tpu.dynamic_gather %get3A_316[%gather3A] in [0] : vector<16xf32>, vector<16xi32> -> vector<16xf32>
        %broadcast_in_dim3A_349 = vector.shape_cast %broadcast_in_dim3A_346 : vector<16xi32> to vector<16x1xi32>
        %gather3A_350 = vector.shape_cast %broadcast_in_dim3A_349 : vector<16x1xi32> to vector<16xi32>
        %gather3A_351 = tpu.dynamic_gather %get3A_321[%gather3A_350] in [0] : vector<16xf32>, vector<16xi32> -> vector<16xf32>
        %get3A_352 = arith.constant 0 : i32
        %get3A_353 = arith.index_cast %get3A_352 : i32 to index
        %get3A_354 = arith.index_cast %add3A_345 : i32 to index
        %get3A_355 = arith.constant 0 : index
        %get3A_356 = tpu.vector_load %arg8[%get3A_353, %get3A_354, %get3A_355] {strides = array<i32>} : memref<12x128x16xf32, #tpu.memory_space<vmem>>, vector<1x1x16xf32>,
        %get3A_357 = vector.shape_cast %get3A_356 : vector<1x1x16xf32> to vector<16xf32>
        %get3A_358 = arith.constant 1 : i32
        %get3A_359 = arith.index_cast %get3A_358 : i32 to index
        %get3A_360 = arith.index_cast %add3A_345 : i32 to index
        %get3A_361 = arith.constant 0 : index
        %get3A_362 = tpu.vector_load %arg8[%get3A_359, %get3A_360, %get3A_361] {strides = array<i32>} : memref<12x128x16xf32, #tpu.memory_space<vmem>>, vector<1x1x16xf32>,
        %get3A_363 = vector.shape_cast %get3A_362 : vector<1x1x16xf32> to vector<16xf32>
        %get3A_364 = arith.constant 2 : i32
        %get3A_365 = arith.index_cast %get3A_364 : i32 to index
        %get3A_366 = arith.index_cast %add3A_345 : i32 to index
        %get3A_367 = arith.constant 0 : index
        %get3A_368 = tpu.vector_load %arg8[%get3A_365, %get3A_366, %get3A_367] {strides = array<i32>} : memref<12x128x16xf32, #tpu.memory_space<vmem>>, vector<1x1x16xf32>,
        %get3A_369 = vector.shape_cast %get3A_368 : vector<1x1x16xf32> to vector<16xf32>
        %get3A_370 = arith.constant 3 : i32
        %get3A_371 = arith.index_cast %get3A_370 : i32 to index
        %get3A_372 = arith.index_cast %add3A_345 : i32 to index
        %get3A_373 = arith.constant 0 : index
        %get3A_374 = tpu.vector_load %arg8[%get3A_371, %get3A_372, %get3A_373] {strides = array<i32>} : memref<12x128x16xf32, #tpu.memory_space<vmem>>, vector<1x1x16xf32>,
        %get3A_375 = vector.shape_cast %get3A_374 : vector<1x1x16xf32> to vector<16xf32>
        %sub3A = arith.subf %get3A_363, %get3A_357 : vector<16xf32>
        %mul3A_376 = arith.mulf %gather3A_348, %sub3A : vector<16xf32>
        %add3A_377 = arith.addf %get3A_357, %mul3A_376 : vector<16xf32>
        %sub3A_378 = arith.subf %get3A_375, %get3A_369 : vector<16xf32>
        %mul3A_379 = arith.mulf %gather3A_348, %sub3A_378 : vector<16xf32>
        %add3A_380 = arith.addf %get3A_369, %mul3A_379 : vector<16xf32>
        %sub3A_381 = arith.subf %add3A_380, %add3A_377 : vector<16xf32>
        %mul3A_382 = arith.mulf %gather3A_351, %sub3A_381 : vector<16xf32>
        %add3A_383 = arith.addf %add3A_377, %mul3A_382 : vector<16xf32>
        %swap3A = arith.index_cast %add3A_345 : i32 to index
        %swap3A_384 = arith.constant 0 : index
        %swap3A_385 = tpu.vector_load %arg9[%swap3A, %swap3A_384] {strides = array<i32>} : memref<128x48xf32, #tpu.memory_space<vmem>>, vector<1x16xf32>,
        %swap3A_386 = vector.shape_cast %swap3A_385 : vector<1x16xf32> to vector<16xf32>
        %swap3A_387 = vector.shape_cast %add3A_383 : vector<16xf32> to vector<1x16xf32>
        tpu.vector_store %arg9[%swap3A, %swap3A_384], %swap3A_387 {strides = array<i32>} : memref<128x48xf32, #tpu.memory_space<vmem>>, vector<1x16xf32>,
        %broadcast_in_dim3A_388 = vector.shape_cast %broadcast_in_dim3A_346 : vector<16xi32> to vector<16x1xi32>
        %gather3A_389 = vector.shape_cast %broadcast_in_dim3A_388 : vector<16x1xi32> to vector<16xi32>
        %gather3A_390 = tpu.dynamic_gather %get3A_326[%gather3A_389] in [0] : vector<16xf32>, vector<16xi32> -> vector<16xf32>
        %broadcast_in_dim3A_391 = vector.shape_cast %broadcast_in_dim3A_346 : vector<16xi32> to vector<16x1xi32>
        %gather3A_392 = vector.shape_cast %broadcast_in_dim3A_391 : vector<16x1xi32> to vector<16xi32>
        %gather3A_393 = tpu.dynamic_gather %get3A_331[%gather3A_392] in [0] : vector<16xf32>, vector<16xi32> -> vector<16xf32>
        %get3A_394 = arith.constant 4 : i32
        %get3A_395 = arith.index_cast %get3A_394 : i32 to index
        %get3A_396 = arith.index_cast %add3A_345 : i32 to index
        %get3A_397 = arith.constant 0 : index
        %get3A_398 = tpu.vector_load %arg8[%get3A_395, %get3A_396, %get3A_397] {strides = array<i32>} : memref<12x128x16xf32, #tpu.memory_space<vmem>>, vector<1x1x16xf32>,
        %get3A_399 = vector.shape_cast %get3A_398 : vector<1x1x16xf32> to vector<16xf32>
        %get3A_400 = arith.constant 5 : i32
        %get3A_401 = arith.index_cast %get3A_400 : i32 to index
        %get3A_402 = arith.index_cast %add3A_345 : i32 to index
        %get3A_403 = arith.constant 0 : index
        %get3A_404 = tpu.vector_load %arg8[%get3A_401, %get3A_402, %get3A_403] {strides = array<i32>} : memref<12x128x16xf32, #tpu.memory_space<vmem>>, vector<1x1x16xf32>,
        %get3A_405 = vector.shape_cast %get3A_404 : vector<1x1x16xf32> to vector<16xf32>
        %get3A_406 = arith.constant 6 : i32
        %get3A_407 = arith.index_cast %get3A_406 : i32 to index
        %get3A_408 = arith.index_cast %add3A_345 : i32 to index
        %get3A_409 = arith.constant 0 : index
        %get3A_410 = tpu.vector_load %arg8[%get3A_407, %get3A_408, %get3A_409] {strides = array<i32>} : memref<12x128x16xf32, #tpu.memory_space<vmem>>, vector<1x1x16xf32>,
        %get3A_411 = vector.shape_cast %get3A_410 : vector<1x1x16xf32> to vector<16xf32>
        %get3A_412 = arith.constant 7 : i32
        %get3A_413 = arith.index_cast %get3A_412 : i32 to index
        %get3A_414 = arith.index_cast %add3A_345 : i32 to index
        %get3A_415 = arith.constant 0 : index
        %get3A_416 = tpu.vector_load %arg8[%get3A_413, %get3A_414, %get3A_415] {strides = array<i32>} : memref<12x128x16xf32, #tpu.memory_space<vmem>>, vector<1x1x16xf32>,
        %get3A_417 = vector.shape_cast %get3A_416 : vector<1x1x16xf32> to vector<16xf32>
        %sub3A_418 = arith.subf %get3A_405, %get3A_399 : vector<16xf32>
        %mul3A_419 = arith.mulf %gather3A_390, %sub3A_418 : vector<16xf32>
        %add3A_420 = arith.addf %get3A_399, %mul3A_419 : vector<16xf32>
        %sub3A_421 = arith.subf %get3A_417, %get3A_411 : vector<16xf32>
        %mul3A_422 = arith.mulf %gather3A_390, %sub3A_421 : vector<16xf32>
        %add3A_423 = arith.addf %get3A_411, %mul3A_422 : vector<16xf32>
        %sub3A_424 = arith.subf %add3A_423, %add3A_420 : vector<16xf32>
        %mul3A_425 = arith.mulf %gather3A_393, %sub3A_424 : vector<16xf32>
        %add3A_426 = arith.addf %add3A_420, %mul3A_425 : vector<16xf32>
        %swap3A_427 = arith.index_cast %add3A_345 : i32 to index
        %swap3A_428 = arith.constant 16 : index
        %swap3A_429 = tpu.vector_load %arg9[%swap3A_427, %swap3A_428] {strides = array<i32>} : memref<128x48xf32, #tpu.memory_space<vmem>>, vector<1x16xf32>,
        %swap3A_430 = vector.shape_cast %swap3A_429 : vector<1x16xf32> to vector<16xf32>
        %swap3A_431 = vector.shape_cast %add3A_426 : vector<16xf32> to vector<1x16xf32>
        tpu.vector_store %arg9[%swap3A_427, %swap3A_428], %swap3A_431 {strides = array<i32>} : memref<128x48xf32, #tpu.memory_space<vmem>>, vector<1x16xf32>,
        %broadcast_in_dim3A_432 = vector.shape_cast %broadcast_in_dim3A_346 : vector<16xi32> to vector<16x1xi32>
        %gather3A_433 = vector.shape_cast %broadcast_in_dim3A_432 : vector<16x1xi32> to vector<16xi32>
        %gather3A_434 = tpu.dynamic_gather %get3A_336[%gather3A_433] in [0] : vector<16xf32>, vector<16xi32> -> vector<16xf32>
        %broadcast_in_dim3A_435 = vector.shape_cast %broadcast_in_dim3A_346 : vector<16xi32> to vector<16x1xi32>
        %gather3A_436 = vector.shape_cast %broadcast_in_dim3A_435 : vector<16x1xi32> to vector<16xi32>
        %gather3A_437 = tpu.dynamic_gather %get3A_341[%gather3A_436] in [0] : vector<16xf32>, vector<16xi32> -> vector<16xf32>
        %get3A_438 = arith.constant 8 : i32
        %get3A_439 = arith.index_cast %get3A_438 : i32 to index
        %get3A_440 = arith.index_cast %add3A_345 : i32 to index
        %get3A_441 = arith.constant 0 : index
        %get3A_442 = tpu.vector_load %arg8[%get3A_439, %get3A_440, %get3A_441] {strides = array<i32>} : memref<12x128x16xf32, #tpu.memory_space<vmem>>, vector<1x1x16xf32>,
        %get3A_443 = vector.shape_cast %get3A_442 : vector<1x1x16xf32> to vector<16xf32>
        %get3A_444 = arith.constant 9 : i32
        %get3A_445 = arith.index_cast %get3A_444 : i32 to index
        %get3A_446 = arith.index_cast %add3A_345 : i32 to index
        %get3A_447 = arith.constant 0 : index
        %get3A_448 = tpu.vector_load %arg8[%get3A_445, %get3A_446, %get3A_447] {strides = array<i32>} : memref<12x128x16xf32, #tpu.memory_space<vmem>>, vector<1x1x16xf32>,
        %get3A_449 = vector.shape_cast %get3A_448 : vector<1x1x16xf32> to vector<16xf32>
        %get3A_450 = arith.constant 10 : i32
        %get3A_451 = arith.index_cast %get3A_450 : i32 to index
        %get3A_452 = arith.index_cast %add3A_345 : i32 to index
        %get3A_453 = arith.constant 0 : index
        %get3A_454 = tpu.vector_load %arg8[%get3A_451, %get3A_452, %get3A_453] {strides = array<i32>} : memref<12x128x16xf32, #tpu.memory_space<vmem>>, vector<1x1x16xf32>,
        %get3A_455 = vector.shape_cast %get3A_454 : vector<1x1x16xf32> to vector<16xf32>
        %get3A_456 = arith.constant 11 : i32
        %get3A_457 = arith.index_cast %get3A_456 : i32 to index
        %get3A_458 = arith.index_cast %add3A_345 : i32 to index
        %get3A_459 = arith.constant 0 : index
        %get3A_460 = tpu.vector_load %arg8[%get3A_457, %get3A_458, %get3A_459] {strides = array<i32>} : memref<12x128x16xf32, #tpu.memory_space<vmem>>, vector<1x1x16xf32>,
        %get3A_461 = vector.shape_cast %get3A_460 : vector<1x1x16xf32> to vector<16xf32>
        %sub3A_462 = arith.subf %get3A_449, %get3A_443 : vector<16xf32>
        %mul3A_463 = arith.mulf %gather3A_434, %sub3A_462 : vector<16xf32>
        %add3A_464 = arith.addf %get3A_443, %mul3A_463 : vector<16xf32>
        %sub3A_465 = arith.subf %get3A_461, %get3A_455 : vector<16xf32>
        %mul3A_466 = arith.mulf %gather3A_434, %sub3A_465 : vector<16xf32>
        %add3A_467 = arith.addf %get3A_455, %mul3A_466 : vector<16xf32>
        %sub3A_468 = arith.subf %add3A_467, %add3A_464 : vector<16xf32>
        %mul3A_469 = arith.mulf %gather3A_437, %sub3A_468 : vector<16xf32>
        %add3A_470 = arith.addf %add3A_464, %mul3A_469 : vector<16xf32>
        %swap3A_471 = arith.index_cast %add3A_345 : i32 to index
        %swap3A_472 = arith.constant 32 : index
        %swap3A_473 = tpu.vector_load %arg9[%swap3A_471, %swap3A_472] {strides = array<i32>} : memref<128x48xf32, #tpu.memory_space<vmem>>, vector<1x16xf32>,
        %swap3A_474 = vector.shape_cast %swap3A_473 : vector<1x16xf32> to vector<16xf32>
        %swap3A_475 = vector.shape_cast %add3A_470 : vector<16xf32> to vector<1x16xf32>
        tpu.vector_store %arg9[%swap3A_471, %swap3A_472], %swap3A_475 {strides = array<i32>} : memref<128x48xf32, #tpu.memory_space<vmem>>, vector<1x16xf32>,
        %mul3A_476 = arith.constant 16 : i32
        %mul3A_477 = arith.muli %scan3A_310, %mul3A_476 : i32
        %add3A_478 = arith.constant 1 : i32
        %add3A_479 = arith.addi %mul3A_477, %add3A_478 : i32
        %broadcast_in_dim3A_480 = arith.constant 1 : i32
        %broadcast_in_dim3A_481 = vector.broadcast %broadcast_in_dim3A_480 : i32 to vector<16xi32>
        %broadcast_in_dim3A_482 = vector.shape_cast %broadcast_in_dim3A_481 : vector<16xi32> to vector<16x1xi32>
        %gather3A_483 = vector.shape_cast %broadcast_in_dim3A_482 : vector<16x1xi32> to vector<16xi32>
        %gather3A_484 = tpu.dynamic_gather %get3A_316[%gather3A_483] in [0] : vector<16xf32>, vector<16xi32> -> vector<16xf32>
        %broadcast_in_dim3A_485 = vector.shape_cast %broadcast_in_dim3A_481 : vector<16xi32> to vector<16x1xi32>
        %gather3A_486 = vector.shape_cast %broadcast_in_dim3A_485 : vector<16x1xi32> to vector<16xi32>
        %gather3A_487 = tpu.dynamic_gather %get3A_321[%gather3A_486] in [0] : vector<16xf32>, vector<16xi32> -> vector<16xf32>
        %get3A_488 = arith.constant 0 : i32
        %get3A_489 = arith.index_cast %get3A_488 : i32 to index
        %get3A_490 = arith.index_cast %add3A_479 : i32 to index
        %get3A_491 = arith.constant 0 : index
        %get3A_492 = tpu.vector_load %arg8[%get3A_489, %get3A_490, %get3A_491] {strides = array<i32>} : memref<12x128x16xf32, #tpu.memory_space<vmem>>, vector<1x1x16xf32>,
        %get3A_493 = vector.shape_cast %get3A_492 : vector<1x1x16xf32> to vector<16xf32>
        %get3A_494 = arith.constant 1 : i32
        %get3A_495 = arith.index_cast %get3A_494 : i32 to index
        %get3A_496 = arith.index_cast %add3A_479 : i32 to index
        %get3A_497 = arith.constant 0 : index
        %get3A_498 = tpu.vector_load %arg8[%get3A_495, %get3A_496, %get3A_497] {strides = array<i32>} : memref<12x128x16xf32, #tpu.memory_space<vmem>>, vector<1x1x16xf32>,
        %get3A_499 = vector.shape_cast %get3A_498 : vector<1x1x16xf32> to vector<16xf32>
        %get3A_500 = arith.constant 2 : i32
        %get3A_501 = arith.index_cast %get3A_500 : i32 to index
        %get3A_502 = arith.index_cast %add3A_479 : i32 to index
        %get3A_503 = arith.constant 0 : index
        %get3A_504 = tpu.vector_load %arg8[%get3A_501, %get3A_502, %get3A_503] {strides = array<i32>} : memref<12x128x16xf32, #tpu.memory_space<vmem>>, vector<1x1x16xf32>,
        %get3A_505 = vector.shape_cast %get3A_504 : vector<1x1x16xf32> to vector<16xf32>
        %get3A_506 = arith.constant 3 : i32
        %get3A_507 = arith.index_cast %get3A_506 : i32 to index
        %get3A_508 = arith.index_cast %add3A_479 : i32 to index
        %get3A_509 = arith.constant 0 : index
        %get3A_510 = tpu.vector_load %arg8[%get3A_507, %get3A_508, %get3A_509] {strides = array<i32>} : memref<12x128x16xf32, #tpu.memory_space<vmem>>, vector<1x1x16xf32>,
        %get3A_511 = vector.shape_cast %get3A_510 : vector<1x1x16xf32> to vector<16xf32>
        %sub3A_512 = arith.subf %get3A_499, %get3A_493 : vector<16xf32>
        %mul3A_513 = arith.mulf %gather3A_484, %sub3A_512 : vector<16xf32>
        %add3A_514 = arith.addf %get3A_493, %mul3A_513 : vector<16xf32>
        %sub3A_515 = arith.subf %get3A_511, %get3A_505 : vector<16xf32>
        %mul3A_516 = arith.mulf %gather3A_484, %sub3A_515 : vector<16xf32>
        %add3A_517 = arith.addf %get3A_505, %mul3A_516 : vector<16xf32>
        %sub3A_518 = arith.subf %add3A_517, %add3A_514 : vector<16xf32>
        %mul3A_519 = arith.mulf %gather3A_487, %sub3A_518 : vector<16xf32>
        %add3A_520 = arith.addf %add3A_514, %mul3A_519 : vector<16xf32>
        %swap3A_521 = arith.index_cast %add3A_479 : i32 to index
        %swap3A_522 = arith.constant 0 : index
        %swap3A_523 = tpu.vector_load %arg9[%swap3A_521, %swap3A_522] {strides = array<i32>} : memref<128x48xf32, #tpu.memory_space<vmem>>, vector<1x16xf32>,
        %swap3A_524 = vector.shape_cast %swap3A_523 : vector<1x16xf32> to vector<16xf32>
        %swap3A_525 = vector.shape_cast %add3A_520 : vector<16xf32> to vector<1x16xf32>
        tpu.vector_store %arg9[%swap3A_521, %swap3A_522], %swap3A_525 {strides = array<i32>} : memref<128x48xf32, #tpu.memory_space<vmem>>, vector<1x16xf32>,
        %broadcast_in_dim3A_526 = vector.shape_cast %broadcast_in_dim3A_481 : vector<16xi32> to vector<16x1xi32>
        %gather3A_527 = vector.shape_cast %broadcast_in_dim3A_526 : vector<16x1xi32> to vector<16xi32>
        %gather3A_528 = tpu.dynamic_gather %get3A_326[%gather3A_527] in [0] : vector<16xf32>, vector<16xi32> -> vector<16xf32>
        %broadcast_in_dim3A_529 = vector.shape_cast %broadcast_in_dim3A_481 : vector<16xi32> to vector<16x1xi32>
        %gather3A_530 = vector.shape_cast %broadcast_in_dim3A_529 : vector<16x1xi32> to vector<16xi32>
        %gather3A_531 = tpu.dynamic_gather %get3A_331[%gather3A_530] in [0] : vector<16xf32>, vector<16xi32> -> vector<16xf32>
        %get3A_532 = arith.constant 4 : i32
        %get3A_533 = arith.index_cast %get3A_532 : i32 to index
        %get3A_534 = arith.index_cast %add3A_479 : i32 to index
        %get3A_535 = arith.constant 0 : index
        %get3A_536 = tpu.vector_load %arg8[%get3A_533, %get3A_534, %get3A_535] {strides = array<i32>} : memref<12x128x16xf32, #tpu.memory_space<vmem>>, vector<1x1x16xf32>,
        %get3A_537 = vector.shape_cast %get3A_536 : vector<1x1x16xf32> to vector<16xf32>
        %get3A_538 = arith.constant 5 : i32
        %get3A_539 = arith.index_cast %get3A_538 : i32 to index
        %get3A_540 = arith.index_cast %add3A_479 : i32 to index
        %get3A_541 = arith.constant 0 : index
        %get3A_542 = tpu.vector_load %arg8[%get3A_539, %get3A_540, %get3A_541] {strides = array<i32>} : memref<12x128x16xf32, #tpu.memory_space<vmem>>, vector<1x1x16xf32>,
        %get3A_543 = vector.shape_cast %get3A_542 : vector<1x1x16xf32> to vector<16xf32>
        %get3A_544 = arith.constant 6 : i32
        %get3A_545 = arith.index_cast %get3A_544 : i32 to index
        %get3A_546 = arith.index_cast %add3A_479 : i32 to index
        %get3A_547 = arith.constant 0 : index
        %get3A_548 = tpu.vector_load %arg8[%get3A_545, %get3A_546, %get3A_547] {strides = array<i32>} : memref<12x128x16xf32, #tpu.memory_space<vmem>>, vector<1x1x16xf32>,
        %get3A_549 = vector.shape_cast %get3A_548 : vector<1x1x16xf32> to vector<16xf32>
        %get3A_550 = arith.constant 7 : i32
        %get3A_551 = arith.index_cast %get3A_550 : i32 to index
        %get3A_552 = arith.index_cast %add3A_479 : i32 to index
        %get3A_553 = arith.constant 0 : index
        %get3A_554 = tpu.vector_load %arg8[%get3A_551, %get3A_552, %get3A_553] {strides = array<i32>} : memref<12x128x16xf32, #tpu.memory_space<vmem>>, vector<1x1x16xf32>,
        %get3A_555 = vector.shape_cast %get3A_554 : vector<1x1x16xf32> to vector<16xf32>
        %sub3A_556 = arith.subf %get3A_543, %get3A_537 : vector<16xf32>
        %mul3A_557 = arith.mulf %gather3A_528, %sub3A_556 : vector<16xf32>
        %add3A_558 = arith.addf %get3A_537, %mul3A_557 : vector<16xf32>
        %sub3A_559 = arith.subf %get3A_555, %get3A_549 : vector<16xf32>
        %mul3A_560 = arith.mulf %gather3A_528, %sub3A_559 : vector<16xf32>
        %add3A_561 = arith.addf %get3A_549, %mul3A_560 : vector<16xf32>
        %sub3A_562 = arith.subf %add3A_561, %add3A_558 : vector<16xf32>
        %mul3A_563 = arith.mulf %gather3A_531, %sub3A_562 : vector<16xf32>
        %add3A_564 = arith.addf %add3A_558, %mul3A_563 : vector<16xf32>
        %swap3A_565 = arith.index_cast %add3A_479 : i32 to index
        %swap3A_566 = arith.constant 16 : index
        %swap3A_567 = tpu.vector_load %arg9[%swap3A_565, %swap3A_566] {strides = array<i32>} : memref<128x48xf32, #tpu.memory_space<vmem>>, vector<1x16xf32>,
        %swap3A_568 = vector.shape_cast %swap3A_567 : vector<1x16xf32> to vector<16xf32>
        %swap3A_569 = vector.shape_cast %add3A_564 : vector<16xf32> to vector<1x16xf32>
        tpu.vector_store %arg9[%swap3A_565, %swap3A_566], %swap3A_569 {strides = array<i32>} : memref<128x48xf32, #tpu.memory_space<vmem>>, vector<1x16xf32>,
        %broadcast_in_dim3A_570 = vector.shape_cast %broadcast_in_dim3A_481 : vector<16xi32> to vector<16x1xi32>
        %gather3A_571 = vector.shape_cast %broadcast_in_dim3A_570 : vector<16x1xi32> to vector<16xi32>
        %gather3A_572 = tpu.dynamic_gather %get3A_336[%gather3A_571] in [0] : vector<16xf32>, vector<16xi32> -> vector<16xf32>
        %broadcast_in_dim3A_573 = vector.shape_cast %broadcast_in_dim3A_481 : vector<16xi32> to vector<16x1xi32>
        %gather3A_574 = vector.shape_cast %broadcast_in_dim3A_573 : vector<16x1xi32> to vector<16xi32>
        %gather3A_575 = tpu.dynamic_gather %get3A_341[%gather3A_574] in [0] : vector<16xf32>, vector<16xi32> -> vector<16xf32>
        %get3A_576 = arith.constant 8 : i32
        %get3A_577 = arith.index_cast %get3A_576 : i32 to index
        %get3A_578 = arith.index_cast %add3A_479 : i32 to index
        %get3A_579 = arith.constant 0 : index
        %get3A_580 = tpu.vector_load %arg8[%get3A_577, %get3A_578, %get3A_579] {strides = array<i32>} : memref<12x128x16xf32, #tpu.memory_space<vmem>>, vector<1x1x16xf32>,
        %get3A_581 = vector.shape_cast %get3A_580 : vector<1x1x16xf32> to vector<16xf32>
        %get3A_582 = arith.constant 9 : i32
        %get3A_583 = arith.index_cast %get3A_582 : i32 to index
        %get3A_584 = arith.index_cast %add3A_479 : i32 to index
        %get3A_585 = arith.constant 0 : index
        %get3A_586 = tpu.vector_load %arg8[%get3A_583, %get3A_584, %get3A_585] {strides = array<i32>} : memref<12x128x16xf32, #tpu.memory_space<vmem>>, vector<1x1x16xf32>,
        %get3A_587 = vector.shape_cast %get3A_586 : vector<1x1x16xf32> to vector<16xf32>
        %get3A_588 = arith.constant 10 : i32
        %get3A_589 = arith.index_cast %get3A_588 : i32 to index
        %get3A_590 = arith.index_cast %add3A_479 : i32 to index
        %get3A_591 = arith.constant 0 : index
        %get3A_592 = tpu.vector_load %arg8[%get3A_589, %get3A_590, %get3A_591] {strides = array<i32>} : memref<12x128x16xf32, #tpu.memory_space<vmem>>, vector<1x1x16xf32>,
        %get3A_593 = vector.shape_cast %get3A_592 : vector<1x1x16xf32> to vector<16xf32>
        %get3A_594 = arith.constant 11 : i32
        %get3A_595 = arith.index_cast %get3A_594 : i32 to index
        %get3A_596 = arith.index_cast %add3A_479 : i32 to index
        %get3A_597 = arith.constant 0 : index
        %get3A_598 = tpu.vector_load %arg8[%get3A_595, %get3A_596, %get3A_597] {strides = array<i32>} : memref<12x128x16xf32, #tpu.memory_space<vmem>>, vector<1x1x16xf32>,
        %get3A_599 = vector.shape_cast %get3A_598 : vector<1x1x16xf32> to vector<16xf32>
        %sub3A_600 = arith.subf %get3A_587, %get3A_581 : vector<16xf32>
        %mul3A_601 = arith.mulf %gather3A_572, %sub3A_600 : vector<16xf32>
        %add3A_602 = arith.addf %get3A_581, %mul3A_601 : vector<16xf32>
        %sub3A_603 = arith.subf %get3A_599, %get3A_593 : vector<16xf32>
        %mul3A_604 = arith.mulf %gather3A_572, %sub3A_603 : vector<16xf32>
        %add3A_605 = arith.addf %get3A_593, %mul3A_604 : vector<16xf32>
        %sub3A_606 = arith.subf %add3A_605, %add3A_602 : vector<16xf32>
        %mul3A_607 = arith.mulf %gather3A_575, %sub3A_606 : vector<16xf32>
        %add3A_608 = arith.addf %add3A_602, %mul3A_607 : vector<16xf32>
        %swap3A_609 = arith.index_cast %add3A_479 : i32 to index
        %swap3A_610 = arith.constant 32 : index
        %swap3A_611 = tpu.vector_load %arg9[%swap3A_609, %swap3A_610] {strides = array<i32>} : memref<128x48xf32, #tpu.memory_space<vmem>>, vector<1x16xf32>,
        %swap3A_612 = vector.shape_cast %swap3A_611 : vector<1x16xf32> to vector<16xf32>
        %swap3A_613 = vector.shape_cast %add3A_608 : vector<16xf32> to vector<1x16xf32>
        tpu.vector_store %arg9[%swap3A_609, %swap3A_610], %swap3A_613 {strides = array<i32>} : memref<128x48xf32, #tpu.memory_space<vmem>>, vector<1x16xf32>,
        %mul3A_614 = arith.constant 16 : i32
        %mul3A_615 = arith.muli %scan3A_310, %mul3A_614 : i32
        %add3A_616 = arith.constant 2 : i32
        %add3A_617 = arith.addi %mul3A_615, %add3A_616 : i32
        %broadcast_in_dim3A_618 = arith.constant 2 : i32
        %broadcast_in_dim3A_619 = vector.broadcast %broadcast_in_dim3A_618 : i32 to vector<16xi32>
        %broadcast_in_dim3A_620 = vector.shape_cast %broadcast_in_dim3A_619 : vector<16xi32> to vector<16x1xi32>
        %gather3A_621 = vector.shape_cast %broadcast_in_dim3A_620 : vector<16x1xi32> to vector<16xi32>
        %gather3A_622 = tpu.dynamic_gather %get3A_316[%gather3A_621] in [0] : vector<16xf32>, vector<16xi32> -> vector<16xf32>
        %broadcast_in_dim3A_623 = vector.shape_cast %broadcast_in_dim3A_619 : vector<16xi32> to vector<16x1xi32>
        %gather3A_624 = vector.shape_cast %broadcast_in_dim3A_623 : vector<16x1xi32> to vector<16xi32>
        %gather3A_625 = tpu.dynamic_gather %get3A_321[%gather3A_624] in [0] : vector<16xf32>, vector<16xi32> -> vector<16xf32>
        %get3A_626 = arith.constant 0 : i32
        %get3A_627 = arith.index_cast %get3A_626 : i32 to index
        %get3A_628 = arith.index_cast %add3A_617 : i32 to index
        %get3A_629 = arith.constant 0 : index
        %get3A_630 = tpu.vector_load %arg8[%get3A_627, %get3A_628, %get3A_629] {strides = array<i32>} : memref<12x128x16xf32, #tpu.memory_space<vmem>>, vector<1x1x16xf32>,
        %get3A_631 = vector.shape_cast %get3A_630 : vector<1x1x16xf32> to vector<16xf32>
        %get3A_632 = arith.constant 1 : i32
        %get3A_633 = arith.index_cast %get3A_632 : i32 to index
        %get3A_634 = arith.index_cast %add3A_617 : i32 to index
        %get3A_635 = arith.constant 0 : index
        %get3A_636 = tpu.vector_load %arg8[%get3A_633, %get3A_634, %get3A_635] {strides = array<i32>} : memref<12x128x16xf32, #tpu.memory_space<vmem>>, vector<1x1x16xf32>,
        %get3A_637 = vector.shape_cast %get3A_636 : vector<1x1x16xf32> to vector<16xf32>
        %get3A_638 = arith.constant 2 : i32
        %get3A_639 = arith.index_cast %get3A_638 : i32 to index
        %get3A_640 = arith.index_cast %add3A_617 : i32 to index
        %get3A_641 = arith.constant 0 : index
        %get3A_642 = tpu.vector_load %arg8[%get3A_639, %get3A_640, %get3A_641] {strides = array<i32>} : memref<12x128x16xf32, #tpu.memory_space<vmem>>, vector<1x1x16xf32>,
        %get3A_643 = vector.shape_cast %get3A_642 : vector<1x1x16xf32> to vector<16xf32>
        %get3A_644 = arith.constant 3 : i32
        %get3A_645 = arith.index_cast %get3A_644 : i32 to index
        %get3A_646 = arith.index_cast %add3A_617 : i32 to index
        %get3A_647 = arith.constant 0 : index
        %get3A_648 = tpu.vector_load %arg8[%get3A_645, %get3A_646, %get3A_647] {strides = array<i32>} : memref<12x128x16xf32, #tpu.memory_space<vmem>>, vector<1x1x16xf32>,
        %get3A_649 = vector.shape_cast %get3A_648 : vector<1x1x16xf32> to vector<16xf32>
        %sub3A_650 = arith.subf %get3A_637, %get3A_631 : vector<16xf32>
        %mul3A_651 = arith.mulf %gather3A_622, %sub3A_650 : vector<16xf32>
        %add3A_652 = arith.addf %get3A_631, %mul3A_651 : vector<16xf32>
        %sub3A_653 = arith.subf %get3A_649, %get3A_643 : vector<16xf32>
        %mul3A_654 = arith.mulf %gather3A_622, %sub3A_653 : vector<16xf32>
        %add3A_655 = arith.addf %get3A_643, %mul3A_654 : vector<16xf32>
        %sub3A_656 = arith.subf %add3A_655, %add3A_652 : vector<16xf32>
        %mul3A_657 = arith.mulf %gather3A_625, %sub3A_656 : vector<16xf32>
        %add3A_658 = arith.addf %add3A_652, %mul3A_657 : vector<16xf32>
        %swap3A_659 = arith.index_cast %add3A_617 : i32 to index
        %swap3A_660 = arith.constant 0 : index
        %swap3A_661 = tpu.vector_load %arg9[%swap3A_659, %swap3A_660] {strides = array<i32>} : memref<128x48xf32, #tpu.memory_space<vmem>>, vector<1x16xf32>,
        %swap3A_662 = vector.shape_cast %swap3A_661 : vector<1x16xf32> to vector<16xf32>
        %swap3A_663 = vector.shape_cast %add3A_658 : vector<16xf32> to vector<1x16xf32>
        tpu.vector_store %arg9[%swap3A_659, %swap3A_660], %swap3A_663 {strides = array<i32>} : memref<128x48xf32, #tpu.memory_space<vmem>>, vector<1x16xf32>,
        %broadcast_in_dim3A_664 = vector.shape_cast %broadcast_in_dim3A_619 : vector<16xi32> to vector<16x1xi32>
        %gather3A_665 = vector.shape_cast %broadcast_in_dim3A_664 : vector<16x1xi32> to vector<16xi32>
        %gather3A_666 = tpu.dynamic_gather %get3A_326[%gather3A_665] in [0] : vector<16xf32>, vector<16xi32> -> vector<16xf32>
        %broadcast_in_dim3A_667 = vector.shape_cast %broadcast_in_dim3A_619 : vector<16xi32> to vector<16x1xi32>
        %gather3A_668 = vector.shape_cast %broadcast_in_dim3A_667 : vector<16x1xi32> to vector<16xi32>
        %gather3A_669 = tpu.dynamic_gather %get3A_331[%gather3A_668] in [0] : vector<16xf32>, vector<16xi32> -> vector<16xf32>
        %get3A_670 = arith.constant 4 : i32
        %get3A_671 = arith.index_cast %get3A_670 : i32 to index
        %get3A_672 = arith.index_cast %add3A_617 : i32 to index
        %get3A_673 = arith.constant 0 : index
        %get3A_674 = tpu.vector_load %arg8[%get3A_671, %get3A_672, %get3A_673] {strides = array<i32>} : memref<12x128x16xf32, #tpu.memory_space<vmem>>, vector<1x1x16xf32>,
        %get3A_675 = vector.shape_cast %get3A_674 : vector<1x1x16xf32> to vector<16xf32>
        %get3A_676 = arith.constant 5 : i32
        %get3A_677 = arith.index_cast %get3A_676 : i32 to index
        %get3A_678 = arith.index_cast %add3A_617 : i32 to index
        %get3A_679 = arith.constant 0 : index
        %get3A_680 = tpu.vector_load %arg8[%get3A_677, %get3A_678, %get3A_679] {strides = array<i32>} : memref<12x128x16xf32, #tpu.memory_space<vmem>>, vector<1x1x16xf32>,
        %get3A_681 = vector.shape_cast %get3A_680 : vector<1x1x16xf32> to vector<16xf32>
        %get3A_682 = arith.constant 6 : i32
        %get3A_683 = arith.index_cast %get3A_682 : i32 to index
        %get3A_684 = arith.index_cast %add3A_617 : i32 to index
        %get3A_685 = arith.constant 0 : index
        %get3A_686 = tpu.vector_load %arg8[%get3A_683, %get3A_684, %get3A_685] {strides = array<i32>} : memref<12x128x16xf32, #tpu.memory_space<vmem>>, vector<1x1x16xf32>,
        %get3A_687 = vector.shape_cast %get3A_686 : vector<1x1x16xf32> to vector<16xf32>
        %get3A_688 = arith.constant 7 : i32
        %get3A_689 = arith.index_cast %get3A_688 : i32 to index
        %get3A_690 = arith.index_cast %add3A_617 : i32 to index
        %get3A_691 = arith.constant 0 : index
        %get3A_692 = tpu.vector_load %arg8[%get3A_689, %get3A_690, %get3A_691] {strides = array<i32>} : memref<12x128x16xf32, #tpu.memory_space<vmem>>, vector<1x1x16xf32>,
        %get3A_693 = vector.shape_cast %get3A_692 : vector<1x1x16xf32> to vector<16xf32>
        %sub3A_694 = arith.subf %get3A_681, %get3A_675 : vector<16xf32>
        %mul3A_695 = arith.mulf %gather3A_666, %sub3A_694 : vector<16xf32>
        %add3A_696 = arith.addf %get3A_675, %mul3A_695 : vector<16xf32>
        %sub3A_697 = arith.subf %get3A_693, %get3A_687 : vector<16xf32>
        %mul3A_698 = arith.mulf %gather3A_666, %sub3A_697 : vector<16xf32>
        %add3A_699 = arith.addf %get3A_687, %mul3A_698 : vector<16xf32>
        %sub3A_700 = arith.subf %add3A_699, %add3A_696 : vector<16xf32>
        %mul3A_701 = arith.mulf %gather3A_669, %sub3A_700 : vector<16xf32>
        %add3A_702 = arith.addf %add3A_696, %mul3A_701 : vector<16xf32>
        %swap3A_703 = arith.index_cast %add3A_617 : i32 to index
        %swap3A_704 = arith.constant 16 : index
        %swap3A_705 = tpu.vector_load %arg9[%swap3A_703, %swap3A_704] {strides = array<i32>} : memref<128x48xf32, #tpu.memory_space<vmem>>, vector<1x16xf32>,
        %swap3A_706 = vector.shape_cast %swap3A_705 : vector<1x16xf32> to vector<16xf32>
        %swap3A_707 = vector.shape_cast %add3A_702 : vector<16xf32> to vector<1x16xf32>
        tpu.vector_store %arg9[%swap3A_703, %swap3A_704], %swap3A_707 {strides = array<i32>} : memref<128x48xf32, #tpu.memory_space<vmem>>, vector<1x16xf32>,
        %broadcast_in_dim3A_708 = vector.shape_cast %broadcast_in_dim3A_619 : vector<16xi32> to vector<16x1xi32>
        %gather3A_709 = vector.shape_cast %broadcast_in_dim3A_708 : vector<16x1xi32> to vector<16xi32>
        %gather3A_710 = tpu.dynamic_gather %get3A_336[%gather3A_709] in [0] : vector<16xf32>, vector<16xi32> -> vector<16xf32>
        %broadcast_in_dim3A_711 = vector.shape_cast %broadcast_in_dim3A_619 : vector<16xi32> to vector<16x1xi32>
        %gather3A_712 = vector.shape_cast %broadcast_in_dim3A_711 : vector<16x1xi32> to vector<16xi32>
        %gather3A_713 = tpu.dynamic_gather %get3A_341[%gather3A_712] in [0] : vector<16xf32>, vector<16xi32> -> vector<16xf32>
        %get3A_714 = arith.constant 8 : i32
        %get3A_715 = arith.index_cast %get3A_714 : i32 to index
        %get3A_716 = arith.index_cast %add3A_617 : i32 to index
        %get3A_717 = arith.constant 0 : index
        %get3A_718 = tpu.vector_load %arg8[%get3A_715, %get3A_716, %get3A_717] {strides = array<i32>} : memref<12x128x16xf32, #tpu.memory_space<vmem>>, vector<1x1x16xf32>,
        %get3A_719 = vector.shape_cast %get3A_718 : vector<1x1x16xf32> to vector<16xf32>
        %get3A_720 = arith.constant 9 : i32
        %get3A_721 = arith.index_cast %get3A_720 : i32 to index
        %get3A_722 = arith.index_cast %add3A_617 : i32 to index
        %get3A_723 = arith.constant 0 : index
        %get3A_724 = tpu.vector_load %arg8[%get3A_721, %get3A_722, %get3A_723] {strides = array<i32>} : memref<12x128x16xf32, #tpu.memory_space<vmem>>, vector<1x1x16xf32>,
        %get3A_725 = vector.shape_cast %get3A_724 : vector<1x1x16xf32> to vector<16xf32>
        %get3A_726 = arith.constant 10 : i32
        %get3A_727 = arith.index_cast %get3A_726 : i32 to index
        %get3A_728 = arith.index_cast %add3A_617 : i32 to index
        %get3A_729 = arith.constant 0 : index
        %get3A_730 = tpu.vector_load %arg8[%get3A_727, %get3A_728, %get3A_729] {strides = array<i32>} : memref<12x128x16xf32, #tpu.memory_space<vmem>>, vector<1x1x16xf32>,
        %get3A_731 = vector.shape_cast %get3A_730 : vector<1x1x16xf32> to vector<16xf32>
        %get3A_732 = arith.constant 11 : i32
        %get3A_733 = arith.index_cast %get3A_732 : i32 to index
        %get3A_734 = arith.index_cast %add3A_617 : i32 to index
        %get3A_735 = arith.constant 0 : index
        %get3A_736 = tpu.vector_load %arg8[%get3A_733, %get3A_734, %get3A_735] {strides = array<i32>} : memref<12x128x16xf32, #tpu.memory_space<vmem>>, vector<1x1x16xf32>,
        %get3A_737 = vector.shape_cast %get3A_736 : vector<1x1x16xf32> to vector<16xf32>
        %sub3A_738 = arith.subf %get3A_725, %get3A_719 : vector<16xf32>
        %mul3A_739 = arith.mulf %gather3A_710, %sub3A_738 : vector<16xf32>
        %add3A_740 = arith.addf %get3A_719, %mul3A_739 : vector<16xf32>
        %sub3A_741 = arith.subf %get3A_737, %get3A_731 : vector<16xf32>
        %mul3A_742 = arith.mulf %gather3A_710, %sub3A_741 : vector<16xf32>
        %add3A_743 = arith.addf %get3A_731, %mul3A_742 : vector<16xf32>
        %sub3A_744 = arith.subf %add3A_743, %add3A_740 : vector<16xf32>
        %mul3A_745 = arith.mulf %gather3A_713, %sub3A_744 : vector<16xf32>
        %add3A_746 = arith.addf %add3A_740, %mul3A_745 : vector<16xf32>
        %swap3A_747 = arith.index_cast %add3A_617 : i32 to index
        %swap3A_748 = arith.constant 32 : index
        %swap3A_749 = tpu.vector_load %arg9[%swap3A_747, %swap3A_748] {strides = array<i32>} : memref<128x48xf32, #tpu.memory_space<vmem>>, vector<1x16xf32>,
        %swap3A_750 = vector.shape_cast %swap3A_749 : vector<1x16xf32> to vector<16xf32>
        %swap3A_751 = vector.shape_cast %add3A_746 : vector<16xf32> to vector<1x16xf32>
        tpu.vector_store %arg9[%swap3A_747, %swap3A_748], %swap3A_751 {strides = array<i32>} : memref<128x48xf32, #tpu.memory_space<vmem>>, vector<1x16xf32>,
        %mul3A_752 = arith.constant 16 : i32
        %mul3A_753 = arith.muli %scan3A_310, %mul3A_752 : i32
        %add3A_754 = arith.constant 3 : i32
        %add3A_755 = arith.addi %mul3A_753, %add3A_754 : i32
        %broadcast_in_dim3A_756 = arith.constant 3 : i32
        %broadcast_in_dim3A_757 = vector.broadcast %broadcast_in_dim3A_756 : i32 to vector<16xi32>
        %broadcast_in_dim3A_758 = vector.shape_cast %broadcast_in_dim3A_757 : vector<16xi32> to vector<16x1xi32>
        %gather3A_759 = vector.shape_cast %broadcast_in_dim3A_758 : vector<16x1xi32> to vector<16xi32>
        %gather3A_760 = tpu.dynamic_gather %get3A_316[%gather3A_759] in [0] : vector<16xf32>, vector<16xi32> -> vector<16xf32>
        %broadcast_in_dim3A_761 = vector.shape_cast %broadcast_in_dim3A_757 : vector<16xi32> to vector<16x1xi32>
        %gather3A_762 = vector.shape_cast %broadcast_in_dim3A_761 : vector<16x1xi32> to vector<16xi32>
        %gather3A_763 = tpu.dynamic_gather %get3A_321[%gather3A_762] in [0] : vector<16xf32>, vector<16xi32> -> vector<16xf32>
        %get3A_764 = arith.constant 0 : i32
        %get3A_765 = arith.index_cast %get3A_764 : i32 to index
        %get3A_766 = arith.index_cast %add3A_755 : i32 to index
        %get3A_767 = arith.constant 0 : index
        %get3A_768 = tpu.vector_load %arg8[%get3A_765, %get3A_766, %get3A_767] {strides = array<i32>} : memref<12x128x16xf32, #tpu.memory_space<vmem>>, vector<1x1x16xf32>,
        %get3A_769 = vector.shape_cast %get3A_768 : vector<1x1x16xf32> to vector<16xf32>
        %get3A_770 = arith.constant 1 : i32
        %get3A_771 = arith.index_cast %get3A_770 : i32 to index
        %get3A_772 = arith.index_cast %add3A_755 : i32 to index
        %get3A_773 = arith.constant 0 : index
        %get3A_774 = tpu.vector_load %arg8[%get3A_771, %get3A_772, %get3A_773] {strides = array<i32>} : memref<12x128x16xf32, #tpu.memory_space<vmem>>, vector<1x1x16xf32>,
        %get3A_775 = vector.shape_cast %get3A_774 : vector<1x1x16xf32> to vector<16xf32>
        %get3A_776 = arith.constant 2 : i32
        %get3A_777 = arith.index_cast %get3A_776 : i32 to index
        %get3A_778 = arith.index_cast %add3A_755 : i32 to index
        %get3A_779 = arith.constant 0 : index
        %get3A_780 = tpu.vector_load %arg8[%get3A_777, %get3A_778, %get3A_779] {strides = array<i32>} : memref<12x128x16xf32, #tpu.memory_space<vmem>>, vector<1x1x16xf32>,
        %get3A_781 = vector.shape_cast %get3A_780 : vector<1x1x16xf32> to vector<16xf32>
        %get3A_782 = arith.constant 3 : i32
        %get3A_783 = arith.index_cast %get3A_782 : i32 to index
        %get3A_784 = arith.index_cast %add3A_755 : i32 to index
        %get3A_785 = arith.constant 0 : index
        %get3A_786 = tpu.vector_load %arg8[%get3A_783, %get3A_784, %get3A_785] {strides = array<i32>} : memref<12x128x16xf32, #tpu.memory_space<vmem>>, vector<1x1x16xf32>,
        %get3A_787 = vector.shape_cast %get3A_786 : vector<1x1x16xf32> to vector<16xf32>
        %sub3A_788 = arith.subf %get3A_775, %get3A_769 : vector<16xf32>
        %mul3A_789 = arith.mulf %gather3A_760, %sub3A_788 : vector<16xf32>
        %add3A_790 = arith.addf %get3A_769, %mul3A_789 : vector<16xf32>
        %sub3A_791 = arith.subf %get3A_787, %get3A_781 : vector<16xf32>
        %mul3A_792 = arith.mulf %gather3A_760, %sub3A_791 : vector<16xf32>
        %add3A_793 = arith.addf %get3A_781, %mul3A_792 : vector<16xf32>
        %sub3A_794 = arith.subf %add3A_793, %add3A_790 : vector<16xf32>
        %mul3A_795 = arith.mulf %gather3A_763, %sub3A_794 : vector<16xf32>
        %add3A_796 = arith.addf %add3A_790, %mul3A_795 : vector<16xf32>
        %swap3A_797 = arith.index_cast %add3A_755 : i32 to index
        %swap3A_798 = arith.constant 0 : index
        %swap3A_799 = tpu.vector_load %arg9[%swap3A_797, %swap3A_798] {strides = array<i32>} : memref<128x48xf32, #tpu.memory_space<vmem>>, vector<1x16xf32>,
        %swap3A_800 = vector.shape_cast %swap3A_799 : vector<1x16xf32> to vector<16xf32>
        %swap3A_801 = vector.shape_cast %add3A_796 : vector<16xf32> to vector<1x16xf32>
        tpu.vector_store %arg9[%swap3A_797, %swap3A_798], %swap3A_801 {strides = array<i32>} : memref<128x48xf32, #tpu.memory_space<vmem>>, vector<1x16xf32>,
        %broadcast_in_dim3A_802 = vector.shape_cast %broadcast_in_dim3A_757 : vector<16xi32> to vector<16x1xi32>
        %gather3A_803 = vector.shape_cast %broadcast_in_dim3A_802 : vector<16x1xi32> to vector<16xi32>
        %gather3A_804 = tpu.dynamic_gather %get3A_326[%gather3A_803] in [0] : vector<16xf32>, vector<16xi32> -> vector<16xf32>
        %broadcast_in_dim3A_805 = vector.shape_cast %broadcast_in_dim3A_757 : vector<16xi32> to vector<16x1xi32>
        %gather3A_806 = vector.shape_cast %broadcast_in_dim3A_805 : vector<16x1xi32> to vector<16xi32>
        %gather3A_807 = tpu.dynamic_gather %get3A_331[%gather3A_806] in [0] : vector<16xf32>, vector<16xi32> -> vector<16xf32>
        %get3A_808 = arith.constant 4 : i32
        %get3A_809 = arith.index_cast %get3A_808 : i32 to index
        %get3A_810 = arith.index_cast %add3A_755 : i32 to index
        %get3A_811 = arith.constant 0 : index
        %get3A_812 = tpu.vector_load %arg8[%get3A_809, %get3A_810, %get3A_811] {strides = array<i32>} : memref<12x128x16xf32, #tpu.memory_space<vmem>>, vector<1x1x16xf32>,
        %get3A_813 = vector.shape_cast %get3A_812 : vector<1x1x16xf32> to vector<16xf32>
        %get3A_814 = arith.constant 5 : i32
        %get3A_815 = arith.index_cast %get3A_814 : i32 to index
        %get3A_816 = arith.index_cast %add3A_755 : i32 to index
        %get3A_817 = arith.constant 0 : index
        %get3A_818 = tpu.vector_load %arg8[%get3A_815, %get3A_816, %get3A_817] {strides = array<i32>} : memref<12x128x16xf32, #tpu.memory_space<vmem>>, vector<1x1x16xf32>,
        %get3A_819 = vector.shape_cast %get3A_818 : vector<1x1x16xf32> to vector<16xf32>
        %get3A_820 = arith.constant 6 : i32
        %get3A_821 = arith.index_cast %get3A_820 : i32 to index
        %get3A_822 = arith.index_cast %add3A_755 : i32 to index
        %get3A_823 = arith.constant 0 : index
        %get3A_824 = tpu.vector_load %arg8[%get3A_821, %get3A_822, %get3A_823] {strides = array<i32>} : memref<12x128x16xf32, #tpu.memory_space<vmem>>, vector<1x1x16xf32>,
        %get3A_825 = vector.shape_cast %get3A_824 : vector<1x1x16xf32> to vector<16xf32>
        %get3A_826 = arith.constant 7 : i32
        %get3A_827 = arith.index_cast %get3A_826 : i32 to index
        %get3A_828 = arith.index_cast %add3A_755 : i32 to index
        %get3A_829 = arith.constant 0 : index
        %get3A_830 = tpu.vector_load %arg8[%get3A_827, %get3A_828, %get3A_829] {strides = array<i32>} : memref<12x128x16xf32, #tpu.memory_space<vmem>>, vector<1x1x16xf32>,
        %get3A_831 = vector.shape_cast %get3A_830 : vector<1x1x16xf32> to vector<16xf32>
        %sub3A_832 = arith.subf %get3A_819, %get3A_813 : vector<16xf32>
        %mul3A_833 = arith.mulf %gather3A_804, %sub3A_832 : vector<16xf32>
        %add3A_834 = arith.addf %get3A_813, %mul3A_833 : vector<16xf32>
        %sub3A_835 = arith.subf %get3A_831, %get3A_825 : vector<16xf32>
        %mul3A_836 = arith.mulf %gather3A_804, %sub3A_835 : vector<16xf32>
        %add3A_837 = arith.addf %get3A_825, %mul3A_836 : vector<16xf32>
        %sub3A_838 = arith.subf %add3A_837, %add3A_834 : vector<16xf32>
        %mul3A_839 = arith.mulf %gather3A_807, %sub3A_838 : vector<16xf32>
        %add3A_840 = arith.addf %add3A_834, %mul3A_839 : vector<16xf32>
        %swap3A_841 = arith.index_cast %add3A_755 : i32 to index
        %swap3A_842 = arith.constant 16 : index
        %swap3A_843 = tpu.vector_load %arg9[%swap3A_841, %swap3A_842] {strides = array<i32>} : memref<128x48xf32, #tpu.memory_space<vmem>>, vector<1x16xf32>,
        %swap3A_844 = vector.shape_cast %swap3A_843 : vector<1x16xf32> to vector<16xf32>
        %swap3A_845 = vector.shape_cast %add3A_840 : vector<16xf32> to vector<1x16xf32>
        tpu.vector_store %arg9[%swap3A_841, %swap3A_842], %swap3A_845 {strides = array<i32>} : memref<128x48xf32, #tpu.memory_space<vmem>>, vector<1x16xf32>,
        %broadcast_in_dim3A_846 = vector.shape_cast %broadcast_in_dim3A_757 : vector<16xi32> to vector<16x1xi32>
        %gather3A_847 = vector.shape_cast %broadcast_in_dim3A_846 : vector<16x1xi32> to vector<16xi32>
        %gather3A_848 = tpu.dynamic_gather %get3A_336[%gather3A_847] in [0] : vector<16xf32>, vector<16xi32> -> vector<16xf32>
        %broadcast_in_dim3A_849 = vector.shape_cast %broadcast_in_dim3A_757 : vector<16xi32> to vector<16x1xi32>
        %gather3A_850 = vector.shape_cast %broadcast_in_dim3A_849 : vector<16x1xi32> to vector<16xi32>
        %gather3A_851 = tpu.dynamic_gather %get3A_341[%gather3A_850] in [0] : vector<16xf32>, vector<16xi32> -> vector<16xf32>
        %get3A_852 = arith.constant 8 : i32
        %get3A_853 = arith.index_cast %get3A_852 : i32 to index
        %get3A_854 = arith.index_cast %add3A_755 : i32 to index
        %get3A_855 = arith.constant 0 : index
        %get3A_856 = tpu.vector_load %arg8[%get3A_853, %get3A_854, %get3A_855] {strides = array<i32>} : memref<12x128x16xf32, #tpu.memory_space<vmem>>, vector<1x1x16xf32>,
        %get3A_857 = vector.shape_cast %get3A_856 : vector<1x1x16xf32> to vector<16xf32>
        %get3A_858 = arith.constant 9 : i32
        %get3A_859 = arith.index_cast %get3A_858 : i32 to index
        %get3A_860 = arith.index_cast %add3A_755 : i32 to index
        %get3A_861 = arith.constant 0 : index
        %get3A_862 = tpu.vector_load %arg8[%get3A_859, %get3A_860, %get3A_861] {strides = array<i32>} : memref<12x128x16xf32, #tpu.memory_space<vmem>>, vector<1x1x16xf32>,
        %get3A_863 = vector.shape_cast %get3A_862 : vector<1x1x16xf32> to vector<16xf32>
        %get3A_864 = arith.constant 10 : i32
        %get3A_865 = arith.index_cast %get3A_864 : i32 to index
        %get3A_866 = arith.index_cast %add3A_755 : i32 to index
        %get3A_867 = arith.constant 0 : index
        %get3A_868 = tpu.vector_load %arg8[%get3A_865, %get3A_866, %get3A_867] {strides = array<i32>} : memref<12x128x16xf32, #tpu.memory_space<vmem>>, vector<1x1x16xf32>,
        %get3A_869 = vector.shape_cast %get3A_868 : vector<1x1x16xf32> to vector<16xf32>
        %get3A_870 = arith.constant 11 : i32
        %get3A_871 = arith.index_cast %get3A_870 : i32 to index
        %get3A_872 = arith.index_cast %add3A_755 : i32 to index
        %get3A_873 = arith.constant 0 : index
        %get3A_874 = tpu.vector_load %arg8[%get3A_871, %get3A_872, %get3A_873] {strides = array<i32>} : memref<12x128x16xf32, #tpu.memory_space<vmem>>, vector<1x1x16xf32>,
        %get3A_875 = vector.shape_cast %get3A_874 : vector<1x1x16xf32> to vector<16xf32>
        %sub3A_876 = arith.subf %get3A_863, %get3A_857 : vector<16xf32>
        %mul3A_877 = arith.mulf %gather3A_848, %sub3A_876 : vector<16xf32>
        %add3A_878 = arith.addf %get3A_857, %mul3A_877 : vector<16xf32>
        %sub3A_879 = arith.subf %get3A_875, %get3A_869 : vector<16xf32>
        %mul3A_880 = arith.mulf %gather3A_848, %sub3A_879 : vector<16xf32>
        %add3A_881 = arith.addf %get3A_869, %mul3A_880 : vector<16xf32>
        %sub3A_882 = arith.subf %add3A_881, %add3A_878 : vector<16xf32>
        %mul3A_883 = arith.mulf %gather3A_851, %sub3A_882 : vector<16xf32>
        %add3A_884 = arith.addf %add3A_878, %mul3A_883 : vector<16xf32>
        %swap3A_885 = arith.index_cast %add3A_755 : i32 to index
        %swap3A_886 = arith.constant 32 : index
        %swap3A_887 = tpu.vector_load %arg9[%swap3A_885, %swap3A_886] {strides = array<i32>} : memref<128x48xf32, #tpu.memory_space<vmem>>, vector<1x16xf32>,
        %swap3A_888 = vector.shape_cast %swap3A_887 : vector<1x16xf32> to vector<16xf32>
        %swap3A_889 = vector.shape_cast %add3A_884 : vector<16xf32> to vector<1x16xf32>
        tpu.vector_store %arg9[%swap3A_885, %swap3A_886], %swap3A_889 {strides = array<i32>} : memref<128x48xf32, #tpu.memory_space<vmem>>, vector<1x16xf32>,
        %mul3A_890 = arith.constant 16 : i32
        %mul3A_891 = arith.muli %scan3A_310, %mul3A_890 : i32
        %add3A_892 = arith.constant 4 : i32
        %add3A_893 = arith.addi %mul3A_891, %add3A_892 : i32
        %broadcast_in_dim3A_894 = arith.constant 4 : i32
        %broadcast_in_dim3A_895 = vector.broadcast %broadcast_in_dim3A_894 : i32 to vector<16xi32>
        %broadcast_in_dim3A_896 = vector.shape_cast %broadcast_in_dim3A_895 : vector<16xi32> to vector<16x1xi32>
        %gather3A_897 = vector.shape_cast %broadcast_in_dim3A_896 : vector<16x1xi32> to vector<16xi32>
        %gather3A_898 = tpu.dynamic_gather %get3A_316[%gather3A_897] in [0] : vector<16xf32>, vector<16xi32> -> vector<16xf32>
        %broadcast_in_dim3A_899 = vector.shape_cast %broadcast_in_dim3A_895 : vector<16xi32> to vector<16x1xi32>
        %gather3A_900 = vector.shape_cast %broadcast_in_dim3A_899 : vector<16x1xi32> to vector<16xi32>
        %gather3A_901 = tpu.dynamic_gather %get3A_321[%gather3A_900] in [0] : vector<16xf32>, vector<16xi32> -> vector<16xf32>
        %get3A_902 = arith.constant 0 : i32
        %get3A_903 = arith.index_cast %get3A_902 : i32 to index
        %get3A_904 = arith.index_cast %add3A_893 : i32 to index
        %get3A_905 = arith.constant 0 : index
        %get3A_906 = tpu.vector_load %arg8[%get3A_903, %get3A_904, %get3A_905] {strides = array<i32>} : memref<12x128x16xf32, #tpu.memory_space<vmem>>, vector<1x1x16xf32>,
        %get3A_907 = vector.shape_cast %get3A_906 : vector<1x1x16xf32> to vector<16xf32>
        %get3A_908 = arith.constant 1 : i32
        %get3A_909 = arith.index_cast %get3A_908 : i32 to index
        %get3A_910 = arith.index_cast %add3A_893 : i32 to index
        %get3A_911 = arith.constant 0 : index
        %get3A_912 = tpu.vector_load %arg8[%get3A_909, %get3A_910, %get3A_911] {strides = array<i32>} : memref<12x128x16xf32, #tpu.memory_space<vmem>>, vector<1x1x16xf32>,
        %get3A_913 = vector.shape_cast %get3A_912 : vector<1x1x16xf32> to vector<16xf32>
        %get3A_914 = arith.constant 2 : i32
        %get3A_915 = arith.index_cast %get3A_914 : i32 to index
        %get3A_916 = arith.index_cast %add3A_893 : i32 to index
        %get3A_917 = arith.constant 0 : index
        %get3A_918 = tpu.vector_load %arg8[%get3A_915, %get3A_916, %get3A_917] {strides = array<i32>} : memref<12x128x16xf32, #tpu.memory_space<vmem>>, vector<1x1x16xf32>,
        %get3A_919 = vector.shape_cast %get3A_918 : vector<1x1x16xf32> to vector<16xf32>
        %get3A_920 = arith.constant 3 : i32
        %get3A_921 = arith.index_cast %get3A_920 : i32 to index
        %get3A_922 = arith.index_cast %add3A_893 : i32 to index
        %get3A_923 = arith.constant 0 : index
        %get3A_924 = tpu.vector_load %arg8[%get3A_921, %get3A_922, %get3A_923] {strides = array<i32>} : memref<12x128x16xf32, #tpu.memory_space<vmem>>, vector<1x1x16xf32>,
        %get3A_925 = vector.shape_cast %get3A_924 : vector<1x1x16xf32> to vector<16xf32>
        %sub3A_926 = arith.subf %get3A_913, %get3A_907 : vector<16xf32>
        %mul3A_927 = arith.mulf %gather3A_898, %sub3A_926 : vector<16xf32>
        %add3A_928 = arith.addf %get3A_907, %mul3A_927 : vector<16xf32>
        %sub3A_929 = arith.subf %get3A_925, %get3A_919 : vector<16xf32>
        %mul3A_930 = arith.mulf %gather3A_898, %sub3A_929 : vector<16xf32>
        %add3A_931 = arith.addf %get3A_919, %mul3A_930 : vector<16xf32>
        %sub3A_932 = arith.subf %add3A_931, %add3A_928 : vector<16xf32>
        %mul3A_933 = arith.mulf %gather3A_901, %sub3A_932 : vector<16xf32>
        %add3A_934 = arith.addf %add3A_928, %mul3A_933 : vector<16xf32>
        %swap3A_935 = arith.index_cast %add3A_893 : i32 to index
        %swap3A_936 = arith.constant 0 : index
        %swap3A_937 = tpu.vector_load %arg9[%swap3A_935, %swap3A_936] {strides = array<i32>} : memref<128x48xf32, #tpu.memory_space<vmem>>, vector<1x16xf32>,
        %swap3A_938 = vector.shape_cast %swap3A_937 : vector<1x16xf32> to vector<16xf32>
        %swap3A_939 = vector.shape_cast %add3A_934 : vector<16xf32> to vector<1x16xf32>
        tpu.vector_store %arg9[%swap3A_935, %swap3A_936], %swap3A_939 {strides = array<i32>} : memref<128x48xf32, #tpu.memory_space<vmem>>, vector<1x16xf32>,
        %broadcast_in_dim3A_940 = vector.shape_cast %broadcast_in_dim3A_895 : vector<16xi32> to vector<16x1xi32>
        %gather3A_941 = vector.shape_cast %broadcast_in_dim3A_940 : vector<16x1xi32> to vector<16xi32>
        %gather3A_942 = tpu.dynamic_gather %get3A_326[%gather3A_941] in [0] : vector<16xf32>, vector<16xi32> -> vector<16xf32>
        %broadcast_in_dim3A_943 = vector.shape_cast %broadcast_in_dim3A_895 : vector<16xi32> to vector<16x1xi32>
        %gather3A_944 = vector.shape_cast %broadcast_in_dim3A_943 : vector<16x1xi32> to vector<16xi32>
        %gather3A_945 = tpu.dynamic_gather %get3A_331[%gather3A_944] in [0] : vector<16xf32>, vector<16xi32> -> vector<16xf32>
        %get3A_946 = arith.constant 4 : i32
        %get3A_947 = arith.index_cast %get3A_946 : i32 to index
        %get3A_948 = arith.index_cast %add3A_893 : i32 to index
        %get3A_949 = arith.constant 0 : index
        %get3A_950 = tpu.vector_load %arg8[%get3A_947, %get3A_948, %get3A_949] {strides = array<i32>} : memref<12x128x16xf32, #tpu.memory_space<vmem>>, vector<1x1x16xf32>,
        %get3A_951 = vector.shape_cast %get3A_950 : vector<1x1x16xf32> to vector<16xf32>
        %get3A_952 = arith.constant 5 : i32
        %get3A_953 = arith.index_cast %get3A_952 : i32 to index
        %get3A_954 = arith.index_cast %add3A_893 : i32 to index
        %get3A_955 = arith.constant 0 : index
        %get3A_956 = tpu.vector_load %arg8[%get3A_953, %get3A_954, %get3A_955] {strides = array<i32>} : memref<12x128x16xf32, #tpu.memory_space<vmem>>, vector<1x1x16xf32>,
        %get3A_957 = vector.shape_cast %get3A_956 : vector<1x1x16xf32> to vector<16xf32>
        %get3A_958 = arith.constant 6 : i32
        %get3A_959 = arith.index_cast %get3A_958 : i32 to index
        %get3A_960 = arith.index_cast %add3A_893 : i32 to index
        %get3A_961 = arith.constant 0 : index
        %get3A_962 = tpu.vector_load %arg8[%get3A_959, %get3A_960, %get3A_961] {strides = array<i32>} : memref<12x128x16xf32, #tpu.memory_space<vmem>>, vector<1x1x16xf32>,
        %get3A_963 = vector.shape_cast %get3A_962 : vector<1x1x16xf32> to vector<16xf32>
        %get3A_964 = arith.constant 7 : i32
        %get3A_965 = arith.index_cast %get3A_964 : i32 to index
        %get3A_966 = arith.index_cast %add3A_893 : i32 to index
        %get3A_967 = arith.constant 0 : index
        %get3A_968 = tpu.vector_load %arg8[%get3A_965, %get3A_966, %get3A_967] {strides = array<i32>} : memref<12x128x16xf32, #tpu.memory_space<vmem>>, vector<1x1x16xf32>,
        %get3A_969 = vector.shape_cast %get3A_968 : vector<1x1x16xf32> to vector<16xf32>
        %sub3A_970 = arith.subf %get3A_957, %get3A_951 : vector<16xf32>
        %mul3A_971 = arith.mulf %gather3A_942, %sub3A_970 : vector<16xf32>
        %add3A_972 = arith.addf %get3A_951, %mul3A_971 : vector<16xf32>
        %sub3A_973 = arith.subf %get3A_969, %get3A_963 : vector<16xf32>
        %mul3A_974 = arith.mulf %gather3A_942, %sub3A_973 : vector<16xf32>
        %add3A_975 = arith.addf %get3A_963, %mul3A_974 : vector<16xf32>
        %sub3A_976 = arith.subf %add3A_975, %add3A_972 : vector<16xf32>
        %mul3A_977 = arith.mulf %gather3A_945, %sub3A_976 : vector<16xf32>
        %add3A_978 = arith.addf %add3A_972, %mul3A_977 : vector<16xf32>
        %swap3A_979 = arith.index_cast %add3A_893 : i32 to index
        %swap3A_980 = arith.constant 16 : index
        %swap3A_981 = tpu.vector_load %arg9[%swap3A_979, %swap3A_980] {strides = array<i32>} : memref<128x48xf32, #tpu.memory_space<vmem>>, vector<1x16xf32>,
        %swap3A_982 = vector.shape_cast %swap3A_981 : vector<1x16xf32> to vector<16xf32>
        %swap3A_983 = vector.shape_cast %add3A_978 : vector<16xf32> to vector<1x16xf32>
        tpu.vector_store %arg9[%swap3A_979, %swap3A_980], %swap3A_983 {strides = array<i32>} : memref<128x48xf32, #tpu.memory_space<vmem>>, vector<1x16xf32>,
        %broadcast_in_dim3A_984 = vector.shape_cast %broadcast_in_dim3A_895 : vector<16xi32> to vector<16x1xi32>
        %gather3A_985 = vector.shape_cast %broadcast_in_dim3A_984 : vector<16x1xi32> to vector<16xi32>
        %gather3A_986 = tpu.dynamic_gather %get3A_336[%gather3A_985] in [0] : vector<16xf32>, vector<16xi32> -> vector<16xf32>
        %broadcast_in_dim3A_987 = vector.shape_cast %broadcast_in_dim3A_895 : vector<16xi32> to vector<16x1xi32>
        %gather3A_988 = vector.shape_cast %broadcast_in_dim3A_987 : vector<16x1xi32> to vector<16xi32>
        %gather3A_989 = tpu.dynamic_gather %get3A_341[%gather3A_988] in [0] : vector<16xf32>, vector<16xi32> -> vector<16xf32>
        %get3A_990 = arith.constant 8 : i32
        %get3A_991 = arith.index_cast %get3A_990 : i32 to index
        %get3A_992 = arith.index_cast %add3A_893 : i32 to index
        %get3A_993 = arith.constant 0 : index
        %get3A_994 = tpu.vector_load %arg8[%get3A_991, %get3A_992, %get3A_993] {strides = array<i32>} : memref<12x128x16xf32, #tpu.memory_space<vmem>>, vector<1x1x16xf32>,
        %get3A_995 = vector.shape_cast %get3A_994 : vector<1x1x16xf32> to vector<16xf32>
        %get3A_996 = arith.constant 9 : i32
        %get3A_997 = arith.index_cast %get3A_996 : i32 to index
        %get3A_998 = arith.index_cast %add3A_893 : i32 to index
        %get3A_999 = arith.constant 0 : index
        %get3A_1000 = tpu.vector_load %arg8[%get3A_997, %get3A_998, %get3A_999] {strides = array<i32>} : memref<12x128x16xf32, #tpu.memory_space<vmem>>, vector<1x1x16xf32>,
        %get3A_1001 = vector.shape_cast %get3A_1000 : vector<1x1x16xf32> to vector<16xf32>
        %get3A_1002 = arith.constant 10 : i32
        %get3A_1003 = arith.index_cast %get3A_1002 : i32 to index
        %get3A_1004 = arith.index_cast %add3A_893 : i32 to index
        %get3A_1005 = arith.constant 0 : index
        %get3A_1006 = tpu.vector_load %arg8[%get3A_1003, %get3A_1004, %get3A_1005] {strides = array<i32>} : memref<12x128x16xf32, #tpu.memory_space<vmem>>, vector<1x1x16xf32>,
        %get3A_1007 = vector.shape_cast %get3A_1006 : vector<1x1x16xf32> to vector<16xf32>
        %get3A_1008 = arith.constant 11 : i32
        %get3A_1009 = arith.index_cast %get3A_1008 : i32 to index
        %get3A_1010 = arith.index_cast %add3A_893 : i32 to index
        %get3A_1011 = arith.constant 0 : index
        %get3A_1012 = tpu.vector_load %arg8[%get3A_1009, %get3A_1010, %get3A_1011] {strides = array<i32>} : memref<12x128x16xf32, #tpu.memory_space<vmem>>, vector<1x1x16xf32>,
        %get3A_1013 = vector.shape_cast %get3A_1012 : vector<1x1x16xf32> to vector<16xf32>
        %sub3A_1014 = arith.subf %get3A_1001, %get3A_995 : vector<16xf32>
        %mul3A_1015 = arith.mulf %gather3A_986, %sub3A_1014 : vector<16xf32>
        %add3A_1016 = arith.addf %get3A_995, %mul3A_1015 : vector<16xf32>
        %sub3A_1017 = arith.subf %get3A_1013, %get3A_1007 : vector<16xf32>
        %mul3A_1018 = arith.mulf %gather3A_986, %sub3A_1017 : vector<16xf32>
        %add3A_1019 = arith.addf %get3A_1007, %mul3A_1018 : vector<16xf32>
        %sub3A_1020 = arith.subf %add3A_1019, %add3A_1016 : vector<16xf32>
        %mul3A_1021 = arith.mulf %gather3A_989, %sub3A_1020 : vector<16xf32>
        %add3A_1022 = arith.addf %add3A_1016, %mul3A_1021 : vector<16xf32>
        %swap3A_1023 = arith.index_cast %add3A_893 : i32 to index
        %swap3A_1024 = arith.constant 32 : index
        %swap3A_1025 = tpu.vector_load %arg9[%swap3A_1023, %swap3A_1024] {strides = array<i32>} : memref<128x48xf32, #tpu.memory_space<vmem>>, vector<1x16xf32>,
        %swap3A_1026 = vector.shape_cast %swap3A_1025 : vector<1x16xf32> to vector<16xf32>
        %swap3A_1027 = vector.shape_cast %add3A_1022 : vector<16xf32> to vector<1x16xf32>
        tpu.vector_store %arg9[%swap3A_1023, %swap3A_1024], %swap3A_1027 {strides = array<i32>} : memref<128x48xf32, #tpu.memory_space<vmem>>, vector<1x16xf32>,
        %mul3A_1028 = arith.constant 16 : i32
        %mul3A_1029 = arith.muli %scan3A_310, %mul3A_1028 : i32
        %add3A_1030 = arith.constant 5 : i32
        %add3A_1031 = arith.addi %mul3A_1029, %add3A_1030 : i32
        %broadcast_in_dim3A_1032 = arith.constant 5 : i32
        %broadcast_in_dim3A_1033 = vector.broadcast %broadcast_in_dim3A_1032 : i32 to vector<16xi32>
        %broadcast_in_dim3A_1034 = vector.shape_cast %broadcast_in_dim3A_1033 : vector<16xi32> to vector<16x1xi32>
        %gather3A_1035 = vector.shape_cast %broadcast_in_dim3A_1034 : vector<16x1xi32> to vector<16xi32>
        %gather3A_1036 = tpu.dynamic_gather %get3A_316[%gather3A_1035] in [0] : vector<16xf32>, vector<16xi32> -> vector<16xf32>
        %broadcast_in_dim3A_1037 = vector.shape_cast %broadcast_in_dim3A_1033 : vector<16xi32> to vector<16x1xi32>
        %gather3A_1038 = vector.shape_cast %broadcast_in_dim3A_1037 : vector<16x1xi32> to vector<16xi32>
        %gather3A_1039 = tpu.dynamic_gather %get3A_321[%gather3A_1038] in [0] : vector<16xf32>, vector<16xi32> -> vector<16xf32>
        %get3A_1040 = arith.constant 0 : i32
        %get3A_1041 = arith.index_cast %get3A_1040 : i32 to index
        %get3A_1042 = arith.index_cast %add3A_1031 : i32 to index
        %get3A_1043 = arith.constant 0 : index
        %get3A_1044 = tpu.vector_load %arg8[%get3A_1041, %get3A_1042, %get3A_1043] {strides = array<i32>} : memref<12x128x16xf32, #tpu.memory_space<vmem>>, vector<1x1x16xf32>,
        %get3A_1045 = vector.shape_cast %get3A_1044 : vector<1x1x16xf32> to vector<16xf32>
        %get3A_1046 = arith.constant 1 : i32
        %get3A_1047 = arith.index_cast %get3A_1046 : i32 to index
        %get3A_1048 = arith.index_cast %add3A_1031 : i32 to index
        %get3A_1049 = arith.constant 0 : index
        %get3A_1050 = tpu.vector_load %arg8[%get3A_1047, %get3A_1048, %get3A_1049] {strides = array<i32>} : memref<12x128x16xf32, #tpu.memory_space<vmem>>, vector<1x1x16xf32>,
        %get3A_1051 = vector.shape_cast %get3A_1050 : vector<1x1x16xf32> to vector<16xf32>
        %get3A_1052 = arith.constant 2 : i32
        %get3A_1053 = arith.index_cast %get3A_1052 : i32 to index
        %get3A_1054 = arith.index_cast %add3A_1031 : i32 to index
        %get3A_1055 = arith.constant 0 : index
        %get3A_1056 = tpu.vector_load %arg8[%get3A_1053, %get3A_1054, %get3A_1055] {strides = array<i32>} : memref<12x128x16xf32, #tpu.memory_space<vmem>>, vector<1x1x16xf32>,
        %get3A_1057 = vector.shape_cast %get3A_1056 : vector<1x1x16xf32> to vector<16xf32>
        %get3A_1058 = arith.constant 3 : i32
        %get3A_1059 = arith.index_cast %get3A_1058 : i32 to index
        %get3A_1060 = arith.index_cast %add3A_1031 : i32 to index
        %get3A_1061 = arith.constant 0 : index
        %get3A_1062 = tpu.vector_load %arg8[%get3A_1059, %get3A_1060, %get3A_1061] {strides = array<i32>} : memref<12x128x16xf32, #tpu.memory_space<vmem>>, vector<1x1x16xf32>,
        %get3A_1063 = vector.shape_cast %get3A_1062 : vector<1x1x16xf32> to vector<16xf32>
        %sub3A_1064 = arith.subf %get3A_1051, %get3A_1045 : vector<16xf32>
        %mul3A_1065 = arith.mulf %gather3A_1036, %sub3A_1064 : vector<16xf32>
        %add3A_1066 = arith.addf %get3A_1045, %mul3A_1065 : vector<16xf32>
        %sub3A_1067 = arith.subf %get3A_1063, %get3A_1057 : vector<16xf32>
        %mul3A_1068 = arith.mulf %gather3A_1036, %sub3A_1067 : vector<16xf32>
        %add3A_1069 = arith.addf %get3A_1057, %mul3A_1068 : vector<16xf32>
        %sub3A_1070 = arith.subf %add3A_1069, %add3A_1066 : vector<16xf32>
        %mul3A_1071 = arith.mulf %gather3A_1039, %sub3A_1070 : vector<16xf32>
        %add3A_1072 = arith.addf %add3A_1066, %mul3A_1071 : vector<16xf32>
        %swap3A_1073 = arith.index_cast %add3A_1031 : i32 to index
        %swap3A_1074 = arith.constant 0 : index
        %swap3A_1075 = tpu.vector_load %arg9[%swap3A_1073, %swap3A_1074] {strides = array<i32>} : memref<128x48xf32, #tpu.memory_space<vmem>>, vector<1x16xf32>,
        %swap3A_1076 = vector.shape_cast %swap3A_1075 : vector<1x16xf32> to vector<16xf32>
        %swap3A_1077 = vector.shape_cast %add3A_1072 : vector<16xf32> to vector<1x16xf32>
        tpu.vector_store %arg9[%swap3A_1073, %swap3A_1074], %swap3A_1077 {strides = array<i32>} : memref<128x48xf32, #tpu.memory_space<vmem>>, vector<1x16xf32>,
        %broadcast_in_dim3A_1078 = vector.shape_cast %broadcast_in_dim3A_1033 : vector<16xi32> to vector<16x1xi32>
        %gather3A_1079 = vector.shape_cast %broadcast_in_dim3A_1078 : vector<16x1xi32> to vector<16xi32>
        %gather3A_1080 = tpu.dynamic_gather %get3A_326[%gather3A_1079] in [0] : vector<16xf32>, vector<16xi32> -> vector<16xf32>
        %broadcast_in_dim3A_1081 = vector.shape_cast %broadcast_in_dim3A_1033 : vector<16xi32> to vector<16x1xi32>
        %gather3A_1082 = vector.shape_cast %broadcast_in_dim3A_1081 : vector<16x1xi32> to vector<16xi32>
        %gather3A_1083 = tpu.dynamic_gather %get3A_331[%gather3A_1082] in [0] : vector<16xf32>, vector<16xi32> -> vector<16xf32>
        %get3A_1084 = arith.constant 4 : i32
        %get3A_1085 = arith.index_cast %get3A_1084 : i32 to index
        %get3A_1086 = arith.index_cast %add3A_1031 : i32 to index
        %get3A_1087 = arith.constant 0 : index
        %get3A_1088 = tpu.vector_load %arg8[%get3A_1085, %get3A_1086, %get3A_1087] {strides = array<i32>} : memref<12x128x16xf32, #tpu.memory_space<vmem>>, vector<1x1x16xf32>,
        %get3A_1089 = vector.shape_cast %get3A_1088 : vector<1x1x16xf32> to vector<16xf32>
        %get3A_1090 = arith.constant 5 : i32
        %get3A_1091 = arith.index_cast %get3A_1090 : i32 to index
        %get3A_1092 = arith.index_cast %add3A_1031 : i32 to index
        %get3A_1093 = arith.constant 0 : index
        %get3A_1094 = tpu.vector_load %arg8[%get3A_1091, %get3A_1092, %get3A_1093] {strides = array<i32>} : memref<12x128x16xf32, #tpu.memory_space<vmem>>, vector<1x1x16xf32>,
        %get3A_1095 = vector.shape_cast %get3A_1094 : vector<1x1x16xf32> to vector<16xf32>
        %get3A_1096 = arith.constant 6 : i32
        %get3A_1097 = arith.index_cast %get3A_1096 : i32 to index
        %get3A_1098 = arith.index_cast %add3A_1031 : i32 to index
        %get3A_1099 = arith.constant 0 : index
        %get3A_1100 = tpu.vector_load %arg8[%get3A_1097, %get3A_1098, %get3A_1099] {strides = array<i32>} : memref<12x128x16xf32, #tpu.memory_space<vmem>>, vector<1x1x16xf32>,
        %get3A_1101 = vector.shape_cast %get3A_1100 : vector<1x1x16xf32> to vector<16xf32>
        %get3A_1102 = arith.constant 7 : i32
        %get3A_1103 = arith.index_cast %get3A_1102 : i32 to index
        %get3A_1104 = arith.index_cast %add3A_1031 : i32 to index
        %get3A_1105 = arith.constant 0 : index
        %get3A_1106 = tpu.vector_load %arg8[%get3A_1103, %get3A_1104, %get3A_1105] {strides = array<i32>} : memref<12x128x16xf32, #tpu.memory_space<vmem>>, vector<1x1x16xf32>,
        %get3A_1107 = vector.shape_cast %get3A_1106 : vector<1x1x16xf32> to vector<16xf32>
        %sub3A_1108 = arith.subf %get3A_1095, %get3A_1089 : vector<16xf32>
        %mul3A_1109 = arith.mulf %gather3A_1080, %sub3A_1108 : vector<16xf32>
        %add3A_1110 = arith.addf %get3A_1089, %mul3A_1109 : vector<16xf32>
        %sub3A_1111 = arith.subf %get3A_1107, %get3A_1101 : vector<16xf32>
        %mul3A_1112 = arith.mulf %gather3A_1080, %sub3A_1111 : vector<16xf32>
        %add3A_1113 = arith.addf %get3A_1101, %mul3A_1112 : vector<16xf32>
        %sub3A_1114 = arith.subf %add3A_1113, %add3A_1110 : vector<16xf32>
        %mul3A_1115 = arith.mulf %gather3A_1083, %sub3A_1114 : vector<16xf32>
        %add3A_1116 = arith.addf %add3A_1110, %mul3A_1115 : vector<16xf32>
        %swap3A_1117 = arith.index_cast %add3A_1031 : i32 to index
        %swap3A_1118 = arith.constant 16 : index
        %swap3A_1119 = tpu.vector_load %arg9[%swap3A_1117, %swap3A_1118] {strides = array<i32>} : memref<128x48xf32, #tpu.memory_space<vmem>>, vector<1x16xf32>,
        %swap3A_1120 = vector.shape_cast %swap3A_1119 : vector<1x16xf32> to vector<16xf32>
        %swap3A_1121 = vector.shape_cast %add3A_1116 : vector<16xf32> to vector<1x16xf32>
        tpu.vector_store %arg9[%swap3A_1117, %swap3A_1118], %swap3A_1121 {strides = array<i32>} : memref<128x48xf32, #tpu.memory_space<vmem>>, vector<1x16xf32>,
        %broadcast_in_dim3A_1122 = vector.shape_cast %broadcast_in_dim3A_1033 : vector<16xi32> to vector<16x1xi32>
        %gather3A_1123 = vector.shape_cast %broadcast_in_dim3A_1122 : vector<16x1xi32> to vector<16xi32>
        %gather3A_1124 = tpu.dynamic_gather %get3A_336[%gather3A_1123] in [0] : vector<16xf32>, vector<16xi32> -> vector<16xf32>
        %broadcast_in_dim3A_1125 = vector.shape_cast %broadcast_in_dim3A_1033 : vector<16xi32> to vector<16x1xi32>
        %gather3A_1126 = vector.shape_cast %broadcast_in_dim3A_1125 : vector<16x1xi32> to vector<16xi32>
        %gather3A_1127 = tpu.dynamic_gather %get3A_341[%gather3A_1126] in [0] : vector<16xf32>, vector<16xi32> -> vector<16xf32>
        %get3A_1128 = arith.constant 8 : i32
        %get3A_1129 = arith.index_cast %get3A_1128 : i32 to index
        %get3A_1130 = arith.index_cast %add3A_1031 : i32 to index
        %get3A_1131 = arith.constant 0 : index
        %get3A_1132 = tpu.vector_load %arg8[%get3A_1129, %get3A_1130, %get3A_1131] {strides = array<i32>} : memref<12x128x16xf32, #tpu.memory_space<vmem>>, vector<1x1x16xf32>,
        %get3A_1133 = vector.shape_cast %get3A_1132 : vector<1x1x16xf32> to vector<16xf32>
        %get3A_1134 = arith.constant 9 : i32
        %get3A_1135 = arith.index_cast %get3A_1134 : i32 to index
        %get3A_1136 = arith.index_cast %add3A_1031 : i32 to index
        %get3A_1137 = arith.constant 0 : index
        %get3A_1138 = tpu.vector_load %arg8[%get3A_1135, %get3A_1136, %get3A_1137] {strides = array<i32>} : memref<12x128x16xf32, #tpu.memory_space<vmem>>, vector<1x1x16xf32>,
        %get3A_1139 = vector.shape_cast %get3A_1138 : vector<1x1x16xf32> to vector<16xf32>
        %get3A_1140 = arith.constant 10 : i32
        %get3A_1141 = arith.index_cast %get3A_1140 : i32 to index
        %get3A_1142 = arith.index_cast %add3A_1031 : i32 to index
        %get3A_1143 = arith.constant 0 : index
        %get3A_1144 = tpu.vector_load %arg8[%get3A_1141, %get3A_1142, %get3A_1143] {strides = array<i32>} : memref<12x128x16xf32, #tpu.memory_space<vmem>>, vector<1x1x16xf32>,
        %get3A_1145 = vector.shape_cast %get3A_1144 : vector<1x1x16xf32> to vector<16xf32>
        %get3A_1146 = arith.constant 11 : i32
        %get3A_1147 = arith.index_cast %get3A_1146 : i32 to index
        %get3A_1148 = arith.index_cast %add3A_1031 : i32 to index
        %get3A_1149 = arith.constant 0 : index
        %get3A_1150 = tpu.vector_load %arg8[%get3A_1147, %get3A_1148, %get3A_1149] {strides = array<i32>} : memref<12x128x16xf32, #tpu.memory_space<vmem>>, vector<1x1x16xf32>,
        %get3A_1151 = vector.shape_cast %get3A_1150 : vector<1x1x16xf32> to vector<16xf32>
        %sub3A_1152 = arith.subf %get3A_1139, %get3A_1133 : vector<16xf32>
        %mul3A_1153 = arith.mulf %gather3A_1124, %sub3A_1152 : vector<16xf32>
        %add3A_1154 = arith.addf %get3A_1133, %mul3A_1153 : vector<16xf32>
        %sub3A_1155 = arith.subf %get3A_1151, %get3A_1145 : vector<16xf32>
        %mul3A_1156 = arith.mulf %gather3A_1124, %sub3A_1155 : vector<16xf32>
        %add3A_1157 = arith.addf %get3A_1145, %mul3A_1156 : vector<16xf32>
        %sub3A_1158 = arith.subf %add3A_1157, %add3A_1154 : vector<16xf32>
        %mul3A_1159 = arith.mulf %gather3A_1127, %sub3A_1158 : vector<16xf32>
        %add3A_1160 = arith.addf %add3A_1154, %mul3A_1159 : vector<16xf32>
        %swap3A_1161 = arith.index_cast %add3A_1031 : i32 to index
        %swap3A_1162 = arith.constant 32 : index
        %swap3A_1163 = tpu.vector_load %arg9[%swap3A_1161, %swap3A_1162] {strides = array<i32>} : memref<128x48xf32, #tpu.memory_space<vmem>>, vector<1x16xf32>,
        %swap3A_1164 = vector.shape_cast %swap3A_1163 : vector<1x16xf32> to vector<16xf32>
        %swap3A_1165 = vector.shape_cast %add3A_1160 : vector<16xf32> to vector<1x16xf32>
        tpu.vector_store %arg9[%swap3A_1161, %swap3A_1162], %swap3A_1165 {strides = array<i32>} : memref<128x48xf32, #tpu.memory_space<vmem>>, vector<1x16xf32>,
        %mul3A_1166 = arith.constant 16 : i32
        %mul3A_1167 = arith.muli %scan3A_310, %mul3A_1166 : i32
        %add3A_1168 = arith.constant 6 : i32
        %add3A_1169 = arith.addi %mul3A_1167, %add3A_1168 : i32
        %broadcast_in_dim3A_1170 = arith.constant 6 : i32
        %broadcast_in_dim3A_1171 = vector.broadcast %broadcast_in_dim3A_1170 : i32 to vector<16xi32>
        %broadcast_in_dim3A_1172 = vector.shape_cast %broadcast_in_dim3A_1171 : vector<16xi32> to vector<16x1xi32>
        %gather3A_1173 = vector.shape_cast %broadcast_in_dim3A_1172 : vector<16x1xi32> to vector<16xi32>
        %gather3A_1174 = tpu.dynamic_gather %get3A_316[%gather3A_1173] in [0] : vector<16xf32>, vector<16xi32> -> vector<16xf32>
        %broadcast_in_dim3A_1175 = vector.shape_cast %broadcast_in_dim3A_1171 : vector<16xi32> to vector<16x1xi32>
        %gather3A_1176 = vector.shape_cast %broadcast_in_dim3A_1175 : vector<16x1xi32> to vector<16xi32>
        %gather3A_1177 = tpu.dynamic_gather %get3A_321[%gather3A_1176] in [0] : vector<16xf32>, vector<16xi32> -> vector<16xf32>
        %get3A_1178 = arith.constant 0 : i32
        %get3A_1179 = arith.index_cast %get3A_1178 : i32 to index
        %get3A_1180 = arith.index_cast %add3A_1169 : i32 to index
        %get3A_1181 = arith.constant 0 : index
        %get3A_1182 = tpu.vector_load %arg8[%get3A_1179, %get3A_1180, %get3A_1181] {strides = array<i32>} : memref<12x128x16xf32, #tpu.memory_space<vmem>>, vector<1x1x16xf32>,
        %get3A_1183 = vector.shape_cast %get3A_1182 : vector<1x1x16xf32> to vector<16xf32>
        %get3A_1184 = arith.constant 1 : i32
        %get3A_1185 = arith.index_cast %get3A_1184 : i32 to index
        %get3A_1186 = arith.index_cast %add3A_1169 : i32 to index
        %get3A_1187 = arith.constant 0 : index
        %get3A_1188 = tpu.vector_load %arg8[%get3A_1185, %get3A_1186, %get3A_1187] {strides = array<i32>} : memref<12x128x16xf32, #tpu.memory_space<vmem>>, vector<1x1x16xf32>,
        %get3A_1189 = vector.shape_cast %get3A_1188 : vector<1x1x16xf32> to vector<16xf32>
        %get3A_1190 = arith.constant 2 : i32
        %get3A_1191 = arith.index_cast %get3A_1190 : i32 to index
        %get3A_1192 = arith.index_cast %add3A_1169 : i32 to index
        %get3A_1193 = arith.constant 0 : index
        %get3A_1194 = tpu.vector_load %arg8[%get3A_1191, %get3A_1192, %get3A_1193] {strides = array<i32>} : memref<12x128x16xf32, #tpu.memory_space<vmem>>, vector<1x1x16xf32>,
        %get3A_1195 = vector.shape_cast %get3A_1194 : vector<1x1x16xf32> to vector<16xf32>
        %get3A_1196 = arith.constant 3 : i32
        %get3A_1197 = arith.index_cast %get3A_1196 : i32 to index
        %get3A_1198 = arith.index_cast %add3A_1169 : i32 to index
        %get3A_1199 = arith.constant 0 : index
        %get3A_1200 = tpu.vector_load %arg8[%get3A_1197, %get3A_1198, %get3A_1199] {strides = array<i32>} : memref<12x128x16xf32, #tpu.memory_space<vmem>>, vector<1x1x16xf32>,
        %get3A_1201 = vector.shape_cast %get3A_1200 : vector<1x1x16xf32> to vector<16xf32>
        %sub3A_1202 = arith.subf %get3A_1189, %get3A_1183 : vector<16xf32>
        %mul3A_1203 = arith.mulf %gather3A_1174, %sub3A_1202 : vector<16xf32>
        %add3A_1204 = arith.addf %get3A_1183, %mul3A_1203 : vector<16xf32>
        %sub3A_1205 = arith.subf %get3A_1201, %get3A_1195 : vector<16xf32>
        %mul3A_1206 = arith.mulf %gather3A_1174, %sub3A_1205 : vector<16xf32>
        %add3A_1207 = arith.addf %get3A_1195, %mul3A_1206 : vector<16xf32>
        %sub3A_1208 = arith.subf %add3A_1207, %add3A_1204 : vector<16xf32>
        %mul3A_1209 = arith.mulf %gather3A_1177, %sub3A_1208 : vector<16xf32>
        %add3A_1210 = arith.addf %add3A_1204, %mul3A_1209 : vector<16xf32>
        %swap3A_1211 = arith.index_cast %add3A_1169 : i32 to index
        %swap3A_1212 = arith.constant 0 : index
        %swap3A_1213 = tpu.vector_load %arg9[%swap3A_1211, %swap3A_1212] {strides = array<i32>} : memref<128x48xf32, #tpu.memory_space<vmem>>, vector<1x16xf32>,
        %swap3A_1214 = vector.shape_cast %swap3A_1213 : vector<1x16xf32> to vector<16xf32>
        %swap3A_1215 = vector.shape_cast %add3A_1210 : vector<16xf32> to vector<1x16xf32>
        tpu.vector_store %arg9[%swap3A_1211, %swap3A_1212], %swap3A_1215 {strides = array<i32>} : memref<128x48xf32, #tpu.memory_space<vmem>>, vector<1x16xf32>,
        %broadcast_in_dim3A_1216 = vector.shape_cast %broadcast_in_dim3A_1171 : vector<16xi32> to vector<16x1xi32>
        %gather3A_1217 = vector.shape_cast %broadcast_in_dim3A_1216 : vector<16x1xi32> to vector<16xi32>
        %gather3A_1218 = tpu.dynamic_gather %get3A_326[%gather3A_1217] in [0] : vector<16xf32>, vector<16xi32> -> vector<16xf32>
        %broadcast_in_dim3A_1219 = vector.shape_cast %broadcast_in_dim3A_1171 : vector<16xi32> to vector<16x1xi32>
        %gather3A_1220 = vector.shape_cast %broadcast_in_dim3A_1219 : vector<16x1xi32> to vector<16xi32>
        %gather3A_1221 = tpu.dynamic_gather %get3A_331[%gather3A_1220] in [0] : vector<16xf32>, vector<16xi32> -> vector<16xf32>
        %get3A_1222 = arith.constant 4 : i32
        %get3A_1223 = arith.index_cast %get3A_1222 : i32 to index
        %get3A_1224 = arith.index_cast %add3A_1169 : i32 to index
        %get3A_1225 = arith.constant 0 : index
        %get3A_1226 = tpu.vector_load %arg8[%get3A_1223, %get3A_1224, %get3A_1225] {strides = array<i32>} : memref<12x128x16xf32, #tpu.memory_space<vmem>>, vector<1x1x16xf32>,
        %get3A_1227 = vector.shape_cast %get3A_1226 : vector<1x1x16xf32> to vector<16xf32>
        %get3A_1228 = arith.constant 5 : i32
        %get3A_1229 = arith.index_cast %get3A_1228 : i32 to index
        %get3A_1230 = arith.index_cast %add3A_1169 : i32 to index
        %get3A_1231 = arith.constant 0 : index
        %get3A_1232 = tpu.vector_load %arg8[%get3A_1229, %get3A_1230, %get3A_1231] {strides = array<i32>} : memref<12x128x16xf32, #tpu.memory_space<vmem>>, vector<1x1x16xf32>,
        %get3A_1233 = vector.shape_cast %get3A_1232 : vector<1x1x16xf32> to vector<16xf32>
        %get3A_1234 = arith.constant 6 : i32
        %get3A_1235 = arith.index_cast %get3A_1234 : i32 to index
        %get3A_1236 = arith.index_cast %add3A_1169 : i32 to index
        %get3A_1237 = arith.constant 0 : index
        %get3A_1238 = tpu.vector_load %arg8[%get3A_1235, %get3A_1236, %get3A_1237] {strides = array<i32>} : memref<12x128x16xf32, #tpu.memory_space<vmem>>, vector<1x1x16xf32>,
        %get3A_1239 = vector.shape_cast %get3A_1238 : vector<1x1x16xf32> to vector<16xf32>
        %get3A_1240 = arith.constant 7 : i32
        %get3A_1241 = arith.index_cast %get3A_1240 : i32 to index
        %get3A_1242 = arith.index_cast %add3A_1169 : i32 to index
        %get3A_1243 = arith.constant 0 : index
        %get3A_1244 = tpu.vector_load %arg8[%get3A_1241, %get3A_1242, %get3A_1243] {strides = array<i32>} : memref<12x128x16xf32, #tpu.memory_space<vmem>>, vector<1x1x16xf32>,
        %get3A_1245 = vector.shape_cast %get3A_1244 : vector<1x1x16xf32> to vector<16xf32>
        %sub3A_1246 = arith.subf %get3A_1233, %get3A_1227 : vector<16xf32>
        %mul3A_1247 = arith.mulf %gather3A_1218, %sub3A_1246 : vector<16xf32>
        %add3A_1248 = arith.addf %get3A_1227, %mul3A_1247 : vector<16xf32>
        %sub3A_1249 = arith.subf %get3A_1245, %get3A_1239 : vector<16xf32>
        %mul3A_1250 = arith.mulf %gather3A_1218, %sub3A_1249 : vector<16xf32>
        %add3A_1251 = arith.addf %get3A_1239, %mul3A_1250 : vector<16xf32>
        %sub3A_1252 = arith.subf %add3A_1251, %add3A_1248 : vector<16xf32>
        %mul3A_1253 = arith.mulf %gather3A_1221, %sub3A_1252 : vector<16xf32>
        %add3A_1254 = arith.addf %add3A_1248, %mul3A_1253 : vector<16xf32>
        %swap3A_1255 = arith.index_cast %add3A_1169 : i32 to index
        %swap3A_1256 = arith.constant 16 : index
        %swap3A_1257 = tpu.vector_load %arg9[%swap3A_1255, %swap3A_1256] {strides = array<i32>} : memref<128x48xf32, #tpu.memory_space<vmem>>, vector<1x16xf32>,
        %swap3A_1258 = vector.shape_cast %swap3A_1257 : vector<1x16xf32> to vector<16xf32>
        %swap3A_1259 = vector.shape_cast %add3A_1254 : vector<16xf32> to vector<1x16xf32>
        tpu.vector_store %arg9[%swap3A_1255, %swap3A_1256], %swap3A_1259 {strides = array<i32>} : memref<128x48xf32, #tpu.memory_space<vmem>>, vector<1x16xf32>,
        %broadcast_in_dim3A_1260 = vector.shape_cast %broadcast_in_dim3A_1171 : vector<16xi32> to vector<16x1xi32>
        %gather3A_1261 = vector.shape_cast %broadcast_in_dim3A_1260 : vector<16x1xi32> to vector<16xi32>
        %gather3A_1262 = tpu.dynamic_gather %get3A_336[%gather3A_1261] in [0] : vector<16xf32>, vector<16xi32> -> vector<16xf32>
        %broadcast_in_dim3A_1263 = vector.shape_cast %broadcast_in_dim3A_1171 : vector<16xi32> to vector<16x1xi32>
        %gather3A_1264 = vector.shape_cast %broadcast_in_dim3A_1263 : vector<16x1xi32> to vector<16xi32>
        %gather3A_1265 = tpu.dynamic_gather %get3A_341[%gather3A_1264] in [0] : vector<16xf32>, vector<16xi32> -> vector<16xf32>
        %get3A_1266 = arith.constant 8 : i32
        %get3A_1267 = arith.index_cast %get3A_1266 : i32 to index
        %get3A_1268 = arith.index_cast %add3A_1169 : i32 to index
        %get3A_1269 = arith.constant 0 : index
        %get3A_1270 = tpu.vector_load %arg8[%get3A_1267, %get3A_1268, %get3A_1269] {strides = array<i32>} : memref<12x128x16xf32, #tpu.memory_space<vmem>>, vector<1x1x16xf32>,
        %get3A_1271 = vector.shape_cast %get3A_1270 : vector<1x1x16xf32> to vector<16xf32>
        %get3A_1272 = arith.constant 9 : i32
        %get3A_1273 = arith.index_cast %get3A_1272 : i32 to index
        %get3A_1274 = arith.index_cast %add3A_1169 : i32 to index
        %get3A_1275 = arith.constant 0 : index
        %get3A_1276 = tpu.vector_load %arg8[%get3A_1273, %get3A_1274, %get3A_1275] {strides = array<i32>} : memref<12x128x16xf32, #tpu.memory_space<vmem>>, vector<1x1x16xf32>,
        %get3A_1277 = vector.shape_cast %get3A_1276 : vector<1x1x16xf32> to vector<16xf32>
        %get3A_1278 = arith.constant 10 : i32
        %get3A_1279 = arith.index_cast %get3A_1278 : i32 to index
        %get3A_1280 = arith.index_cast %add3A_1169 : i32 to index
        %get3A_1281 = arith.constant 0 : index
        %get3A_1282 = tpu.vector_load %arg8[%get3A_1279, %get3A_1280, %get3A_1281] {strides = array<i32>} : memref<12x128x16xf32, #tpu.memory_space<vmem>>, vector<1x1x16xf32>,
        %get3A_1283 = vector.shape_cast %get3A_1282 : vector<1x1x16xf32> to vector<16xf32>
        %get3A_1284 = arith.constant 11 : i32
        %get3A_1285 = arith.index_cast %get3A_1284 : i32 to index
        %get3A_1286 = arith.index_cast %add3A_1169 : i32 to index
        %get3A_1287 = arith.constant 0 : index
        %get3A_1288 = tpu.vector_load %arg8[%get3A_1285, %get3A_1286, %get3A_1287] {strides = array<i32>} : memref<12x128x16xf32, #tpu.memory_space<vmem>>, vector<1x1x16xf32>,
        %get3A_1289 = vector.shape_cast %get3A_1288 : vector<1x1x16xf32> to vector<16xf32>
        %sub3A_1290 = arith.subf %get3A_1277, %get3A_1271 : vector<16xf32>
        %mul3A_1291 = arith.mulf %gather3A_1262, %sub3A_1290 : vector<16xf32>
        %add3A_1292 = arith.addf %get3A_1271, %mul3A_1291 : vector<16xf32>
        %sub3A_1293 = arith.subf %get3A_1289, %get3A_1283 : vector<16xf32>
        %mul3A_1294 = arith.mulf %gather3A_1262, %sub3A_1293 : vector<16xf32>
        %add3A_1295 = arith.addf %get3A_1283, %mul3A_1294 : vector<16xf32>
        %sub3A_1296 = arith.subf %add3A_1295, %add3A_1292 : vector<16xf32>
        %mul3A_1297 = arith.mulf %gather3A_1265, %sub3A_1296 : vector<16xf32>
        %add3A_1298 = arith.addf %add3A_1292, %mul3A_1297 : vector<16xf32>
        %swap3A_1299 = arith.index_cast %add3A_1169 : i32 to index
        %swap3A_1300 = arith.constant 32 : index
        %swap3A_1301 = tpu.vector_load %arg9[%swap3A_1299, %swap3A_1300] {strides = array<i32>} : memref<128x48xf32, #tpu.memory_space<vmem>>, vector<1x16xf32>,
        %swap3A_1302 = vector.shape_cast %swap3A_1301 : vector<1x16xf32> to vector<16xf32>
        %swap3A_1303 = vector.shape_cast %add3A_1298 : vector<16xf32> to vector<1x16xf32>
        tpu.vector_store %arg9[%swap3A_1299, %swap3A_1300], %swap3A_1303 {strides = array<i32>} : memref<128x48xf32, #tpu.memory_space<vmem>>, vector<1x16xf32>,
        %mul3A_1304 = arith.constant 16 : i32
        %mul3A_1305 = arith.muli %scan3A_310, %mul3A_1304 : i32
        %add3A_1306 = arith.constant 7 : i32
        %add3A_1307 = arith.addi %mul3A_1305, %add3A_1306 : i32
        %broadcast_in_dim3A_1308 = arith.constant 7 : i32
        %broadcast_in_dim3A_1309 = vector.broadcast %broadcast_in_dim3A_1308 : i32 to vector<16xi32>
        %broadcast_in_dim3A_1310 = vector.shape_cast %broadcast_in_dim3A_1309 : vector<16xi32> to vector<16x1xi32>
        %gather3A_1311 = vector.shape_cast %broadcast_in_dim3A_1310 : vector<16x1xi32> to vector<16xi32>
        %gather3A_1312 = tpu.dynamic_gather %get3A_316[%gather3A_1311] in [0] : vector<16xf32>, vector<16xi32> -> vector<16xf32>
        %broadcast_in_dim3A_1313 = vector.shape_cast %broadcast_in_dim3A_1309 : vector<16xi32> to vector<16x1xi32>
        %gather3A_1314 = vector.shape_cast %broadcast_in_dim3A_1313 : vector<16x1xi32> to vector<16xi32>
        %gather3A_1315 = tpu.dynamic_gather %get3A_321[%gather3A_1314] in [0] : vector<16xf32>, vector<16xi32> -> vector<16xf32>
        %get3A_1316 = arith.constant 0 : i32
        %get3A_1317 = arith.index_cast %get3A_1316 : i32 to index
        %get3A_1318 = arith.index_cast %add3A_1307 : i32 to index
        %get3A_1319 = arith.constant 0 : index
        %get3A_1320 = tpu.vector_load %arg8[%get3A_1317, %get3A_1318, %get3A_1319] {strides = array<i32>} : memref<12x128x16xf32, #tpu.memory_space<vmem>>, vector<1x1x16xf32>,
        %get3A_1321 = vector.shape_cast %get3A_1320 : vector<1x1x16xf32> to vector<16xf32>
        %get3A_1322 = arith.constant 1 : i32
        %get3A_1323 = arith.index_cast %get3A_1322 : i32 to index
        %get3A_1324 = arith.index_cast %add3A_1307 : i32 to index
        %get3A_1325 = arith.constant 0 : index
        %get3A_1326 = tpu.vector_load %arg8[%get3A_1323, %get3A_1324, %get3A_1325] {strides = array<i32>} : memref<12x128x16xf32, #tpu.memory_space<vmem>>, vector<1x1x16xf32>,
        %get3A_1327 = vector.shape_cast %get3A_1326 : vector<1x1x16xf32> to vector<16xf32>
        %get3A_1328 = arith.constant 2 : i32
        %get3A_1329 = arith.index_cast %get3A_1328 : i32 to index
        %get3A_1330 = arith.index_cast %add3A_1307 : i32 to index
        %get3A_1331 = arith.constant 0 : index
        %get3A_1332 = tpu.vector_load %arg8[%get3A_1329, %get3A_1330, %get3A_1331] {strides = array<i32>} : memref<12x128x16xf32, #tpu.memory_space<vmem>>, vector<1x1x16xf32>,
        %get3A_1333 = vector.shape_cast %get3A_1332 : vector<1x1x16xf32> to vector<16xf32>
        %get3A_1334 = arith.constant 3 : i32
        %get3A_1335 = arith.index_cast %get3A_1334 : i32 to index
        %get3A_1336 = arith.index_cast %add3A_1307 : i32 to index
        %get3A_1337 = arith.constant 0 : index
        %get3A_1338 = tpu.vector_load %arg8[%get3A_1335, %get3A_1336, %get3A_1337] {strides = array<i32>} : memref<12x128x16xf32, #tpu.memory_space<vmem>>, vector<1x1x16xf32>,
        %get3A_1339 = vector.shape_cast %get3A_1338 : vector<1x1x16xf32> to vector<16xf32>
        %sub3A_1340 = arith.subf %get3A_1327, %get3A_1321 : vector<16xf32>
        %mul3A_1341 = arith.mulf %gather3A_1312, %sub3A_1340 : vector<16xf32>
        %add3A_1342 = arith.addf %get3A_1321, %mul3A_1341 : vector<16xf32>
        %sub3A_1343 = arith.subf %get3A_1339, %get3A_1333 : vector<16xf32>
        %mul3A_1344 = arith.mulf %gather3A_1312, %sub3A_1343 : vector<16xf32>
        %add3A_1345 = arith.addf %get3A_1333, %mul3A_1344 : vector<16xf32>
        %sub3A_1346 = arith.subf %add3A_1345, %add3A_1342 : vector<16xf32>
        %mul3A_1347 = arith.mulf %gather3A_1315, %sub3A_1346 : vector<16xf32>
        %add3A_1348 = arith.addf %add3A_1342, %mul3A_1347 : vector<16xf32>
        %swap3A_1349 = arith.index_cast %add3A_1307 : i32 to index
        %swap3A_1350 = arith.constant 0 : index
        %swap3A_1351 = tpu.vector_load %arg9[%swap3A_1349, %swap3A_1350] {strides = array<i32>} : memref<128x48xf32, #tpu.memory_space<vmem>>, vector<1x16xf32>,
        %swap3A_1352 = vector.shape_cast %swap3A_1351 : vector<1x16xf32> to vector<16xf32>
        %swap3A_1353 = vector.shape_cast %add3A_1348 : vector<16xf32> to vector<1x16xf32>
        tpu.vector_store %arg9[%swap3A_1349, %swap3A_1350], %swap3A_1353 {strides = array<i32>} : memref<128x48xf32, #tpu.memory_space<vmem>>, vector<1x16xf32>,
        %broadcast_in_dim3A_1354 = vector.shape_cast %broadcast_in_dim3A_1309 : vector<16xi32> to vector<16x1xi32>
        %gather3A_1355 = vector.shape_cast %broadcast_in_dim3A_1354 : vector<16x1xi32> to vector<16xi32>
        %gather3A_1356 = tpu.dynamic_gather %get3A_326[%gather3A_1355] in [0] : vector<16xf32>, vector<16xi32> -> vector<16xf32>
        %broadcast_in_dim3A_1357 = vector.shape_cast %broadcast_in_dim3A_1309 : vector<16xi32> to vector<16x1xi32>
        %gather3A_1358 = vector.shape_cast %broadcast_in_dim3A_1357 : vector<16x1xi32> to vector<16xi32>
        %gather3A_1359 = tpu.dynamic_gather %get3A_331[%gather3A_1358] in [0] : vector<16xf32>, vector<16xi32> -> vector<16xf32>
        %get3A_1360 = arith.constant 4 : i32
        %get3A_1361 = arith.index_cast %get3A_1360 : i32 to index
        %get3A_1362 = arith.index_cast %add3A_1307 : i32 to index
        %get3A_1363 = arith.constant 0 : index
        %get3A_1364 = tpu.vector_load %arg8[%get3A_1361, %get3A_1362, %get3A_1363] {strides = array<i32>} : memref<12x128x16xf32, #tpu.memory_space<vmem>>, vector<1x1x16xf32>,
        %get3A_1365 = vector.shape_cast %get3A_1364 : vector<1x1x16xf32> to vector<16xf32>
        %get3A_1366 = arith.constant 5 : i32
        %get3A_1367 = arith.index_cast %get3A_1366 : i32 to index
        %get3A_1368 = arith.index_cast %add3A_1307 : i32 to index
        %get3A_1369 = arith.constant 0 : index
        %get3A_1370 = tpu.vector_load %arg8[%get3A_1367, %get3A_1368, %get3A_1369] {strides = array<i32>} : memref<12x128x16xf32, #tpu.memory_space<vmem>>, vector<1x1x16xf32>,
        %get3A_1371 = vector.shape_cast %get3A_1370 : vector<1x1x16xf32> to vector<16xf32>
        %get3A_1372 = arith.constant 6 : i32
        %get3A_1373 = arith.index_cast %get3A_1372 : i32 to index
        %get3A_1374 = arith.index_cast %add3A_1307 : i32 to index
        %get3A_1375 = arith.constant 0 : index
        %get3A_1376 = tpu.vector_load %arg8[%get3A_1373, %get3A_1374, %get3A_1375] {strides = array<i32>} : memref<12x128x16xf32, #tpu.memory_space<vmem>>, vector<1x1x16xf32>,
        %get3A_1377 = vector.shape_cast %get3A_1376 : vector<1x1x16xf32> to vector<16xf32>
        %get3A_1378 = arith.constant 7 : i32
        %get3A_1379 = arith.index_cast %get3A_1378 : i32 to index
        %get3A_1380 = arith.index_cast %add3A_1307 : i32 to index
        %get3A_1381 = arith.constant 0 : index
        %get3A_1382 = tpu.vector_load %arg8[%get3A_1379, %get3A_1380, %get3A_1381] {strides = array<i32>} : memref<12x128x16xf32, #tpu.memory_space<vmem>>, vector<1x1x16xf32>,
        %get3A_1383 = vector.shape_cast %get3A_1382 : vector<1x1x16xf32> to vector<16xf32>
        %sub3A_1384 = arith.subf %get3A_1371, %get3A_1365 : vector<16xf32>
        %mul3A_1385 = arith.mulf %gather3A_1356, %sub3A_1384 : vector<16xf32>
        %add3A_1386 = arith.addf %get3A_1365, %mul3A_1385 : vector<16xf32>
        %sub3A_1387 = arith.subf %get3A_1383, %get3A_1377 : vector<16xf32>
        %mul3A_1388 = arith.mulf %gather3A_1356, %sub3A_1387 : vector<16xf32>
        %add3A_1389 = arith.addf %get3A_1377, %mul3A_1388 : vector<16xf32>
        %sub3A_1390 = arith.subf %add3A_1389, %add3A_1386 : vector<16xf32>
        %mul3A_1391 = arith.mulf %gather3A_1359, %sub3A_1390 : vector<16xf32>
        %add3A_1392 = arith.addf %add3A_1386, %mul3A_1391 : vector<16xf32>
        %swap3A_1393 = arith.index_cast %add3A_1307 : i32 to index
        %swap3A_1394 = arith.constant 16 : index
        %swap3A_1395 = tpu.vector_load %arg9[%swap3A_1393, %swap3A_1394] {strides = array<i32>} : memref<128x48xf32, #tpu.memory_space<vmem>>, vector<1x16xf32>,
        %swap3A_1396 = vector.shape_cast %swap3A_1395 : vector<1x16xf32> to vector<16xf32>
        %swap3A_1397 = vector.shape_cast %add3A_1392 : vector<16xf32> to vector<1x16xf32>
        tpu.vector_store %arg9[%swap3A_1393, %swap3A_1394], %swap3A_1397 {strides = array<i32>} : memref<128x48xf32, #tpu.memory_space<vmem>>, vector<1x16xf32>,
        %broadcast_in_dim3A_1398 = vector.shape_cast %broadcast_in_dim3A_1309 : vector<16xi32> to vector<16x1xi32>
        %gather3A_1399 = vector.shape_cast %broadcast_in_dim3A_1398 : vector<16x1xi32> to vector<16xi32>
        %gather3A_1400 = tpu.dynamic_gather %get3A_336[%gather3A_1399] in [0] : vector<16xf32>, vector<16xi32> -> vector<16xf32>
        %broadcast_in_dim3A_1401 = vector.shape_cast %broadcast_in_dim3A_1309 : vector<16xi32> to vector<16x1xi32>
        %gather3A_1402 = vector.shape_cast %broadcast_in_dim3A_1401 : vector<16x1xi32> to vector<16xi32>
        %gather3A_1403 = tpu.dynamic_gather %get3A_341[%gather3A_1402] in [0] : vector<16xf32>, vector<16xi32> -> vector<16xf32>
        %get3A_1404 = arith.constant 8 : i32
        %get3A_1405 = arith.index_cast %get3A_1404 : i32 to index
        %get3A_1406 = arith.index_cast %add3A_1307 : i32 to index
        %get3A_1407 = arith.constant 0 : index
        %get3A_1408 = tpu.vector_load %arg8[%get3A_1405, %get3A_1406, %get3A_1407] {strides = array<i32>} : memref<12x128x16xf32, #tpu.memory_space<vmem>>, vector<1x1x16xf32>,
        %get3A_1409 = vector.shape_cast %get3A_1408 : vector<1x1x16xf32> to vector<16xf32>
        %get3A_1410 = arith.constant 9 : i32
        %get3A_1411 = arith.index_cast %get3A_1410 : i32 to index
        %get3A_1412 = arith.index_cast %add3A_1307 : i32 to index
        %get3A_1413 = arith.constant 0 : index
        %get3A_1414 = tpu.vector_load %arg8[%get3A_1411, %get3A_1412, %get3A_1413] {strides = array<i32>} : memref<12x128x16xf32, #tpu.memory_space<vmem>>, vector<1x1x16xf32>,
        %get3A_1415 = vector.shape_cast %get3A_1414 : vector<1x1x16xf32> to vector<16xf32>
        %get3A_1416 = arith.constant 10 : i32
        %get3A_1417 = arith.index_cast %get3A_1416 : i32 to index
        %get3A_1418 = arith.index_cast %add3A_1307 : i32 to index
        %get3A_1419 = arith.constant 0 : index
        %get3A_1420 = tpu.vector_load %arg8[%get3A_1417, %get3A_1418, %get3A_1419] {strides = array<i32>} : memref<12x128x16xf32, #tpu.memory_space<vmem>>, vector<1x1x16xf32>,
        %get3A_1421 = vector.shape_cast %get3A_1420 : vector<1x1x16xf32> to vector<16xf32>
        %get3A_1422 = arith.constant 11 : i32
        %get3A_1423 = arith.index_cast %get3A_1422 : i32 to index
        %get3A_1424 = arith.index_cast %add3A_1307 : i32 to index
        %get3A_1425 = arith.constant 0 : index
        %get3A_1426 = tpu.vector_load %arg8[%get3A_1423, %get3A_1424, %get3A_1425] {strides = array<i32>} : memref<12x128x16xf32, #tpu.memory_space<vmem>>, vector<1x1x16xf32>,
        %get3A_1427 = vector.shape_cast %get3A_1426 : vector<1x1x16xf32> to vector<16xf32>
        %sub3A_1428 = arith.subf %get3A_1415, %get3A_1409 : vector<16xf32>
        %mul3A_1429 = arith.mulf %gather3A_1400, %sub3A_1428 : vector<16xf32>
        %add3A_1430 = arith.addf %get3A_1409, %mul3A_1429 : vector<16xf32>
        %sub3A_1431 = arith.subf %get3A_1427, %get3A_1421 : vector<16xf32>
        %mul3A_1432 = arith.mulf %gather3A_1400, %sub3A_1431 : vector<16xf32>
        %add3A_1433 = arith.addf %get3A_1421, %mul3A_1432 : vector<16xf32>
        %sub3A_1434 = arith.subf %add3A_1433, %add3A_1430 : vector<16xf32>
        %mul3A_1435 = arith.mulf %gather3A_1403, %sub3A_1434 : vector<16xf32>
        %add3A_1436 = arith.addf %add3A_1430, %mul3A_1435 : vector<16xf32>
        %swap3A_1437 = arith.index_cast %add3A_1307 : i32 to index
        %swap3A_1438 = arith.constant 32 : index
        %swap3A_1439 = tpu.vector_load %arg9[%swap3A_1437, %swap3A_1438] {strides = array<i32>} : memref<128x48xf32, #tpu.memory_space<vmem>>, vector<1x16xf32>,
        %swap3A_1440 = vector.shape_cast %swap3A_1439 : vector<1x16xf32> to vector<16xf32>
        %swap3A_1441 = vector.shape_cast %add3A_1436 : vector<16xf32> to vector<1x16xf32>
        tpu.vector_store %arg9[%swap3A_1437, %swap3A_1438], %swap3A_1441 {strides = array<i32>} : memref<128x48xf32, #tpu.memory_space<vmem>>, vector<1x16xf32>,
        %mul3A_1442 = arith.constant 16 : i32
        %mul3A_1443 = arith.muli %scan3A_310, %mul3A_1442 : i32
        %add3A_1444 = arith.constant 8 : i32
        %add3A_1445 = arith.addi %mul3A_1443, %add3A_1444 : i32
        %broadcast_in_dim3A_1446 = arith.constant 8 : i32
        %broadcast_in_dim3A_1447 = vector.broadcast %broadcast_in_dim3A_1446 : i32 to vector<16xi32>
        %broadcast_in_dim3A_1448 = vector.shape_cast %broadcast_in_dim3A_1447 : vector<16xi32> to vector<16x1xi32>
        %gather3A_1449 = vector.shape_cast %broadcast_in_dim3A_1448 : vector<16x1xi32> to vector<16xi32>
        %gather3A_1450 = tpu.dynamic_gather %get3A_316[%gather3A_1449] in [0] : vector<16xf32>, vector<16xi32> -> vector<16xf32>
        %broadcast_in_dim3A_1451 = vector.shape_cast %broadcast_in_dim3A_1447 : vector<16xi32> to vector<16x1xi32>
        %gather3A_1452 = vector.shape_cast %broadcast_in_dim3A_1451 : vector<16x1xi32> to vector<16xi32>
        %gather3A_1453 = tpu.dynamic_gather %get3A_321[%gather3A_1452] in [0] : vector<16xf32>, vector<16xi32> -> vector<16xf32>
        %get3A_1454 = arith.constant 0 : i32
        %get3A_1455 = arith.index_cast %get3A_1454 : i32 to index
        %get3A_1456 = arith.index_cast %add3A_1445 : i32 to index
        %get3A_1457 = arith.constant 0 : index
        %get3A_1458 = tpu.vector_load %arg8[%get3A_1455, %get3A_1456, %get3A_1457] {strides = array<i32>} : memref<12x128x16xf32, #tpu.memory_space<vmem>>, vector<1x1x16xf32>,
        %get3A_1459 = vector.shape_cast %get3A_1458 : vector<1x1x16xf32> to vector<16xf32>
        %get3A_1460 = arith.constant 1 : i32
        %get3A_1461 = arith.index_cast %get3A_1460 : i32 to index
        %get3A_1462 = arith.index_cast %add3A_1445 : i32 to index
        %get3A_1463 = arith.constant 0 : index
        %get3A_1464 = tpu.vector_load %arg8[%get3A_1461, %get3A_1462, %get3A_1463] {strides = array<i32>} : memref<12x128x16xf32, #tpu.memory_space<vmem>>, vector<1x1x16xf32>,
        %get3A_1465 = vector.shape_cast %get3A_1464 : vector<1x1x16xf32> to vector<16xf32>
        %get3A_1466 = arith.constant 2 : i32
        %get3A_1467 = arith.index_cast %get3A_1466 : i32 to index
        %get3A_1468 = arith.index_cast %add3A_1445 : i32 to index
        %get3A_1469 = arith.constant 0 : index
        %get3A_1470 = tpu.vector_load %arg8[%get3A_1467, %get3A_1468, %get3A_1469] {strides = array<i32>} : memref<12x128x16xf32, #tpu.memory_space<vmem>>, vector<1x1x16xf32>,
        %get3A_1471 = vector.shape_cast %get3A_1470 : vector<1x1x16xf32> to vector<16xf32>
        %get3A_1472 = arith.constant 3 : i32
        %get3A_1473 = arith.index_cast %get3A_1472 : i32 to index
        %get3A_1474 = arith.index_cast %add3A_1445 : i32 to index
        %get3A_1475 = arith.constant 0 : index
        %get3A_1476 = tpu.vector_load %arg8[%get3A_1473, %get3A_1474, %get3A_1475] {strides = array<i32>} : memref<12x128x16xf32, #tpu.memory_space<vmem>>, vector<1x1x16xf32>,
        %get3A_1477 = vector.shape_cast %get3A_1476 : vector<1x1x16xf32> to vector<16xf32>
        %sub3A_1478 = arith.subf %get3A_1465, %get3A_1459 : vector<16xf32>
        %mul3A_1479 = arith.mulf %gather3A_1450, %sub3A_1478 : vector<16xf32>
        %add3A_1480 = arith.addf %get3A_1459, %mul3A_1479 : vector<16xf32>
        %sub3A_1481 = arith.subf %get3A_1477, %get3A_1471 : vector<16xf32>
        %mul3A_1482 = arith.mulf %gather3A_1450, %sub3A_1481 : vector<16xf32>
        %add3A_1483 = arith.addf %get3A_1471, %mul3A_1482 : vector<16xf32>
        %sub3A_1484 = arith.subf %add3A_1483, %add3A_1480 : vector<16xf32>
        %mul3A_1485 = arith.mulf %gather3A_1453, %sub3A_1484 : vector<16xf32>
        %add3A_1486 = arith.addf %add3A_1480, %mul3A_1485 : vector<16xf32>
        %swap3A_1487 = arith.index_cast %add3A_1445 : i32 to index
        %swap3A_1488 = arith.constant 0 : index
        %swap3A_1489 = tpu.vector_load %arg9[%swap3A_1487, %swap3A_1488] {strides = array<i32>} : memref<128x48xf32, #tpu.memory_space<vmem>>, vector<1x16xf32>,
        %swap3A_1490 = vector.shape_cast %swap3A_1489 : vector<1x16xf32> to vector<16xf32>
        %swap3A_1491 = vector.shape_cast %add3A_1486 : vector<16xf32> to vector<1x16xf32>
        tpu.vector_store %arg9[%swap3A_1487, %swap3A_1488], %swap3A_1491 {strides = array<i32>} : memref<128x48xf32, #tpu.memory_space<vmem>>, vector<1x16xf32>,
        %broadcast_in_dim3A_1492 = vector.shape_cast %broadcast_in_dim3A_1447 : vector<16xi32> to vector<16x1xi32>
        %gather3A_1493 = vector.shape_cast %broadcast_in_dim3A_1492 : vector<16x1xi32> to vector<16xi32>
        %gather3A_1494 = tpu.dynamic_gather %get3A_326[%gather3A_1493] in [0] : vector<16xf32>, vector<16xi32> -> vector<16xf32>
        %broadcast_in_dim3A_1495 = vector.shape_cast %broadcast_in_dim3A_1447 : vector<16xi32> to vector<16x1xi32>
        %gather3A_1496 = vector.shape_cast %broadcast_in_dim3A_1495 : vector<16x1xi32> to vector<16xi32>
        %gather3A_1497 = tpu.dynamic_gather %get3A_331[%gather3A_1496] in [0] : vector<16xf32>, vector<16xi32> -> vector<16xf32>
        %get3A_1498 = arith.constant 4 : i32
        %get3A_1499 = arith.index_cast %get3A_1498 : i32 to index
        %get3A_1500 = arith.index_cast %add3A_1445 : i32 to index
        %get3A_1501 = arith.constant 0 : index
        %get3A_1502 = tpu.vector_load %arg8[%get3A_1499, %get3A_1500, %get3A_1501] {strides = array<i32>} : memref<12x128x16xf32, #tpu.memory_space<vmem>>, vector<1x1x16xf32>,
        %get3A_1503 = vector.shape_cast %get3A_1502 : vector<1x1x16xf32> to vector<16xf32>
        %get3A_1504 = arith.constant 5 : i32
        %get3A_1505 = arith.index_cast %get3A_1504 : i32 to index
        %get3A_1506 = arith.index_cast %add3A_1445 : i32 to index
        %get3A_1507 = arith.constant 0 : index
        %get3A_1508 = tpu.vector_load %arg8[%get3A_1505, %get3A_1506, %get3A_1507] {strides = array<i32>} : memref<12x128x16xf32, #tpu.memory_space<vmem>>, vector<1x1x16xf32>,
        %get3A_1509 = vector.shape_cast %get3A_1508 : vector<1x1x16xf32> to vector<16xf32>
        %get3A_1510 = arith.constant 6 : i32
        %get3A_1511 = arith.index_cast %get3A_1510 : i32 to index
        %get3A_1512 = arith.index_cast %add3A_1445 : i32 to index
        %get3A_1513 = arith.constant 0 : index
        %get3A_1514 = tpu.vector_load %arg8[%get3A_1511, %get3A_1512, %get3A_1513] {strides = array<i32>} : memref<12x128x16xf32, #tpu.memory_space<vmem>>, vector<1x1x16xf32>,
        %get3A_1515 = vector.shape_cast %get3A_1514 : vector<1x1x16xf32> to vector<16xf32>
        %get3A_1516 = arith.constant 7 : i32
        %get3A_1517 = arith.index_cast %get3A_1516 : i32 to index
        %get3A_1518 = arith.index_cast %add3A_1445 : i32 to index
        %get3A_1519 = arith.constant 0 : index
        %get3A_1520 = tpu.vector_load %arg8[%get3A_1517, %get3A_1518, %get3A_1519] {strides = array<i32>} : memref<12x128x16xf32, #tpu.memory_space<vmem>>, vector<1x1x16xf32>,
        %get3A_1521 = vector.shape_cast %get3A_1520 : vector<1x1x16xf32> to vector<16xf32>
        %sub3A_1522 = arith.subf %get3A_1509, %get3A_1503 : vector<16xf32>
        %mul3A_1523 = arith.mulf %gather3A_1494, %sub3A_1522 : vector<16xf32>
        %add3A_1524 = arith.addf %get3A_1503, %mul3A_1523 : vector<16xf32>
        %sub3A_1525 = arith.subf %get3A_1521, %get3A_1515 : vector<16xf32>
        %mul3A_1526 = arith.mulf %gather3A_1494, %sub3A_1525 : vector<16xf32>
        %add3A_1527 = arith.addf %get3A_1515, %mul3A_1526 : vector<16xf32>
        %sub3A_1528 = arith.subf %add3A_1527, %add3A_1524 : vector<16xf32>
        %mul3A_1529 = arith.mulf %gather3A_1497, %sub3A_1528 : vector<16xf32>
        %add3A_1530 = arith.addf %add3A_1524, %mul3A_1529 : vector<16xf32>
        %swap3A_1531 = arith.index_cast %add3A_1445 : i32 to index
        %swap3A_1532 = arith.constant 16 : index
        %swap3A_1533 = tpu.vector_load %arg9[%swap3A_1531, %swap3A_1532] {strides = array<i32>} : memref<128x48xf32, #tpu.memory_space<vmem>>, vector<1x16xf32>,
        %swap3A_1534 = vector.shape_cast %swap3A_1533 : vector<1x16xf32> to vector<16xf32>
        %swap3A_1535 = vector.shape_cast %add3A_1530 : vector<16xf32> to vector<1x16xf32>
        tpu.vector_store %arg9[%swap3A_1531, %swap3A_1532], %swap3A_1535 {strides = array<i32>} : memref<128x48xf32, #tpu.memory_space<vmem>>, vector<1x16xf32>,
        %broadcast_in_dim3A_1536 = vector.shape_cast %broadcast_in_dim3A_1447 : vector<16xi32> to vector<16x1xi32>
        %gather3A_1537 = vector.shape_cast %broadcast_in_dim3A_1536 : vector<16x1xi32> to vector<16xi32>
        %gather3A_1538 = tpu.dynamic_gather %get3A_336[%gather3A_1537] in [0] : vector<16xf32>, vector<16xi32> -> vector<16xf32>
        %broadcast_in_dim3A_1539 = vector.shape_cast %broadcast_in_dim3A_1447 : vector<16xi32> to vector<16x1xi32>
        %gather3A_1540 = vector.shape_cast %broadcast_in_dim3A_1539 : vector<16x1xi32> to vector<16xi32>
        %gather3A_1541 = tpu.dynamic_gather %get3A_341[%gather3A_1540] in [0] : vector<16xf32>, vector<16xi32> -> vector<16xf32>
        %get3A_1542 = arith.constant 8 : i32
        %get3A_1543 = arith.index_cast %get3A_1542 : i32 to index
        %get3A_1544 = arith.index_cast %add3A_1445 : i32 to index
        %get3A_1545 = arith.constant 0 : index
        %get3A_1546 = tpu.vector_load %arg8[%get3A_1543, %get3A_1544, %get3A_1545] {strides = array<i32>} : memref<12x128x16xf32, #tpu.memory_space<vmem>>, vector<1x1x16xf32>,
        %get3A_1547 = vector.shape_cast %get3A_1546 : vector<1x1x16xf32> to vector<16xf32>
        %get3A_1548 = arith.constant 9 : i32
        %get3A_1549 = arith.index_cast %get3A_1548 : i32 to index
        %get3A_1550 = arith.index_cast %add3A_1445 : i32 to index
        %get3A_1551 = arith.constant 0 : index
        %get3A_1552 = tpu.vector_load %arg8[%get3A_1549, %get3A_1550, %get3A_1551] {strides = array<i32>} : memref<12x128x16xf32, #tpu.memory_space<vmem>>, vector<1x1x16xf32>,
        %get3A_1553 = vector.shape_cast %get3A_1552 : vector<1x1x16xf32> to vector<16xf32>
        %get3A_1554 = arith.constant 10 : i32
        %get3A_1555 = arith.index_cast %get3A_1554 : i32 to index
        %get3A_1556 = arith.index_cast %add3A_1445 : i32 to index
        %get3A_1557 = arith.constant 0 : index
        %get3A_1558 = tpu.vector_load %arg8[%get3A_1555, %get3A_1556, %get3A_1557] {strides = array<i32>} : memref<12x128x16xf32, #tpu.memory_space<vmem>>, vector<1x1x16xf32>,
        %get3A_1559 = vector.shape_cast %get3A_1558 : vector<1x1x16xf32> to vector<16xf32>
        %get3A_1560 = arith.constant 11 : i32
        %get3A_1561 = arith.index_cast %get3A_1560 : i32 to index
        %get3A_1562 = arith.index_cast %add3A_1445 : i32 to index
        %get3A_1563 = arith.constant 0 : index
        %get3A_1564 = tpu.vector_load %arg8[%get3A_1561, %get3A_1562, %get3A_1563] {strides = array<i32>} : memref<12x128x16xf32, #tpu.memory_space<vmem>>, vector<1x1x16xf32>,
        %get3A_1565 = vector.shape_cast %get3A_1564 : vector<1x1x16xf32> to vector<16xf32>
        %sub3A_1566 = arith.subf %get3A_1553, %get3A_1547 : vector<16xf32>
        %mul3A_1567 = arith.mulf %gather3A_1538, %sub3A_1566 : vector<16xf32>
        %add3A_1568 = arith.addf %get3A_1547, %mul3A_1567 : vector<16xf32>
        %sub3A_1569 = arith.subf %get3A_1565, %get3A_1559 : vector<16xf32>
        %mul3A_1570 = arith.mulf %gather3A_1538, %sub3A_1569 : vector<16xf32>
        %add3A_1571 = arith.addf %get3A_1559, %mul3A_1570 : vector<16xf32>
        %sub3A_1572 = arith.subf %add3A_1571, %add3A_1568 : vector<16xf32>
        %mul3A_1573 = arith.mulf %gather3A_1541, %sub3A_1572 : vector<16xf32>
        %add3A_1574 = arith.addf %add3A_1568, %mul3A_1573 : vector<16xf32>
        %swap3A_1575 = arith.index_cast %add3A_1445 : i32 to index
        %swap3A_1576 = arith.constant 32 : index
        %swap3A_1577 = tpu.vector_load %arg9[%swap3A_1575, %swap3A_1576] {strides = array<i32>} : memref<128x48xf32, #tpu.memory_space<vmem>>, vector<1x16xf32>,
        %swap3A_1578 = vector.shape_cast %swap3A_1577 : vector<1x16xf32> to vector<16xf32>
        %swap3A_1579 = vector.shape_cast %add3A_1574 : vector<16xf32> to vector<1x16xf32>
        tpu.vector_store %arg9[%swap3A_1575, %swap3A_1576], %swap3A_1579 {strides = array<i32>} : memref<128x48xf32, #tpu.memory_space<vmem>>, vector<1x16xf32>,
        %mul3A_1580 = arith.constant 16 : i32
        %mul3A_1581 = arith.muli %scan3A_310, %mul3A_1580 : i32
        %add3A_1582 = arith.constant 9 : i32
        %add3A_1583 = arith.addi %mul3A_1581, %add3A_1582 : i32
        %broadcast_in_dim3A_1584 = arith.constant 9 : i32
        %broadcast_in_dim3A_1585 = vector.broadcast %broadcast_in_dim3A_1584 : i32 to vector<16xi32>
        %broadcast_in_dim3A_1586 = vector.shape_cast %broadcast_in_dim3A_1585 : vector<16xi32> to vector<16x1xi32>
        %gather3A_1587 = vector.shape_cast %broadcast_in_dim3A_1586 : vector<16x1xi32> to vector<16xi32>
        %gather3A_1588 = tpu.dynamic_gather %get3A_316[%gather3A_1587] in [0] : vector<16xf32>, vector<16xi32> -> vector<16xf32>
        %broadcast_in_dim3A_1589 = vector.shape_cast %broadcast_in_dim3A_1585 : vector<16xi32> to vector<16x1xi32>
        %gather3A_1590 = vector.shape_cast %broadcast_in_dim3A_1589 : vector<16x1xi32> to vector<16xi32>
        %gather3A_1591 = tpu.dynamic_gather %get3A_321[%gather3A_1590] in [0] : vector<16xf32>, vector<16xi32> -> vector<16xf32>
        %get3A_1592 = arith.constant 0 : i32
        %get3A_1593 = arith.index_cast %get3A_1592 : i32 to index
        %get3A_1594 = arith.index_cast %add3A_1583 : i32 to index
        %get3A_1595 = arith.constant 0 : index
        %get3A_1596 = tpu.vector_load %arg8[%get3A_1593, %get3A_1594, %get3A_1595] {strides = array<i32>} : memref<12x128x16xf32, #tpu.memory_space<vmem>>, vector<1x1x16xf32>,
        %get3A_1597 = vector.shape_cast %get3A_1596 : vector<1x1x16xf32> to vector<16xf32>
        %get3A_1598 = arith.constant 1 : i32
        %get3A_1599 = arith.index_cast %get3A_1598 : i32 to index
        %get3A_1600 = arith.index_cast %add3A_1583 : i32 to index
        %get3A_1601 = arith.constant 0 : index
        %get3A_1602 = tpu.vector_load %arg8[%get3A_1599, %get3A_1600, %get3A_1601] {strides = array<i32>} : memref<12x128x16xf32, #tpu.memory_space<vmem>>, vector<1x1x16xf32>,
        %get3A_1603 = vector.shape_cast %get3A_1602 : vector<1x1x16xf32> to vector<16xf32>
        %get3A_1604 = arith.constant 2 : i32
        %get3A_1605 = arith.index_cast %get3A_1604 : i32 to index
        %get3A_1606 = arith.index_cast %add3A_1583 : i32 to index
        %get3A_1607 = arith.constant 0 : index
        %get3A_1608 = tpu.vector_load %arg8[%get3A_1605, %get3A_1606, %get3A_1607] {strides = array<i32>} : memref<12x128x16xf32, #tpu.memory_space<vmem>>, vector<1x1x16xf32>,
        %get3A_1609 = vector.shape_cast %get3A_1608 : vector<1x1x16xf32> to vector<16xf32>
        %get3A_1610 = arith.constant 3 : i32
        %get3A_1611 = arith.index_cast %get3A_1610 : i32 to index
        %get3A_1612 = arith.index_cast %add3A_1583 : i32 to index
        %get3A_1613 = arith.constant 0 : index
        %get3A_1614 = tpu.vector_load %arg8[%get3A_1611, %get3A_1612, %get3A_1613] {strides = array<i32>} : memref<12x128x16xf32, #tpu.memory_space<vmem>>, vector<1x1x16xf32>,
        %get3A_1615 = vector.shape_cast %get3A_1614 : vector<1x1x16xf32> to vector<16xf32>
        %sub3A_1616 = arith.subf %get3A_1603, %get3A_1597 : vector<16xf32>
        %mul3A_1617 = arith.mulf %gather3A_1588, %sub3A_1616 : vector<16xf32>
        %add3A_1618 = arith.addf %get3A_1597, %mul3A_1617 : vector<16xf32>
        %sub3A_1619 = arith.subf %get3A_1615, %get3A_1609 : vector<16xf32>
        %mul3A_1620 = arith.mulf %gather3A_1588, %sub3A_1619 : vector<16xf32>
        %add3A_1621 = arith.addf %get3A_1609, %mul3A_1620 : vector<16xf32>
        %sub3A_1622 = arith.subf %add3A_1621, %add3A_1618 : vector<16xf32>
        %mul3A_1623 = arith.mulf %gather3A_1591, %sub3A_1622 : vector<16xf32>
        %add3A_1624 = arith.addf %add3A_1618, %mul3A_1623 : vector<16xf32>
        %swap3A_1625 = arith.index_cast %add3A_1583 : i32 to index
        %swap3A_1626 = arith.constant 0 : index
        %swap3A_1627 = tpu.vector_load %arg9[%swap3A_1625, %swap3A_1626] {strides = array<i32>} : memref<128x48xf32, #tpu.memory_space<vmem>>, vector<1x16xf32>,
        %swap3A_1628 = vector.shape_cast %swap3A_1627 : vector<1x16xf32> to vector<16xf32>
        %swap3A_1629 = vector.shape_cast %add3A_1624 : vector<16xf32> to vector<1x16xf32>
        tpu.vector_store %arg9[%swap3A_1625, %swap3A_1626], %swap3A_1629 {strides = array<i32>} : memref<128x48xf32, #tpu.memory_space<vmem>>, vector<1x16xf32>,
        %broadcast_in_dim3A_1630 = vector.shape_cast %broadcast_in_dim3A_1585 : vector<16xi32> to vector<16x1xi32>
        %gather3A_1631 = vector.shape_cast %broadcast_in_dim3A_1630 : vector<16x1xi32> to vector<16xi32>
        %gather3A_1632 = tpu.dynamic_gather %get3A_326[%gather3A_1631] in [0] : vector<16xf32>, vector<16xi32> -> vector<16xf32>
        %broadcast_in_dim3A_1633 = vector.shape_cast %broadcast_in_dim3A_1585 : vector<16xi32> to vector<16x1xi32>
        %gather3A_1634 = vector.shape_cast %broadcast_in_dim3A_1633 : vector<16x1xi32> to vector<16xi32>
        %gather3A_1635 = tpu.dynamic_gather %get3A_331[%gather3A_1634] in [0] : vector<16xf32>, vector<16xi32> -> vector<16xf32>
        %get3A_1636 = arith.constant 4 : i32
        %get3A_1637 = arith.index_cast %get3A_1636 : i32 to index
        %get3A_1638 = arith.index_cast %add3A_1583 : i32 to index
        %get3A_1639 = arith.constant 0 : index
        %get3A_1640 = tpu.vector_load %arg8[%get3A_1637, %get3A_1638, %get3A_1639] {strides = array<i32>} : memref<12x128x16xf32, #tpu.memory_space<vmem>>, vector<1x1x16xf32>,
        %get3A_1641 = vector.shape_cast %get3A_1640 : vector<1x1x16xf32> to vector<16xf32>
        %get3A_1642 = arith.constant 5 : i32
        %get3A_1643 = arith.index_cast %get3A_1642 : i32 to index
        %get3A_1644 = arith.index_cast %add3A_1583 : i32 to index
        %get3A_1645 = arith.constant 0 : index
        %get3A_1646 = tpu.vector_load %arg8[%get3A_1643, %get3A_1644, %get3A_1645] {strides = array<i32>} : memref<12x128x16xf32, #tpu.memory_space<vmem>>, vector<1x1x16xf32>,
        %get3A_1647 = vector.shape_cast %get3A_1646 : vector<1x1x16xf32> to vector<16xf32>
        %get3A_1648 = arith.constant 6 : i32
        %get3A_1649 = arith.index_cast %get3A_1648 : i32 to index
        %get3A_1650 = arith.index_cast %add3A_1583 : i32 to index
        %get3A_1651 = arith.constant 0 : index
        %get3A_1652 = tpu.vector_load %arg8[%get3A_1649, %get3A_1650, %get3A_1651] {strides = array<i32>} : memref<12x128x16xf32, #tpu.memory_space<vmem>>, vector<1x1x16xf32>,
        %get3A_1653 = vector.shape_cast %get3A_1652 : vector<1x1x16xf32> to vector<16xf32>
        %get3A_1654 = arith.constant 7 : i32
        %get3A_1655 = arith.index_cast %get3A_1654 : i32 to index
        %get3A_1656 = arith.index_cast %add3A_1583 : i32 to index
        %get3A_1657 = arith.constant 0 : index
        %get3A_1658 = tpu.vector_load %arg8[%get3A_1655, %get3A_1656, %get3A_1657] {strides = array<i32>} : memref<12x128x16xf32, #tpu.memory_space<vmem>>, vector<1x1x16xf32>,
        %get3A_1659 = vector.shape_cast %get3A_1658 : vector<1x1x16xf32> to vector<16xf32>
        %sub3A_1660 = arith.subf %get3A_1647, %get3A_1641 : vector<16xf32>
        %mul3A_1661 = arith.mulf %gather3A_1632, %sub3A_1660 : vector<16xf32>
        %add3A_1662 = arith.addf %get3A_1641, %mul3A_1661 : vector<16xf32>
        %sub3A_1663 = arith.subf %get3A_1659, %get3A_1653 : vector<16xf32>
        %mul3A_1664 = arith.mulf %gather3A_1632, %sub3A_1663 : vector<16xf32>
        %add3A_1665 = arith.addf %get3A_1653, %mul3A_1664 : vector<16xf32>
        %sub3A_1666 = arith.subf %add3A_1665, %add3A_1662 : vector<16xf32>
        %mul3A_1667 = arith.mulf %gather3A_1635, %sub3A_1666 : vector<16xf32>
        %add3A_1668 = arith.addf %add3A_1662, %mul3A_1667 : vector<16xf32>
        %swap3A_1669 = arith.index_cast %add3A_1583 : i32 to index
        %swap3A_1670 = arith.constant 16 : index
        %swap3A_1671 = tpu.vector_load %arg9[%swap3A_1669, %swap3A_1670] {strides = array<i32>} : memref<128x48xf32, #tpu.memory_space<vmem>>, vector<1x16xf32>,
        %swap3A_1672 = vector.shape_cast %swap3A_1671 : vector<1x16xf32> to vector<16xf32>
        %swap3A_1673 = vector.shape_cast %add3A_1668 : vector<16xf32> to vector<1x16xf32>
        tpu.vector_store %arg9[%swap3A_1669, %swap3A_1670], %swap3A_1673 {strides = array<i32>} : memref<128x48xf32, #tpu.memory_space<vmem>>, vector<1x16xf32>,
        %broadcast_in_dim3A_1674 = vector.shape_cast %broadcast_in_dim3A_1585 : vector<16xi32> to vector<16x1xi32>
        %gather3A_1675 = vector.shape_cast %broadcast_in_dim3A_1674 : vector<16x1xi32> to vector<16xi32>
        %gather3A_1676 = tpu.dynamic_gather %get3A_336[%gather3A_1675] in [0] : vector<16xf32>, vector<16xi32> -> vector<16xf32>
        %broadcast_in_dim3A_1677 = vector.shape_cast %broadcast_in_dim3A_1585 : vector<16xi32> to vector<16x1xi32>
        %gather3A_1678 = vector.shape_cast %broadcast_in_dim3A_1677 : vector<16x1xi32> to vector<16xi32>
        %gather3A_1679 = tpu.dynamic_gather %get3A_341[%gather3A_1678] in [0] : vector<16xf32>, vector<16xi32> -> vector<16xf32>
        %get3A_1680 = arith.constant 8 : i32
        %get3A_1681 = arith.index_cast %get3A_1680 : i32 to index
        %get3A_1682 = arith.index_cast %add3A_1583 : i32 to index
        %get3A_1683 = arith.constant 0 : index
        %get3A_1684 = tpu.vector_load %arg8[%get3A_1681, %get3A_1682, %get3A_1683] {strides = array<i32>} : memref<12x128x16xf32, #tpu.memory_space<vmem>>, vector<1x1x16xf32>,
        %get3A_1685 = vector.shape_cast %get3A_1684 : vector<1x1x16xf32> to vector<16xf32>
        %get3A_1686 = arith.constant 9 : i32
        %get3A_1687 = arith.index_cast %get3A_1686 : i32 to index
        %get3A_1688 = arith.index_cast %add3A_1583 : i32 to index
        %get3A_1689 = arith.constant 0 : index
        %get3A_1690 = tpu.vector_load %arg8[%get3A_1687, %get3A_1688, %get3A_1689] {strides = array<i32>} : memref<12x128x16xf32, #tpu.memory_space<vmem>>, vector<1x1x16xf32>,
        %get3A_1691 = vector.shape_cast %get3A_1690 : vector<1x1x16xf32> to vector<16xf32>
        %get3A_1692 = arith.constant 10 : i32
        %get3A_1693 = arith.index_cast %get3A_1692 : i32 to index
        %get3A_1694 = arith.index_cast %add3A_1583 : i32 to index
        %get3A_1695 = arith.constant 0 : index
        %get3A_1696 = tpu.vector_load %arg8[%get3A_1693, %get3A_1694, %get3A_1695] {strides = array<i32>} : memref<12x128x16xf32, #tpu.memory_space<vmem>>, vector<1x1x16xf32>,
        %get3A_1697 = vector.shape_cast %get3A_1696 : vector<1x1x16xf32> to vector<16xf32>
        %get3A_1698 = arith.constant 11 : i32
        %get3A_1699 = arith.index_cast %get3A_1698 : i32 to index
        %get3A_1700 = arith.index_cast %add3A_1583 : i32 to index
        %get3A_1701 = arith.constant 0 : index
        %get3A_1702 = tpu.vector_load %arg8[%get3A_1699, %get3A_1700, %get3A_1701] {strides = array<i32>} : memref<12x128x16xf32, #tpu.memory_space<vmem>>, vector<1x1x16xf32>,
        %get3A_1703 = vector.shape_cast %get3A_1702 : vector<1x1x16xf32> to vector<16xf32>
        %sub3A_1704 = arith.subf %get3A_1691, %get3A_1685 : vector<16xf32>
        %mul3A_1705 = arith.mulf %gather3A_1676, %sub3A_1704 : vector<16xf32>
        %add3A_1706 = arith.addf %get3A_1685, %mul3A_1705 : vector<16xf32>
        %sub3A_1707 = arith.subf %get3A_1703, %get3A_1697 : vector<16xf32>
        %mul3A_1708 = arith.mulf %gather3A_1676, %sub3A_1707 : vector<16xf32>
        %add3A_1709 = arith.addf %get3A_1697, %mul3A_1708 : vector<16xf32>
        %sub3A_1710 = arith.subf %add3A_1709, %add3A_1706 : vector<16xf32>
        %mul3A_1711 = arith.mulf %gather3A_1679, %sub3A_1710 : vector<16xf32>
        %add3A_1712 = arith.addf %add3A_1706, %mul3A_1711 : vector<16xf32>
        %swap3A_1713 = arith.index_cast %add3A_1583 : i32 to index
        %swap3A_1714 = arith.constant 32 : index
        %swap3A_1715 = tpu.vector_load %arg9[%swap3A_1713, %swap3A_1714] {strides = array<i32>} : memref<128x48xf32, #tpu.memory_space<vmem>>, vector<1x16xf32>,
        %swap3A_1716 = vector.shape_cast %swap3A_1715 : vector<1x16xf32> to vector<16xf32>
        %swap3A_1717 = vector.shape_cast %add3A_1712 : vector<16xf32> to vector<1x16xf32>
        tpu.vector_store %arg9[%swap3A_1713, %swap3A_1714], %swap3A_1717 {strides = array<i32>} : memref<128x48xf32, #tpu.memory_space<vmem>>, vector<1x16xf32>,
        %mul3A_1718 = arith.constant 16 : i32
        %mul3A_1719 = arith.muli %scan3A_310, %mul3A_1718 : i32
        %add3A_1720 = arith.constant 10 : i32
        %add3A_1721 = arith.addi %mul3A_1719, %add3A_1720 : i32
        %broadcast_in_dim3A_1722 = arith.constant 10 : i32
        %broadcast_in_dim3A_1723 = vector.broadcast %broadcast_in_dim3A_1722 : i32 to vector<16xi32>
        %broadcast_in_dim3A_1724 = vector.shape_cast %broadcast_in_dim3A_1723 : vector<16xi32> to vector<16x1xi32>
        %gather3A_1725 = vector.shape_cast %broadcast_in_dim3A_1724 : vector<16x1xi32> to vector<16xi32>
        %gather3A_1726 = tpu.dynamic_gather %get3A_316[%gather3A_1725] in [0] : vector<16xf32>, vector<16xi32> -> vector<16xf32>
        %broadcast_in_dim3A_1727 = vector.shape_cast %broadcast_in_dim3A_1723 : vector<16xi32> to vector<16x1xi32>
        %gather3A_1728 = vector.shape_cast %broadcast_in_dim3A_1727 : vector<16x1xi32> to vector<16xi32>
        %gather3A_1729 = tpu.dynamic_gather %get3A_321[%gather3A_1728] in [0] : vector<16xf32>, vector<16xi32> -> vector<16xf32>
        %get3A_1730 = arith.constant 0 : i32
        %get3A_1731 = arith.index_cast %get3A_1730 : i32 to index
        %get3A_1732 = arith.index_cast %add3A_1721 : i32 to index
        %get3A_1733 = arith.constant 0 : index
        %get3A_1734 = tpu.vector_load %arg8[%get3A_1731, %get3A_1732, %get3A_1733] {strides = array<i32>} : memref<12x128x16xf32, #tpu.memory_space<vmem>>, vector<1x1x16xf32>,
        %get3A_1735 = vector.shape_cast %get3A_1734 : vector<1x1x16xf32> to vector<16xf32>
        %get3A_1736 = arith.constant 1 : i32
        %get3A_1737 = arith.index_cast %get3A_1736 : i32 to index
        %get3A_1738 = arith.index_cast %add3A_1721 : i32 to index
        %get3A_1739 = arith.constant 0 : index
        %get3A_1740 = tpu.vector_load %arg8[%get3A_1737, %get3A_1738, %get3A_1739] {strides = array<i32>} : memref<12x128x16xf32, #tpu.memory_space<vmem>>, vector<1x1x16xf32>,
        %get3A_1741 = vector.shape_cast %get3A_1740 : vector<1x1x16xf32> to vector<16xf32>
        %get3A_1742 = arith.constant 2 : i32
        %get3A_1743 = arith.index_cast %get3A_1742 : i32 to index
        %get3A_1744 = arith.index_cast %add3A_1721 : i32 to index
        %get3A_1745 = arith.constant 0 : index
        %get3A_1746 = tpu.vector_load %arg8[%get3A_1743, %get3A_1744, %get3A_1745] {strides = array<i32>} : memref<12x128x16xf32, #tpu.memory_space<vmem>>, vector<1x1x16xf32>,
        %get3A_1747 = vector.shape_cast %get3A_1746 : vector<1x1x16xf32> to vector<16xf32>
        %get3A_1748 = arith.constant 3 : i32
        %get3A_1749 = arith.index_cast %get3A_1748 : i32 to index
        %get3A_1750 = arith.index_cast %add3A_1721 : i32 to index
        %get3A_1751 = arith.constant 0 : index
        %get3A_1752 = tpu.vector_load %arg8[%get3A_1749, %get3A_1750, %get3A_1751] {strides = array<i32>} : memref<12x128x16xf32, #tpu.memory_space<vmem>>, vector<1x1x16xf32>,
        %get3A_1753 = vector.shape_cast %get3A_1752 : vector<1x1x16xf32> to vector<16xf32>
        %sub3A_1754 = arith.subf %get3A_1741, %get3A_1735 : vector<16xf32>
        %mul3A_1755 = arith.mulf %gather3A_1726, %sub3A_1754 : vector<16xf32>
        %add3A_1756 = arith.addf %get3A_1735, %mul3A_1755 : vector<16xf32>
        %sub3A_1757 = arith.subf %get3A_1753, %get3A_1747 : vector<16xf32>
        %mul3A_1758 = arith.mulf %gather3A_1726, %sub3A_1757 : vector<16xf32>
        %add3A_1759 = arith.addf %get3A_1747, %mul3A_1758 : vector<16xf32>
        %sub3A_1760 = arith.subf %add3A_1759, %add3A_1756 : vector<16xf32>
        %mul3A_1761 = arith.mulf %gather3A_1729, %sub3A_1760 : vector<16xf32>
        %add3A_1762 = arith.addf %add3A_1756, %mul3A_1761 : vector<16xf32>
        %swap3A_1763 = arith.index_cast %add3A_1721 : i32 to index
        %swap3A_1764 = arith.constant 0 : index
        %swap3A_1765 = tpu.vector_load %arg9[%swap3A_1763, %swap3A_1764] {strides = array<i32>} : memref<128x48xf32, #tpu.memory_space<vmem>>, vector<1x16xf32>,
        %swap3A_1766 = vector.shape_cast %swap3A_1765 : vector<1x16xf32> to vector<16xf32>
        %swap3A_1767 = vector.shape_cast %add3A_1762 : vector<16xf32> to vector<1x16xf32>
        tpu.vector_store %arg9[%swap3A_1763, %swap3A_1764], %swap3A_1767 {strides = array<i32>} : memref<128x48xf32, #tpu.memory_space<vmem>>, vector<1x16xf32>,
        %broadcast_in_dim3A_1768 = vector.shape_cast %broadcast_in_dim3A_1723 : vector<16xi32> to vector<16x1xi32>
        %gather3A_1769 = vector.shape_cast %broadcast_in_dim3A_1768 : vector<16x1xi32> to vector<16xi32>
        %gather3A_1770 = tpu.dynamic_gather %get3A_326[%gather3A_1769] in [0] : vector<16xf32>, vector<16xi32> -> vector<16xf32>
        %broadcast_in_dim3A_1771 = vector.shape_cast %broadcast_in_dim3A_1723 : vector<16xi32> to vector<16x1xi32>
        %gather3A_1772 = vector.shape_cast %broadcast_in_dim3A_1771 : vector<16x1xi32> to vector<16xi32>
        %gather3A_1773 = tpu.dynamic_gather %get3A_331[%gather3A_1772] in [0] : vector<16xf32>, vector<16xi32> -> vector<16xf32>
        %get3A_1774 = arith.constant 4 : i32
        %get3A_1775 = arith.index_cast %get3A_1774 : i32 to index
        %get3A_1776 = arith.index_cast %add3A_1721 : i32 to index
        %get3A_1777 = arith.constant 0 : index
        %get3A_1778 = tpu.vector_load %arg8[%get3A_1775, %get3A_1776, %get3A_1777] {strides = array<i32>} : memref<12x128x16xf32, #tpu.memory_space<vmem>>, vector<1x1x16xf32>,
        %get3A_1779 = vector.shape_cast %get3A_1778 : vector<1x1x16xf32> to vector<16xf32>
        %get3A_1780 = arith.constant 5 : i32
        %get3A_1781 = arith.index_cast %get3A_1780 : i32 to index
        %get3A_1782 = arith.index_cast %add3A_1721 : i32 to index
        %get3A_1783 = arith.constant 0 : index
        %get3A_1784 = tpu.vector_load %arg8[%get3A_1781, %get3A_1782, %get3A_1783] {strides = array<i32>} : memref<12x128x16xf32, #tpu.memory_space<vmem>>, vector<1x1x16xf32>,
        %get3A_1785 = vector.shape_cast %get3A_1784 : vector<1x1x16xf32> to vector<16xf32>
        %get3A_1786 = arith.constant 6 : i32
        %get3A_1787 = arith.index_cast %get3A_1786 : i32 to index
        %get3A_1788 = arith.index_cast %add3A_1721 : i32 to index
        %get3A_1789 = arith.constant 0 : index
        %get3A_1790 = tpu.vector_load %arg8[%get3A_1787, %get3A_1788, %get3A_1789] {strides = array<i32>} : memref<12x128x16xf32, #tpu.memory_space<vmem>>, vector<1x1x16xf32>,
        %get3A_1791 = vector.shape_cast %get3A_1790 : vector<1x1x16xf32> to vector<16xf32>
        %get3A_1792 = arith.constant 7 : i32
        %get3A_1793 = arith.index_cast %get3A_1792 : i32 to index
        %get3A_1794 = arith.index_cast %add3A_1721 : i32 to index
        %get3A_1795 = arith.constant 0 : index
        %get3A_1796 = tpu.vector_load %arg8[%get3A_1793, %get3A_1794, %get3A_1795] {strides = array<i32>} : memref<12x128x16xf32, #tpu.memory_space<vmem>>, vector<1x1x16xf32>,
        %get3A_1797 = vector.shape_cast %get3A_1796 : vector<1x1x16xf32> to vector<16xf32>
        %sub3A_1798 = arith.subf %get3A_1785, %get3A_1779 : vector<16xf32>
        %mul3A_1799 = arith.mulf %gather3A_1770, %sub3A_1798 : vector<16xf32>
        %add3A_1800 = arith.addf %get3A_1779, %mul3A_1799 : vector<16xf32>
        %sub3A_1801 = arith.subf %get3A_1797, %get3A_1791 : vector<16xf32>
        %mul3A_1802 = arith.mulf %gather3A_1770, %sub3A_1801 : vector<16xf32>
        %add3A_1803 = arith.addf %get3A_1791, %mul3A_1802 : vector<16xf32>
        %sub3A_1804 = arith.subf %add3A_1803, %add3A_1800 : vector<16xf32>
        %mul3A_1805 = arith.mulf %gather3A_1773, %sub3A_1804 : vector<16xf32>
        %add3A_1806 = arith.addf %add3A_1800, %mul3A_1805 : vector<16xf32>
        %swap3A_1807 = arith.index_cast %add3A_1721 : i32 to index
        %swap3A_1808 = arith.constant 16 : index
        %swap3A_1809 = tpu.vector_load %arg9[%swap3A_1807, %swap3A_1808] {strides = array<i32>} : memref<128x48xf32, #tpu.memory_space<vmem>>, vector<1x16xf32>,
        %swap3A_1810 = vector.shape_cast %swap3A_1809 : vector<1x16xf32> to vector<16xf32>
        %swap3A_1811 = vector.shape_cast %add3A_1806 : vector<16xf32> to vector<1x16xf32>
        tpu.vector_store %arg9[%swap3A_1807, %swap3A_1808], %swap3A_1811 {strides = array<i32>} : memref<128x48xf32, #tpu.memory_space<vmem>>, vector<1x16xf32>,
        %broadcast_in_dim3A_1812 = vector.shape_cast %broadcast_in_dim3A_1723 : vector<16xi32> to vector<16x1xi32>
        %gather3A_1813 = vector.shape_cast %broadcast_in_dim3A_1812 : vector<16x1xi32> to vector<16xi32>
        %gather3A_1814 = tpu.dynamic_gather %get3A_336[%gather3A_1813] in [0] : vector<16xf32>, vector<16xi32> -> vector<16xf32>
        %broadcast_in_dim3A_1815 = vector.shape_cast %broadcast_in_dim3A_1723 : vector<16xi32> to vector<16x1xi32>
        %gather3A_1816 = vector.shape_cast %broadcast_in_dim3A_1815 : vector<16x1xi32> to vector<16xi32>
        %gather3A_1817 = tpu.dynamic_gather %get3A_341[%gather3A_1816] in [0] : vector<16xf32>, vector<16xi32> -> vector<16xf32>
        %get3A_1818 = arith.constant 8 : i32
        %get3A_1819 = arith.index_cast %get3A_1818 : i32 to index
        %get3A_1820 = arith.index_cast %add3A_1721 : i32 to index
        %get3A_1821 = arith.constant 0 : index
        %get3A_1822 = tpu.vector_load %arg8[%get3A_1819, %get3A_1820, %get3A_1821] {strides = array<i32>} : memref<12x128x16xf32, #tpu.memory_space<vmem>>, vector<1x1x16xf32>,
        %get3A_1823 = vector.shape_cast %get3A_1822 : vector<1x1x16xf32> to vector<16xf32>
        %get3A_1824 = arith.constant 9 : i32
        %get3A_1825 = arith.index_cast %get3A_1824 : i32 to index
        %get3A_1826 = arith.index_cast %add3A_1721 : i32 to index
        %get3A_1827 = arith.constant 0 : index
        %get3A_1828 = tpu.vector_load %arg8[%get3A_1825, %get3A_1826, %get3A_1827] {strides = array<i32>} : memref<12x128x16xf32, #tpu.memory_space<vmem>>, vector<1x1x16xf32>,
        %get3A_1829 = vector.shape_cast %get3A_1828 : vector<1x1x16xf32> to vector<16xf32>
        %get3A_1830 = arith.constant 10 : i32
        %get3A_1831 = arith.index_cast %get3A_1830 : i32 to index
        %get3A_1832 = arith.index_cast %add3A_1721 : i32 to index
        %get3A_1833 = arith.constant 0 : index
        %get3A_1834 = tpu.vector_load %arg8[%get3A_1831, %get3A_1832, %get3A_1833] {strides = array<i32>} : memref<12x128x16xf32, #tpu.memory_space<vmem>>, vector<1x1x16xf32>,
        %get3A_1835 = vector.shape_cast %get3A_1834 : vector<1x1x16xf32> to vector<16xf32>
        %get3A_1836 = arith.constant 11 : i32
        %get3A_1837 = arith.index_cast %get3A_1836 : i32 to index
        %get3A_1838 = arith.index_cast %add3A_1721 : i32 to index
        %get3A_1839 = arith.constant 0 : index
        %get3A_1840 = tpu.vector_load %arg8[%get3A_1837, %get3A_1838, %get3A_1839] {strides = array<i32>} : memref<12x128x16xf32, #tpu.memory_space<vmem>>, vector<1x1x16xf32>,
        %get3A_1841 = vector.shape_cast %get3A_1840 : vector<1x1x16xf32> to vector<16xf32>
        %sub3A_1842 = arith.subf %get3A_1829, %get3A_1823 : vector<16xf32>
        %mul3A_1843 = arith.mulf %gather3A_1814, %sub3A_1842 : vector<16xf32>
        %add3A_1844 = arith.addf %get3A_1823, %mul3A_1843 : vector<16xf32>
        %sub3A_1845 = arith.subf %get3A_1841, %get3A_1835 : vector<16xf32>
        %mul3A_1846 = arith.mulf %gather3A_1814, %sub3A_1845 : vector<16xf32>
        %add3A_1847 = arith.addf %get3A_1835, %mul3A_1846 : vector<16xf32>
        %sub3A_1848 = arith.subf %add3A_1847, %add3A_1844 : vector<16xf32>
        %mul3A_1849 = arith.mulf %gather3A_1817, %sub3A_1848 : vector<16xf32>
        %add3A_1850 = arith.addf %add3A_1844, %mul3A_1849 : vector<16xf32>
        %swap3A_1851 = arith.index_cast %add3A_1721 : i32 to index
        %swap3A_1852 = arith.constant 32 : index
        %swap3A_1853 = tpu.vector_load %arg9[%swap3A_1851, %swap3A_1852] {strides = array<i32>} : memref<128x48xf32, #tpu.memory_space<vmem>>, vector<1x16xf32>,
        %swap3A_1854 = vector.shape_cast %swap3A_1853 : vector<1x16xf32> to vector<16xf32>
        %swap3A_1855 = vector.shape_cast %add3A_1850 : vector<16xf32> to vector<1x16xf32>
        tpu.vector_store %arg9[%swap3A_1851, %swap3A_1852], %swap3A_1855 {strides = array<i32>} : memref<128x48xf32, #tpu.memory_space<vmem>>, vector<1x16xf32>,
        %mul3A_1856 = arith.constant 16 : i32
        %mul3A_1857 = arith.muli %scan3A_310, %mul3A_1856 : i32
        %add3A_1858 = arith.constant 11 : i32
        %add3A_1859 = arith.addi %mul3A_1857, %add3A_1858 : i32
        %broadcast_in_dim3A_1860 = arith.constant 11 : i32
        %broadcast_in_dim3A_1861 = vector.broadcast %broadcast_in_dim3A_1860 : i32 to vector<16xi32>
        %broadcast_in_dim3A_1862 = vector.shape_cast %broadcast_in_dim3A_1861 : vector<16xi32> to vector<16x1xi32>
        %gather3A_1863 = vector.shape_cast %broadcast_in_dim3A_1862 : vector<16x1xi32> to vector<16xi32>
        %gather3A_1864 = tpu.dynamic_gather %get3A_316[%gather3A_1863] in [0] : vector<16xf32>, vector<16xi32> -> vector<16xf32>
        %broadcast_in_dim3A_1865 = vector.shape_cast %broadcast_in_dim3A_1861 : vector<16xi32> to vector<16x1xi32>
        %gather3A_1866 = vector.shape_cast %broadcast_in_dim3A_1865 : vector<16x1xi32> to vector<16xi32>
        %gather3A_1867 = tpu.dynamic_gather %get3A_321[%gather3A_1866] in [0] : vector<16xf32>, vector<16xi32> -> vector<16xf32>
        %get3A_1868 = arith.constant 0 : i32
        %get3A_1869 = arith.index_cast %get3A_1868 : i32 to index
        %get3A_1870 = arith.index_cast %add3A_1859 : i32 to index
        %get3A_1871 = arith.constant 0 : index
        %get3A_1872 = tpu.vector_load %arg8[%get3A_1869, %get3A_1870, %get3A_1871] {strides = array<i32>} : memref<12x128x16xf32, #tpu.memory_space<vmem>>, vector<1x1x16xf32>,
        %get3A_1873 = vector.shape_cast %get3A_1872 : vector<1x1x16xf32> to vector<16xf32>
        %get3A_1874 = arith.constant 1 : i32
        %get3A_1875 = arith.index_cast %get3A_1874 : i32 to index
        %get3A_1876 = arith.index_cast %add3A_1859 : i32 to index
        %get3A_1877 = arith.constant 0 : index
        %get3A_1878 = tpu.vector_load %arg8[%get3A_1875, %get3A_1876, %get3A_1877] {strides = array<i32>} : memref<12x128x16xf32, #tpu.memory_space<vmem>>, vector<1x1x16xf32>,
        %get3A_1879 = vector.shape_cast %get3A_1878 : vector<1x1x16xf32> to vector<16xf32>
        %get3A_1880 = arith.constant 2 : i32
        %get3A_1881 = arith.index_cast %get3A_1880 : i32 to index
        %get3A_1882 = arith.index_cast %add3A_1859 : i32 to index
        %get3A_1883 = arith.constant 0 : index
        %get3A_1884 = tpu.vector_load %arg8[%get3A_1881, %get3A_1882, %get3A_1883] {strides = array<i32>} : memref<12x128x16xf32, #tpu.memory_space<vmem>>, vector<1x1x16xf32>,
        %get3A_1885 = vector.shape_cast %get3A_1884 : vector<1x1x16xf32> to vector<16xf32>
        %get3A_1886 = arith.constant 3 : i32
        %get3A_1887 = arith.index_cast %get3A_1886 : i32 to index
        %get3A_1888 = arith.index_cast %add3A_1859 : i32 to index
        %get3A_1889 = arith.constant 0 : index
        %get3A_1890 = tpu.vector_load %arg8[%get3A_1887, %get3A_1888, %get3A_1889] {strides = array<i32>} : memref<12x128x16xf32, #tpu.memory_space<vmem>>, vector<1x1x16xf32>,
        %get3A_1891 = vector.shape_cast %get3A_1890 : vector<1x1x16xf32> to vector<16xf32>
        %sub3A_1892 = arith.subf %get3A_1879, %get3A_1873 : vector<16xf32>
        %mul3A_1893 = arith.mulf %gather3A_1864, %sub3A_1892 : vector<16xf32>
        %add3A_1894 = arith.addf %get3A_1873, %mul3A_1893 : vector<16xf32>
        %sub3A_1895 = arith.subf %get3A_1891, %get3A_1885 : vector<16xf32>
        %mul3A_1896 = arith.mulf %gather3A_1864, %sub3A_1895 : vector<16xf32>
        %add3A_1897 = arith.addf %get3A_1885, %mul3A_1896 : vector<16xf32>
        %sub3A_1898 = arith.subf %add3A_1897, %add3A_1894 : vector<16xf32>
        %mul3A_1899 = arith.mulf %gather3A_1867, %sub3A_1898 : vector<16xf32>
        %add3A_1900 = arith.addf %add3A_1894, %mul3A_1899 : vector<16xf32>
        %swap3A_1901 = arith.index_cast %add3A_1859 : i32 to index
        %swap3A_1902 = arith.constant 0 : index
        %swap3A_1903 = tpu.vector_load %arg9[%swap3A_1901, %swap3A_1902] {strides = array<i32>} : memref<128x48xf32, #tpu.memory_space<vmem>>, vector<1x16xf32>,
        %swap3A_1904 = vector.shape_cast %swap3A_1903 : vector<1x16xf32> to vector<16xf32>
        %swap3A_1905 = vector.shape_cast %add3A_1900 : vector<16xf32> to vector<1x16xf32>
        tpu.vector_store %arg9[%swap3A_1901, %swap3A_1902], %swap3A_1905 {strides = array<i32>} : memref<128x48xf32, #tpu.memory_space<vmem>>, vector<1x16xf32>,
        %broadcast_in_dim3A_1906 = vector.shape_cast %broadcast_in_dim3A_1861 : vector<16xi32> to vector<16x1xi32>
        %gather3A_1907 = vector.shape_cast %broadcast_in_dim3A_1906 : vector<16x1xi32> to vector<16xi32>
        %gather3A_1908 = tpu.dynamic_gather %get3A_326[%gather3A_1907] in [0] : vector<16xf32>, vector<16xi32> -> vector<16xf32>
        %broadcast_in_dim3A_1909 = vector.shape_cast %broadcast_in_dim3A_1861 : vector<16xi32> to vector<16x1xi32>
        %gather3A_1910 = vector.shape_cast %broadcast_in_dim3A_1909 : vector<16x1xi32> to vector<16xi32>
        %gather3A_1911 = tpu.dynamic_gather %get3A_331[%gather3A_1910] in [0] : vector<16xf32>, vector<16xi32> -> vector<16xf32>
        %get3A_1912 = arith.constant 4 : i32
        %get3A_1913 = arith.index_cast %get3A_1912 : i32 to index
        %get3A_1914 = arith.index_cast %add3A_1859 : i32 to index
        %get3A_1915 = arith.constant 0 : index
        %get3A_1916 = tpu.vector_load %arg8[%get3A_1913, %get3A_1914, %get3A_1915] {strides = array<i32>} : memref<12x128x16xf32, #tpu.memory_space<vmem>>, vector<1x1x16xf32>,
        %get3A_1917 = vector.shape_cast %get3A_1916 : vector<1x1x16xf32> to vector<16xf32>
        %get3A_1918 = arith.constant 5 : i32
        %get3A_1919 = arith.index_cast %get3A_1918 : i32 to index
        %get3A_1920 = arith.index_cast %add3A_1859 : i32 to index
        %get3A_1921 = arith.constant 0 : index
        %get3A_1922 = tpu.vector_load %arg8[%get3A_1919, %get3A_1920, %get3A_1921] {strides = array<i32>} : memref<12x128x16xf32, #tpu.memory_space<vmem>>, vector<1x1x16xf32>,
        %get3A_1923 = vector.shape_cast %get3A_1922 : vector<1x1x16xf32> to vector<16xf32>
        %get3A_1924 = arith.constant 6 : i32
        %get3A_1925 = arith.index_cast %get3A_1924 : i32 to index
        %get3A_1926 = arith.index_cast %add3A_1859 : i32 to index
        %get3A_1927 = arith.constant 0 : index
        %get3A_1928 = tpu.vector_load %arg8[%get3A_1925, %get3A_1926, %get3A_1927] {strides = array<i32>} : memref<12x128x16xf32, #tpu.memory_space<vmem>>, vector<1x1x16xf32>,
        %get3A_1929 = vector.shape_cast %get3A_1928 : vector<1x1x16xf32> to vector<16xf32>
        %get3A_1930 = arith.constant 7 : i32
        %get3A_1931 = arith.index_cast %get3A_1930 : i32 to index
        %get3A_1932 = arith.index_cast %add3A_1859 : i32 to index
        %get3A_1933 = arith.constant 0 : index
        %get3A_1934 = tpu.vector_load %arg8[%get3A_1931, %get3A_1932, %get3A_1933] {strides = array<i32>} : memref<12x128x16xf32, #tpu.memory_space<vmem>>, vector<1x1x16xf32>,
        %get3A_1935 = vector.shape_cast %get3A_1934 : vector<1x1x16xf32> to vector<16xf32>
        %sub3A_1936 = arith.subf %get3A_1923, %get3A_1917 : vector<16xf32>
        %mul3A_1937 = arith.mulf %gather3A_1908, %sub3A_1936 : vector<16xf32>
        %add3A_1938 = arith.addf %get3A_1917, %mul3A_1937 : vector<16xf32>
        %sub3A_1939 = arith.subf %get3A_1935, %get3A_1929 : vector<16xf32>
        %mul3A_1940 = arith.mulf %gather3A_1908, %sub3A_1939 : vector<16xf32>
        %add3A_1941 = arith.addf %get3A_1929, %mul3A_1940 : vector<16xf32>
        %sub3A_1942 = arith.subf %add3A_1941, %add3A_1938 : vector<16xf32>
        %mul3A_1943 = arith.mulf %gather3A_1911, %sub3A_1942 : vector<16xf32>
        %add3A_1944 = arith.addf %add3A_1938, %mul3A_1943 : vector<16xf32>
        %swap3A_1945 = arith.index_cast %add3A_1859 : i32 to index
        %swap3A_1946 = arith.constant 16 : index
        %swap3A_1947 = tpu.vector_load %arg9[%swap3A_1945, %swap3A_1946] {strides = array<i32>} : memref<128x48xf32, #tpu.memory_space<vmem>>, vector<1x16xf32>,
        %swap3A_1948 = vector.shape_cast %swap3A_1947 : vector<1x16xf32> to vector<16xf32>
        %swap3A_1949 = vector.shape_cast %add3A_1944 : vector<16xf32> to vector<1x16xf32>
        tpu.vector_store %arg9[%swap3A_1945, %swap3A_1946], %swap3A_1949 {strides = array<i32>} : memref<128x48xf32, #tpu.memory_space<vmem>>, vector<1x16xf32>,
        %broadcast_in_dim3A_1950 = vector.shape_cast %broadcast_in_dim3A_1861 : vector<16xi32> to vector<16x1xi32>
        %gather3A_1951 = vector.shape_cast %broadcast_in_dim3A_1950 : vector<16x1xi32> to vector<16xi32>
        %gather3A_1952 = tpu.dynamic_gather %get3A_336[%gather3A_1951] in [0] : vector<16xf32>, vector<16xi32> -> vector<16xf32>
        %broadcast_in_dim3A_1953 = vector.shape_cast %broadcast_in_dim3A_1861 : vector<16xi32> to vector<16x1xi32>
        %gather3A_1954 = vector.shape_cast %broadcast_in_dim3A_1953 : vector<16x1xi32> to vector<16xi32>
        %gather3A_1955 = tpu.dynamic_gather %get3A_341[%gather3A_1954] in [0] : vector<16xf32>, vector<16xi32> -> vector<16xf32>
        %get3A_1956 = arith.constant 8 : i32
        %get3A_1957 = arith.index_cast %get3A_1956 : i32 to index
        %get3A_1958 = arith.index_cast %add3A_1859 : i32 to index
        %get3A_1959 = arith.constant 0 : index
        %get3A_1960 = tpu.vector_load %arg8[%get3A_1957, %get3A_1958, %get3A_1959] {strides = array<i32>} : memref<12x128x16xf32, #tpu.memory_space<vmem>>, vector<1x1x16xf32>,
        %get3A_1961 = vector.shape_cast %get3A_1960 : vector<1x1x16xf32> to vector<16xf32>
        %get3A_1962 = arith.constant 9 : i32
        %get3A_1963 = arith.index_cast %get3A_1962 : i32 to index
        %get3A_1964 = arith.index_cast %add3A_1859 : i32 to index
        %get3A_1965 = arith.constant 0 : index
        %get3A_1966 = tpu.vector_load %arg8[%get3A_1963, %get3A_1964, %get3A_1965] {strides = array<i32>} : memref<12x128x16xf32, #tpu.memory_space<vmem>>, vector<1x1x16xf32>,
        %get3A_1967 = vector.shape_cast %get3A_1966 : vector<1x1x16xf32> to vector<16xf32>
        %get3A_1968 = arith.constant 10 : i32
        %get3A_1969 = arith.index_cast %get3A_1968 : i32 to index
        %get3A_1970 = arith.index_cast %add3A_1859 : i32 to index
        %get3A_1971 = arith.constant 0 : index
        %get3A_1972 = tpu.vector_load %arg8[%get3A_1969, %get3A_1970, %get3A_1971] {strides = array<i32>} : memref<12x128x16xf32, #tpu.memory_space<vmem>>, vector<1x1x16xf32>,
        %get3A_1973 = vector.shape_cast %get3A_1972 : vector<1x1x16xf32> to vector<16xf32>
        %get3A_1974 = arith.constant 11 : i32
        %get3A_1975 = arith.index_cast %get3A_1974 : i32 to index
        %get3A_1976 = arith.index_cast %add3A_1859 : i32 to index
        %get3A_1977 = arith.constant 0 : index
        %get3A_1978 = tpu.vector_load %arg8[%get3A_1975, %get3A_1976, %get3A_1977] {strides = array<i32>} : memref<12x128x16xf32, #tpu.memory_space<vmem>>, vector<1x1x16xf32>,
        %get3A_1979 = vector.shape_cast %get3A_1978 : vector<1x1x16xf32> to vector<16xf32>
        %sub3A_1980 = arith.subf %get3A_1967, %get3A_1961 : vector<16xf32>
        %mul3A_1981 = arith.mulf %gather3A_1952, %sub3A_1980 : vector<16xf32>
        %add3A_1982 = arith.addf %get3A_1961, %mul3A_1981 : vector<16xf32>
        %sub3A_1983 = arith.subf %get3A_1979, %get3A_1973 : vector<16xf32>
        %mul3A_1984 = arith.mulf %gather3A_1952, %sub3A_1983 : vector<16xf32>
        %add3A_1985 = arith.addf %get3A_1973, %mul3A_1984 : vector<16xf32>
        %sub3A_1986 = arith.subf %add3A_1985, %add3A_1982 : vector<16xf32>
        %mul3A_1987 = arith.mulf %gather3A_1955, %sub3A_1986 : vector<16xf32>
        %add3A_1988 = arith.addf %add3A_1982, %mul3A_1987 : vector<16xf32>
        %swap3A_1989 = arith.index_cast %add3A_1859 : i32 to index
        %swap3A_1990 = arith.constant 32 : index
        %swap3A_1991 = tpu.vector_load %arg9[%swap3A_1989, %swap3A_1990] {strides = array<i32>} : memref<128x48xf32, #tpu.memory_space<vmem>>, vector<1x16xf32>,
        %swap3A_1992 = vector.shape_cast %swap3A_1991 : vector<1x16xf32> to vector<16xf32>
        %swap3A_1993 = vector.shape_cast %add3A_1988 : vector<16xf32> to vector<1x16xf32>
        tpu.vector_store %arg9[%swap3A_1989, %swap3A_1990], %swap3A_1993 {strides = array<i32>} : memref<128x48xf32, #tpu.memory_space<vmem>>, vector<1x16xf32>,
        %mul3A_1994 = arith.constant 16 : i32
        %mul3A_1995 = arith.muli %scan3A_310, %mul3A_1994 : i32
        %add3A_1996 = arith.constant 12 : i32
        %add3A_1997 = arith.addi %mul3A_1995, %add3A_1996 : i32
        %broadcast_in_dim3A_1998 = arith.constant 12 : i32
        %broadcast_in_dim3A_1999 = vector.broadcast %broadcast_in_dim3A_1998 : i32 to vector<16xi32>
        %broadcast_in_dim3A_2000 = vector.shape_cast %broadcast_in_dim3A_1999 : vector<16xi32> to vector<16x1xi32>
        %gather3A_2001 = vector.shape_cast %broadcast_in_dim3A_2000 : vector<16x1xi32> to vector<16xi32>
        %gather3A_2002 = tpu.dynamic_gather %get3A_316[%gather3A_2001] in [0] : vector<16xf32>, vector<16xi32> -> vector<16xf32>
        %broadcast_in_dim3A_2003 = vector.shape_cast %broadcast_in_dim3A_1999 : vector<16xi32> to vector<16x1xi32>
        %gather3A_2004 = vector.shape_cast %broadcast_in_dim3A_2003 : vector<16x1xi32> to vector<16xi32>
        %gather3A_2005 = tpu.dynamic_gather %get3A_321[%gather3A_2004] in [0] : vector<16xf32>, vector<16xi32> -> vector<16xf32>
        %get3A_2006 = arith.constant 0 : i32
        %get3A_2007 = arith.index_cast %get3A_2006 : i32 to index
        %get3A_2008 = arith.index_cast %add3A_1997 : i32 to index
        %get3A_2009 = arith.constant 0 : index
        %get3A_2010 = tpu.vector_load %arg8[%get3A_2007, %get3A_2008, %get3A_2009] {strides = array<i32>} : memref<12x128x16xf32, #tpu.memory_space<vmem>>, vector<1x1x16xf32>,
        %get3A_2011 = vector.shape_cast %get3A_2010 : vector<1x1x16xf32> to vector<16xf32>
        %get3A_2012 = arith.constant 1 : i32
        %get3A_2013 = arith.index_cast %get3A_2012 : i32 to index
        %get3A_2014 = arith.index_cast %add3A_1997 : i32 to index
        %get3A_2015 = arith.constant 0 : index
        %get3A_2016 = tpu.vector_load %arg8[%get3A_2013, %get3A_2014, %get3A_2015] {strides = array<i32>} : memref<12x128x16xf32, #tpu.memory_space<vmem>>, vector<1x1x16xf32>,
        %get3A_2017 = vector.shape_cast %get3A_2016 : vector<1x1x16xf32> to vector<16xf32>
        %get3A_2018 = arith.constant 2 : i32
        %get3A_2019 = arith.index_cast %get3A_2018 : i32 to index
        %get3A_2020 = arith.index_cast %add3A_1997 : i32 to index
        %get3A_2021 = arith.constant 0 : index
        %get3A_2022 = tpu.vector_load %arg8[%get3A_2019, %get3A_2020, %get3A_2021] {strides = array<i32>} : memref<12x128x16xf32, #tpu.memory_space<vmem>>, vector<1x1x16xf32>,
        %get3A_2023 = vector.shape_cast %get3A_2022 : vector<1x1x16xf32> to vector<16xf32>
        %get3A_2024 = arith.constant 3 : i32
        %get3A_2025 = arith.index_cast %get3A_2024 : i32 to index
        %get3A_2026 = arith.index_cast %add3A_1997 : i32 to index
        %get3A_2027 = arith.constant 0 : index
        %get3A_2028 = tpu.vector_load %arg8[%get3A_2025, %get3A_2026, %get3A_2027] {strides = array<i32>} : memref<12x128x16xf32, #tpu.memory_space<vmem>>, vector<1x1x16xf32>,
        %get3A_2029 = vector.shape_cast %get3A_2028 : vector<1x1x16xf32> to vector<16xf32>
        %sub3A_2030 = arith.subf %get3A_2017, %get3A_2011 : vector<16xf32>
        %mul3A_2031 = arith.mulf %gather3A_2002, %sub3A_2030 : vector<16xf32>
        %add3A_2032 = arith.addf %get3A_2011, %mul3A_2031 : vector<16xf32>
        %sub3A_2033 = arith.subf %get3A_2029, %get3A_2023 : vector<16xf32>
        %mul3A_2034 = arith.mulf %gather3A_2002, %sub3A_2033 : vector<16xf32>
        %add3A_2035 = arith.addf %get3A_2023, %mul3A_2034 : vector<16xf32>
        %sub3A_2036 = arith.subf %add3A_2035, %add3A_2032 : vector<16xf32>
        %mul3A_2037 = arith.mulf %gather3A_2005, %sub3A_2036 : vector<16xf32>
        %add3A_2038 = arith.addf %add3A_2032, %mul3A_2037 : vector<16xf32>
        %swap3A_2039 = arith.index_cast %add3A_1997 : i32 to index
        %swap3A_2040 = arith.constant 0 : index
        %swap3A_2041 = tpu.vector_load %arg9[%swap3A_2039, %swap3A_2040] {strides = array<i32>} : memref<128x48xf32, #tpu.memory_space<vmem>>, vector<1x16xf32>,
        %swap3A_2042 = vector.shape_cast %swap3A_2041 : vector<1x16xf32> to vector<16xf32>
        %swap3A_2043 = vector.shape_cast %add3A_2038 : vector<16xf32> to vector<1x16xf32>
        tpu.vector_store %arg9[%swap3A_2039, %swap3A_2040], %swap3A_2043 {strides = array<i32>} : memref<128x48xf32, #tpu.memory_space<vmem>>, vector<1x16xf32>,
        %broadcast_in_dim3A_2044 = vector.shape_cast %broadcast_in_dim3A_1999 : vector<16xi32> to vector<16x1xi32>
        %gather3A_2045 = vector.shape_cast %broadcast_in_dim3A_2044 : vector<16x1xi32> to vector<16xi32>
        %gather3A_2046 = tpu.dynamic_gather %get3A_326[%gather3A_2045] in [0] : vector<16xf32>, vector<16xi32> -> vector<16xf32>
        %broadcast_in_dim3A_2047 = vector.shape_cast %broadcast_in_dim3A_1999 : vector<16xi32> to vector<16x1xi32>
        %gather3A_2048 = vector.shape_cast %broadcast_in_dim3A_2047 : vector<16x1xi32> to vector<16xi32>
        %gather3A_2049 = tpu.dynamic_gather %get3A_331[%gather3A_2048] in [0] : vector<16xf32>, vector<16xi32> -> vector<16xf32>
        %get3A_2050 = arith.constant 4 : i32
        %get3A_2051 = arith.index_cast %get3A_2050 : i32 to index
        %get3A_2052 = arith.index_cast %add3A_1997 : i32 to index
        %get3A_2053 = arith.constant 0 : index
        %get3A_2054 = tpu.vector_load %arg8[%get3A_2051, %get3A_2052, %get3A_2053] {strides = array<i32>} : memref<12x128x16xf32, #tpu.memory_space<vmem>>, vector<1x1x16xf32>,
        %get3A_2055 = vector.shape_cast %get3A_2054 : vector<1x1x16xf32> to vector<16xf32>
        %get3A_2056 = arith.constant 5 : i32
        %get3A_2057 = arith.index_cast %get3A_2056 : i32 to index
        %get3A_2058 = arith.index_cast %add3A_1997 : i32 to index
        %get3A_2059 = arith.constant 0 : index
        %get3A_2060 = tpu.vector_load %arg8[%get3A_2057, %get3A_2058, %get3A_2059] {strides = array<i32>} : memref<12x128x16xf32, #tpu.memory_space<vmem>>, vector<1x1x16xf32>,
        %get3A_2061 = vector.shape_cast %get3A_2060 : vector<1x1x16xf32> to vector<16xf32>
        %get3A_2062 = arith.constant 6 : i32
        %get3A_2063 = arith.index_cast %get3A_2062 : i32 to index
        %get3A_2064 = arith.index_cast %add3A_1997 : i32 to index
        %get3A_2065 = arith.constant 0 : index
        %get3A_2066 = tpu.vector_load %arg8[%get3A_2063, %get3A_2064, %get3A_2065] {strides = array<i32>} : memref<12x128x16xf32, #tpu.memory_space<vmem>>, vector<1x1x16xf32>,
        %get3A_2067 = vector.shape_cast %get3A_2066 : vector<1x1x16xf32> to vector<16xf32>
        %get3A_2068 = arith.constant 7 : i32
        %get3A_2069 = arith.index_cast %get3A_2068 : i32 to index
        %get3A_2070 = arith.index_cast %add3A_1997 : i32 to index
        %get3A_2071 = arith.constant 0 : index
        %get3A_2072 = tpu.vector_load %arg8[%get3A_2069, %get3A_2070, %get3A_2071] {strides = array<i32>} : memref<12x128x16xf32, #tpu.memory_space<vmem>>, vector<1x1x16xf32>,
        %get3A_2073 = vector.shape_cast %get3A_2072 : vector<1x1x16xf32> to vector<16xf32>
        %sub3A_2074 = arith.subf %get3A_2061, %get3A_2055 : vector<16xf32>
        %mul3A_2075 = arith.mulf %gather3A_2046, %sub3A_2074 : vector<16xf32>
        %add3A_2076 = arith.addf %get3A_2055, %mul3A_2075 : vector<16xf32>
        %sub3A_2077 = arith.subf %get3A_2073, %get3A_2067 : vector<16xf32>
        %mul3A_2078 = arith.mulf %gather3A_2046, %sub3A_2077 : vector<16xf32>
        %add3A_2079 = arith.addf %get3A_2067, %mul3A_2078 : vector<16xf32>
        %sub3A_2080 = arith.subf %add3A_2079, %add3A_2076 : vector<16xf32>
        %mul3A_2081 = arith.mulf %gather3A_2049, %sub3A_2080 : vector<16xf32>
        %add3A_2082 = arith.addf %add3A_2076, %mul3A_2081 : vector<16xf32>
        %swap3A_2083 = arith.index_cast %add3A_1997 : i32 to index
        %swap3A_2084 = arith.constant 16 : index
        %swap3A_2085 = tpu.vector_load %arg9[%swap3A_2083, %swap3A_2084] {strides = array<i32>} : memref<128x48xf32, #tpu.memory_space<vmem>>, vector<1x16xf32>,
        %swap3A_2086 = vector.shape_cast %swap3A_2085 : vector<1x16xf32> to vector<16xf32>
        %swap3A_2087 = vector.shape_cast %add3A_2082 : vector<16xf32> to vector<1x16xf32>
        tpu.vector_store %arg9[%swap3A_2083, %swap3A_2084], %swap3A_2087 {strides = array<i32>} : memref<128x48xf32, #tpu.memory_space<vmem>>, vector<1x16xf32>,
        %broadcast_in_dim3A_2088 = vector.shape_cast %broadcast_in_dim3A_1999 : vector<16xi32> to vector<16x1xi32>
        %gather3A_2089 = vector.shape_cast %broadcast_in_dim3A_2088 : vector<16x1xi32> to vector<16xi32>
        %gather3A_2090 = tpu.dynamic_gather %get3A_336[%gather3A_2089] in [0] : vector<16xf32>, vector<16xi32> -> vector<16xf32>
        %broadcast_in_dim3A_2091 = vector.shape_cast %broadcast_in_dim3A_1999 : vector<16xi32> to vector<16x1xi32>
        %gather3A_2092 = vector.shape_cast %broadcast_in_dim3A_2091 : vector<16x1xi32> to vector<16xi32>
        %gather3A_2093 = tpu.dynamic_gather %get3A_341[%gather3A_2092] in [0] : vector<16xf32>, vector<16xi32> -> vector<16xf32>
        %get3A_2094 = arith.constant 8 : i32
        %get3A_2095 = arith.index_cast %get3A_2094 : i32 to index
        %get3A_2096 = arith.index_cast %add3A_1997 : i32 to index
        %get3A_2097 = arith.constant 0 : index
        %get3A_2098 = tpu.vector_load %arg8[%get3A_2095, %get3A_2096, %get3A_2097] {strides = array<i32>} : memref<12x128x16xf32, #tpu.memory_space<vmem>>, vector<1x1x16xf32>,
        %get3A_2099 = vector.shape_cast %get3A_2098 : vector<1x1x16xf32> to vector<16xf32>
        %get3A_2100 = arith.constant 9 : i32
        %get3A_2101 = arith.index_cast %get3A_2100 : i32 to index
        %get3A_2102 = arith.index_cast %add3A_1997 : i32 to index
        %get3A_2103 = arith.constant 0 : index
        %get3A_2104 = tpu.vector_load %arg8[%get3A_2101, %get3A_2102, %get3A_2103] {strides = array<i32>} : memref<12x128x16xf32, #tpu.memory_space<vmem>>, vector<1x1x16xf32>,
        %get3A_2105 = vector.shape_cast %get3A_2104 : vector<1x1x16xf32> to vector<16xf32>
        %get3A_2106 = arith.constant 10 : i32
        %get3A_2107 = arith.index_cast %get3A_2106 : i32 to index
        %get3A_2108 = arith.index_cast %add3A_1997 : i32 to index
        %get3A_2109 = arith.constant 0 : index
        %get3A_2110 = tpu.vector_load %arg8[%get3A_2107, %get3A_2108, %get3A_2109] {strides = array<i32>} : memref<12x128x16xf32, #tpu.memory_space<vmem>>, vector<1x1x16xf32>,
        %get3A_2111 = vector.shape_cast %get3A_2110 : vector<1x1x16xf32> to vector<16xf32>
        %get3A_2112 = arith.constant 11 : i32
        %get3A_2113 = arith.index_cast %get3A_2112 : i32 to index
        %get3A_2114 = arith.index_cast %add3A_1997 : i32 to index
        %get3A_2115 = arith.constant 0 : index
        %get3A_2116 = tpu.vector_load %arg8[%get3A_2113, %get3A_2114, %get3A_2115] {strides = array<i32>} : memref<12x128x16xf32, #tpu.memory_space<vmem>>, vector<1x1x16xf32>,
        %get3A_2117 = vector.shape_cast %get3A_2116 : vector<1x1x16xf32> to vector<16xf32>
        %sub3A_2118 = arith.subf %get3A_2105, %get3A_2099 : vector<16xf32>
        %mul3A_2119 = arith.mulf %gather3A_2090, %sub3A_2118 : vector<16xf32>
        %add3A_2120 = arith.addf %get3A_2099, %mul3A_2119 : vector<16xf32>
        %sub3A_2121 = arith.subf %get3A_2117, %get3A_2111 : vector<16xf32>
        %mul3A_2122 = arith.mulf %gather3A_2090, %sub3A_2121 : vector<16xf32>
        %add3A_2123 = arith.addf %get3A_2111, %mul3A_2122 : vector<16xf32>
        %sub3A_2124 = arith.subf %add3A_2123, %add3A_2120 : vector<16xf32>
        %mul3A_2125 = arith.mulf %gather3A_2093, %sub3A_2124 : vector<16xf32>
        %add3A_2126 = arith.addf %add3A_2120, %mul3A_2125 : vector<16xf32>
        %swap3A_2127 = arith.index_cast %add3A_1997 : i32 to index
        %swap3A_2128 = arith.constant 32 : index
        %swap3A_2129 = tpu.vector_load %arg9[%swap3A_2127, %swap3A_2128] {strides = array<i32>} : memref<128x48xf32, #tpu.memory_space<vmem>>, vector<1x16xf32>,
        %swap3A_2130 = vector.shape_cast %swap3A_2129 : vector<1x16xf32> to vector<16xf32>
        %swap3A_2131 = vector.shape_cast %add3A_2126 : vector<16xf32> to vector<1x16xf32>
        tpu.vector_store %arg9[%swap3A_2127, %swap3A_2128], %swap3A_2131 {strides = array<i32>} : memref<128x48xf32, #tpu.memory_space<vmem>>, vector<1x16xf32>,
        %mul3A_2132 = arith.constant 16 : i32
        %mul3A_2133 = arith.muli %scan3A_310, %mul3A_2132 : i32
        %add3A_2134 = arith.constant 13 : i32
        %add3A_2135 = arith.addi %mul3A_2133, %add3A_2134 : i32
        %broadcast_in_dim3A_2136 = arith.constant 13 : i32
        %broadcast_in_dim3A_2137 = vector.broadcast %broadcast_in_dim3A_2136 : i32 to vector<16xi32>
        %broadcast_in_dim3A_2138 = vector.shape_cast %broadcast_in_dim3A_2137 : vector<16xi32> to vector<16x1xi32>
        %gather3A_2139 = vector.shape_cast %broadcast_in_dim3A_2138 : vector<16x1xi32> to vector<16xi32>
        %gather3A_2140 = tpu.dynamic_gather %get3A_316[%gather3A_2139] in [0] : vector<16xf32>, vector<16xi32> -> vector<16xf32>
        %broadcast_in_dim3A_2141 = vector.shape_cast %broadcast_in_dim3A_2137 : vector<16xi32> to vector<16x1xi32>
        %gather3A_2142 = vector.shape_cast %broadcast_in_dim3A_2141 : vector<16x1xi32> to vector<16xi32>
        %gather3A_2143 = tpu.dynamic_gather %get3A_321[%gather3A_2142] in [0] : vector<16xf32>, vector<16xi32> -> vector<16xf32>
        %get3A_2144 = arith.constant 0 : i32
        %get3A_2145 = arith.index_cast %get3A_2144 : i32 to index
        %get3A_2146 = arith.index_cast %add3A_2135 : i32 to index
        %get3A_2147 = arith.constant 0 : index
        %get3A_2148 = tpu.vector_load %arg8[%get3A_2145, %get3A_2146, %get3A_2147] {strides = array<i32>} : memref<12x128x16xf32, #tpu.memory_space<vmem>>, vector<1x1x16xf32>,
        %get3A_2149 = vector.shape_cast %get3A_2148 : vector<1x1x16xf32> to vector<16xf32>
        %get3A_2150 = arith.constant 1 : i32
        %get3A_2151 = arith.index_cast %get3A_2150 : i32 to index
        %get3A_2152 = arith.index_cast %add3A_2135 : i32 to index
        %get3A_2153 = arith.constant 0 : index
        %get3A_2154 = tpu.vector_load %arg8[%get3A_2151, %get3A_2152, %get3A_2153] {strides = array<i32>} : memref<12x128x16xf32, #tpu.memory_space<vmem>>, vector<1x1x16xf32>,
        %get3A_2155 = vector.shape_cast %get3A_2154 : vector<1x1x16xf32> to vector<16xf32>
        %get3A_2156 = arith.constant 2 : i32
        %get3A_2157 = arith.index_cast %get3A_2156 : i32 to index
        %get3A_2158 = arith.index_cast %add3A_2135 : i32 to index
        %get3A_2159 = arith.constant 0 : index
        %get3A_2160 = tpu.vector_load %arg8[%get3A_2157, %get3A_2158, %get3A_2159] {strides = array<i32>} : memref<12x128x16xf32, #tpu.memory_space<vmem>>, vector<1x1x16xf32>,
        %get3A_2161 = vector.shape_cast %get3A_2160 : vector<1x1x16xf32> to vector<16xf32>
        %get3A_2162 = arith.constant 3 : i32
        %get3A_2163 = arith.index_cast %get3A_2162 : i32 to index
        %get3A_2164 = arith.index_cast %add3A_2135 : i32 to index
        %get3A_2165 = arith.constant 0 : index
        %get3A_2166 = tpu.vector_load %arg8[%get3A_2163, %get3A_2164, %get3A_2165] {strides = array<i32>} : memref<12x128x16xf32, #tpu.memory_space<vmem>>, vector<1x1x16xf32>,
        %get3A_2167 = vector.shape_cast %get3A_2166 : vector<1x1x16xf32> to vector<16xf32>
        %sub3A_2168 = arith.subf %get3A_2155, %get3A_2149 : vector<16xf32>
        %mul3A_2169 = arith.mulf %gather3A_2140, %sub3A_2168 : vector<16xf32>
        %add3A_2170 = arith.addf %get3A_2149, %mul3A_2169 : vector<16xf32>
        %sub3A_2171 = arith.subf %get3A_2167, %get3A_2161 : vector<16xf32>
        %mul3A_2172 = arith.mulf %gather3A_2140, %sub3A_2171 : vector<16xf32>
        %add3A_2173 = arith.addf %get3A_2161, %mul3A_2172 : vector<16xf32>
        %sub3A_2174 = arith.subf %add3A_2173, %add3A_2170 : vector<16xf32>
        %mul3A_2175 = arith.mulf %gather3A_2143, %sub3A_2174 : vector<16xf32>
        %add3A_2176 = arith.addf %add3A_2170, %mul3A_2175 : vector<16xf32>
        %swap3A_2177 = arith.index_cast %add3A_2135 : i32 to index
        %swap3A_2178 = arith.constant 0 : index
        %swap3A_2179 = tpu.vector_load %arg9[%swap3A_2177, %swap3A_2178] {strides = array<i32>} : memref<128x48xf32, #tpu.memory_space<vmem>>, vector<1x16xf32>,
        %swap3A_2180 = vector.shape_cast %swap3A_2179 : vector<1x16xf32> to vector<16xf32>
        %swap3A_2181 = vector.shape_cast %add3A_2176 : vector<16xf32> to vector<1x16xf32>
        tpu.vector_store %arg9[%swap3A_2177, %swap3A_2178], %swap3A_2181 {strides = array<i32>} : memref<128x48xf32, #tpu.memory_space<vmem>>, vector<1x16xf32>,
        %broadcast_in_dim3A_2182 = vector.shape_cast %broadcast_in_dim3A_2137 : vector<16xi32> to vector<16x1xi32>
        %gather3A_2183 = vector.shape_cast %broadcast_in_dim3A_2182 : vector<16x1xi32> to vector<16xi32>
        %gather3A_2184 = tpu.dynamic_gather %get3A_326[%gather3A_2183] in [0] : vector<16xf32>, vector<16xi32> -> vector<16xf32>
        %broadcast_in_dim3A_2185 = vector.shape_cast %broadcast_in_dim3A_2137 : vector<16xi32> to vector<16x1xi32>
        %gather3A_2186 = vector.shape_cast %broadcast_in_dim3A_2185 : vector<16x1xi32> to vector<16xi32>
        %gather3A_2187 = tpu.dynamic_gather %get3A_331[%gather3A_2186] in [0] : vector<16xf32>, vector<16xi32> -> vector<16xf32>
        %get3A_2188 = arith.constant 4 : i32
        %get3A_2189 = arith.index_cast %get3A_2188 : i32 to index
        %get3A_2190 = arith.index_cast %add3A_2135 : i32 to index
        %get3A_2191 = arith.constant 0 : index
        %get3A_2192 = tpu.vector_load %arg8[%get3A_2189, %get3A_2190, %get3A_2191] {strides = array<i32>} : memref<12x128x16xf32, #tpu.memory_space<vmem>>, vector<1x1x16xf32>,
        %get3A_2193 = vector.shape_cast %get3A_2192 : vector<1x1x16xf32> to vector<16xf32>
        %get3A_2194 = arith.constant 5 : i32
        %get3A_2195 = arith.index_cast %get3A_2194 : i32 to index
        %get3A_2196 = arith.index_cast %add3A_2135 : i32 to index
        %get3A_2197 = arith.constant 0 : index
        %get3A_2198 = tpu.vector_load %arg8[%get3A_2195, %get3A_2196, %get3A_2197] {strides = array<i32>} : memref<12x128x16xf32, #tpu.memory_space<vmem>>, vector<1x1x16xf32>,
        %get3A_2199 = vector.shape_cast %get3A_2198 : vector<1x1x16xf32> to vector<16xf32>
        %get3A_2200 = arith.constant 6 : i32
        %get3A_2201 = arith.index_cast %get3A_2200 : i32 to index
        %get3A_2202 = arith.index_cast %add3A_2135 : i32 to index
        %get3A_2203 = arith.constant 0 : index
        %get3A_2204 = tpu.vector_load %arg8[%get3A_2201, %get3A_2202, %get3A_2203] {strides = array<i32>} : memref<12x128x16xf32, #tpu.memory_space<vmem>>, vector<1x1x16xf32>,
        %get3A_2205 = vector.shape_cast %get3A_2204 : vector<1x1x16xf32> to vector<16xf32>
        %get3A_2206 = arith.constant 7 : i32
        %get3A_2207 = arith.index_cast %get3A_2206 : i32 to index
        %get3A_2208 = arith.index_cast %add3A_2135 : i32 to index
        %get3A_2209 = arith.constant 0 : index
        %get3A_2210 = tpu.vector_load %arg8[%get3A_2207, %get3A_2208, %get3A_2209] {strides = array<i32>} : memref<12x128x16xf32, #tpu.memory_space<vmem>>, vector<1x1x16xf32>,
        %get3A_2211 = vector.shape_cast %get3A_2210 : vector<1x1x16xf32> to vector<16xf32>
        %sub3A_2212 = arith.subf %get3A_2199, %get3A_2193 : vector<16xf32>
        %mul3A_2213 = arith.mulf %gather3A_2184, %sub3A_2212 : vector<16xf32>
        %add3A_2214 = arith.addf %get3A_2193, %mul3A_2213 : vector<16xf32>
        %sub3A_2215 = arith.subf %get3A_2211, %get3A_2205 : vector<16xf32>
        %mul3A_2216 = arith.mulf %gather3A_2184, %sub3A_2215 : vector<16xf32>
        %add3A_2217 = arith.addf %get3A_2205, %mul3A_2216 : vector<16xf32>
        %sub3A_2218 = arith.subf %add3A_2217, %add3A_2214 : vector<16xf32>
        %mul3A_2219 = arith.mulf %gather3A_2187, %sub3A_2218 : vector<16xf32>
        %add3A_2220 = arith.addf %add3A_2214, %mul3A_2219 : vector<16xf32>
        %swap3A_2221 = arith.index_cast %add3A_2135 : i32 to index
        %swap3A_2222 = arith.constant 16 : index
        %swap3A_2223 = tpu.vector_load %arg9[%swap3A_2221, %swap3A_2222] {strides = array<i32>} : memref<128x48xf32, #tpu.memory_space<vmem>>, vector<1x16xf32>,
        %swap3A_2224 = vector.shape_cast %swap3A_2223 : vector<1x16xf32> to vector<16xf32>
        %swap3A_2225 = vector.shape_cast %add3A_2220 : vector<16xf32> to vector<1x16xf32>
        tpu.vector_store %arg9[%swap3A_2221, %swap3A_2222], %swap3A_2225 {strides = array<i32>} : memref<128x48xf32, #tpu.memory_space<vmem>>, vector<1x16xf32>,
        %broadcast_in_dim3A_2226 = vector.shape_cast %broadcast_in_dim3A_2137 : vector<16xi32> to vector<16x1xi32>
        %gather3A_2227 = vector.shape_cast %broadcast_in_dim3A_2226 : vector<16x1xi32> to vector<16xi32>
        %gather3A_2228 = tpu.dynamic_gather %get3A_336[%gather3A_2227] in [0] : vector<16xf32>, vector<16xi32> -> vector<16xf32>
        %broadcast_in_dim3A_2229 = vector.shape_cast %broadcast_in_dim3A_2137 : vector<16xi32> to vector<16x1xi32>
        %gather3A_2230 = vector.shape_cast %broadcast_in_dim3A_2229 : vector<16x1xi32> to vector<16xi32>
        %gather3A_2231 = tpu.dynamic_gather %get3A_341[%gather3A_2230] in [0] : vector<16xf32>, vector<16xi32> -> vector<16xf32>
        %get3A_2232 = arith.constant 8 : i32
        %get3A_2233 = arith.index_cast %get3A_2232 : i32 to index
        %get3A_2234 = arith.index_cast %add3A_2135 : i32 to index
        %get3A_2235 = arith.constant 0 : index
        %get3A_2236 = tpu.vector_load %arg8[%get3A_2233, %get3A_2234, %get3A_2235] {strides = array<i32>} : memref<12x128x16xf32, #tpu.memory_space<vmem>>, vector<1x1x16xf32>,
        %get3A_2237 = vector.shape_cast %get3A_2236 : vector<1x1x16xf32> to vector<16xf32>
        %get3A_2238 = arith.constant 9 : i32
        %get3A_2239 = arith.index_cast %get3A_2238 : i32 to index
        %get3A_2240 = arith.index_cast %add3A_2135 : i32 to index
        %get3A_2241 = arith.constant 0 : index
        %get3A_2242 = tpu.vector_load %arg8[%get3A_2239, %get3A_2240, %get3A_2241] {strides = array<i32>} : memref<12x128x16xf32, #tpu.memory_space<vmem>>, vector<1x1x16xf32>,
        %get3A_2243 = vector.shape_cast %get3A_2242 : vector<1x1x16xf32> to vector<16xf32>
        %get3A_2244 = arith.constant 10 : i32
        %get3A_2245 = arith.index_cast %get3A_2244 : i32 to index
        %get3A_2246 = arith.index_cast %add3A_2135 : i32 to index
        %get3A_2247 = arith.constant 0 : index
        %get3A_2248 = tpu.vector_load %arg8[%get3A_2245, %get3A_2246, %get3A_2247] {strides = array<i32>} : memref<12x128x16xf32, #tpu.memory_space<vmem>>, vector<1x1x16xf32>,
        %get3A_2249 = vector.shape_cast %get3A_2248 : vector<1x1x16xf32> to vector<16xf32>
        %get3A_2250 = arith.constant 11 : i32
        %get3A_2251 = arith.index_cast %get3A_2250 : i32 to index
        %get3A_2252 = arith.index_cast %add3A_2135 : i32 to index
        %get3A_2253 = arith.constant 0 : index
        %get3A_2254 = tpu.vector_load %arg8[%get3A_2251, %get3A_2252, %get3A_2253] {strides = array<i32>} : memref<12x128x16xf32, #tpu.memory_space<vmem>>, vector<1x1x16xf32>,
        %get3A_2255 = vector.shape_cast %get3A_2254 : vector<1x1x16xf32> to vector<16xf32>
        %sub3A_2256 = arith.subf %get3A_2243, %get3A_2237 : vector<16xf32>
        %mul3A_2257 = arith.mulf %gather3A_2228, %sub3A_2256 : vector<16xf32>
        %add3A_2258 = arith.addf %get3A_2237, %mul3A_2257 : vector<16xf32>
        %sub3A_2259 = arith.subf %get3A_2255, %get3A_2249 : vector<16xf32>
        %mul3A_2260 = arith.mulf %gather3A_2228, %sub3A_2259 : vector<16xf32>
        %add3A_2261 = arith.addf %get3A_2249, %mul3A_2260 : vector<16xf32>
        %sub3A_2262 = arith.subf %add3A_2261, %add3A_2258 : vector<16xf32>
        %mul3A_2263 = arith.mulf %gather3A_2231, %sub3A_2262 : vector<16xf32>
        %add3A_2264 = arith.addf %add3A_2258, %mul3A_2263 : vector<16xf32>
        %swap3A_2265 = arith.index_cast %add3A_2135 : i32 to index
        %swap3A_2266 = arith.constant 32 : index
        %swap3A_2267 = tpu.vector_load %arg9[%swap3A_2265, %swap3A_2266] {strides = array<i32>} : memref<128x48xf32, #tpu.memory_space<vmem>>, vector<1x16xf32>,
        %swap3A_2268 = vector.shape_cast %swap3A_2267 : vector<1x16xf32> to vector<16xf32>
        %swap3A_2269 = vector.shape_cast %add3A_2264 : vector<16xf32> to vector<1x16xf32>
        tpu.vector_store %arg9[%swap3A_2265, %swap3A_2266], %swap3A_2269 {strides = array<i32>} : memref<128x48xf32, #tpu.memory_space<vmem>>, vector<1x16xf32>,
        %mul3A_2270 = arith.constant 16 : i32
        %mul3A_2271 = arith.muli %scan3A_310, %mul3A_2270 : i32
        %add3A_2272 = arith.constant 14 : i32
        %add3A_2273 = arith.addi %mul3A_2271, %add3A_2272 : i32
        %broadcast_in_dim3A_2274 = arith.constant 14 : i32
        %broadcast_in_dim3A_2275 = vector.broadcast %broadcast_in_dim3A_2274 : i32 to vector<16xi32>
        %broadcast_in_dim3A_2276 = vector.shape_cast %broadcast_in_dim3A_2275 : vector<16xi32> to vector<16x1xi32>
        %gather3A_2277 = vector.shape_cast %broadcast_in_dim3A_2276 : vector<16x1xi32> to vector<16xi32>
        %gather3A_2278 = tpu.dynamic_gather %get3A_316[%gather3A_2277] in [0] : vector<16xf32>, vector<16xi32> -> vector<16xf32>
        %broadcast_in_dim3A_2279 = vector.shape_cast %broadcast_in_dim3A_2275 : vector<16xi32> to vector<16x1xi32>
        %gather3A_2280 = vector.shape_cast %broadcast_in_dim3A_2279 : vector<16x1xi32> to vector<16xi32>
        %gather3A_2281 = tpu.dynamic_gather %get3A_321[%gather3A_2280] in [0] : vector<16xf32>, vector<16xi32> -> vector<16xf32>
        %get3A_2282 = arith.constant 0 : i32
        %get3A_2283 = arith.index_cast %get3A_2282 : i32 to index
        %get3A_2284 = arith.index_cast %add3A_2273 : i32 to index
        %get3A_2285 = arith.constant 0 : index
        %get3A_2286 = tpu.vector_load %arg8[%get3A_2283, %get3A_2284, %get3A_2285] {strides = array<i32>} : memref<12x128x16xf32, #tpu.memory_space<vmem>>, vector<1x1x16xf32>,
        %get3A_2287 = vector.shape_cast %get3A_2286 : vector<1x1x16xf32> to vector<16xf32>
        %get3A_2288 = arith.constant 1 : i32
        %get3A_2289 = arith.index_cast %get3A_2288 : i32 to index
        %get3A_2290 = arith.index_cast %add3A_2273 : i32 to index
        %get3A_2291 = arith.constant 0 : index
        %get3A_2292 = tpu.vector_load %arg8[%get3A_2289, %get3A_2290, %get3A_2291] {strides = array<i32>} : memref<12x128x16xf32, #tpu.memory_space<vmem>>, vector<1x1x16xf32>,
        %get3A_2293 = vector.shape_cast %get3A_2292 : vector<1x1x16xf32> to vector<16xf32>
        %get3A_2294 = arith.constant 2 : i32
        %get3A_2295 = arith.index_cast %get3A_2294 : i32 to index
        %get3A_2296 = arith.index_cast %add3A_2273 : i32 to index
        %get3A_2297 = arith.constant 0 : index
        %get3A_2298 = tpu.vector_load %arg8[%get3A_2295, %get3A_2296, %get3A_2297] {strides = array<i32>} : memref<12x128x16xf32, #tpu.memory_space<vmem>>, vector<1x1x16xf32>,
        %get3A_2299 = vector.shape_cast %get3A_2298 : vector<1x1x16xf32> to vector<16xf32>
        %get3A_2300 = arith.constant 3 : i32
        %get3A_2301 = arith.index_cast %get3A_2300 : i32 to index
        %get3A_2302 = arith.index_cast %add3A_2273 : i32 to index
        %get3A_2303 = arith.constant 0 : index
        %get3A_2304 = tpu.vector_load %arg8[%get3A_2301, %get3A_2302, %get3A_2303] {strides = array<i32>} : memref<12x128x16xf32, #tpu.memory_space<vmem>>, vector<1x1x16xf32>,
        %get3A_2305 = vector.shape_cast %get3A_2304 : vector<1x1x16xf32> to vector<16xf32>
        %sub3A_2306 = arith.subf %get3A_2293, %get3A_2287 : vector<16xf32>
        %mul3A_2307 = arith.mulf %gather3A_2278, %sub3A_2306 : vector<16xf32>
        %add3A_2308 = arith.addf %get3A_2287, %mul3A_2307 : vector<16xf32>
        %sub3A_2309 = arith.subf %get3A_2305, %get3A_2299 : vector<16xf32>
        %mul3A_2310 = arith.mulf %gather3A_2278, %sub3A_2309 : vector<16xf32>
        %add3A_2311 = arith.addf %get3A_2299, %mul3A_2310 : vector<16xf32>
        %sub3A_2312 = arith.subf %add3A_2311, %add3A_2308 : vector<16xf32>
        %mul3A_2313 = arith.mulf %gather3A_2281, %sub3A_2312 : vector<16xf32>
        %add3A_2314 = arith.addf %add3A_2308, %mul3A_2313 : vector<16xf32>
        %swap3A_2315 = arith.index_cast %add3A_2273 : i32 to index
        %swap3A_2316 = arith.constant 0 : index
        %swap3A_2317 = tpu.vector_load %arg9[%swap3A_2315, %swap3A_2316] {strides = array<i32>} : memref<128x48xf32, #tpu.memory_space<vmem>>, vector<1x16xf32>,
        %swap3A_2318 = vector.shape_cast %swap3A_2317 : vector<1x16xf32> to vector<16xf32>
        %swap3A_2319 = vector.shape_cast %add3A_2314 : vector<16xf32> to vector<1x16xf32>
        tpu.vector_store %arg9[%swap3A_2315, %swap3A_2316], %swap3A_2319 {strides = array<i32>} : memref<128x48xf32, #tpu.memory_space<vmem>>, vector<1x16xf32>,
        %broadcast_in_dim3A_2320 = vector.shape_cast %broadcast_in_dim3A_2275 : vector<16xi32> to vector<16x1xi32>
        %gather3A_2321 = vector.shape_cast %broadcast_in_dim3A_2320 : vector<16x1xi32> to vector<16xi32>
        %gather3A_2322 = tpu.dynamic_gather %get3A_326[%gather3A_2321] in [0] : vector<16xf32>, vector<16xi32> -> vector<16xf32>
        %broadcast_in_dim3A_2323 = vector.shape_cast %broadcast_in_dim3A_2275 : vector<16xi32> to vector<16x1xi32>
        %gather3A_2324 = vector.shape_cast %broadcast_in_dim3A_2323 : vector<16x1xi32> to vector<16xi32>
        %gather3A_2325 = tpu.dynamic_gather %get3A_331[%gather3A_2324] in [0] : vector<16xf32>, vector<16xi32> -> vector<16xf32>
        %get3A_2326 = arith.constant 4 : i32
        %get3A_2327 = arith.index_cast %get3A_2326 : i32 to index
        %get3A_2328 = arith.index_cast %add3A_2273 : i32 to index
        %get3A_2329 = arith.constant 0 : index
        %get3A_2330 = tpu.vector_load %arg8[%get3A_2327, %get3A_2328, %get3A_2329] {strides = array<i32>} : memref<12x128x16xf32, #tpu.memory_space<vmem>>, vector<1x1x16xf32>,
        %get3A_2331 = vector.shape_cast %get3A_2330 : vector<1x1x16xf32> to vector<16xf32>
        %get3A_2332 = arith.constant 5 : i32
        %get3A_2333 = arith.index_cast %get3A_2332 : i32 to index
        %get3A_2334 = arith.index_cast %add3A_2273 : i32 to index
        %get3A_2335 = arith.constant 0 : index
        %get3A_2336 = tpu.vector_load %arg8[%get3A_2333, %get3A_2334, %get3A_2335] {strides = array<i32>} : memref<12x128x16xf32, #tpu.memory_space<vmem>>, vector<1x1x16xf32>,
        %get3A_2337 = vector.shape_cast %get3A_2336 : vector<1x1x16xf32> to vector<16xf32>
        %get3A_2338 = arith.constant 6 : i32
        %get3A_2339 = arith.index_cast %get3A_2338 : i32 to index
        %get3A_2340 = arith.index_cast %add3A_2273 : i32 to index
        %get3A_2341 = arith.constant 0 : index
        %get3A_2342 = tpu.vector_load %arg8[%get3A_2339, %get3A_2340, %get3A_2341] {strides = array<i32>} : memref<12x128x16xf32, #tpu.memory_space<vmem>>, vector<1x1x16xf32>,
        %get3A_2343 = vector.shape_cast %get3A_2342 : vector<1x1x16xf32> to vector<16xf32>
        %get3A_2344 = arith.constant 7 : i32
        %get3A_2345 = arith.index_cast %get3A_2344 : i32 to index
        %get3A_2346 = arith.index_cast %add3A_2273 : i32 to index
        %get3A_2347 = arith.constant 0 : index
        %get3A_2348 = tpu.vector_load %arg8[%get3A_2345, %get3A_2346, %get3A_2347] {strides = array<i32>} : memref<12x128x16xf32, #tpu.memory_space<vmem>>, vector<1x1x16xf32>,
        %get3A_2349 = vector.shape_cast %get3A_2348 : vector<1x1x16xf32> to vector<16xf32>
        %sub3A_2350 = arith.subf %get3A_2337, %get3A_2331 : vector<16xf32>
        %mul3A_2351 = arith.mulf %gather3A_2322, %sub3A_2350 : vector<16xf32>
        %add3A_2352 = arith.addf %get3A_2331, %mul3A_2351 : vector<16xf32>
        %sub3A_2353 = arith.subf %get3A_2349, %get3A_2343 : vector<16xf32>
        %mul3A_2354 = arith.mulf %gather3A_2322, %sub3A_2353 : vector<16xf32>
        %add3A_2355 = arith.addf %get3A_2343, %mul3A_2354 : vector<16xf32>
        %sub3A_2356 = arith.subf %add3A_2355, %add3A_2352 : vector<16xf32>
        %mul3A_2357 = arith.mulf %gather3A_2325, %sub3A_2356 : vector<16xf32>
        %add3A_2358 = arith.addf %add3A_2352, %mul3A_2357 : vector<16xf32>
        %swap3A_2359 = arith.index_cast %add3A_2273 : i32 to index
        %swap3A_2360 = arith.constant 16 : index
        %swap3A_2361 = tpu.vector_load %arg9[%swap3A_2359, %swap3A_2360] {strides = array<i32>} : memref<128x48xf32, #tpu.memory_space<vmem>>, vector<1x16xf32>,
        %swap3A_2362 = vector.shape_cast %swap3A_2361 : vector<1x16xf32> to vector<16xf32>
        %swap3A_2363 = vector.shape_cast %add3A_2358 : vector<16xf32> to vector<1x16xf32>
        tpu.vector_store %arg9[%swap3A_2359, %swap3A_2360], %swap3A_2363 {strides = array<i32>} : memref<128x48xf32, #tpu.memory_space<vmem>>, vector<1x16xf32>,
        %broadcast_in_dim3A_2364 = vector.shape_cast %broadcast_in_dim3A_2275 : vector<16xi32> to vector<16x1xi32>
        %gather3A_2365 = vector.shape_cast %broadcast_in_dim3A_2364 : vector<16x1xi32> to vector<16xi32>
        %gather3A_2366 = tpu.dynamic_gather %get3A_336[%gather3A_2365] in [0] : vector<16xf32>, vector<16xi32> -> vector<16xf32>
        %broadcast_in_dim3A_2367 = vector.shape_cast %broadcast_in_dim3A_2275 : vector<16xi32> to vector<16x1xi32>
        %gather3A_2368 = vector.shape_cast %broadcast_in_dim3A_2367 : vector<16x1xi32> to vector<16xi32>
        %gather3A_2369 = tpu.dynamic_gather %get3A_341[%gather3A_2368] in [0] : vector<16xf32>, vector<16xi32> -> vector<16xf32>
        %get3A_2370 = arith.constant 8 : i32
        %get3A_2371 = arith.index_cast %get3A_2370 : i32 to index
        %get3A_2372 = arith.index_cast %add3A_2273 : i32 to index
        %get3A_2373 = arith.constant 0 : index
        %get3A_2374 = tpu.vector_load %arg8[%get3A_2371, %get3A_2372, %get3A_2373] {strides = array<i32>} : memref<12x128x16xf32, #tpu.memory_space<vmem>>, vector<1x1x16xf32>,
        %get3A_2375 = vector.shape_cast %get3A_2374 : vector<1x1x16xf32> to vector<16xf32>
        %get3A_2376 = arith.constant 9 : i32
        %get3A_2377 = arith.index_cast %get3A_2376 : i32 to index
        %get3A_2378 = arith.index_cast %add3A_2273 : i32 to index
        %get3A_2379 = arith.constant 0 : index
        %get3A_2380 = tpu.vector_load %arg8[%get3A_2377, %get3A_2378, %get3A_2379] {strides = array<i32>} : memref<12x128x16xf32, #tpu.memory_space<vmem>>, vector<1x1x16xf32>,
        %get3A_2381 = vector.shape_cast %get3A_2380 : vector<1x1x16xf32> to vector<16xf32>
        %get3A_2382 = arith.constant 10 : i32
        %get3A_2383 = arith.index_cast %get3A_2382 : i32 to index
        %get3A_2384 = arith.index_cast %add3A_2273 : i32 to index
        %get3A_2385 = arith.constant 0 : index
        %get3A_2386 = tpu.vector_load %arg8[%get3A_2383, %get3A_2384, %get3A_2385] {strides = array<i32>} : memref<12x128x16xf32, #tpu.memory_space<vmem>>, vector<1x1x16xf32>,
        %get3A_2387 = vector.shape_cast %get3A_2386 : vector<1x1x16xf32> to vector<16xf32>
        %get3A_2388 = arith.constant 11 : i32
        %get3A_2389 = arith.index_cast %get3A_2388 : i32 to index
        %get3A_2390 = arith.index_cast %add3A_2273 : i32 to index
        %get3A_2391 = arith.constant 0 : index
        %get3A_2392 = tpu.vector_load %arg8[%get3A_2389, %get3A_2390, %get3A_2391] {strides = array<i32>} : memref<12x128x16xf32, #tpu.memory_space<vmem>>, vector<1x1x16xf32>,
        %get3A_2393 = vector.shape_cast %get3A_2392 : vector<1x1x16xf32> to vector<16xf32>
        %sub3A_2394 = arith.subf %get3A_2381, %get3A_2375 : vector<16xf32>
        %mul3A_2395 = arith.mulf %gather3A_2366, %sub3A_2394 : vector<16xf32>
        %add3A_2396 = arith.addf %get3A_2375, %mul3A_2395 : vector<16xf32>
        %sub3A_2397 = arith.subf %get3A_2393, %get3A_2387 : vector<16xf32>
        %mul3A_2398 = arith.mulf %gather3A_2366, %sub3A_2397 : vector<16xf32>
        %add3A_2399 = arith.addf %get3A_2387, %mul3A_2398 : vector<16xf32>
        %sub3A_2400 = arith.subf %add3A_2399, %add3A_2396 : vector<16xf32>
        %mul3A_2401 = arith.mulf %gather3A_2369, %sub3A_2400 : vector<16xf32>
        %add3A_2402 = arith.addf %add3A_2396, %mul3A_2401 : vector<16xf32>
        %swap3A_2403 = arith.index_cast %add3A_2273 : i32 to index
        %swap3A_2404 = arith.constant 32 : index
        %swap3A_2405 = tpu.vector_load %arg9[%swap3A_2403, %swap3A_2404] {strides = array<i32>} : memref<128x48xf32, #tpu.memory_space<vmem>>, vector<1x16xf32>,
        %swap3A_2406 = vector.shape_cast %swap3A_2405 : vector<1x16xf32> to vector<16xf32>
        %swap3A_2407 = vector.shape_cast %add3A_2402 : vector<16xf32> to vector<1x16xf32>
        tpu.vector_store %arg9[%swap3A_2403, %swap3A_2404], %swap3A_2407 {strides = array<i32>} : memref<128x48xf32, #tpu.memory_space<vmem>>, vector<1x16xf32>,
        %mul3A_2408 = arith.constant 16 : i32
        %mul3A_2409 = arith.muli %scan3A_310, %mul3A_2408 : i32
        %add3A_2410 = arith.constant 15 : i32
        %add3A_2411 = arith.addi %mul3A_2409, %add3A_2410 : i32
        %broadcast_in_dim3A_2412 = arith.constant 15 : i32
        %broadcast_in_dim3A_2413 = vector.broadcast %broadcast_in_dim3A_2412 : i32 to vector<16xi32>
        %broadcast_in_dim3A_2414 = vector.shape_cast %broadcast_in_dim3A_2413 : vector<16xi32> to vector<16x1xi32>
        %gather3A_2415 = vector.shape_cast %broadcast_in_dim3A_2414 : vector<16x1xi32> to vector<16xi32>
        %gather3A_2416 = tpu.dynamic_gather %get3A_316[%gather3A_2415] in [0] : vector<16xf32>, vector<16xi32> -> vector<16xf32>
        %broadcast_in_dim3A_2417 = vector.shape_cast %broadcast_in_dim3A_2413 : vector<16xi32> to vector<16x1xi32>
        %gather3A_2418 = vector.shape_cast %broadcast_in_dim3A_2417 : vector<16x1xi32> to vector<16xi32>
        %gather3A_2419 = tpu.dynamic_gather %get3A_321[%gather3A_2418] in [0] : vector<16xf32>, vector<16xi32> -> vector<16xf32>
        %get3A_2420 = arith.constant 0 : i32
        %get3A_2421 = arith.index_cast %get3A_2420 : i32 to index
        %get3A_2422 = arith.index_cast %add3A_2411 : i32 to index
        %get3A_2423 = arith.constant 0 : index
        %get3A_2424 = tpu.vector_load %arg8[%get3A_2421, %get3A_2422, %get3A_2423] {strides = array<i32>} : memref<12x128x16xf32, #tpu.memory_space<vmem>>, vector<1x1x16xf32>,
        %get3A_2425 = vector.shape_cast %get3A_2424 : vector<1x1x16xf32> to vector<16xf32>
        %get3A_2426 = arith.constant 1 : i32
        %get3A_2427 = arith.index_cast %get3A_2426 : i32 to index
        %get3A_2428 = arith.index_cast %add3A_2411 : i32 to index
        %get3A_2429 = arith.constant 0 : index
        %get3A_2430 = tpu.vector_load %arg8[%get3A_2427, %get3A_2428, %get3A_2429] {strides = array<i32>} : memref<12x128x16xf32, #tpu.memory_space<vmem>>, vector<1x1x16xf32>,
        %get3A_2431 = vector.shape_cast %get3A_2430 : vector<1x1x16xf32> to vector<16xf32>
        %get3A_2432 = arith.constant 2 : i32
        %get3A_2433 = arith.index_cast %get3A_2432 : i32 to index
        %get3A_2434 = arith.index_cast %add3A_2411 : i32 to index
        %get3A_2435 = arith.constant 0 : index
        %get3A_2436 = tpu.vector_load %arg8[%get3A_2433, %get3A_2434, %get3A_2435] {strides = array<i32>} : memref<12x128x16xf32, #tpu.memory_space<vmem>>, vector<1x1x16xf32>,
        %get3A_2437 = vector.shape_cast %get3A_2436 : vector<1x1x16xf32> to vector<16xf32>
        %get3A_2438 = arith.constant 3 : i32
        %get3A_2439 = arith.index_cast %get3A_2438 : i32 to index
        %get3A_2440 = arith.index_cast %add3A_2411 : i32 to index
        %get3A_2441 = arith.constant 0 : index
        %get3A_2442 = tpu.vector_load %arg8[%get3A_2439, %get3A_2440, %get3A_2441] {strides = array<i32>} : memref<12x128x16xf32, #tpu.memory_space<vmem>>, vector<1x1x16xf32>,
        %get3A_2443 = vector.shape_cast %get3A_2442 : vector<1x1x16xf32> to vector<16xf32>
        %sub3A_2444 = arith.subf %get3A_2431, %get3A_2425 : vector<16xf32>
        %mul3A_2445 = arith.mulf %gather3A_2416, %sub3A_2444 : vector<16xf32>
        %add3A_2446 = arith.addf %get3A_2425, %mul3A_2445 : vector<16xf32>
        %sub3A_2447 = arith.subf %get3A_2443, %get3A_2437 : vector<16xf32>
        %mul3A_2448 = arith.mulf %gather3A_2416, %sub3A_2447 : vector<16xf32>
        %add3A_2449 = arith.addf %get3A_2437, %mul3A_2448 : vector<16xf32>
        %sub3A_2450 = arith.subf %add3A_2449, %add3A_2446 : vector<16xf32>
        %mul3A_2451 = arith.mulf %gather3A_2419, %sub3A_2450 : vector<16xf32>
        %add3A_2452 = arith.addf %add3A_2446, %mul3A_2451 : vector<16xf32>
        %swap3A_2453 = arith.index_cast %add3A_2411 : i32 to index
        %swap3A_2454 = arith.constant 0 : index
        %swap3A_2455 = tpu.vector_load %arg9[%swap3A_2453, %swap3A_2454] {strides = array<i32>} : memref<128x48xf32, #tpu.memory_space<vmem>>, vector<1x16xf32>,
        %swap3A_2456 = vector.shape_cast %swap3A_2455 : vector<1x16xf32> to vector<16xf32>
        %swap3A_2457 = vector.shape_cast %add3A_2452 : vector<16xf32> to vector<1x16xf32>
        tpu.vector_store %arg9[%swap3A_2453, %swap3A_2454], %swap3A_2457 {strides = array<i32>} : memref<128x48xf32, #tpu.memory_space<vmem>>, vector<1x16xf32>,
        %broadcast_in_dim3A_2458 = vector.shape_cast %broadcast_in_dim3A_2413 : vector<16xi32> to vector<16x1xi32>
        %gather3A_2459 = vector.shape_cast %broadcast_in_dim3A_2458 : vector<16x1xi32> to vector<16xi32>
        %gather3A_2460 = tpu.dynamic_gather %get3A_326[%gather3A_2459] in [0] : vector<16xf32>, vector<16xi32> -> vector<16xf32>
        %broadcast_in_dim3A_2461 = vector.shape_cast %broadcast_in_dim3A_2413 : vector<16xi32> to vector<16x1xi32>
        %gather3A_2462 = vector.shape_cast %broadcast_in_dim3A_2461 : vector<16x1xi32> to vector<16xi32>
        %gather3A_2463 = tpu.dynamic_gather %get3A_331[%gather3A_2462] in [0] : vector<16xf32>, vector<16xi32> -> vector<16xf32>
        %get3A_2464 = arith.constant 4 : i32
        %get3A_2465 = arith.index_cast %get3A_2464 : i32 to index
        %get3A_2466 = arith.index_cast %add3A_2411 : i32 to index
        %get3A_2467 = arith.constant 0 : index
        %get3A_2468 = tpu.vector_load %arg8[%get3A_2465, %get3A_2466, %get3A_2467] {strides = array<i32>} : memref<12x128x16xf32, #tpu.memory_space<vmem>>, vector<1x1x16xf32>,
        %get3A_2469 = vector.shape_cast %get3A_2468 : vector<1x1x16xf32> to vector<16xf32>
        %get3A_2470 = arith.constant 5 : i32
        %get3A_2471 = arith.index_cast %get3A_2470 : i32 to index
        %get3A_2472 = arith.index_cast %add3A_2411 : i32 to index
        %get3A_2473 = arith.constant 0 : index
        %get3A_2474 = tpu.vector_load %arg8[%get3A_2471, %get3A_2472, %get3A_2473] {strides = array<i32>} : memref<12x128x16xf32, #tpu.memory_space<vmem>>, vector<1x1x16xf32>,
        %get3A_2475 = vector.shape_cast %get3A_2474 : vector<1x1x16xf32> to vector<16xf32>
        %get3A_2476 = arith.constant 6 : i32
        %get3A_2477 = arith.index_cast %get3A_2476 : i32 to index
        %get3A_2478 = arith.index_cast %add3A_2411 : i32 to index
        %get3A_2479 = arith.constant 0 : index
        %get3A_2480 = tpu.vector_load %arg8[%get3A_2477, %get3A_2478, %get3A_2479] {strides = array<i32>} : memref<12x128x16xf32, #tpu.memory_space<vmem>>, vector<1x1x16xf32>,
        %get3A_2481 = vector.shape_cast %get3A_2480 : vector<1x1x16xf32> to vector<16xf32>
        %get3A_2482 = arith.constant 7 : i32
        %get3A_2483 = arith.index_cast %get3A_2482 : i32 to index
        %get3A_2484 = arith.index_cast %add3A_2411 : i32 to index
        %get3A_2485 = arith.constant 0 : index
        %get3A_2486 = tpu.vector_load %arg8[%get3A_2483, %get3A_2484, %get3A_2485] {strides = array<i32>} : memref<12x128x16xf32, #tpu.memory_space<vmem>>, vector<1x1x16xf32>,
        %get3A_2487 = vector.shape_cast %get3A_2486 : vector<1x1x16xf32> to vector<16xf32>
        %sub3A_2488 = arith.subf %get3A_2475, %get3A_2469 : vector<16xf32>
        %mul3A_2489 = arith.mulf %gather3A_2460, %sub3A_2488 : vector<16xf32>
        %add3A_2490 = arith.addf %get3A_2469, %mul3A_2489 : vector<16xf32>
        %sub3A_2491 = arith.subf %get3A_2487, %get3A_2481 : vector<16xf32>
        %mul3A_2492 = arith.mulf %gather3A_2460, %sub3A_2491 : vector<16xf32>
        %add3A_2493 = arith.addf %get3A_2481, %mul3A_2492 : vector<16xf32>
        %sub3A_2494 = arith.subf %add3A_2493, %add3A_2490 : vector<16xf32>
        %mul3A_2495 = arith.mulf %gather3A_2463, %sub3A_2494 : vector<16xf32>
        %add3A_2496 = arith.addf %add3A_2490, %mul3A_2495 : vector<16xf32>
        %swap3A_2497 = arith.index_cast %add3A_2411 : i32 to index
        %swap3A_2498 = arith.constant 16 : index
        %swap3A_2499 = tpu.vector_load %arg9[%swap3A_2497, %swap3A_2498] {strides = array<i32>} : memref<128x48xf32, #tpu.memory_space<vmem>>, vector<1x16xf32>,
        %swap3A_2500 = vector.shape_cast %swap3A_2499 : vector<1x16xf32> to vector<16xf32>
        %swap3A_2501 = vector.shape_cast %add3A_2496 : vector<16xf32> to vector<1x16xf32>
        tpu.vector_store %arg9[%swap3A_2497, %swap3A_2498], %swap3A_2501 {strides = array<i32>} : memref<128x48xf32, #tpu.memory_space<vmem>>, vector<1x16xf32>,
        %broadcast_in_dim3A_2502 = vector.shape_cast %broadcast_in_dim3A_2413 : vector<16xi32> to vector<16x1xi32>
        %gather3A_2503 = vector.shape_cast %broadcast_in_dim3A_2502 : vector<16x1xi32> to vector<16xi32>
        %gather3A_2504 = tpu.dynamic_gather %get3A_336[%gather3A_2503] in [0] : vector<16xf32>, vector<16xi32> -> vector<16xf32>
        %broadcast_in_dim3A_2505 = vector.shape_cast %broadcast_in_dim3A_2413 : vector<16xi32> to vector<16x1xi32>
        %gather3A_2506 = vector.shape_cast %broadcast_in_dim3A_2505 : vector<16x1xi32> to vector<16xi32>
        %gather3A_2507 = tpu.dynamic_gather %get3A_341[%gather3A_2506] in [0] : vector<16xf32>, vector<16xi32> -> vector<16xf32>
        %get3A_2508 = arith.constant 8 : i32
        %get3A_2509 = arith.index_cast %get3A_2508 : i32 to index
        %get3A_2510 = arith.index_cast %add3A_2411 : i32 to index
        %get3A_2511 = arith.constant 0 : index
        %get3A_2512 = tpu.vector_load %arg8[%get3A_2509, %get3A_2510, %get3A_2511] {strides = array<i32>} : memref<12x128x16xf32, #tpu.memory_space<vmem>>, vector<1x1x16xf32>,
        %get3A_2513 = vector.shape_cast %get3A_2512 : vector<1x1x16xf32> to vector<16xf32>
        %get3A_2514 = arith.constant 9 : i32
        %get3A_2515 = arith.index_cast %get3A_2514 : i32 to index
        %get3A_2516 = arith.index_cast %add3A_2411 : i32 to index
        %get3A_2517 = arith.constant 0 : index
        %get3A_2518 = tpu.vector_load %arg8[%get3A_2515, %get3A_2516, %get3A_2517] {strides = array<i32>} : memref<12x128x16xf32, #tpu.memory_space<vmem>>, vector<1x1x16xf32>,
        %get3A_2519 = vector.shape_cast %get3A_2518 : vector<1x1x16xf32> to vector<16xf32>
        %get3A_2520 = arith.constant 10 : i32
        %get3A_2521 = arith.index_cast %get3A_2520 : i32 to index
        %get3A_2522 = arith.index_cast %add3A_2411 : i32 to index
        %get3A_2523 = arith.constant 0 : index
        %get3A_2524 = tpu.vector_load %arg8[%get3A_2521, %get3A_2522, %get3A_2523] {strides = array<i32>} : memref<12x128x16xf32, #tpu.memory_space<vmem>>, vector<1x1x16xf32>,
        %get3A_2525 = vector.shape_cast %get3A_2524 : vector<1x1x16xf32> to vector<16xf32>
        %get3A_2526 = arith.constant 11 : i32
        %get3A_2527 = arith.index_cast %get3A_2526 : i32 to index
        %get3A_2528 = arith.index_cast %add3A_2411 : i32 to index
        %get3A_2529 = arith.constant 0 : index
        %get3A_2530 = tpu.vector_load %arg8[%get3A_2527, %get3A_2528, %get3A_2529] {strides = array<i32>} : memref<12x128x16xf32, #tpu.memory_space<vmem>>, vector<1x1x16xf32>,
        %get3A_2531 = vector.shape_cast %get3A_2530 : vector<1x1x16xf32> to vector<16xf32>
        %sub3A_2532 = arith.subf %get3A_2519, %get3A_2513 : vector<16xf32>
        %mul3A_2533 = arith.mulf %gather3A_2504, %sub3A_2532 : vector<16xf32>
        %add3A_2534 = arith.addf %get3A_2513, %mul3A_2533 : vector<16xf32>
        %sub3A_2535 = arith.subf %get3A_2531, %get3A_2525 : vector<16xf32>
        %mul3A_2536 = arith.mulf %gather3A_2504, %sub3A_2535 : vector<16xf32>
        %add3A_2537 = arith.addf %get3A_2525, %mul3A_2536 : vector<16xf32>
        %sub3A_2538 = arith.subf %add3A_2537, %add3A_2534 : vector<16xf32>
        %mul3A_2539 = arith.mulf %gather3A_2507, %sub3A_2538 : vector<16xf32>
        %add3A_2540 = arith.addf %add3A_2534, %mul3A_2539 : vector<16xf32>
        %swap3A_2541 = arith.index_cast %add3A_2411 : i32 to index
        %swap3A_2542 = arith.constant 32 : index
        %swap3A_2543 = tpu.vector_load %arg9[%swap3A_2541, %swap3A_2542] {strides = array<i32>} : memref<128x48xf32, #tpu.memory_space<vmem>>, vector<1x16xf32>,
        %swap3A_2544 = vector.shape_cast %swap3A_2543 : vector<1x16xf32> to vector<16xf32>
        %swap3A_2545 = vector.shape_cast %add3A_2540 : vector<16xf32> to vector<1x16xf32>
        tpu.vector_store %arg9[%swap3A_2541, %swap3A_2542], %swap3A_2545 {strides = array<i32>} : memref<128x48xf32, #tpu.memory_space<vmem>>, vector<1x16xf32>,
      }
      %scan3A_309 = arith.constant 8 : i32
      "tpu.region"() ({
        %run_scoped3A = tpu.sem_alloc : memref<!tpu.dma_semaphore, #tpu.memory_space<semaphore_mem>>
        %dma_start3A_310 = arith.constant 0 : i32
        %dma_start3A_311 = tpu.memref_slice %arg4[%add3A_11, %dma_start3A_310] : memref<524288x48xf32, #tpu.memory_space<hbm>> -> memref<128x48xf32, #tpu.memory_space<hbm>>
        %dma_start3A_312 = arith.constant 0 : i32
        %dma_start3A_313 = tpu.memref_slice %arg4[%add3A_11, %dma_start3A_312] : memref<524288x48xf32, #tpu.memory_space<hbm>> -> memref<128x48xf32, #tpu.memory_space<hbm>>
        tpu.enqueue_dma source(%arg9 : memref<128x48xf32, #tpu.memory_space<vmem>>) target(%dma_start3A_313 : memref<128x48xf32, #tpu.memory_space<hbm>>) target_semaphore(%run_scoped3A : memref<!tpu.dma_semaphore, #tpu.memory_space<semaphore_mem>>)
        %dma_wait3A_314 = arith.constant 0 : i32
        %dma_wait3A_315 = tpu.memref_slice %arg4[%add3A_11, %dma_wait3A_314] : memref<524288x48xf32, #tpu.memory_space<hbm>> -> memref<128x48xf32, #tpu.memory_space<hbm>>
        %dma_wait3A_316 = arith.constant 0 : i32
        %dma_wait3A_317 = tpu.memref_slice %arg4[%add3A_11, %dma_wait3A_316] : memref<524288x48xf32, #tpu.memory_space<hbm>> -> memref<128x48xf32, #tpu.memory_space<hbm>>
        tpu.wait_dma2 semaphore(%run_scoped3A : memref<!tpu.dma_semaphore, #tpu.memory_space<semaphore_mem>>) src(%arg9 : memref<128x48xf32, #tpu.memory_space<vmem>>) dst(%dma_wait3A_317 : memref<128x48xf32, #tpu.memory_space<hbm>>)
        tpu.yield
      }) : () -> ()
    }
    %scan3A_7 = arith.constant 128 : i32
    return
  }
}

</mosaic_0001>

<sc_bundles>
// kernel: _tri_plane_sc.3.cloned.1.call-start
scs
__scs_entry_jumppad:
0x0: {  	(pc) =	sbr.rel $0x88, $3  }
0x1: {  	(tag) =	ssettag $0x0;
	lr =	simm.s32 $0x1  }
0x2: {  	[smem:$0x3F9F] =	sst lr;
	_ =	strace $0xD0000000  }
0x3: {  	_ = 	snop  }
0x4: {  	_ = 	snop  }
0x5: {  	_ = 	snop  }
0x6: {  	_ = 	snop  }
0x7: {  	_ = 	snop  }
__scs_overlays_trampoline_lowered:
0x8: {  	[smem:$0x3FAE] =	sst s0  }
0x9: {  	[smem:$0x3FAF] =	sst s1  }
0xa: {  	[smem:$0x3FB0] =	sst s2  }
0xb: {  	[smem:$0x3FB1] =	sst s3  }
0xc: {  	[smem:$0x3FB2] =	sst s4  }
0xd: {  	[smem:$0x3FB3] =	sst s5  }
0xe: {  	[smem:$0x3FB4] =	sst s6  }
0xf: {  	[smem:$0x3FB5] =	sst s7  }
0x10: {  	[smem:$0x3FB6] =	sst s8  }
0x11: {  	[smem:$0x3FB7] =	sst s9;
	s0 =	simm.s32 @!p0 $0x0  }
0x12: {  	s1 =	sld [smem:$0x3F9D];
	s0 =	simm.s32 @p0 $0x1  }
0x13: {  	[smem:$0x3FB8] =	sst s0;
	s0 =	simm.s32 @!p1 $0x0  }
0x14: {  	s2 =	sld [smem:$0x3F9C];
	s0 =	simm.s32 @p1 $0x1  }
0x15: {  	[smem:$0x3FB9] =	sst s0;
	s0 =	simm.s32 @!p2 $0x0  }
0x16: {  	s3 =	sld [smem:$0x3FDB];
	s0 =	simm.s32 @p2 $0x1  }
0x17: {  	s4 =	simm.s32 $0x1BF5;
	[smem:$0x3FBB] =	sst s0  }
0x18: {  	s0 =	sld [smem:$0x3F9E];
	_ =	swait.ge [sflag:s4], $0x0  }
0x19: {  	s7 =	sld [smem:$0x3F9F]  }
0x1a: {  	s8 =	sadd.s32 $0xFFFFE003, lr  }
0x1b: {  	s9 =	sadd.s32 $0xFFFFFEF7, lr;
	s5 =	simm.s32 $0xFFFFFFFF;
	p2 =	slt.u32 s8, $0xFFFFF086  }
0x1c: {  	p1 =	slt.u32 s9, $0xF7A;
	s5 =	simm.s32 @!p2 $0x0  }
0x1d: {  	s5 =	simm.s32 @p1 $0x1;
	p0 =	seq.s32 s7, s2  }
0x1e: {  	s7 =	smul.u32 @!p0 $0xF7A, s2;
	p2 =	seq.s32 @!p0 s5, $0x0  }
0x1f: {  	s9 =	smul.u32 $0xF7A, s1;
	s8 =	simm.s32 @!p0 $0x1BF5;
	p2 =	por !p2, p0  }
0x20: {  	[sflag:s8] =	ssyncset.s32 @!p0 $0xFFFFF086;
	s6 =	sadd.s32 @!p0 s3, s7;
	s7 =	simm.s32 @!p0 $0x108  }
0x21: {  	s3 =	sadd.s32 s3, s9;
	s6 =	sadd.s32 @!p0 $0x88, s6;
	s7 =	simm.s32 @p2 $0x1082  }
0x22: {  	[simem:s7], [sflag:s8] =	dma.local @!p0 [hbm:s6], $0xF7A  }
0x23: {  	s9 =	sor.u32 $0xD0000000, s2;
	s6 =	simm.s32 $0x108;
	_ =	swait.ge @!p0 [sflag:s8], $0x0  }
0x24: {  	s3 =	sadd.s32 $0x88, s3;
	s6 =	simm.s32 @!p1 $0x1082;
	[sflag:s4] =	ssyncset.s32 $0xFFFFF086  }
0x25: {  	[simem:s6], [sflag:s4] =	dma.local [hbm:s3], $0xF7A  }
0x26: {  	[smem:$0x3F9F] =	sst s1;
	(tag) =	ssettag s2;
	_ =	strace s9  }
0x27: {  	s1 =	sld [smem:$0x3FAF]  }
0x28: {  	s2 =	sld [smem:$0x3FB0]  }
0x29: {  	s4 =	sld [smem:$0x3FB2]  }
0x2a: {  	p0 =	seq.s32 s5, $0x0;
	s5 =	sld [smem:$0x3FB3]  }
0x2b: {  	s6 =	sld [smem:$0x3FB4]  }
0x2c: {  	s7 =	sld [smem:$0x3FB5]  }
0x2d: {  	s3 =	simm.s32 $0x108;
	s8 =	sld [smem:$0x3FB6]  }
0x2e: {  	s3 =	simm.s32 @!p0 $0x1082;
	s9 =	sld [smem:$0x3FB7]  }
0x2f: {  	lr =	sadd.s32 s0, s3;
	s0 =	sld [smem:$0x3FAE]  }
0x30: {  	s3 =	sld [smem:$0x3FB1]  }
0x31: {  	[smem:$0x3FBA] =	sst s10  }
0x32: {  	s10 =	sld [smem:$0x3FB8];
	_ =	sdelay $0x3  }
0x33: {  	p0 =	seq.s32 s10, $0x1;
	s10 =	sld [smem:$0x3FBA];
	_ =	sdelay $0x3  }
0x34: {  	[smem:$0x3FBA] =	sst s10  }
0x35: {  	s10 =	sld [smem:$0x3FB9];
	_ =	sdelay $0x3  }
0x36: {  	p1 =	seq.s32 s10, $0x1;
	s10 =	sld [smem:$0x3FBA];
	_ =	sdelay $0x3  }
0x37: {  	[smem:$0x3FBA] =	sst s10  }
0x38: {  	s10 =	sld [smem:$0x3FBB]  }
0x39: {  	_ = 	snop;
	(pc) =	sbr.ind lr, $3  }
0x3a: {  	_ = 	snop  }
0x3b: {  	_ = 	snop  }
0x3c: {  	p2 =	seq.s32 s10, $0x1;
	s10 =	sld [smem:$0x3FBA]  }
0x3d: {  	_ =	shalt  }
0x3e: {  	_ =	shalt  }
0x3f: {  	_ =	shalt  }
0x40: {  	_ =	shalt  }
0x41: {  	_ =	shalt  }
0x42: {  	_ =	shalt  }
0x43: {  	_ =	shalt  }
0x44: {  	_ =	shalt  }
0x45: {  	_ =	shalt  }
0x46: {  	_ =	shalt  }
0x47: {  	_ =	shalt  }
0x48: {  	_ =	shalt  }
0x49: {  	_ =	shalt  }
0x4a: {  	_ =	shalt  }
0x4b: {  	_ =	shalt  }
0x4c: {  	_ =	shalt  }
0x4d: {  	_ =	shalt  }
0x4e: {  	_ =	shalt  }
0x4f: {  	_ =	shalt  }
0x50: {  	_ =	shalt  }
0x51: {  	_ =	shalt  }
0x52: {  	_ =	shalt  }
0x53: {  	_ =	shalt  }
0x54: {  	_ =	shalt  }
0x55: {  	_ =	shalt  }
0x56: {  	_ =	shalt  }
0x57: {  	_ =	shalt  }
0x58: {  	_ =	shalt  }
0x59: {  	_ =	shalt  }
0x5a: {  	_ =	shalt  }
0x5b: {  	_ =	shalt  }
0x5c: {  	_ =	shalt  }
0x5d: {  	_ =	shalt  }
0x5e: {  	_ =	shalt  }
0x5f: {  	_ =	shalt  }
0x60: {  	_ =	shalt  }
0x61: {  	_ =	shalt  }
0x62: {  	_ =	shalt  }
0x63: {  	_ =	shalt  }
0x64: {  	_ =	shalt  }
0x65: {  	_ =	shalt  }
0x66: {  	_ =	shalt  }
0x67: {  	_ =	shalt  }
0x68: {  	_ =	shalt  }
0x69: {  	_ =	shalt  }
0x6a: {  	_ =	shalt  }
0x6b: {  	_ =	shalt  }
0x6c: {  	_ =	shalt  }
0x6d: {  	_ =	shalt  }
0x6e: {  	_ =	shalt  }
0x6f: {  	_ =	shalt  }
0x70: {  	_ =	shalt  }
0x71: {  	_ =	shalt  }
0x72: {  	_ =	shalt  }
0x73: {  	_ =	shalt  }
0x74: {  	_ =	shalt  }
0x75: {  	_ =	shalt  }
0x76: {  	_ =	shalt  }
0x77: {  	_ =	shalt  }
0x78: {  	_ =	shalt  }
0x79: {  	_ =	shalt  }
0x7a: {  	_ =	shalt  }
0x7b: {  	_ =	shalt  }
0x7c: {  	_ =	shalt  }
0x7d: {  	_ =	shalt  }
0x7e: {  	_ =	shalt  }
0x7f: {  	_ =	shalt  }
0x80: {  	_ =	shalt  }
0x81: {  	_ =	shalt  }
0x82: {  	_ =	shalt  }
0x83: {  	_ =	shalt  }
0x84: {  	_ =	shalt  }
0x85: {  	_ =	shalt  }
0x86: {  	_ =	shalt  }
0x87: {  	_ =	shalt  }
.Lfunc_end0:
.L_simem_size_0:
called_computation.1_lowered:
.L_overlay_start_0:
0x88: {  	s2 =	sld [smem:$0x3FD9]  }
0x89: {  	s3 =	sld [smem:$0x3FFE];
	_ =	sdelay $0x1  }
0x8a: {  	s1 =	srdreg.scid  }
0x8b: {  	s0 =	sand.u32 $0x1, s1  }
0x8c: {  	s17 =	sshll.u32 s0, $0xA;
	s2 =	sadd.s32 s3, s2  }
0x8d: {  	s2 =	sadd.s32 s2, s17  }
0x8e: {  	[smem:$0x3FC6] =	sst s2  }
0x8f: {  	_ = 	snop  }
0x90: {  	s2 =	sld [smem:$0x3FD0];
	(tm) =	ssettm $0x1  }
0x91: {  	s18 =	sld [smem:$0x3FFB];
	_ =	sdelay $0x3  }
0x92: {  	_ =	strace s18  }
0x93: {  	s3 =	sld [smem:$0x3FFC];
	_ =	sdelay $0x3  }
0x94: {  	_ =	strace s3  }
0x95: {  	s3 =	sld [smem:$0x3FFD];
	_ =	sdelay $0x3  }
0x96: {  	_ =	strace s3  }
0x97: {  	_ =	strace $0x8FFFFFFF  }
0x98: {  	s19 =	sld [smem:$0x3FDB];
	_ =	sdelay $0x1  }
0x99: {  	s4 =	simm.s32 $_scs_section_size  }
0x9a: {  	s5 =	simm.s32 $_size__tile_overlayer_lowered;
	s6 =	simm.s32 $_tile_overlayer_lowered  }
0x9b: {  	s22 =	simm.s32 $0x1BFF;
	s21 =	sshll.u32 s6, $0x1;
	s3 =	sadd.s32 s4, s19  }
0x9c: {  	s7 =	simm.s32 $0x0;
	s20 =	sshll.u32 s5, $0x1;
	s5 =	sadd.s32 s21, s3  }
0x9d: {  	[timem:s7], [sflag:s22] =	dma.local [hbm:s5], s20  }
0x9e: {  	_ =	swait.ge [sflag:s22], s20  }
0x9f: {  	s4 =	ssub.s32 $0x0, s20;
	[sflag:s22] =	ssyncset.done $0x0  }
0xa0: {  	[sflag:s22] =	ssyncadd.s32 s4;
	_ =	sdelay $0x1  }
0xa1: {  	s23 =	simm.s32 $0x1B8B  }
0xa2: {  	_ =	swait.ge [sflag:s23], $0x1  }
0xa3: {  	[sflag:s23] =	ssyncset.done $0x0  }
0xa4: {  	s25 =	simm.s32 $0x1B8E;
	s24 =	sld [smem:$0x3FFE];
	[sflag:s23] =	ssyncadd.s32 $0xFFFFFFFF  }
0xa5: {  	s26 =	simm.s32 $execute0_lowered;
	[smem:$0x3FD2] =	sst s25  }
0xa6: {  	s5 =	sshll.u32 s26, $0x1;
	_ =	strace $0x80000046;
	[dreg:$0x1] =	wrdreg $0xFFFFFFFF  }
0xa7: {  	s28 =	simm.s32 $_size_execute0_lowered;
	s3 =	sadd.s32 s3, s5;
	[dreg:$0x0] =	wrdreg $0x0  }
0xa8: {  	s5 =	sshll.u32 s28, $0x1;
	[dreg:$0x2] =	wrdreg s3  }
0xa9: {  	[dreg:$0x3] =	wrdreg s5  }
0xaa: {  	[dreg:$0x4] =	wrdreg $0xC0  }
0xab: {  	_ =	task [dreg:s7], $0x5FFFF  }
0xac: {  	[dreg:$0x1] =	wrdreg $0xFFFFFFFF  }
0xad: {  	[dreg:$0x0] =	wrdreg $0x60  }
0xae: {  	[dreg:$0x2] =	wrdreg s24  }
0xaf: {  	[dreg:$0x3] =	wrdreg s2  }
0xb0: {  	[dreg:$0x4] =	wrdreg $0x9  }
0xb1: {  	_ =	task.clear_ibuf [dreg:s7], $0x5FFFF;
	_ =	strace $0x90000046  }
0xb2: {  	s29 =	simm.s32 $0x9;
	_ =	strace $0x80000048  }
0xb3: {  	_ =	swait.ge [sflag:s29], $0x1  }
0xb4: {  	[sflag:s29] =	ssyncadd.s32 $0xFFFFFFFF  }
0xb5: {  	_ =	strace $0x90000048  }
0xb6: {  	_ =	sfence  }
0xb7: {  	s30 =	sld [smem:$0x0];
	_ =	sdelay $0x2  }
0xb8: {  	s31 =	sshll.u32 s1, $0xD;
	s1 =	sshrl.u32 s1, $0x2  }
0xb9: {  	s3 =	sand.u32 $0x4000, s31;
	s1 =	sadd.s32 s1, s30  }
0xba: {  	s0 =	sor.u32 s3, s0;
	s1 =	sshll.u32 s1, $0x11  }
0xbb: {  	s0 =	sor.u32 s1, s0  }
0xbc: {  	s0 =	sadd.s32 $0x8F2B, s0  }
0xbd: {  	[sflag:s0] =	ssyncadd.remote.s32 $0x1  }
0xbe: {  	_ =	sfence.sel $0xFFFF  }
0xbf: {  	[dreg:$0x0] =	wrdreg $0xFFFFFFFF;
	(pc) =	sbr.abs _section_cstart, $3  }
0xc0: {  	[dreg:$0x1] =	wrdreg $0xFFFFFFFF  }
0xc1: {  	_ =	task.clear_ibuf [dreg:s7], $0x2FFFF;
	_ =	strace $0x9FFFFFFF  }
0xc2: {  	(tm) =	ssettm $0x7FFFFFFF  }
0xc3: {  	_ =	shalt  }
tec
execute0_lowered:
.L_overlay_start_1:
0x0: {  	(tag) =	ssettag $0x1  }
0x1: {  	s0 =	rddreg [dreg:$0x0];
	s2 =	simm.s32 $0x0;
	s1 =	srdreg.scid  }
0x2: {  	s5 =	stileid.u32;
	s8 =	simm.s32 $0x80;
	s10 =	simm.s32 $0x2  }
0x3: {  	s18 =	simm.s32 $0x2280;
	s19 =	simm.s32 $0x380;
	s20 =	simm.s32 $0x2A80  }
0x4: {  	s21 =	simm.s32 $0x400;
	s22 =	simm.s32 $0x3280;
	s23 =	simm.s32 $0x480  }
0x5: {  	s28 =	simm.s32 $0x580;
	s29 =	simm.s32 $0x4A80;
	s30 =	simm.s32 $0x600  }
0x6: {  	s31 =	simm.s32 $0x5280;
	s7 =	simm.s32 $0x700;
	s9 =	simm.s32 $0x6A80  }
0x7: {  	s12 =	simm.s32 $0x0;
	[smem:$0x7FF] =	sst s2;
	s1 =	sand.u32 $0x1, s1  }
0x8: {  	v0 =	vimm.s32 $0x0;
	s4 =	sadd.s32 $0xA00, s0;
	s25 =	sshll.u32 s5, $0xF;
	s5 =	sadd.s32 $0xC00A00, s0  }
0x9: {  	v1 =	vimm.s32 $0x1;
	v2 =	vimm.s32 $0x2;
	v3 =	vimm.s32 $0x3;
	s0 =	simm.s32 $0x680;
	s24 =	ssub.s32 $0x2, s1;
	s1 =	sshll.u32 s1, $0xE  }
0xa: {  	v4 =	vimm.s32 $0x4;
	v5 =	vimm.s32 $0x5;
	v6 =	vimm.s32 $0x6;
	_ =	strace $0x80000047;
	s3 =	sshrl.u32 s24, $0x1;
	s6 =	sor.u32 s1, s25  }
0xb: {  	v7 =	vimm.s32 $0x7;
	v8 =	vimm.s32 $0x8;
	v9 =	vimm.s32 $0x9;
	s25 =	simm.s32 $0x500;
	s1 =	simm.s32 $0x6280;
	s2 =	ssub.s32 s24, s3  }
0xc: {  	v10 =	vimm.s32 $0xA;
	v11 =	vimm.s32 $0xB;
	v12 =	vimm.s32 $0xC;
	s24 =	simm.s32 $0x3A80;
	s3 =	simm.s32 $0x5A80;
	s26 =	smax.u32 s2, $0x1  }
0xd: {  	v13 =	vimm.s32 $0xD;
	v14 =	vimm.s32 $0xE;
	v15 =	vimm.s32 $0xF;
	s2 =	simm.s32 $0x1;
	[dreg:$0x3] =	wrdreg s26;
	s26 =	simm.s32 $0x4280  }
.LBB2_1:
0xe: {  	[dreg:$0x4] =	wrdreg s12;
	s11 =	simm.s32 $0x0  }
.LBB2_2:
0xf: {  	s12 =	sshll.u32 s11, $0x7  }
0x10: {  	s12 =	sadd.s32 s6, s12  }
0x11: {  	s13 =	sshrl.u32 s12, $0x3  }
0x12: {  	s14 =	simm.s32 $0x0;
	s15 =	simm.s32 $0x80000;
	s13 =	sadd.s32 s4, s13  }
0x13: {  	[tilespmem:s14], [sflag:$0x2] =	stream.strided.gather [hbm4b:s13+s8], $0x180, s15, s8, $0x38;
	[tilespmem:$0x8280] =	vst v63  }
0x14: {  	_ =	swait.ge [sflag:s10], $0x180  }
0x15: {  	[sflag:s10] =	ssyncset.done $0x0  }
0x16: {  	s14 =	simm.s32 $0x0;
	[sflag:s10] =	ssyncadd.s32 $0xFFFFFE80  }
0x17: {  	v16 =	vld [tilespmem:s14+$0x100];
	_ =	sdelay $0x1  }
0x18: {  	v17 =	vld [tilespmem:s14+$0x80];
	_ =	sdelay $0x1  }
0x19: {  	v18 =	vld [tilespmem:s14+$0x0]  }
0x1a: {  	v16 =	vmul.f32 $5.110000000e+02, v16;
	_ =	sdelay $0x1  }
0x1b: {  	v17 =	vmul.f32 $5.110000000e+02, v17;
	v16 =	vmax.f32 v16, $0.0e+00  }
0x1c: {  	v16 =	vmin.f32 v16, $5.110000000e+02  }
0x1d: {  	s13 =	simm.s32 $0x10;
	v18 =	vmul.f32 $5.110000000e+02, v18;
	v17 =	vmax.f32 v17, $0.0e+00;
	v19 =	vtrunc.f32 v16  }
0x1e: {  	v27 =	vld [tilespmem:s13+$0x100];
	v17 =	vmin.f32 v17, $5.110000000e+02;
	v19 =	vcvt.f32.s32 v19  }
0x1f: {  	v18 =	vmax.f32 v18, $0.0e+00;
	v20 =	vtrunc.f32 v17  }
0x20: {  	v18 =	vmin.f32 v18, $5.110000000e+02;
	v20 =	vcvt.f32.s32 v20;
	v21 =	vadd.s32 $0x1, v19  }
0x21: {  	v22 =	vtrunc.f32 v18;
	vm0 =	vlt.s32 v21, $0x1FF  }
0x22: {  	v24 =	vcvt.f32.s32 v22;
	v23 =	vadd.s32 $0x1, v20;
	v21 =	vnsel vm0, $0x1FF, v21  }
0x23: {  	v27 =	vmul.f32 $5.110000000e+02, v27;
	vm0 =	vlt.s32 v23, $0x1FF;
	v21 =	vshll.u32 v21, $0x9  }
0x24: {  	v25 =	vcvt.s32.f32 v24;
	v22 =	vnsel vm0, $0x1FF, v23;
	v23 =	vadd.s32 $0x80000, v21  }
0x25: {  	v28 =	vcvt.s32.f32 v19;
	v29 =	vadd.s32 $0x1, v24;
	v26 =	vadd.s32 v22, v23  }
0x26: {  	v31 =	vshll.u32 v19, $0x9;
	v19 =	vshll.u32 v20, $0x9;
	v18 =	vsub.f32 v18, v25;
	[tilespmem:s14+$0x700] =	vst v26  }
0x27: {  	v30 =	vcvt.s32.f32 v20;
	v19 =	vadd.s32 $0x40000, v19;
	v26 =	vshll.u32 v22, $0x9;
	v25 =	vld [tilespmem:s13+$0x0]  }
0x28: {  	vm0 =	vlt.s32 v29, $0x1FF;
	v23 =	vadd.s32 v20, v23;
	v26 =	vadd.s32 $0x40000, v26;
	v32 =	vld [tilespmem:s13+$0x80];
	[tilespmem:s14+$0x780] =	vst v18  }
0x29: {  	v33 =	vsub.f32 v16, v28;
	v16 =	vnsel vm0, $0x1FF, v29;
	[tilespmem:s14+$0x680] =	vst v23;
	v28 =	vadd.s32 v24, v26  }
0x2a: {  	v29 =	vsub.f32 v17, v30;
	v30 =	vadd.s32 v24, v19;
	v17 =	vadd.s32 v16, v26;
	[tilespmem:s14+$0x480] =	vst v28  }
0x2b: {  	v26 =	vadd.s32 $0x80000, v31;
	v28 =	vadd.s32 v24, v21;
	[tilespmem:s14+$0x500] =	vst v17;
	v17 =	vadd.s32 v16, v21  }
0x2c: {  	[tilespmem:s14+$0x800] =	vst v33;
	v21 =	vadd.s32 v16, v31;
	v23 =	vadd.s32 v22, v26;
	v22 =	vmul.f32 $5.110000000e+02, v25  }
0x2d: {  	[tilespmem:s14+$0x880] =	vst v18;
	v16 =	vadd.s32 v16, v19;
	v19 =	vmax.f32 v27, $0.0e+00;
	v25 =	vmul.f32 $5.110000000e+02, v32  }
0x2e: {  	v34 =	vadd.s32 v20, v26;
	[tilespmem:s14+$0x300] =	vst v17;
	v19 =	vmin.f32 v19, $5.110000000e+02;
	v17 =	vmax.f32 v22, $0.0e+00  }
0x2f: {  	[tilespmem:s14+$0x900] =	vst v29;
	v20 =	vmax.f32 v25, $0.0e+00;
	v22 =	vmin.f32 v17, $5.110000000e+02;
	v17 =	vtrunc.f32 v19  }
0x30: {  	[tilespmem:s14+$0x200] =	vst v21;
	v20 =	vmin.f32 v20, $5.110000000e+02;
	v25 =	vtrunc.f32 v22;
	v63 =	vcvt.f32.s32 v17  }
0x31: {  	[tilespmem:s14+$0x400] =	vst v16;
	v21 =	vadd.s32 v24, v31;
	v17 =	vtrunc.f32 v20;
	v16 =	vcvt.f32.s32 v25  }
0x32: {  	[tilespmem:s14+$0x980] =	vst v29;
	v17 =	vcvt.f32.s32 v17;
	v24 =	vcvt.s32.f32 v63;
	v18 =	vadd.s32 $0x1, v63  }
0x33: {  	[tilespmem:s14+$0x280] =	vst v28;
	v28 =	vcvt.s32.f32 v16;
	v27 =	vadd.s32 $0x1, v16;
	vm0 =	vlt.s32 v18, $0x1FF  }
0x34: {  	[tilespmem:s14+$0x600] =	vst v23;
	v23 =	vadd.s32 $0x1, v17;
	v25 =	vcvt.s32.f32 v17;
	v18 =	vnsel vm0, $0x1FF, v18  }
0x35: {  	[tilespmem:s14+$0x380] =	vst v30;
	v30 =	vshll.u32 v17, $0x9;
	vm1 =	vlt.s32 v23, $0x1FF;
	v26 =	vshll.u32 v18, $0x9  }
0x36: {  	[tilespmem:s14+$0xA00] =	vst v33;
	vm0 =	vlt.s32 v27, $0x1FF;
	v23 =	vnsel vm1, $0x1FF, v23;
	v29 =	vadd.s32 $0x80000, v26  }
0x37: {  	s16 =	simm.s32 $0xC0;
	s15 =	simm.s32 $0x20;
	[tilespmem:s14+$0x580] =	vst v34;
	v18 =	vshll.u32 v63, $0x9;
	v31 =	vshll.u32 v23, $0x9;
	v32 =	vadd.s32 v23, v29  }
.LBB2_3:
0x38: {  	p0 =	sne.s32 s16, $0x1C0;
	v33 =	vld [tilespmem:s15+$0x100];
	v28 =	vsub.f32 v22, v28;
	v34 =	vsub.f32 v19, v24;
	v19 =	vadd.s32 $0x40000, v31;
	[tilespmem:s13+$0x700] =	vst v32  }
0x39: {  	v24 =	vnsel vm0, $0x1FF, v27;
	v27 =	vadd.s32 $0x40000, v30;
	v30 =	vsub.f32 v20, v25;
	v22 =	vld [tilespmem:s15+$0x0];
	[tilespmem:s14+$0x180] =	vst v21;
	s14 =	smov.u32 s13;
	s13 =	smov.u32 s15  }
0x3a: {  	v25 =	vadd.s32 $0x80000, v18;
	v21 =	vadd.s32 v16, v19;
	v19 =	vadd.s32 v24, v19;
	v20 =	vld [tilespmem:s13+$0x80];
	[tilespmem:s14+$0x780] =	vst v28  }
0x3b: {  	v31 =	vadd.s32 v16, v26;
	v26 =	vadd.s32 v24, v26;
	[tilespmem:s14+$0x480] =	vst v21;
	v21 =	vadd.s32 v17, v29  }
0x3c: {  	v23 =	vadd.s32 v23, v25;
	v29 =	vadd.s32 v24, v18;
	v24 =	vadd.s32 v24, v27;
	[tilespmem:s14+$0x500] =	vst v19  }
0x3d: {  	v32 =	vadd.s32 v16, v27;
	v19 =	vmul.f32 $5.110000000e+02, v33;
	v33 =	vadd.s32 v17, v25;
	[tilespmem:s14+$0x680] =	vst v21  }
0x3e: {  	v21 =	vadd.s32 v16, v18;
	v17 =	vmul.f32 $5.110000000e+02, v22;
	[tilespmem:s14+$0x280] =	vst v31  }
0x3f: {  	v16 =	vmax.f32 v19, $0.0e+00;
	v18 =	vmul.f32 $5.110000000e+02, v20;
	[tilespmem:s14+$0x300] =	vst v26  }
0x40: {  	v17 =	vmax.f32 v17, $0.0e+00;
	v19 =	vmin.f32 v16, $5.110000000e+02;
	[tilespmem:s14+$0x200] =	vst v29  }
0x41: {  	v22 =	vmin.f32 v17, $5.110000000e+02;
	v16 =	vtrunc.f32 v19;
	v17 =	vmax.f32 v18, $0.0e+00;
	[tilespmem:s14+$0x800] =	vst v34  }
0x42: {  	v18 =	vtrunc.f32 v22;
	v29 =	vcvt.f32.s32 v16;
	v20 =	vmin.f32 v17, $5.110000000e+02;
	[tilespmem:s14+$0x400] =	vst v24  }
0x43: {  	v16 =	vcvt.f32.s32 v18;
	v17 =	vtrunc.f32 v20;
	[tilespmem:s14+$0x880] =	vst v28  }
0x44: {  	v24 =	vcvt.s32.f32 v29;
	v18 =	vadd.s32 $0x1, v29;
	v17 =	vcvt.f32.s32 v17;
	[tilespmem:s14+$0x900] =	vst v30  }
.Ltmp0:
0x45: {  	v28 =	vcvt.s32.f32 v16;
	v27 =	vadd.s32 $0x1, v16;
	vm0 =	vlt.s32 v18, $0x1FF;
	[tilespmem:s14+$0x600] =	vst v23;
	(pc) =	sbr.rel @p0 .LBB2_3-.Ltmp0, $4  }
0x46: {  	v18 =	vnsel vm0, $0x1FF, v18;
	v23 =	vadd.s32 $0x1, v17;
	v25 =	vcvt.s32.f32 v17;
	[tilespmem:s14+$0x980] =	vst v30  }
0x47: {  	vm0 =	vlt.s32 v27, $0x1FF;
	v26 =	vshll.u32 v18, $0x9;
	vm1 =	vlt.s32 v23, $0x1FF;
	[tilespmem:s14+$0xA00] =	vst v34  }
0x48: {  	v18 =	vshll.u32 v29, $0x9;
	v23 =	vnsel vm1, $0x1FF, v23;
	v29 =	vadd.s32 $0x80000, v26;
	[tilespmem:s14+$0x380] =	vst v32  }
0x49: {  	s15 =	sshra.s32 s16, $0x2;
	s16 =	sadd.s32 $0x40, s16;
	v30 =	vshll.u32 v17, $0x9;
	v31 =	vshll.u32 v23, $0x9;
	v32 =	vadd.s32 v23, v29;
	[tilespmem:s14+$0x580] =	vst v33  }
0x4a: {  	v33 =	vld [tilespmem:s15+$0x100];
	[tilespmem:s13+$0x700] =	vst v32;
	v60 =	vsub.f32 v22, v28  }
0x4b: {  	v61 =	vadd.s32 $0x40000, v31;
	v32 =	vld [tilespmem:s15+$0x0];
	[tilespmem:s14+$0x180] =	vst v21  }
0x4c: {  	v27 =	vnsel vm0, $0x1FF, v27;
	v31 =	vadd.s32 v16, v61;
	v62 =	vld [tilespmem:s15+$0x80];
	[tilespmem:s13+$0x780] =	vst v60  }
0x4d: {  	v22 =	vadd.s32 v27, v61;
	[tilespmem:s13+$0x480] =	vst v31  }
0x4e: {  	v29 =	vadd.s32 v17, v29;
	[tilespmem:s13+$0x500] =	vst v22  }
0x4f: {  	v63 =	vadd.s32 v16, v26;
	[tilespmem:s13+$0x680] =	vst v29;
	v33 =	vmul.f32 $5.110000000e+02, v33  }
0x50: {  	v19 =	vsub.f32 v19, v24;
	v34 =	vadd.s32 $0x40000, v30;
	v35 =	vadd.s32 v27, v26;
	[tilespmem:s13+$0x280] =	vst v63  }
0x51: {  	v36 =	vadd.s32 v27, v18;
	[tilespmem:s13+$0x300] =	vst v35;
	v37 =	vmax.f32 v33, $0.0e+00;
	v28 =	vmul.f32 $5.110000000e+02, v62  }
0x52: {  	v20 =	vsub.f32 v20, v25;
	v38 =	vadd.s32 v27, v34;
	[tilespmem:s13+$0x200] =	vst v36;
	v39 =	vmin.f32 v37, $5.110000000e+02  }
0x53: {  	[tilespmem:s13+$0x800] =	vst v19;
	v40 =	vmul.f32 $5.110000000e+02, v32;
	v41 =	vtrunc.f32 v39;
	v28 =	vmax.f32 v28, $0.0e+00  }
0x54: {  	v42 =	vadd.s32 $0x80000, v18;
	[tilespmem:s13+$0x400] =	vst v38;
	v27 =	vcvt.f32.s32 v41;
	v28 =	vmin.f32 v28, $5.110000000e+02  }
0x55: {  	v23 =	vadd.s32 v23, v42;
	[tilespmem:s13+$0x880] =	vst v60;
	v22 =	vmax.f32 v40, $0.0e+00;
	v43 =	vtrunc.f32 v28  }
0x56: {  	[tilespmem:s13+$0x900] =	vst v20;
	v44 =	vmin.f32 v22, $5.110000000e+02;
	v45 =	vadd.s32 $0x1, v27;
	v25 =	vcvt.f32.s32 v43  }
0x57: {  	v24 =	vadd.s32 v16, v34;
	[tilespmem:s13+$0x600] =	vst v23;
	v46 =	vtrunc.f32 v44;
	vm13 =	vlt.s32 v45, $0x1FF  }
0x58: {  	[tilespmem:s13+$0x980] =	vst v20;
	v47 =	vcvt.f32.s32 v46;
	v22 =	vnsel vm13, $0x1FF, v45;
	v48 =	vadd.s32 $0x1, v25  }
0x59: {  	v17 =	vadd.s32 v17, v42;
	[tilespmem:s13+$0xA00] =	vst v19;
	v49 =	vshll.u32 v22, $0x9;
	vm14 =	vlt.s32 v48, $0x1FF  }
0x5a: {  	[tilespmem:s13+$0x380] =	vst v24;
	v50 =	vcvt.s32.f32 v47;
	v51 =	vnsel vm14, $0x1FF, v48;
	v52 =	vadd.s32 $0x80000, v49  }
0x5b: {  	[tilespmem:s13+$0x580] =	vst v17;
	v53 =	vadd.s32 v51, v52  }
0x5c: {  	v16 =	vadd.s32 v16, v18;
	v19 =	vsub.f32 v44, v50;
	[tilespmem:s15+$0x700] =	vst v53  }
0x5d: {  	v17 =	vadd.s32 $0x1, v47;
	[tilespmem:s13+$0x180] =	vst v16  }
0x5e: {  	vm15 =	vlt.s32 v17, $0x1FF;
	v56 =	vadd.s32 v25, v52;
	[tilespmem:s15+$0x780] =	vst v19  }
0x5f: {  	v17 =	vnsel vm15, $0x1FF, v17;
	v57 =	vadd.s32 v47, v49;
	[tilespmem:s15+$0x680] =	vst v56  }
0x60: {  	v58 =	vshll.u32 v27, $0x9;
	v20 =	vadd.s32 v17, v49;
	[tilespmem:s15+$0x280] =	vst v57  }
0x61: {  	v59 =	vshll.u32 v25, $0x9;
	v60 =	vadd.s32 v17, v58;
	[tilespmem:s15+$0x300] =	vst v20  }
0x62: {  	v21 =	vadd.s32 $0x40000, v59;
	v54 =	vshll.u32 v51, $0x9;
	[tilespmem:s15+$0x200] =	vst v60  }
0x63: {  	v63 =	vadd.s32 v47, v21;
	v16 =	vadd.s32 $0x40000, v54;
	[tilespmem:s15+$0x880] =	vst v19  }
0x64: {  	v61 =	vcvt.s32.f32 v25;
	v55 =	vadd.s32 v47, v16;
	[tilespmem:s15+$0x380] =	vst v63  }
0x65: {  	v16 =	vadd.s32 v17, v16;
	[tilespmem:s15+$0x480] =	vst v55  }
0x66: {  	v17 =	vadd.s32 v17, v21;
	v20 =	vsub.f32 v28, v61;
	[tilespmem:s15+$0x500] =	vst v16  }
0x67: {  	v16 =	vcvt.s32.f32 v27;
	[tilespmem:s15+$0x400] =	vst v17  }
0x68: {  	v17 =	vadd.s32 $0x80000, v58;
	[tilespmem:s15+$0x900] =	vst v20  }
0x69: {  	v62 =	vadd.s32 v51, v17;
	[tilespmem:s15+$0x980] =	vst v20;
	v16 =	vsub.f32 v39, v16  }
0x6a: {  	[tilespmem:s15+$0x600] =	vst v62  }
0x6b: {  	[tilespmem:s15+$0x800] =	vst v16  }
0x6c: {  	[tilespmem:s15+$0xA00] =	vst v16;
	v16 =	vadd.s32 v25, v17  }
0x6d: {  	v17 =	vadd.s32 v47, v58;
	[tilespmem:s15+$0x580] =	vst v16  }
0x6e: {  	s14 =	simm.s32 $0x180;
	[tilespmem:s15+$0x180] =	vst v17;
	s15 =	simm.s32 $0xA80  }
0x6f: {  	[tilespmem:s15], [sflag:$0x1] =	stream.indirect.gather [hbm4b:s5+s8], $0x10, s14, s8, $0xb8;
	[tilespmem:$0x8280] =	vst v63  }
0x70: {  	s16 =	simm.s32 $0x200;
	s17 =	simm.s32 $0x1280  }
0x71: {  	[tilespmem:s17], [sflag:$0x1] =	stream.indirect.gather [hbm4b:s5+s8], $0x10, s16, s8, $0xb8;
	[tilespmem:$0x8280] =	vst v63  }
0x72: {  	s15 =	simm.s32 $0x280;
	s16 =	simm.s32 $0x1A80  }
0x73: {  	[tilespmem:s16], [sflag:$0x1] =	stream.indirect.gather [hbm4b:s5+s8], $0x10, s15, s8, $0xb8;
	[tilespmem:$0x8280] =	vst v63  }
0x74: {  	s17 =	simm.s32 $0x300  }
0x75: {  	[tilespmem:s18], [sflag:$0x1] =	stream.indirect.gather [hbm4b:s5+s8], $0x10, s17, s8, $0xb8;
	[tilespmem:$0x8280] =	vst v63  }
0x76: {  	_ = 	snop  }
0x77: {  	[tilespmem:s20], [sflag:$0x1] =	stream.indirect.gather [hbm4b:s5+s8], $0x10, s19, s8, $0xb8;
	[tilespmem:$0x8280] =	vst v63  }
0x78: {  	_ = 	snop  }
0x79: {  	[tilespmem:s22], [sflag:$0x1] =	stream.indirect.gather [hbm4b:s5+s8], $0x10, s21, s8, $0xb8;
	[tilespmem:$0x8280] =	vst v63  }
0x7a: {  	_ = 	snop  }
0x7b: {  	[tilespmem:s24], [sflag:$0x1] =	stream.indirect.gather [hbm4b:s5+s8], $0x10, s23, s8, $0xb8;
	[tilespmem:$0x8280] =	vst v63  }
0x7c: {  	_ = 	snop  }
0x7d: {  	[tilespmem:s26], [sflag:$0x1] =	stream.indirect.gather [hbm4b:s5+s8], $0x10, s25, s8, $0xb8;
	[tilespmem:$0x8280] =	vst v63  }
0x7e: {  	_ = 	snop  }
0x7f: {  	[tilespmem:s29], [sflag:$0x1] =	stream.indirect.gather [hbm4b:s5+s8], $0x10, s28, s8, $0xb8;
	[tilespmem:$0x8280] =	vst v63  }
0x80: {  	_ = 	snop  }
0x81: {  	[tilespmem:s31], [sflag:$0x1] =	stream.indirect.gather [hbm4b:s5+s8], $0x10, s30, s8, $0xb8;
	[tilespmem:$0x8280] =	vst v63  }
0x82: {  	_ = 	snop  }
0x83: {  	[tilespmem:s3], [sflag:$0x1] =	stream.indirect.gather [hbm4b:s5+s8], $0x10, s0, s8, $0xb8;
	[tilespmem:$0x8280] =	vst v63  }
0x84: {  	_ = 	snop  }
0x85: {  	[tilespmem:s1], [sflag:$0x1] =	stream.indirect.gather [hbm4b:s5+s8], $0x10, s7, s8, $0xb8;
	[tilespmem:$0x8280] =	vst v63  }
0x86: {  	_ =	swait.ge [sflag:s2], $0x800  }
0x87: {  	[sflag:s2] =	ssyncset.done $0x0  }
0x88: {  	[sflag:s2] =	ssyncadd.s32 $0xFFFFF800  }
0x89: {  	_ =	swait.ge [sflag:s2], $0x800  }
0x8a: {  	[sflag:s2] =	ssyncset.done $0x0  }
0x8b: {  	[sflag:s2] =	ssyncadd.s32 $0xFFFFF800  }
0x8c: {  	_ =	swait.ge [sflag:s2], $0x800  }
0x8d: {  	[sflag:s2] =	ssyncset.done $0x0  }
0x8e: {  	[sflag:s2] =	ssyncadd.s32 $0xFFFFF800  }
0x8f: {  	_ =	swait.ge [sflag:s2], $0x800  }
0x90: {  	[sflag:s2] =	ssyncset.done $0x0  }
0x91: {  	[sflag:s2] =	ssyncadd.s32 $0xFFFFF800  }
0x92: {  	_ =	swait.ge [sflag:s2], $0x800  }
0x93: {  	[sflag:s2] =	ssyncset.done $0x0  }
0x94: {  	[sflag:s2] =	ssyncadd.s32 $0xFFFFF800  }
0x95: {  	_ =	swait.ge [sflag:s2], $0x800  }
0x96: {  	[sflag:s2] =	ssyncset.done $0x0  }
0x97: {  	[sflag:s2] =	ssyncadd.s32 $0xFFFFF800  }
0x98: {  	_ =	swait.ge [sflag:s2], $0x800  }
0x99: {  	[sflag:s2] =	ssyncset.done $0x0  }
0x9a: {  	[sflag:s2] =	ssyncadd.s32 $0xFFFFF800  }
0x9b: {  	_ =	swait.ge [sflag:s2], $0x800  }
0x9c: {  	[sflag:s2] =	ssyncset.done $0x0  }
0x9d: {  	[sflag:s2] =	ssyncadd.s32 $0xFFFFF800  }
0x9e: {  	_ =	swait.ge [sflag:s2], $0x800  }
0x9f: {  	[sflag:s2] =	ssyncset.done $0x0  }
0xa0: {  	[sflag:s2] =	ssyncadd.s32 $0xFFFFF800  }
0xa1: {  	_ =	swait.ge [sflag:s2], $0x800  }
0xa2: {  	[sflag:s2] =	ssyncset.done $0x0  }
0xa3: {  	[sflag:s2] =	ssyncadd.s32 $0xFFFFF800  }
0xa4: {  	_ =	swait.ge [sflag:s2], $0x800  }
0xa5: {  	[sflag:s2] =	ssyncset.done $0x0  }
0xa6: {  	[sflag:s2] =	ssyncadd.s32 $0xFFFFF800  }
0xa7: {  	_ =	swait.ge [sflag:s2], $0x800  }
0xa8: {  	[sflag:s2] =	ssyncset.done $0x0  }
0xa9: {  	s13 =	simm.s32 $0x0;
	[sflag:s2] =	ssyncadd.s32 $0xFFFFF800  }
.LBB2_5:
0xaa: {  	s14 =	sshll.u32 s13, $0x4;
	s15 =	sshll.u32 s13, $0x8  }
0xab: {  	v20 =	vld [tilespmem:s14+$0x780];
	s15 =	sand.u32 $0x3FFFFF00, s15  }
0xac: {  	v16 =	vld [tilespmem:s15+$0xA80]  }
0xad: {  	v17 =	vld [tilespmem:s15+$0x1280]  }
0xae: {  	v18 =	vld [tilespmem:s15+$0x1A80]  }
0xaf: {  	v19 =	vld [tilespmem:s15+$0x2280];
	_ =	sdelay $0x4  }
0xb0: {  	v22 =	vperm.xlane v20, v0;
	v17 =	vsub.f32 v17, v16;
	v19 =	vsub.f32 v19, v18  }
0xb1: {  	v21 =	vld [tilespmem:s14+$0x800]  }
0xb2: {  	v17 =	vmul.f32 v17, v22;
	v19 =	vmul.f32 v19, v22;
	_ =	sdelay $0x1  }
0xb3: {  	v16 =	vadd.f32 v17, v16;
	v17 =	vadd.f32 v19, v18;
	_ =	sdelay $0x1  }
0xb4: {  	v45 =	vperm.xlane v21, v0;
	v17 =	vsub.f32 v17, v16;
	_ =	sdelay $0x1  }
0xb5: {  	v46 =	vmul.f32 v17, v45  }
0xb6: {  	s16 =	smul.u32 $0xC00, s13;
	v19 =	vld [tilespmem:s14+$0x880]  }
0xb7: {  	v18 =	vld [tilespmem:s14+$0x900];
	v22 =	vadd.f32 v46, v16  }
0xb8: {  	s16 =	sshra.s32 s16, $0x2;
	v17 =	vld [tilespmem:s14+$0x980]  }
0xb9: {  	v16 =	vld [tilespmem:s14+$0xA00];
	[tilespmem:s16+$0x6A80] =	vst v22  }
0xba: {  	v22 =	vld [tilespmem:s15+$0x2A80]  }
0xbb: {  	v23 =	vld [tilespmem:s15+$0x3280]  }
0xbc: {  	v24 =	vld [tilespmem:s15+$0x3A80]  }
0xbd: {  	v25 =	vld [tilespmem:s15+$0x4280];
	_ =	sdelay $0x4  }
0xbe: {  	v26 =	vperm.xlane v19, v0;
	v23 =	vsub.f32 v23, v22;
	v25 =	vsub.f32 v25, v24;
	_ =	sdelay $0x1  }
0xbf: {  	v23 =	vmul.f32 v23, v26;
	v25 =	vmul.f32 v25, v26;
	_ =	sdelay $0x1  }
0xc0: {  	v22 =	vadd.f32 v23, v22;
	v47 =	vadd.f32 v25, v24;
	_ =	sdelay $0x1  }
0xc1: {  	v48 =	vperm.xlane v18, v0;
	v23 =	vsub.f32 v47, v22;
	_ =	sdelay $0x1  }
0xc2: {  	v23 =	vmul.f32 v23, v48;
	_ =	sdelay $0x1  }
0xc3: {  	v22 =	vadd.f32 v23, v22;
	_ =	sdelay $0x1  }
0xc4: {  	[tilespmem:s16+$0x6A90] =	vst v22  }
0xc5: {  	v22 =	vld [tilespmem:s15+$0x4A80]  }
0xc6: {  	v49 =	vld [tilespmem:s15+$0x5280]  }
0xc7: {  	v50 =	vld [tilespmem:s15+$0x5A80]  }
0xc8: {  	v51 =	vld [tilespmem:s15+$0x6280];
	_ =	sdelay $0x4  }
0xc9: {  	v52 =	vperm.xlane v17, v0;
	v23 =	vsub.f32 v49, v22;
	v25 =	vsub.f32 v51, v50;
	_ =	sdelay $0x1  }
0xca: {  	v23 =	vmul.f32 v23, v52;
	v25 =	vmul.f32 v25, v52;
	_ =	sdelay $0x1  }
0xcb: {  	v22 =	vadd.f32 v23, v22;
	v53 =	vadd.f32 v25, v50;
	_ =	sdelay $0x1  }
0xcc: {  	v54 =	vperm.xlane v16, v0;
	v23 =	vsub.f32 v53, v22;
	_ =	sdelay $0x1  }
0xcd: {  	v23 =	vmul.f32 v23, v54;
	_ =	sdelay $0x1  }
0xce: {  	s15 =	sor.u32 $0x1, s14;
	v22 =	vadd.f32 v23, v22  }
0xcf: {  	s17 =	sshll.u32 s15, $0x4  }
0xd0: {  	s17 =	sand.u32 $0x3FFFFF10, s17;
	[tilespmem:s16+$0x6AA0] =	vst v22  }
0xd1: {  	v22 =	vld [tilespmem:s17+$0xA80]  }
0xd2: {  	v55 =	vld [tilespmem:s17+$0x1280]  }
0xd3: {  	v56 =	vld [tilespmem:s17+$0x1A80]  }
0xd4: {  	v57 =	vld [tilespmem:s17+$0x2280];
	_ =	sdelay $0x4  }
0xd5: {  	v58 =	vperm.xlane v20, v1;
	v23 =	vsub.f32 v55, v22;
	v25 =	vsub.f32 v57, v56;
	_ =	sdelay $0x1  }
0xd6: {  	v23 =	vmul.f32 v23, v58;
	v25 =	vmul.f32 v25, v58;
	_ =	sdelay $0x1  }
0xd7: {  	v22 =	vadd.f32 v23, v22;
	v59 =	vadd.f32 v25, v56;
	_ =	sdelay $0x1  }
0xd8: {  	v60 =	vperm.xlane v21, v1;
	v23 =	vsub.f32 v59, v22;
	_ =	sdelay $0x1  }
0xd9: {  	v23 =	vmul.f32 v23, v60  }
0xda: {  	s15 =	smul.u32 $0xC0, s15  }
0xdb: {  	v22 =	vadd.f32 v23, v22  }
0xdc: {  	s15 =	sshra.s32 s15, $0x2  }
0xdd: {  	[tilespmem:s15+$0x6A80] =	vst v22  }
0xde: {  	v22 =	vld [tilespmem:s17+$0x2A80]  }
0xdf: {  	v61 =	vld [tilespmem:s17+$0x3280]  }
0xe0: {  	v62 =	vld [tilespmem:s17+$0x3A80]  }
0xe1: {  	v63 =	vld [tilespmem:s17+$0x4280];
	_ =	sdelay $0x4  }
0xe2: {  	v28 =	vperm.xlane v19, v1;
	v23 =	vsub.f32 v61, v22;
	v25 =	vsub.f32 v63, v62;
	_ =	sdelay $0x1  }
0xe3: {  	v23 =	vmul.f32 v23, v28;
	v25 =	vmul.f32 v25, v28;
	_ =	sdelay $0x1  }
0xe4: {  	v22 =	vadd.f32 v23, v22;
	v29 =	vadd.f32 v25, v62;
	_ =	sdelay $0x1  }
0xe5: {  	v30 =	vperm.xlane v18, v1;
	v23 =	vsub.f32 v29, v22;
	_ =	sdelay $0x1  }
0xe6: {  	v23 =	vmul.f32 v23, v30;
	_ =	sdelay $0x1  }
0xe7: {  	v22 =	vadd.f32 v23, v22;
	_ =	sdelay $0x1  }
0xe8: {  	[tilespmem:s15+$0x6A90] =	vst v22  }
0xe9: {  	v22 =	vld [tilespmem:s17+$0x4A80]  }
0xea: {  	v31 =	vld [tilespmem:s17+$0x5280]  }
0xeb: {  	v32 =	vld [tilespmem:s17+$0x5A80]  }
0xec: {  	v33 =	vld [tilespmem:s17+$0x6280];
	_ =	sdelay $0x4  }
0xed: {  	v34 =	vperm.xlane v17, v1;
	v23 =	vsub.f32 v31, v22;
	v25 =	vsub.f32 v33, v32;
	_ =	sdelay $0x1  }
0xee: {  	v23 =	vmul.f32 v23, v34;
	v25 =	vmul.f32 v25, v34;
	_ =	sdelay $0x1  }
0xef: {  	v22 =	vadd.f32 v23, v22;
	v35 =	vadd.f32 v25, v32;
	_ =	sdelay $0x1  }
0xf0: {  	v36 =	vperm.xlane v16, v1;
	v23 =	vsub.f32 v35, v22;
	_ =	sdelay $0x1  }
0xf1: {  	v23 =	vmul.f32 v23, v36;
	_ =	sdelay $0x1  }
0xf2: {  	s16 =	sor.u32 $0x2, s14;
	v22 =	vadd.f32 v23, v22  }
0xf3: {  	s17 =	sshll.u32 s16, $0x4  }
0xf4: {  	s17 =	sand.u32 $0x3FFFFF20, s17;
	[tilespmem:s15+$0x6AA0] =	vst v22  }
0xf5: {  	v22 =	vld [tilespmem:s17+$0xA80]  }
0xf6: {  	v37 =	vld [tilespmem:s17+$0x1280]  }
0xf7: {  	v38 =	vld [tilespmem:s17+$0x1A80]  }
0xf8: {  	v39 =	vld [tilespmem:s17+$0x2280];
	_ =	sdelay $0x4  }
0xf9: {  	v40 =	vperm.xlane v20, v2;
	v23 =	vsub.f32 v37, v22;
	v25 =	vsub.f32 v39, v38;
	_ =	sdelay $0x1  }
0xfa: {  	v23 =	vmul.f32 v23, v40;
	v25 =	vmul.f32 v25, v40;
	_ =	sdelay $0x1  }
0xfb: {  	v22 =	vadd.f32 v23, v22;
	v41 =	vadd.f32 v25, v38;
	_ =	sdelay $0x1  }
0xfc: {  	v42 =	vperm.xlane v21, v2;
	v23 =	vsub.f32 v41, v22;
	_ =	sdelay $0x1  }
0xfd: {  	v23 =	vmul.f32 v23, v42  }
0xfe: {  	s16 =	smul.u32 $0xC0, s16  }
0xff: {  	v22 =	vadd.f32 v23, v22  }
0x100: {  	s16 =	sshra.s32 s16, $0x2  }
0x101: {  	[tilespmem:s16+$0x6A80] =	vst v22  }
0x102: {  	v22 =	vld [tilespmem:s17+$0x2A80]  }
0x103: {  	v43 =	vld [tilespmem:s17+$0x3280]  }
0x104: {  	v44 =	vld [tilespmem:s17+$0x3A80]  }
0x105: {  	v45 =	vld [tilespmem:s17+$0x4280];
	_ =	sdelay $0x4  }
0x106: {  	v46 =	vperm.xlane v19, v2;
	v23 =	vsub.f32 v43, v22;
	v25 =	vsub.f32 v45, v44;
	_ =	sdelay $0x1  }
0x107: {  	v23 =	vmul.f32 v23, v46;
	v25 =	vmul.f32 v25, v46;
	_ =	sdelay $0x1  }
0x108: {  	v22 =	vadd.f32 v23, v22;
	v47 =	vadd.f32 v25, v44;
	_ =	sdelay $0x1  }
0x109: {  	v48 =	vperm.xlane v18, v2;
	v23 =	vsub.f32 v47, v22;
	_ =	sdelay $0x1  }
0x10a: {  	v23 =	vmul.f32 v23, v48;
	_ =	sdelay $0x1  }
0x10b: {  	v22 =	vadd.f32 v23, v22;
	_ =	sdelay $0x1  }
0x10c: {  	[tilespmem:s16+$0x6A90] =	vst v22  }
0x10d: {  	v22 =	vld [tilespmem:s17+$0x4A80]  }
0x10e: {  	v49 =	vld [tilespmem:s17+$0x5280]  }
0x10f: {  	v50 =	vld [tilespmem:s17+$0x5A80]  }
0x110: {  	v51 =	vld [tilespmem:s17+$0x6280];
	_ =	sdelay $0x4  }
0x111: {  	v52 =	vperm.xlane v17, v2;
	v23 =	vsub.f32 v49, v22;
	v25 =	vsub.f32 v51, v50;
	_ =	sdelay $0x1  }
0x112: {  	v23 =	vmul.f32 v23, v52;
	v25 =	vmul.f32 v25, v52;
	_ =	sdelay $0x1  }
0x113: {  	v22 =	vadd.f32 v23, v22;
	v53 =	vadd.f32 v25, v50;
	_ =	sdelay $0x1  }
0x114: {  	v54 =	vperm.xlane v16, v2;
	v23 =	vsub.f32 v53, v22;
	_ =	sdelay $0x1  }
0x115: {  	v23 =	vmul.f32 v23, v54;
	_ =	sdelay $0x1  }
0x116: {  	s15 =	sor.u32 $0x3, s14;
	v22 =	vadd.f32 v23, v22  }
0x117: {  	s17 =	sshll.u32 s15, $0x4  }
0x118: {  	s17 =	sand.u32 $0x3FFFFF30, s17;
	[tilespmem:s16+$0x6AA0] =	vst v22  }
0x119: {  	v22 =	vld [tilespmem:s17+$0xA80]  }
0x11a: {  	v55 =	vld [tilespmem:s17+$0x1280]  }
0x11b: {  	v56 =	vld [tilespmem:s17+$0x1A80]  }
0x11c: {  	v57 =	vld [tilespmem:s17+$0x2280];
	_ =	sdelay $0x4  }
0x11d: {  	v58 =	vperm.xlane v20, v3;
	v23 =	vsub.f32 v55, v22;
	v25 =	vsub.f32 v57, v56;
	_ =	sdelay $0x1  }
0x11e: {  	v23 =	vmul.f32 v23, v58;
	v25 =	vmul.f32 v25, v58;
	_ =	sdelay $0x1  }
0x11f: {  	v22 =	vadd.f32 v23, v22;
	v59 =	vadd.f32 v25, v56;
	_ =	sdelay $0x1  }
0x120: {  	v60 =	vperm.xlane v21, v3;
	v23 =	vsub.f32 v59, v22;
	_ =	sdelay $0x1  }
0x121: {  	v23 =	vmul.f32 v23, v60  }
0x122: {  	s15 =	smul.u32 $0xC0, s15  }
0x123: {  	v22 =	vadd.f32 v23, v22  }
0x124: {  	s15 =	sshra.s32 s15, $0x2  }
0x125: {  	[tilespmem:s15+$0x6A80] =	vst v22  }
0x126: {  	v22 =	vld [tilespmem:s17+$0x2A80]  }
0x127: {  	v61 =	vld [tilespmem:s17+$0x3280]  }
0x128: {  	v62 =	vld [tilespmem:s17+$0x3A80]  }
0x129: {  	v63 =	vld [tilespmem:s17+$0x4280];
	_ =	sdelay $0x4  }
0x12a: {  	v28 =	vperm.xlane v19, v3;
	v23 =	vsub.f32 v61, v22;
	v25 =	vsub.f32 v63, v62;
	_ =	sdelay $0x1  }
0x12b: {  	v23 =	vmul.f32 v23, v28;
	v25 =	vmul.f32 v25, v28;
	_ =	sdelay $0x1  }
0x12c: {  	v22 =	vadd.f32 v23, v22;
	v29 =	vadd.f32 v25, v62;
	_ =	sdelay $0x1  }
0x12d: {  	v30 =	vperm.xlane v18, v3;
	v23 =	vsub.f32 v29, v22;
	_ =	sdelay $0x1  }
0x12e: {  	v23 =	vmul.f32 v23, v30;
	_ =	sdelay $0x1  }
0x12f: {  	v22 =	vadd.f32 v23, v22;
	_ =	sdelay $0x1  }
0x130: {  	[tilespmem:s15+$0x6A90] =	vst v22  }
0x131: {  	v22 =	vld [tilespmem:s17+$0x4A80]  }
0x132: {  	v31 =	vld [tilespmem:s17+$0x5280]  }
0x133: {  	v32 =	vld [tilespmem:s17+$0x5A80]  }
0x134: {  	v33 =	vld [tilespmem:s17+$0x6280];
	_ =	sdelay $0x4  }
0x135: {  	v34 =	vperm.xlane v17, v3;
	v23 =	vsub.f32 v31, v22;
	v25 =	vsub.f32 v33, v32;
	_ =	sdelay $0x1  }
0x136: {  	v23 =	vmul.f32 v23, v34;
	v25 =	vmul.f32 v25, v34;
	_ =	sdelay $0x1  }
0x137: {  	v22 =	vadd.f32 v23, v22;
	v35 =	vadd.f32 v25, v32;
	_ =	sdelay $0x1  }
0x138: {  	v36 =	vperm.xlane v16, v3;
	v23 =	vsub.f32 v35, v22;
	_ =	sdelay $0x1  }
0x139: {  	v23 =	vmul.f32 v23, v36;
	_ =	sdelay $0x1  }
0x13a: {  	s16 =	sor.u32 $0x4, s14;
	v22 =	vadd.f32 v23, v22  }
0x13b: {  	s17 =	sshll.u32 s16, $0x4  }
0x13c: {  	s17 =	sand.u32 $0x3FFFFF40, s17;
	[tilespmem:s15+$0x6AA0] =	vst v22  }
0x13d: {  	v22 =	vld [tilespmem:s17+$0xA80]  }
0x13e: {  	v37 =	vld [tilespmem:s17+$0x1280]  }
0x13f: {  	v38 =	vld [tilespmem:s17+$0x1A80]  }
0x140: {  	v39 =	vld [tilespmem:s17+$0x2280];
	_ =	sdelay $0x4  }
0x141: {  	v40 =	vperm.xlane v20, v4;
	v23 =	vsub.f32 v37, v22;
	v25 =	vsub.f32 v39, v38;
	_ =	sdelay $0x1  }
0x142: {  	v23 =	vmul.f32 v23, v40;
	v25 =	vmul.f32 v25, v40;
	_ =	sdelay $0x1  }
0x143: {  	v22 =	vadd.f32 v23, v22;
	v41 =	vadd.f32 v25, v38;
	_ =	sdelay $0x1  }
0x144: {  	v42 =	vperm.xlane v21, v4;
	v23 =	vsub.f32 v41, v22;
	_ =	sdelay $0x1  }
0x145: {  	v23 =	vmul.f32 v23, v42  }
0x146: {  	s16 =	smul.u32 $0xC0, s16  }
0x147: {  	v22 =	vadd.f32 v23, v22  }
0x148: {  	s16 =	sshra.s32 s16, $0x2  }
0x149: {  	[tilespmem:s16+$0x6A80] =	vst v22  }
0x14a: {  	v22 =	vld [tilespmem:s17+$0x2A80]  }
0x14b: {  	v43 =	vld [tilespmem:s17+$0x3280]  }
0x14c: {  	v44 =	vld [tilespmem:s17+$0x3A80]  }
0x14d: {  	v45 =	vld [tilespmem:s17+$0x4280];
	_ =	sdelay $0x4  }
0x14e: {  	v46 =	vperm.xlane v19, v4;
	v23 =	vsub.f32 v43, v22;
	v25 =	vsub.f32 v45, v44;
	_ =	sdelay $0x1  }
0x14f: {  	v23 =	vmul.f32 v23, v46;
	v25 =	vmul.f32 v25, v46;
	_ =	sdelay $0x1  }
0x150: {  	v22 =	vadd.f32 v23, v22;
	v47 =	vadd.f32 v25, v44;
	_ =	sdelay $0x1  }
0x151: {  	v48 =	vperm.xlane v18, v4;
	v23 =	vsub.f32 v47, v22;
	_ =	sdelay $0x1  }
0x152: {  	v23 =	vmul.f32 v23, v48;
	_ =	sdelay $0x1  }
0x153: {  	v22 =	vadd.f32 v23, v22;
	_ =	sdelay $0x1  }
0x154: {  	[tilespmem:s16+$0x6A90] =	vst v22  }
0x155: {  	v22 =	vld [tilespmem:s17+$0x4A80]  }
0x156: {  	v49 =	vld [tilespmem:s17+$0x5280]  }
0x157: {  	v50 =	vld [tilespmem:s17+$0x5A80]  }
0x158: {  	v51 =	vld [tilespmem:s17+$0x6280];
	_ =	sdelay $0x4  }
0x159: {  	v52 =	vperm.xlane v17, v4;
	v23 =	vsub.f32 v49, v22;
	v25 =	vsub.f32 v51, v50;
	_ =	sdelay $0x1  }
0x15a: {  	v23 =	vmul.f32 v23, v52;
	v25 =	vmul.f32 v25, v52;
	_ =	sdelay $0x1  }
0x15b: {  	v22 =	vadd.f32 v23, v22;
	v53 =	vadd.f32 v25, v50;
	_ =	sdelay $0x1  }
0x15c: {  	v54 =	vperm.xlane v16, v4;
	v23 =	vsub.f32 v53, v22;
	_ =	sdelay $0x1  }
0x15d: {  	v23 =	vmul.f32 v23, v54;
	_ =	sdelay $0x1  }
0x15e: {  	s15 =	sor.u32 $0x5, s14;
	v22 =	vadd.f32 v23, v22  }
0x15f: {  	s17 =	sshll.u32 s15, $0x4  }
0x160: {  	s17 =	sand.u32 $0x3FFFFF50, s17;
	[tilespmem:s16+$0x6AA0] =	vst v22  }
0x161: {  	v22 =	vld [tilespmem:s17+$0xA80]  }
0x162: {  	v55 =	vld [tilespmem:s17+$0x1280]  }
0x163: {  	v56 =	vld [tilespmem:s17+$0x1A80]  }
0x164: {  	v57 =	vld [tilespmem:s17+$0x2280];
	_ =	sdelay $0x4  }
0x165: {  	v58 =	vperm.xlane v20, v5;
	v23 =	vsub.f32 v55, v22;
	v25 =	vsub.f32 v57, v56;
	_ =	sdelay $0x1  }
0x166: {  	v23 =	vmul.f32 v23, v58;
	v25 =	vmul.f32 v25, v58;
	_ =	sdelay $0x1  }
0x167: {  	v22 =	vadd.f32 v23, v22;
	v59 =	vadd.f32 v25, v56;
	_ =	sdelay $0x1  }
0x168: {  	v60 =	vperm.xlane v21, v5;
	v23 =	vsub.f32 v59, v22;
	_ =	sdelay $0x1  }
0x169: {  	v23 =	vmul.f32 v23, v60  }
0x16a: {  	s15 =	smul.u32 $0xC0, s15  }
0x16b: {  	v22 =	vadd.f32 v23, v22  }
0x16c: {  	s15 =	sshra.s32 s15, $0x2  }
0x16d: {  	[tilespmem:s15+$0x6A80] =	vst v22  }
0x16e: {  	v22 =	vld [tilespmem:s17+$0x2A80]  }
0x16f: {  	v61 =	vld [tilespmem:s17+$0x3280]  }
0x170: {  	v62 =	vld [tilespmem:s17+$0x3A80]  }
0x171: {  	v63 =	vld [tilespmem:s17+$0x4280];
	_ =	sdelay $0x4  }
0x172: {  	v28 =	vperm.xlane v19, v5;
	v23 =	vsub.f32 v61, v22;
	v25 =	vsub.f32 v63, v62;
	_ =	sdelay $0x1  }
0x173: {  	v23 =	vmul.f32 v23, v28;
	v25 =	vmul.f32 v25, v28;
	_ =	sdelay $0x1  }
0x174: {  	v22 =	vadd.f32 v23, v22;
	v29 =	vadd.f32 v25, v62;
	_ =	sdelay $0x1  }
0x175: {  	v30 =	vperm.xlane v18, v5;
	v23 =	vsub.f32 v29, v22;
	_ =	sdelay $0x1  }
0x176: {  	v23 =	vmul.f32 v23, v30;
	_ =	sdelay $0x1  }
0x177: {  	v22 =	vadd.f32 v23, v22;
	_ =	sdelay $0x1  }
0x178: {  	[tilespmem:s15+$0x6A90] =	vst v22  }
0x179: {  	v22 =	vld [tilespmem:s17+$0x4A80]  }
0x17a: {  	v31 =	vld [tilespmem:s17+$0x5280]  }
0x17b: {  	v32 =	vld [tilespmem:s17+$0x5A80]  }
0x17c: {  	v33 =	vld [tilespmem:s17+$0x6280];
	_ =	sdelay $0x4  }
0x17d: {  	v34 =	vperm.xlane v17, v5;
	v23 =	vsub.f32 v31, v22;
	v25 =	vsub.f32 v33, v32;
	_ =	sdelay $0x1  }
0x17e: {  	v23 =	vmul.f32 v23, v34;
	v25 =	vmul.f32 v25, v34;
	_ =	sdelay $0x1  }
0x17f: {  	v22 =	vadd.f32 v23, v22;
	v35 =	vadd.f32 v25, v32;
	_ =	sdelay $0x1  }
0x180: {  	v36 =	vperm.xlane v16, v5;
	v23 =	vsub.f32 v35, v22;
	_ =	sdelay $0x1  }
0x181: {  	v23 =	vmul.f32 v23, v36;
	_ =	sdelay $0x1  }
0x182: {  	s16 =	sor.u32 $0x6, s14;
	v22 =	vadd.f32 v23, v22  }
0x183: {  	s17 =	sshll.u32 s16, $0x4  }
0x184: {  	s17 =	sand.u32 $0x3FFFFF60, s17;
	[tilespmem:s15+$0x6AA0] =	vst v22  }
0x185: {  	v22 =	vld [tilespmem:s17+$0xA80]  }
0x186: {  	v37 =	vld [tilespmem:s17+$0x1280]  }
0x187: {  	v38 =	vld [tilespmem:s17+$0x1A80]  }
0x188: {  	v39 =	vld [tilespmem:s17+$0x2280];
	_ =	sdelay $0x4  }
0x189: {  	v40 =	vperm.xlane v20, v6;
	v23 =	vsub.f32 v37, v22;
	v25 =	vsub.f32 v39, v38;
	_ =	sdelay $0x1  }
0x18a: {  	v23 =	vmul.f32 v23, v40;
	v25 =	vmul.f32 v25, v40;
	_ =	sdelay $0x1  }
0x18b: {  	v22 =	vadd.f32 v23, v22;
	v41 =	vadd.f32 v25, v38;
	_ =	sdelay $0x1  }
0x18c: {  	v42 =	vperm.xlane v21, v6;
	v23 =	vsub.f32 v41, v22;
	_ =	sdelay $0x1  }
0x18d: {  	v23 =	vmul.f32 v23, v42  }
0x18e: {  	s16 =	smul.u32 $0xC0, s16  }
0x18f: {  	v22 =	vadd.f32 v23, v22  }
0x190: {  	s16 =	sshra.s32 s16, $0x2  }
0x191: {  	[tilespmem:s16+$0x6A80] =	vst v22  }
0x192: {  	v22 =	vld [tilespmem:s17+$0x2A80]  }
0x193: {  	v43 =	vld [tilespmem:s17+$0x3280]  }
0x194: {  	v44 =	vld [tilespmem:s17+$0x3A80]  }
0x195: {  	v45 =	vld [tilespmem:s17+$0x4280];
	_ =	sdelay $0x4  }
0x196: {  	v46 =	vperm.xlane v19, v6;
	v23 =	vsub.f32 v43, v22;
	v25 =	vsub.f32 v45, v44;
	_ =	sdelay $0x1  }
0x197: {  	v23 =	vmul.f32 v23, v46;
	v25 =	vmul.f32 v25, v46;
	_ =	sdelay $0x1  }
0x198: {  	v22 =	vadd.f32 v23, v22;
	v47 =	vadd.f32 v25, v44;
	_ =	sdelay $0x1  }
0x199: {  	v48 =	vperm.xlane v18, v6;
	v23 =	vsub.f32 v47, v22;
	_ =	sdelay $0x1  }
0x19a: {  	v23 =	vmul.f32 v23, v48;
	_ =	sdelay $0x1  }
0x19b: {  	v22 =	vadd.f32 v23, v22;
	_ =	sdelay $0x1  }
0x19c: {  	[tilespmem:s16+$0x6A90] =	vst v22  }
0x19d: {  	v22 =	vld [tilespmem:s17+$0x4A80]  }
0x19e: {  	v49 =	vld [tilespmem:s17+$0x5280]  }
0x19f: {  	v50 =	vld [tilespmem:s17+$0x5A80]  }
0x1a0: {  	v51 =	vld [tilespmem:s17+$0x6280];
	_ =	sdelay $0x4  }
0x1a1: {  	v52 =	vperm.xlane v17, v6;
	v23 =	vsub.f32 v49, v22;
	v25 =	vsub.f32 v51, v50;
	_ =	sdelay $0x1  }
0x1a2: {  	v23 =	vmul.f32 v23, v52;
	v25 =	vmul.f32 v25, v52;
	_ =	sdelay $0x1  }
0x1a3: {  	v22 =	vadd.f32 v23, v22;
	v53 =	vadd.f32 v25, v50;
	_ =	sdelay $0x1  }
0x1a4: {  	v54 =	vperm.xlane v16, v6;
	v23 =	vsub.f32 v53, v22;
	_ =	sdelay $0x1  }
0x1a5: {  	v23 =	vmul.f32 v23, v54;
	_ =	sdelay $0x1  }
0x1a6: {  	s15 =	sor.u32 $0x7, s14;
	v22 =	vadd.f32 v23, v22  }
0x1a7: {  	s17 =	sshll.u32 s15, $0x4  }
0x1a8: {  	s17 =	sand.u32 $0x3FFFFF70, s17;
	[tilespmem:s16+$0x6AA0] =	vst v22  }
0x1a9: {  	v22 =	vld [tilespmem:s17+$0xA80]  }
0x1aa: {  	v55 =	vld [tilespmem:s17+$0x1280]  }
0x1ab: {  	v56 =	vld [tilespmem:s17+$0x1A80]  }
0x1ac: {  	v57 =	vld [tilespmem:s17+$0x2280];
	_ =	sdelay $0x4  }
0x1ad: {  	v58 =	vperm.xlane v20, v7;
	v23 =	vsub.f32 v55, v22;
	v25 =	vsub.f32 v57, v56;
	_ =	sdelay $0x1  }
0x1ae: {  	v23 =	vmul.f32 v23, v58;
	v25 =	vmul.f32 v25, v58;
	_ =	sdelay $0x1  }
0x1af: {  	v22 =	vadd.f32 v23, v22;
	v59 =	vadd.f32 v25, v56;
	_ =	sdelay $0x1  }
0x1b0: {  	v60 =	vperm.xlane v21, v7;
	v23 =	vsub.f32 v59, v22;
	_ =	sdelay $0x1  }
0x1b1: {  	v23 =	vmul.f32 v23, v60  }
0x1b2: {  	s15 =	smul.u32 $0xC0, s15  }
0x1b3: {  	v22 =	vadd.f32 v23, v22  }
0x1b4: {  	s15 =	sshra.s32 s15, $0x2  }
0x1b5: {  	[tilespmem:s15+$0x6A80] =	vst v22  }
0x1b6: {  	v22 =	vld [tilespmem:s17+$0x2A80]  }
0x1b7: {  	v61 =	vld [tilespmem:s17+$0x3280]  }
0x1b8: {  	v62 =	vld [tilespmem:s17+$0x3A80]  }
0x1b9: {  	v63 =	vld [tilespmem:s17+$0x4280];
	_ =	sdelay $0x4  }
0x1ba: {  	v28 =	vperm.xlane v19, v7;
	v23 =	vsub.f32 v61, v22;
	v25 =	vsub.f32 v63, v62;
	_ =	sdelay $0x1  }
0x1bb: {  	v23 =	vmul.f32 v23, v28;
	v25 =	vmul.f32 v25, v28;
	_ =	sdelay $0x1  }
0x1bc: {  	v22 =	vadd.f32 v23, v22;
	v29 =	vadd.f32 v25, v62;
	_ =	sdelay $0x1  }
0x1bd: {  	v30 =	vperm.xlane v18, v7;
	v23 =	vsub.f32 v29, v22;
	_ =	sdelay $0x1  }
0x1be: {  	v23 =	vmul.f32 v23, v30;
	_ =	sdelay $0x1  }
0x1bf: {  	v22 =	vadd.f32 v23, v22;
	_ =	sdelay $0x1  }
0x1c0: {  	[tilespmem:s15+$0x6A90] =	vst v22  }
0x1c1: {  	v22 =	vld [tilespmem:s17+$0x4A80]  }
0x1c2: {  	v31 =	vld [tilespmem:s17+$0x5280]  }
0x1c3: {  	v32 =	vld [tilespmem:s17+$0x5A80]  }
0x1c4: {  	v33 =	vld [tilespmem:s17+$0x6280];
	_ =	sdelay $0x4  }
0x1c5: {  	v34 =	vperm.xlane v17, v7;
	v23 =	vsub.f32 v31, v22;
	v25 =	vsub.f32 v33, v32;
	_ =	sdelay $0x1  }
0x1c6: {  	v23 =	vmul.f32 v23, v34;
	v25 =	vmul.f32 v25, v34;
	_ =	sdelay $0x1  }
0x1c7: {  	v22 =	vadd.f32 v23, v22;
	v35 =	vadd.f32 v25, v32;
	_ =	sdelay $0x1  }
0x1c8: {  	v36 =	vperm.xlane v16, v7;
	v23 =	vsub.f32 v35, v22;
	_ =	sdelay $0x1  }
0x1c9: {  	v23 =	vmul.f32 v23, v36;
	_ =	sdelay $0x1  }
0x1ca: {  	s16 =	sor.u32 $0x8, s14;
	v22 =	vadd.f32 v23, v22  }
0x1cb: {  	s17 =	sshll.u32 s16, $0x4  }
0x1cc: {  	s17 =	sand.u32 $0x3FFFFF80, s17;
	[tilespmem:s15+$0x6AA0] =	vst v22  }
0x1cd: {  	v22 =	vld [tilespmem:s17+$0xA80]  }
0x1ce: {  	v37 =	vld [tilespmem:s17+$0x1280]  }
0x1cf: {  	v38 =	vld [tilespmem:s17+$0x1A80]  }
0x1d0: {  	v39 =	vld [tilespmem:s17+$0x2280];
	_ =	sdelay $0x4  }
0x1d1: {  	v40 =	vperm.xlane v20, v8;
	v23 =	vsub.f32 v37, v22;
	v25 =	vsub.f32 v39, v38;
	_ =	sdelay $0x1  }
0x1d2: {  	v23 =	vmul.f32 v23, v40;
	v25 =	vmul.f32 v25, v40;
	_ =	sdelay $0x1  }
0x1d3: {  	v22 =	vadd.f32 v23, v22;
	v41 =	vadd.f32 v25, v38;
	_ =	sdelay $0x1  }
0x1d4: {  	v42 =	vperm.xlane v21, v8;
	v23 =	vsub.f32 v41, v22;
	_ =	sdelay $0x1  }
0x1d5: {  	v23 =	vmul.f32 v23, v42  }
0x1d6: {  	s16 =	smul.u32 $0xC0, s16  }
0x1d7: {  	v22 =	vadd.f32 v23, v22  }
0x1d8: {  	s16 =	sshra.s32 s16, $0x2  }
0x1d9: {  	[tilespmem:s16+$0x6A80] =	vst v22  }
0x1da: {  	v22 =	vld [tilespmem:s17+$0x2A80]  }
0x1db: {  	v43 =	vld [tilespmem:s17+$0x3280]  }
0x1dc: {  	v44 =	vld [tilespmem:s17+$0x3A80]  }
0x1dd: {  	v45 =	vld [tilespmem:s17+$0x4280];
	_ =	sdelay $0x4  }
0x1de: {  	v46 =	vperm.xlane v19, v8;
	v23 =	vsub.f32 v43, v22;
	v25 =	vsub.f32 v45, v44;
	_ =	sdelay $0x1  }
0x1df: {  	v23 =	vmul.f32 v23, v46;
	v25 =	vmul.f32 v25, v46;
	_ =	sdelay $0x1  }
0x1e0: {  	v22 =	vadd.f32 v23, v22;
	v47 =	vadd.f32 v25, v44;
	_ =	sdelay $0x1  }
0x1e1: {  	v48 =	vperm.xlane v18, v8;
	v23 =	vsub.f32 v47, v22;
	_ =	sdelay $0x1  }
0x1e2: {  	v23 =	vmul.f32 v23, v48;
	_ =	sdelay $0x1  }
0x1e3: {  	v22 =	vadd.f32 v23, v22;
	_ =	sdelay $0x1  }
0x1e4: {  	[tilespmem:s16+$0x6A90] =	vst v22  }
0x1e5: {  	v22 =	vld [tilespmem:s17+$0x4A80]  }
0x1e6: {  	v49 =	vld [tilespmem:s17+$0x5280]  }
0x1e7: {  	v50 =	vld [tilespmem:s17+$0x5A80]  }
0x1e8: {  	v51 =	vld [tilespmem:s17+$0x6280];
	_ =	sdelay $0x4  }
0x1e9: {  	v52 =	vperm.xlane v17, v8;
	v23 =	vsub.f32 v49, v22;
	v25 =	vsub.f32 v51, v50;
	_ =	sdelay $0x1  }
0x1ea: {  	v23 =	vmul.f32 v23, v52;
	v25 =	vmul.f32 v25, v52;
	_ =	sdelay $0x1  }
0x1eb: {  	v22 =	vadd.f32 v23, v22;
	v53 =	vadd.f32 v25, v50;
	_ =	sdelay $0x1  }
0x1ec: {  	v54 =	vperm.xlane v16, v8;
	v23 =	vsub.f32 v53, v22;
	_ =	sdelay $0x1  }
0x1ed: {  	v23 =	vmul.f32 v23, v54;
	_ =	sdelay $0x1  }
0x1ee: {  	s15 =	sor.u32 $0x9, s14;
	v22 =	vadd.f32 v23, v22  }
0x1ef: {  	s17 =	sshll.u32 s15, $0x4  }
0x1f0: {  	s17 =	sand.u32 $0x3FFFFF90, s17;
	[tilespmem:s16+$0x6AA0] =	vst v22  }
0x1f1: {  	v22 =	vld [tilespmem:s17+$0xA80]  }
0x1f2: {  	v55 =	vld [tilespmem:s17+$0x1280]  }
0x1f3: {  	v56 =	vld [tilespmem:s17+$0x1A80]  }
0x1f4: {  	v57 =	vld [tilespmem:s17+$0x2280];
	_ =	sdelay $0x4  }
0x1f5: {  	v58 =	vperm.xlane v20, v9;
	v23 =	vsub.f32 v55, v22;
	v25 =	vsub.f32 v57, v56;
	_ =	sdelay $0x1  }
0x1f6: {  	v23 =	vmul.f32 v23, v58;
	v25 =	vmul.f32 v25, v58;
	_ =	sdelay $0x1  }
0x1f7: {  	v22 =	vadd.f32 v23, v22;
	v59 =	vadd.f32 v25, v56;
	_ =	sdelay $0x1  }
0x1f8: {  	v60 =	vperm.xlane v21, v9;
	v23 =	vsub.f32 v59, v22;
	_ =	sdelay $0x1  }
0x1f9: {  	v23 =	vmul.f32 v23, v60  }
0x1fa: {  	s15 =	smul.u32 $0xC0, s15  }
0x1fb: {  	v22 =	vadd.f32 v23, v22  }
0x1fc: {  	s15 =	sshra.s32 s15, $0x2  }
0x1fd: {  	[tilespmem:s15+$0x6A80] =	vst v22  }
0x1fe: {  	v22 =	vld [tilespmem:s17+$0x2A80]  }
0x1ff: {  	v61 =	vld [tilespmem:s17+$0x3280]  }
0x200: {  	v62 =	vld [tilespmem:s17+$0x3A80]  }
0x201: {  	v63 =	vld [tilespmem:s17+$0x4280];
	_ =	sdelay $0x4  }
0x202: {  	v28 =	vperm.xlane v19, v9;
	v23 =	vsub.f32 v61, v22;
	v25 =	vsub.f32 v63, v62;
	_ =	sdelay $0x1  }
0x203: {  	v23 =	vmul.f32 v23, v28;
	v25 =	vmul.f32 v25, v28;
	_ =	sdelay $0x1  }
0x204: {  	v22 =	vadd.f32 v23, v22;
	v29 =	vadd.f32 v25, v62;
	_ =	sdelay $0x1  }
0x205: {  	v30 =	vperm.xlane v18, v9;
	v23 =	vsub.f32 v29, v22;
	_ =	sdelay $0x1  }
0x206: {  	v23 =	vmul.f32 v23, v30;
	_ =	sdelay $0x1  }
0x207: {  	v22 =	vadd.f32 v23, v22;
	_ =	sdelay $0x1  }
0x208: {  	[tilespmem:s15+$0x6A90] =	vst v22  }
0x209: {  	v22 =	vld [tilespmem:s17+$0x4A80]  }
0x20a: {  	v31 =	vld [tilespmem:s17+$0x5280]  }
0x20b: {  	v32 =	vld [tilespmem:s17+$0x5A80]  }
0x20c: {  	v33 =	vld [tilespmem:s17+$0x6280];
	_ =	sdelay $0x4  }
0x20d: {  	v34 =	vperm.xlane v17, v9;
	v23 =	vsub.f32 v31, v22;
	v25 =	vsub.f32 v33, v32;
	_ =	sdelay $0x1  }
0x20e: {  	v23 =	vmul.f32 v23, v34;
	v25 =	vmul.f32 v25, v34;
	_ =	sdelay $0x1  }
0x20f: {  	v22 =	vadd.f32 v23, v22;
	v35 =	vadd.f32 v25, v32;
	_ =	sdelay $0x1  }
0x210: {  	v36 =	vperm.xlane v16, v9;
	v23 =	vsub.f32 v35, v22;
	_ =	sdelay $0x1  }
0x211: {  	v23 =	vmul.f32 v23, v36;
	_ =	sdelay $0x1  }
0x212: {  	s16 =	sor.u32 $0xA, s14;
	v22 =	vadd.f32 v23, v22  }
0x213: {  	s17 =	sshll.u32 s16, $0x4  }
0x214: {  	s17 =	sand.u32 $0x3FFFFFA0, s17;
	[tilespmem:s15+$0x6AA0] =	vst v22  }
0x215: {  	v22 =	vld [tilespmem:s17+$0xA80]  }
0x216: {  	v37 =	vld [tilespmem:s17+$0x1280]  }
0x217: {  	v38 =	vld [tilespmem:s17+$0x1A80]  }
0x218: {  	v39 =	vld [tilespmem:s17+$0x2280];
	_ =	sdelay $0x4  }
0x219: {  	v40 =	vperm.xlane v20, v10;
	v23 =	vsub.f32 v37, v22;
	v25 =	vsub.f32 v39, v38;
	_ =	sdelay $0x1  }
0x21a: {  	v23 =	vmul.f32 v23, v40;
	v25 =	vmul.f32 v25, v40;
	_ =	sdelay $0x1  }
0x21b: {  	v22 =	vadd.f32 v23, v22;
	v41 =	vadd.f32 v25, v38;
	_ =	sdelay $0x1  }
0x21c: {  	v42 =	vperm.xlane v21, v10;
	v23 =	vsub.f32 v41, v22;
	_ =	sdelay $0x1  }
0x21d: {  	v23 =	vmul.f32 v23, v42  }
0x21e: {  	s16 =	smul.u32 $0xC0, s16  }
0x21f: {  	v22 =	vadd.f32 v23, v22  }
0x220: {  	s16 =	sshra.s32 s16, $0x2  }
0x221: {  	[tilespmem:s16+$0x6A80] =	vst v22  }
0x222: {  	v22 =	vld [tilespmem:s17+$0x2A80]  }
0x223: {  	v43 =	vld [tilespmem:s17+$0x3280]  }
0x224: {  	v44 =	vld [tilespmem:s17+$0x3A80]  }
0x225: {  	v45 =	vld [tilespmem:s17+$0x4280];
	_ =	sdelay $0x4  }
0x226: {  	v46 =	vperm.xlane v19, v10;
	v23 =	vsub.f32 v43, v22;
	v25 =	vsub.f32 v45, v44;
	_ =	sdelay $0x1  }
0x227: {  	v23 =	vmul.f32 v23, v46;
	v25 =	vmul.f32 v25, v46;
	_ =	sdelay $0x1  }
0x228: {  	v22 =	vadd.f32 v23, v22;
	v47 =	vadd.f32 v25, v44;
	_ =	sdelay $0x1  }
0x229: {  	v48 =	vperm.xlane v18, v10;
	v23 =	vsub.f32 v47, v22;
	_ =	sdelay $0x1  }
0x22a: {  	v23 =	vmul.f32 v23, v48;
	_ =	sdelay $0x1  }
0x22b: {  	v22 =	vadd.f32 v23, v22;
	_ =	sdelay $0x1  }
0x22c: {  	[tilespmem:s16+$0x6A90] =	vst v22  }
0x22d: {  	v22 =	vld [tilespmem:s17+$0x4A80]  }
0x22e: {  	v49 =	vld [tilespmem:s17+$0x5280]  }
0x22f: {  	v50 =	vld [tilespmem:s17+$0x5A80]  }
0x230: {  	v51 =	vld [tilespmem:s17+$0x6280];
	_ =	sdelay $0x4  }
0x231: {  	v52 =	vperm.xlane v17, v10;
	v23 =	vsub.f32 v49, v22;
	v25 =	vsub.f32 v51, v50;
	_ =	sdelay $0x1  }
0x232: {  	v23 =	vmul.f32 v23, v52;
	v25 =	vmul.f32 v25, v52;
	_ =	sdelay $0x1  }
0x233: {  	v22 =	vadd.f32 v23, v22;
	v53 =	vadd.f32 v25, v50;
	_ =	sdelay $0x1  }
0x234: {  	v54 =	vperm.xlane v16, v10;
	v23 =	vsub.f32 v53, v22;
	_ =	sdelay $0x1  }
0x235: {  	v23 =	vmul.f32 v23, v54;
	_ =	sdelay $0x1  }
0x236: {  	s15 =	sor.u32 $0xB, s14;
	v22 =	vadd.f32 v23, v22  }
0x237: {  	s17 =	sshll.u32 s15, $0x4  }
0x238: {  	s17 =	sand.u32 $0x3FFFFFB0, s17;
	[tilespmem:s16+$0x6AA0] =	vst v22  }
0x239: {  	v22 =	vld [tilespmem:s17+$0xA80]  }
0x23a: {  	v55 =	vld [tilespmem:s17+$0x1280]  }
0x23b: {  	v56 =	vld [tilespmem:s17+$0x1A80]  }
0x23c: {  	v57 =	vld [tilespmem:s17+$0x2280];
	_ =	sdelay $0x4  }
0x23d: {  	v58 =	vperm.xlane v20, v11;
	v23 =	vsub.f32 v55, v22;
	v25 =	vsub.f32 v57, v56;
	_ =	sdelay $0x1  }
0x23e: {  	v23 =	vmul.f32 v23, v58;
	v25 =	vmul.f32 v25, v58;
	_ =	sdelay $0x1  }
0x23f: {  	v22 =	vadd.f32 v23, v22;
	v59 =	vadd.f32 v25, v56;
	_ =	sdelay $0x1  }
0x240: {  	v60 =	vperm.xlane v21, v11;
	v23 =	vsub.f32 v59, v22;
	_ =	sdelay $0x1  }
0x241: {  	v23 =	vmul.f32 v23, v60  }
0x242: {  	s15 =	smul.u32 $0xC0, s15  }
0x243: {  	v22 =	vadd.f32 v23, v22  }
0x244: {  	s15 =	sshra.s32 s15, $0x2  }
0x245: {  	[tilespmem:s15+$0x6A80] =	vst v22  }
0x246: {  	v22 =	vld [tilespmem:s17+$0x2A80]  }
0x247: {  	v61 =	vld [tilespmem:s17+$0x3280]  }
0x248: {  	v62 =	vld [tilespmem:s17+$0x3A80]  }
0x249: {  	v63 =	vld [tilespmem:s17+$0x4280];
	_ =	sdelay $0x4  }
0x24a: {  	v28 =	vperm.xlane v19, v11;
	v23 =	vsub.f32 v61, v22;
	v25 =	vsub.f32 v63, v62;
	_ =	sdelay $0x1  }
0x24b: {  	v23 =	vmul.f32 v23, v28;
	v25 =	vmul.f32 v25, v28;
	_ =	sdelay $0x1  }
0x24c: {  	v22 =	vadd.f32 v23, v22;
	v29 =	vadd.f32 v25, v62;
	_ =	sdelay $0x1  }
0x24d: {  	v30 =	vperm.xlane v18, v11;
	v23 =	vsub.f32 v29, v22;
	_ =	sdelay $0x1  }
0x24e: {  	v23 =	vmul.f32 v23, v30;
	_ =	sdelay $0x1  }
0x24f: {  	v22 =	vadd.f32 v23, v22;
	_ =	sdelay $0x1  }
0x250: {  	[tilespmem:s15+$0x6A90] =	vst v22  }
0x251: {  	v22 =	vld [tilespmem:s17+$0x4A80]  }
0x252: {  	v31 =	vld [tilespmem:s17+$0x5280]  }
0x253: {  	v32 =	vld [tilespmem:s17+$0x5A80]  }
0x254: {  	v33 =	vld [tilespmem:s17+$0x6280];
	_ =	sdelay $0x4  }
0x255: {  	v34 =	vperm.xlane v17, v11;
	v23 =	vsub.f32 v31, v22;
	v25 =	vsub.f32 v33, v32;
	_ =	sdelay $0x1  }
0x256: {  	v23 =	vmul.f32 v23, v34;
	v25 =	vmul.f32 v25, v34;
	_ =	sdelay $0x1  }
0x257: {  	v22 =	vadd.f32 v23, v22;
	v35 =	vadd.f32 v25, v32;
	_ =	sdelay $0x1  }
0x258: {  	v36 =	vperm.xlane v16, v11;
	v23 =	vsub.f32 v35, v22;
	_ =	sdelay $0x1  }
0x259: {  	v23 =	vmul.f32 v23, v36;
	_ =	sdelay $0x1  }
0x25a: {  	s16 =	sor.u32 $0xC, s14;
	v22 =	vadd.f32 v23, v22  }
0x25b: {  	s17 =	sshll.u32 s16, $0x4  }
0x25c: {  	s17 =	sand.u32 $0x3FFFFFC0, s17;
	[tilespmem:s15+$0x6AA0] =	vst v22  }
0x25d: {  	v22 =	vld [tilespmem:s17+$0xA80]  }
0x25e: {  	v37 =	vld [tilespmem:s17+$0x1280]  }
0x25f: {  	v38 =	vld [tilespmem:s17+$0x1A80]  }
0x260: {  	v39 =	vld [tilespmem:s17+$0x2280];
	_ =	sdelay $0x4  }
0x261: {  	v40 =	vperm.xlane v20, v12;
	v23 =	vsub.f32 v37, v22;
	v25 =	vsub.f32 v39, v38;
	_ =	sdelay $0x1  }
0x262: {  	v23 =	vmul.f32 v23, v40;
	v25 =	vmul.f32 v25, v40;
	_ =	sdelay $0x1  }
0x263: {  	v22 =	vadd.f32 v23, v22;
	v41 =	vadd.f32 v25, v38;
	_ =	sdelay $0x1  }
0x264: {  	v42 =	vperm.xlane v21, v12;
	v23 =	vsub.f32 v41, v22;
	_ =	sdelay $0x1  }
0x265: {  	v23 =	vmul.f32 v23, v42  }
0x266: {  	s16 =	smul.u32 $0xC0, s16  }
0x267: {  	v22 =	vadd.f32 v23, v22  }
0x268: {  	s16 =	sshra.s32 s16, $0x2  }
0x269: {  	[tilespmem:s16+$0x6A80] =	vst v22  }
0x26a: {  	v22 =	vld [tilespmem:s17+$0x2A80]  }
0x26b: {  	v43 =	vld [tilespmem:s17+$0x3280]  }
0x26c: {  	v44 =	vld [tilespmem:s17+$0x3A80]  }
0x26d: {  	v45 =	vld [tilespmem:s17+$0x4280];
	_ =	sdelay $0x4  }
0x26e: {  	v46 =	vperm.xlane v19, v12;
	v23 =	vsub.f32 v43, v22;
	v25 =	vsub.f32 v45, v44;
	_ =	sdelay $0x1  }
0x26f: {  	v23 =	vmul.f32 v23, v46;
	v25 =	vmul.f32 v25, v46;
	_ =	sdelay $0x1  }
0x270: {  	v22 =	vadd.f32 v23, v22;
	v47 =	vadd.f32 v25, v44;
	_ =	sdelay $0x1  }
0x271: {  	v48 =	vperm.xlane v18, v12;
	v23 =	vsub.f32 v47, v22;
	_ =	sdelay $0x1  }
0x272: {  	v23 =	vmul.f32 v23, v48;
	_ =	sdelay $0x1  }
0x273: {  	v22 =	vadd.f32 v23, v22;
	_ =	sdelay $0x1  }
0x274: {  	[tilespmem:s16+$0x6A90] =	vst v22  }
0x275: {  	v22 =	vld [tilespmem:s17+$0x4A80]  }
0x276: {  	v49 =	vld [tilespmem:s17+$0x5280]  }
0x277: {  	v50 =	vld [tilespmem:s17+$0x5A80]  }
0x278: {  	v51 =	vld [tilespmem:s17+$0x6280];
	_ =	sdelay $0x4  }
0x279: {  	v52 =	vperm.xlane v17, v12;
	v23 =	vsub.f32 v49, v22;
	v25 =	vsub.f32 v51, v50;
	_ =	sdelay $0x1  }
0x27a: {  	v23 =	vmul.f32 v23, v52;
	v25 =	vmul.f32 v25, v52;
	_ =	sdelay $0x1  }
0x27b: {  	v22 =	vadd.f32 v23, v22;
	v53 =	vadd.f32 v25, v50;
	_ =	sdelay $0x1  }
0x27c: {  	v54 =	vperm.xlane v16, v12;
	v23 =	vsub.f32 v53, v22;
	_ =	sdelay $0x1  }
0x27d: {  	v23 =	vmul.f32 v23, v54;
	_ =	sdelay $0x1  }
0x27e: {  	s15 =	sor.u32 $0xD, s14;
	v22 =	vadd.f32 v23, v22  }
0x27f: {  	s17 =	sshll.u32 s15, $0x4  }
0x280: {  	s17 =	sand.u32 $0x3FFFFFD0, s17;
	[tilespmem:s16+$0x6AA0] =	vst v22  }
0x281: {  	v22 =	vld [tilespmem:s17+$0xA80]  }
0x282: {  	v55 =	vld [tilespmem:s17+$0x1280]  }
0x283: {  	v56 =	vld [tilespmem:s17+$0x1A80]  }
0x284: {  	v57 =	vld [tilespmem:s17+$0x2280];
	_ =	sdelay $0x4  }
0x285: {  	v58 =	vperm.xlane v20, v13;
	v23 =	vsub.f32 v55, v22;
	v25 =	vsub.f32 v57, v56;
	_ =	sdelay $0x1  }
0x286: {  	v23 =	vmul.f32 v23, v58;
	v25 =	vmul.f32 v25, v58;
	_ =	sdelay $0x1  }
0x287: {  	v22 =	vadd.f32 v23, v22;
	v59 =	vadd.f32 v25, v56;
	_ =	sdelay $0x1  }
0x288: {  	v60 =	vperm.xlane v21, v13;
	v23 =	vsub.f32 v59, v22;
	_ =	sdelay $0x1  }
0x289: {  	v23 =	vmul.f32 v23, v60  }
0x28a: {  	s15 =	smul.u32 $0xC0, s15  }
0x28b: {  	v22 =	vadd.f32 v23, v22  }
0x28c: {  	s15 =	sshra.s32 s15, $0x2  }
0x28d: {  	[tilespmem:s15+$0x6A80] =	vst v22  }
0x28e: {  	v22 =	vld [tilespmem:s17+$0x2A80]  }
0x28f: {  	v61 =	vld [tilespmem:s17+$0x3280]  }
0x290: {  	v62 =	vld [tilespmem:s17+$0x3A80]  }
0x291: {  	v63 =	vld [tilespmem:s17+$0x4280];
	_ =	sdelay $0x4  }
0x292: {  	v28 =	vperm.xlane v19, v13;
	v23 =	vsub.f32 v61, v22;
	v25 =	vsub.f32 v63, v62;
	_ =	sdelay $0x1  }
0x293: {  	v23 =	vmul.f32 v23, v28;
	v25 =	vmul.f32 v25, v28;
	_ =	sdelay $0x1  }
0x294: {  	v22 =	vadd.f32 v23, v22;
	v29 =	vadd.f32 v25, v62;
	_ =	sdelay $0x1  }
0x295: {  	v30 =	vperm.xlane v18, v13;
	v23 =	vsub.f32 v29, v22;
	_ =	sdelay $0x1  }
0x296: {  	v23 =	vmul.f32 v23, v30;
	_ =	sdelay $0x1  }
0x297: {  	v22 =	vadd.f32 v23, v22;
	_ =	sdelay $0x1  }
0x298: {  	[tilespmem:s15+$0x6A90] =	vst v22  }
0x299: {  	v22 =	vld [tilespmem:s17+$0x4A80]  }
0x29a: {  	v31 =	vld [tilespmem:s17+$0x5280]  }
0x29b: {  	v32 =	vld [tilespmem:s17+$0x5A80]  }
0x29c: {  	v33 =	vld [tilespmem:s17+$0x6280];
	_ =	sdelay $0x4  }
0x29d: {  	v34 =	vperm.xlane v17, v13;
	v23 =	vsub.f32 v31, v22;
	v25 =	vsub.f32 v33, v32;
	_ =	sdelay $0x1  }
0x29e: {  	v23 =	vmul.f32 v23, v34;
	v25 =	vmul.f32 v25, v34;
	_ =	sdelay $0x1  }
0x29f: {  	v22 =	vadd.f32 v23, v22;
	v35 =	vadd.f32 v25, v32;
	_ =	sdelay $0x1  }
0x2a0: {  	v36 =	vperm.xlane v16, v13;
	v23 =	vsub.f32 v35, v22;
	_ =	sdelay $0x1  }
0x2a1: {  	v23 =	vmul.f32 v23, v36;
	_ =	sdelay $0x1  }
0x2a2: {  	s14 =	sor.u32 $0xE, s14;
	v22 =	vadd.f32 v23, v22  }
0x2a3: {  	s17 =	sshll.u32 s14, $0x4  }
0x2a4: {  	s16 =	sand.u32 $0x3FFFFFE0, s17;
	[tilespmem:s15+$0x6AA0] =	vst v22  }
0x2a5: {  	v22 =	vld [tilespmem:s16+$0xA80]  }
0x2a6: {  	v37 =	vld [tilespmem:s16+$0x1280]  }
0x2a7: {  	v38 =	vld [tilespmem:s16+$0x1A80]  }
0x2a8: {  	v39 =	vld [tilespmem:s16+$0x2280];
	_ =	sdelay $0x4  }
0x2a9: {  	v40 =	vperm.xlane v20, v14;
	v23 =	vsub.f32 v37, v22;
	v25 =	vsub.f32 v39, v38;
	_ =	sdelay $0x1  }
0x2aa: {  	v23 =	vmul.f32 v23, v40;
	v25 =	vmul.f32 v25, v40;
	_ =	sdelay $0x1  }
0x2ab: {  	v22 =	vadd.f32 v23, v22;
	v41 =	vadd.f32 v25, v38;
	_ =	sdelay $0x1  }
0x2ac: {  	v42 =	vperm.xlane v21, v14;
	v23 =	vsub.f32 v41, v22;
	_ =	sdelay $0x1  }
0x2ad: {  	v23 =	vmul.f32 v23, v42  }
0x2ae: {  	s14 =	smul.u32 $0xC0, s14  }
0x2af: {  	v22 =	vadd.f32 v23, v22  }
0x2b0: {  	s14 =	sshra.s32 s14, $0x2  }
0x2b1: {  	[tilespmem:s14+$0x6A80] =	vst v22  }
0x2b2: {  	v22 =	vld [tilespmem:s16+$0x2A80]  }
0x2b3: {  	v43 =	vld [tilespmem:s16+$0x3280]  }
0x2b4: {  	v44 =	vld [tilespmem:s16+$0x3A80]  }
0x2b5: {  	v45 =	vld [tilespmem:s16+$0x4280];
	_ =	sdelay $0x4  }
0x2b6: {  	v46 =	vperm.xlane v19, v14;
	v23 =	vsub.f32 v43, v22;
	v25 =	vsub.f32 v45, v44;
	_ =	sdelay $0x1  }
0x2b7: {  	v23 =	vmul.f32 v23, v46;
	v25 =	vmul.f32 v25, v46;
	_ =	sdelay $0x1  }
0x2b8: {  	v22 =	vadd.f32 v23, v22;
	v47 =	vadd.f32 v25, v44;
	_ =	sdelay $0x1  }
0x2b9: {  	v48 =	vperm.xlane v18, v14;
	v23 =	vsub.f32 v47, v22;
	_ =	sdelay $0x1  }
0x2ba: {  	v23 =	vmul.f32 v23, v48;
	_ =	sdelay $0x1  }
0x2bb: {  	v22 =	vadd.f32 v23, v22;
	_ =	sdelay $0x1  }
0x2bc: {  	[tilespmem:s14+$0x6A90] =	vst v22  }
0x2bd: {  	v22 =	vld [tilespmem:s16+$0x4A80]  }
0x2be: {  	v49 =	vld [tilespmem:s16+$0x5280]  }
0x2bf: {  	v50 =	vld [tilespmem:s16+$0x5A80]  }
0x2c0: {  	v51 =	vld [tilespmem:s16+$0x6280];
	_ =	sdelay $0x4  }
0x2c1: {  	v52 =	vperm.xlane v17, v14;
	v23 =	vsub.f32 v49, v22;
	v25 =	vsub.f32 v51, v50;
	_ =	sdelay $0x1  }
0x2c2: {  	v23 =	vmul.f32 v23, v52;
	v25 =	vmul.f32 v25, v52;
	_ =	sdelay $0x1  }
0x2c3: {  	v22 =	vadd.f32 v23, v22;
	v53 =	vadd.f32 v25, v50;
	_ =	sdelay $0x1  }
0x2c4: {  	v54 =	vperm.xlane v16, v14;
	v23 =	vsub.f32 v53, v22;
	_ =	sdelay $0x1  }
0x2c5: {  	v23 =	vmul.f32 v23, v54;
	_ =	sdelay $0x1  }
0x2c6: {  	s15 =	sshllo.u32 s13, $0x4;
	v22 =	vadd.f32 v23, v22  }
0x2c7: {  	s17 =	sshll.u32 s15, $0x4  }
0x2c8: {  	s17 =	sand.u32 $0x3FFFFFF0, s17;
	[tilespmem:s14+$0x6AA0] =	vst v22  }
0x2c9: {  	v22 =	vld [tilespmem:s17+$0xA80]  }
0x2ca: {  	v55 =	vld [tilespmem:s17+$0x1280]  }
0x2cb: {  	v56 =	vld [tilespmem:s17+$0x1A80]  }
0x2cc: {  	v57 =	vld [tilespmem:s17+$0x2280];
	_ =	sdelay $0x4  }
0x2cd: {  	v20 =	vperm.xlane v20, v15;
	v23 =	vsub.f32 v55, v22;
	v25 =	vsub.f32 v57, v56;
	_ =	sdelay $0x1  }
0x2ce: {  	v23 =	vmul.f32 v23, v20;
	v20 =	vmul.f32 v25, v20;
	_ =	sdelay $0x1  }
0x2cf: {  	v22 =	vadd.f32 v23, v22;
	v20 =	vadd.f32 v20, v56;
	_ =	sdelay $0x1  }
0x2d0: {  	v21 =	vperm.xlane v21, v15;
	v20 =	vsub.f32 v20, v22;
	_ =	sdelay $0x1  }
0x2d1: {  	v20 =	vmul.f32 v20, v21  }
0x2d2: {  	s15 =	smul.u32 $0xC0, s15  }
0x2d3: {  	v20 =	vadd.f32 v20, v22  }
0x2d4: {  	s15 =	sshra.s32 s15, $0x2  }
0x2d5: {  	[tilespmem:s15+$0x6A80] =	vst v20  }
0x2d6: {  	v20 =	vld [tilespmem:s17+$0x2A80]  }
0x2d7: {  	v58 =	vld [tilespmem:s17+$0x3280]  }
0x2d8: {  	v59 =	vld [tilespmem:s17+$0x3A80]  }
0x2d9: {  	v60 =	vld [tilespmem:s17+$0x4280];
	_ =	sdelay $0x4  }
0x2da: {  	v19 =	vperm.xlane v19, v15;
	v21 =	vsub.f32 v58, v20;
	v23 =	vsub.f32 v60, v59;
	_ =	sdelay $0x1  }
0x2db: {  	v21 =	vmul.f32 v21, v19;
	v19 =	vmul.f32 v23, v19;
	_ =	sdelay $0x1  }
0x2dc: {  	v20 =	vadd.f32 v21, v20;
	v19 =	vadd.f32 v19, v59;
	_ =	sdelay $0x1  }
0x2dd: {  	v18 =	vperm.xlane v18, v15;
	v19 =	vsub.f32 v19, v20;
	_ =	sdelay $0x1  }
0x2de: {  	v18 =	vmul.f32 v19, v18;
	_ =	sdelay $0x1  }
0x2df: {  	v18 =	vadd.f32 v18, v20;
	_ =	sdelay $0x1  }
0x2e0: {  	[tilespmem:s15+$0x6A90] =	vst v18  }
0x2e1: {  	v18 =	vld [tilespmem:s17+$0x4A80]  }
0x2e2: {  	v61 =	vld [tilespmem:s17+$0x5280]  }
0x2e3: {  	v62 =	vld [tilespmem:s17+$0x5A80]  }
0x2e4: {  	v63 =	vld [tilespmem:s17+$0x6280];
	_ =	sdelay $0x4  }
0x2e5: {  	v17 =	vperm.xlane v17, v15;
	v19 =	vsub.f32 v61, v18;
	v21 =	vsub.f32 v63, v62;
	_ =	sdelay $0x1  }
0x2e6: {  	v19 =	vmul.f32 v19, v17;
	v17 =	vmul.f32 v21, v17;
	_ =	sdelay $0x1  }
0x2e7: {  	v18 =	vadd.f32 v19, v18;
	v17 =	vadd.f32 v17, v62;
	_ =	sdelay $0x1  }
0x2e8: {  	v16 =	vperm.xlane v16, v15;
	v17 =	vsub.f32 v17, v18  }
0x2e9: {  	p0 =	sne.s32 s13, $0x7  }
.Ltmp1:
0x2ea: {  	v16 =	vmul.f32 v17, v16;
	(pc) =	sbr.rel @p0 .LBB2_5-.Ltmp1, $3  }
0x2eb: {  	_ = 	snop  }
0x2ec: {  	v16 =	vadd.f32 v16, v18;
	_ =	sdelay $0x1  }
0x2ed: {  	s13 =	sadd.s32 $0x1, s13;
	[tilespmem:s15+$0x6AA0] =	vst v16  }
0x2ee: {  	s12 =	smul.u32 $0x6, s12;
	s11 =	sadd.s32 $0x1, s11  }
0x2ef: {  	s13 =	rddreg [dreg:$0x1];
	p0 =	sne.s32 s11, $0x80  }
.Ltmp2:
0x2f0: {  	s17 =	simm.s32 $0x0;
	s12 =	sadd.s32 s13, s12;
	(pc) =	sbr.rel @p0 .LBB2_2-.Ltmp2, $4  }
0x2f1: {  	[hbm4b:s12+s17] =	stream.linear.scatter [tilespmem:s9], [sflag:$0x2], $0x1800, $0x38;
	[tilespmem:$0x8280] =	vst v63  }
0x2f2: {  	_ =	swait.ge [sflag:s10], $0x1800  }
0x2f3: {  	[sflag:s10] =	ssyncset.done $0x0  }
0x2f4: {  	[sflag:s10] =	ssyncadd.s32 $0xFFFFE800  }
0x2f5: {  	s12 =	rddreg [dreg:$0x4]  }
0x2f6: {  	s11 =	rddreg [dreg:$0x3];
	s12 =	sadd.s32 $0x1, s12  }
0x2f7: {  	p0 =	sne.s32 s12, s11  }
.Ltmp3:
0x2f8: {  	_ = 	snop;
	(pc) =	sbr.rel @p0 .LBB2_1-.Ltmp3, $1  }
0x2f9: {  	_ =	sdelay $0x3  }
0x2fa: {  	_ =	sfence.sel $0x180000  }
0x2fb: {  	[bflag:$0x0] =	sbarrier.arrive $0xFFFF  }
0x2fc: {  	_ =	strace $0x90000047  }
0x2fd: {  	s0 =	stileid.u32;
	[bflag:$0x2] =	sbarrier.arrive $0xFFFF  }
0x2fe: {  	p0 =	sne.s32 s0, $0x0;
	s0 =	rddreg [dreg:$0x2]  }
0x2ff: {  	s0 =	sadd.s32 @!p0 $0x100000, s0  }
0x300: {  	[sflag:s0] =	ssyncadd.tile.s32 @!p0 $0x1;
	_ =	shalt  }
.Lfunc_end2:
_tile_overlayer_lowered:
.L_overlay_start_2:
0x301: {  	(tag) =	ssettag $0x2  }
0x302: {  	s0 =	rddreg [dreg:$0x0];
	s2 =	stileid.u32  }
0x303: {  	s1 =	rddreg [dreg:$0x1];
	p0 =	sne.s32 s2, $0x0  }
0x304: {  	s3 =	rddreg [dreg:$0x2];
	[bflag:$0x3] =	sbarrier.arrive $0xFFFF;
	s2 =	simm.s32 @!p0 $0x1C02  }
0x305: {  	[timem:s3], [sflag:s2] =	dma.local @!p0 [hbm:s0], s1  }
0x306: {  	s0 =	simm.s32 @!p0 $0x2  }
0x307: {  	_ =	swait.ge @!p0 [sflag:s0], s1  }
0x308: {  	s1 =	ssub.s32 @!p0 $0x0, s1;
	[sflag:s0] =	ssyncset.done @!p0 $0x0  }
0x309: {  	[sflag:s0] =	ssyncadd.s32 @!p0 s1  }
0x30a: {  	[bflag:$0x3] =	sbarrier.arrive $0xFFFF  }
0x30b: {  	_ =	shalt  }

// kernel: sparse-core-data-format-call.cloned.1.call-start
scs
called_computation_lowered:
.L_overlay_start_0:
0x0: {  	s2 =	sld [smem:$0x3FD9]  }
0x1: {  	s3 =	sld [smem:$0x3FFE];
	_ =	sdelay $0x1  }
0x2: {  	s1 =	srdreg.scid  }
0x3: {  	s0 =	sand.u32 $0x1, s1  }
0x4: {  	s18 =	sshll.u32 s0, $0xA;
	s2 =	sadd.s32 s3, s2  }
0x5: {  	s2 =	sadd.s32 s2, s18  }
0x6: {  	[smem:$0x3FC6] =	sst s2  }
0x7: {  	_ = 	snop  }
0x8: {  	s2 =	sld [smem:$0x3FD0];
	(tm) =	ssettm $0x1  }
0x9: {  	s19 =	sld [smem:$0x3FFB];
	_ =	sdelay $0x3  }
0xa: {  	_ =	strace s19  }
0xb: {  	s3 =	sld [smem:$0x3FFC];
	_ =	sdelay $0x3  }
0xc: {  	_ =	strace s3  }
0xd: {  	s3 =	sld [smem:$0x3FFD];
	_ =	sdelay $0x3  }
0xe: {  	_ =	strace s3  }
0xf: {  	_ =	strace $0x8FFFFFFF  }
0x10: {  	s20 =	sld [smem:$0x3FDB];
	_ =	sdelay $0x1  }
0x11: {  	s4 =	simm.s32 $_scs_section_size  }
0x12: {  	s5 =	simm.s32 $_size__tile_overlayer_lowered;
	s6 =	simm.s32 $_tile_overlayer_lowered  }
0x13: {  	s23 =	simm.s32 $0x1BFF;
	s22 =	sshll.u32 s6, $0x1;
	s3 =	sadd.s32 s4, s20  }
0x14: {  	s7 =	simm.s32 $0x0;
	s21 =	sshll.u32 s5, $0x1;
	s5 =	sadd.s32 s22, s3  }
0x15: {  	[timem:s7], [sflag:s23] =	dma.local [hbm:s5], s21  }
0x16: {  	_ =	swait.ge [sflag:s23], s21  }
0x17: {  	s4 =	ssub.s32 $0x0, s21;
	[sflag:s23] =	ssyncset.done $0x0  }
0x18: {  	[sflag:s23] =	ssyncadd.s32 s4;
	_ =	sdelay $0x1  }
0x19: {  	s24 =	simm.s32 $0x1B8B  }
0x1a: {  	_ =	swait.ge [sflag:s24], $0x1  }
0x1b: {  	[sflag:s24] =	ssyncset.done $0x0  }
0x1c: {  	s26 =	simm.s32 $0x1B8E;
	s25 =	sld [smem:$0x3FFE];
	[sflag:s24] =	ssyncadd.s32 $0xFFFFFFFF  }
0x1d: {  	s27 =	simm.s32 $execute0_lowered;
	[smem:$0x3FD2] =	sst s26  }
0x1e: {  	s5 =	sshll.u32 s27, $0x1;
	_ =	strace $0x80000049;
	[dreg:$0x1] =	wrdreg $0xFFFFFFFF  }
0x1f: {  	s28 =	simm.s32 $_size_execute0_lowered;
	s3 =	sadd.s32 s3, s5;
	[dreg:$0x0] =	wrdreg $0x0  }
0x20: {  	s5 =	sshll.u32 s28, $0x1;
	[dreg:$0x2] =	wrdreg s3  }
0x21: {  	[dreg:$0x3] =	wrdreg s5  }
0x22: {  	[dreg:$0x4] =	wrdreg $0xC0  }
0x23: {  	_ =	task [dreg:s7], $0x5FFFF  }
0x24: {  	[dreg:$0x1] =	wrdreg $0xFFFFFFFF  }
0x25: {  	[dreg:$0x0] =	wrdreg $0x60  }
0x26: {  	[dreg:$0x2] =	wrdreg s25  }
0x27: {  	[dreg:$0x3] =	wrdreg s2  }
0x28: {  	[dreg:$0x4] =	wrdreg $0x9  }
0x29: {  	_ =	task.clear_ibuf [dreg:s7], $0x5FFFF;
	_ =	strace $0x90000049  }
0x2a: {  	s29 =	simm.s32 $0x9;
	_ =	strace $0x8000004B  }
0x2b: {  	_ =	swait.ge [sflag:s29], $0x1  }
0x2c: {  	[sflag:s29] =	ssyncadd.s32 $0xFFFFFFFF  }
0x2d: {  	_ =	strace $0x9000004B  }
0x2e: {  	_ =	sfence  }
0x2f: {  	s30 =	sld [smem:$0x0];
	_ =	sdelay $0x2  }
0x30: {  	s31 =	sshll.u32 s1, $0xD;
	s1 =	sshrl.u32 s1, $0x2  }
0x31: {  	s3 =	sand.u32 $0x4000, s31;
	s1 =	sadd.s32 s1, s30  }
0x32: {  	s0 =	sor.u32 s3, s0;
	s1 =	sshll.u32 s1, $0x11  }
0x33: {  	s0 =	sor.u32 s1, s0  }
0x34: {  	s0 =	sadd.s32 $0x8F2B, s0  }
0x35: {  	[sflag:s0] =	ssyncadd.remote.s32 $0x1  }
0x36: {  	_ =	sfence.sel $0xFFFF  }
0x37: {  	[dreg:$0x0] =	wrdreg $0xFFFFFFFF;
	(pc) =	sbr.abs _section_cstart, $3  }
0x38: {  	[dreg:$0x1] =	wrdreg $0xFFFFFFFF  }
0x39: {  	_ =	task.clear_ibuf [dreg:s7], $0x2FFFF;
	_ =	strace $0x9FFFFFFF  }
0x3a: {  	(tm) =	ssettm $0x7FFFFFFF  }
0x3b: {  	_ =	shalt  }
tec
execute0_lowered:
.L_overlay_start_1:
0x0: {  	(tag) =	ssettag $0x1  }
0x1: {  	s0 =	srdreg.scid  }
0x2: {  	s5 =	rddreg [dreg:$0x0];
	s1 =	sshll.u32 s0, $0x4  }
0x3: {  	s2 =	rddreg [dreg:$0x1];
	s0 =	stileid.u32;
	s1 =	sand.u32 $0x10, s1  }
0x4: {  	s4 =	simm.s32 $0x1;
	s8 =	simm.s32 $0x2;
	s1 =	sor.u32 s0, s1  }
0x5: {  	s12 =	simm.s32 $0x0;
	s9 =	simm.s32 $0x0;
	s3 =	sshll.u32 s1, $0x7  }
0x6: {  	s11 =	simm.s32 $0x0;
	s5 =	sadd.s32 $0xA00, s5;
	s6 =	ssub.s32 $0x80000, s3  }
.Ltmp0:
0x7: {  	s1 =	rddreg [dreg:$0x2];
	s7 =	sand.u32 $0xF80, s6;
	(pc) =	sbr.rel .LBB1_1-.Ltmp0, $4  }
0x8: {  	_ =	strace $0x8000004A;
	p0 =	sne.s32 s7, $0x0;
	s7 =	simm.s32 $0x1  }
0x9: {  	[sflag:s4] =	ssyncpa.u1 $0x0;
	s6 =	sshrl.u32 s6, $0xC;
	s7 =	simm.s32 @!p0 $0x0  }
0xa: {  	s10 =	smov.u32 s3;
	[sflag:s8] =	ssyncpa.u1 $0x0;
	s6 =	sadd.s32 s7, s6  }
0xb: {  	s8 =	simm.s32 $0x400000;
	p0 =	por $0x0, $0x0;
	s7 =	sadd.s32 $0x1, s6  }
.LBB1_4:
0xc: {  	s15 =	sshll.u32 s9, $0x3  }
0xd: {  	p1 =	sgt.s32 s9, $0x7FF80;
	s18 =	smov.u32 s9;
	s16 =	sshrl.u32 s15, $0x13  }
0xe: {  	s19 =	sshra.s32 s9, $0x1F;
	s28 =	sand.u32 $0x78, s9;
	s17 =	smul.u32 $0xAAB, s16  }
0xf: {  	s29 =	sand.u32 $0x7, s9;
	s18 =	simm.s32 @!p1 $0x7FF80;
	s19 =	sand.u32 s19, s9  }
0x10: {  	s15 =	sand.u32 $0x7FC00, s15;
	s18 =	ssub.s32 s18, s19;
	s17 =	sshrl.u32 s17, $0x11  }
0x11: {  	s15 =	sor.u32 s28, s15;
	s20 =	ssub.s32 $0x80000, s18;
	s17 =	smul.u32 $0x30, s17  }
0x12: {  	s18 =	sadd.s32 $0xFFF80080, s18;
	s15 =	sshrl.u32 s15, $0x3;
	s20 =	smul.u32 $0xC0, s20  }
0x13: {  	[tilespmem:s14+$0x810 ss:$0x81] =	vst.msk $0xffff, v2;
	p1 =	sgt.s32 s18, $0x7F;
	s15 =	sadd.s32 s2, s15;
	s16 =	ssub.s32 s16, s17  }
0x14: {  	[tilespmem:s14+$0x1020 ss:$0x81] =	vst.msk $0xffff, v0;
	s18 =	sshll.u32 s29, $0x12;
	s17 =	sshrl.u32 s20, $0x2;
	s16 =	sshll.u32 s16, $0x10  }
0x15: {  	[tilespmem:s14+$0x0 ss:$0x81] =	vst.msk $0xffff, v1;
	s31 =	sor.u32 $0x400, s18;
	s17 =	simm.s32 @p1 $0x0;
	s30 =	sadd.s32 s16, s15  }
0x16: {  	[hbm4b:s30+s31] =	stream.strided.scatter [tilespmem:s13], [sflag:$0x2], s17, s8, s31, $0x20;
	[tilespmem:$0x8080] =	vst v63  }
.LBB1_5:
0x17: {  	p1 =	slt.u32 s11, $0x2  }
0x18: {  	p2 =	sgt.s32 @!p1 s12, $0x7FF80  }
0x19: {  	s13 =	smov.u32 s12;
	s14 =	sshra.s32 @!p1 s12, $0x1F;
	p2 =	por !p2, p1  }
0x1a: {  	s12 =	sand.u32 @!p1 s14, s12;
	s13 =	simm.s32 @p2 $0x7FF80  }
0x1b: {  	s12 =	ssub.s32 @!p1 s13, s12  }
0x1c: {  	s13 =	ssub.s32 @!p1 $0x80000, s12  }
0x1d: {  	s12 =	sadd.s32 @!p1 $0xFFF80080, s12;
	s13 =	smul.u32 @!p1 $0xC0, s13  }
0x1e: {  	p2 =	sgt.s32 @!p1 s12, $0x7F  }
0x1f: {  	s14 =	sadd.s32 $0x1000, s10;
	p2 =	por !p2, p1;
	s12 =	sshrl.u32 @!p1 s13, $0x2  }
0x20: {  	s12 =	simm.s32 @!p2 $0x0;
	p2 =	sgt.s32 s14, $0x7FFFF  }
0x21: {  	s14 =	smov.u32 @p2 s3;
	p2 =	sne.s32 s11, s7  }
.Ltmp1:
0x22: {  	_ = 	snop;
	(pc) =	sbr.rel @!p2 .LBB1_6-.Ltmp1, $4  }
0x23: {  	s13 =	simm.s32 @!p1 $0x2  }
0x24: {  	p0 =	por !p0, !p0;
	_ =	swait.ge @!p1 [sflag:s13], s12;
	s15 =	ssub.s32 @!p1 $0x0, s12  }
0x25: {  	s12 =	smov.u32 s9;
	s11 =	sadd.s32 $0x1, s11;
	[sflag:s13] =	ssyncset.done @!p1 $0x0  }
0x26: {  	s9 =	smov.u32 s10;
	s10 =	smov.u32 s14;
	[sflag:s13] =	ssyncadd.s32 @!p1 s15  }
.LBB1_1:
0x27: {  	p1 =	sge.u32 s11, s6  }
0x28: {  	s31 =	sadd.s32 $0xFFFFFFFF, s11;
	s13 =	sxor.u32 @!p1 $0xFFFFFFFF, s11;
	s14 =	sshll.u32 @!p1 s10, $0x4  }
0x29: {  	s15 =	simm.s32 @!p1 $0x40;
	s13 =	sshll.u32 @!p1 s13, $0xD;
	s14 =	sand.u32 @!p1 $0x7FFFF0, s14  }
0x2a: {  	s16 =	simm.s32 @!p1 $0x80;
	s13 =	sand.u32 @!p1 $0x2000, s13;
	s14 =	sadd.s32 @!p1 s5, s14  }
0x2b: {  	[tilespmem:s13], [sflag:$0x1] =	stream.strided.gather @!p1 [hbm4b:s14+s15], $0x2000, s16, s15, $0x38;
	[tilespmem:$0x8080] =	vst v63  }
0x2c: {  	p1 =	sge.u32 s31, s6  }
.Ltmp2:
0x2d: {  	_ = 	snop;
	(pc) =	sbr.rel @p1 .LBB1_5-.Ltmp2, $1  }
0x2e: {  	_ =	sdelay $0x3  }
0x2f: {  	s13 =	simm.s32 $0x1  }
0x30: {  	_ =	swait.ge [sflag:s4], $0x2000;
	s13 =	simm.s32 @!p0 $0x0  }
0x31: {  	[sflag:s4] =	ssyncset.done $0x0;
	s14 =	sshll.u32 s13, $0xD  }
0x32: {  	[sflag:s4] =	ssyncadd.s32 $0xFFFFE000;
	s17 =	sor.u32 $0x20, s14  }
0x33: {  	s13 =	smul.u32 $0x8100, s13;
	v3 =	vld [tilespmem:s17+$0x10]  }
0x34: {  	s30 =	sand.u32 $0x1, s11;
	v2 =	vld [tilespmem:s17+$0xFFFFFFF0]  }
0x35: {  	s14 =	smul.u32 $0x8100, s30;
	s13 =	sshrl.u32 s13, $0x2;
	v0 =	vld [tilespmem:s17+$0x0]  }
0x36: {  	v1 =	vld [tilespmem:s17+$0xFFFFFFE0];
	s15 =	sor.u32 $0x4000, s13  }
0x37: {  	s31 =	sshrl.u32 s14, $0x2;
	s14 =	sadd.s32 $0x0, s15  }
0x38: {  	s16 =	simm.s32 $0x4;
	s17 =	sadd.s32 $0x40, s17;
	s13 =	sor.u32 $0x4000, s31;
	[tilespmem:s14+$0x1830 ss:$0x81] =	vst.msk $0xffff, v3  }
.LBB1_3:
0x39: {  	v3 =	vld [tilespmem:s17+$0x10];
	p1 =	sne.s32 s16, $0x1FC;
	[tilespmem:s14+$0x810 ss:$0x81] =	vst.msk $0xffff, v2;
	s18 =	smov.u32 s16;
	s16 =	sadd.s32 $0x4, s16  }
.Ltmp3:
0x3a: {  	v2 =	vld [tilespmem:s17+$0xFFFFFFF0];
	[tilespmem:s14+$0x1020 ss:$0x81] =	vst.msk $0xffff, v0;
	(pc) =	sbr.rel @p1 .LBB1_3-.Ltmp3, $4  }
0x3b: {  	v0 =	vld [tilespmem:s17+$0x0];
	[tilespmem:s14+$0x0 ss:$0x81] =	vst.msk $0xffff, v1  }
0x3c: {  	s14 =	sshra.s32 s18, $0x2;
	v1 =	vld [tilespmem:s17+$0xFFFFFFE0]  }
0x3d: {  	s14 =	sadd.s32 s14, s15  }
0x3e: {  	s17 =	sadd.s32 $0x40, s17;
	[tilespmem:s14+$0x1830 ss:$0x81] =	vst.msk $0xffff, v3  }
.Ltmp4:
0x3f: {  	_ = 	snop;
	(pc) =	sbr.rel .LBB1_4-.Ltmp4, $1  }
0x40: {  	_ =	sdelay $0x3  }
.LBB1_6:
0x41: {  	_ =	sfence.sel $0x180000  }
0x42: {  	s2 =	simm.s32 $0x1;
	[bflag:$0x0] =	sbarrier.arrive $0xFFFF  }
0x43: {  	s31 =	simm.s32 $0x2;
	[sflag:s2] =	ssyncpa.u1 $0x1  }
0x44: {  	[sflag:s31] =	ssyncpa.u1 $0x1  }
0x45: {  	p0 =	sne.s32 s0, $0x0;
	_ =	strace $0x9000004A  }
0x46: {  	s0 =	sadd.s32 @!p0 $0x100000, s1;
	[bflag:$0x2] =	sbarrier.arrive $0xFFFF  }
0x47: {  	[sflag:s0] =	ssyncadd.tile.s32 @!p0 $0x1;
	_ =	shalt  }
.Lfunc_end1:
_tile_overlayer_lowered:
.L_overlay_start_2:
0x48: {  	(tag) =	ssettag $0x2  }
0x49: {  	s0 =	rddreg [dreg:$0x0];
	s2 =	stileid.u32  }
0x4a: {  	s1 =	rddreg [dreg:$0x1];
	p0 =	sne.s32 s2, $0x0  }
0x4b: {  	s3 =	rddreg [dreg:$0x2];
	[bflag:$0x3] =	sbarrier.arrive $0xFFFF;
	s2 =	simm.s32 @!p0 $0x1C01  }
0x4c: {  	[timem:s3], [sflag:s2] =	dma.local @!p0 [hbm:s0], s1  }
0x4d: {  	s0 =	simm.s32 @!p0 $0x1  }
0x4e: {  	_ =	swait.ge @!p0 [sflag:s0], s1  }
0x4f: {  	s1 =	ssub.s32 @!p0 $0x0, s1;
	[sflag:s0] =	ssyncset.done @!p0 $0x0  }
0x50: {  	[sflag:s0] =	ssyncadd.s32 @!p0 s1  }
0x51: {  	[bflag:$0x3] =	sbarrier.arrive $0xFFFF  }
0x52: {  	_ =	shalt  }

</sc_bundles>
